<compile_context>
chip_gen: v7x
topology: tpu7x:2x2x1
jax: 0.10.2.dev20260603
libtpu: 0.0.44.dev20260713+nightly
codegen_flags: <defaults>
</compile_context>

<pallas_src>
import functools
import math

import jax
import jax.numpy as jnp
from jax import lax
from jax.experimental import pallas as pl
from jax.experimental.pallas import tpu as pltpu
from jax.experimental.pallas import tpu_sc as plsc

DIM = 32
SCALE = math.sqrt(float(DIM))

NC, NS = 2, 16
NW = NC * NS
NA, NP = 4096, 200
PG = NP // 8
PB = 4
NB = NP // PB
RB = PB * 128

VPAD = 1000064
TC_ = VPAD // 128
KMAX = 246

_mesh = plsc.VectorSubcoreMesh(core_axis_name="c", subcore_axis_name="s")

_params = pltpu.CompilerParams(
    use_tc_tiling_on_sc=False, needs_layout_passes=False
)


@functools.partial(
    pl.kernel,
    out_type=jax.ShapeDtypeStruct((VPAD, DIM), jnp.float32),
    mesh=_mesh,
    compiler_params=_params,
    scratch_types=[
        pltpu.VMEM((2, DIM // 8, 8, 128), jnp.float32),
        pltpu.VMEM((2, 128, DIM + 1), jnp.float32),
    ]
    + [pltpu.SemaphoreType.DMA] * 2
    + [pltpu.SemaphoreType.DMA] * 2,
)
def _detile_sc(tv_hbm, out_hbm, in_v, oc_v, *sems):
    gsems, osems = sems[:2], sems[2:]
    wid = lax.axis_index("s") * NC + lax.axis_index("c")

    l_idx = [lax.iota(jnp.int32, 16) + m * 16 for m in range(8)]

    def fire_stage(k, slot):
        pltpu.async_copy(
            tv_hbm.at[:, wid + k * NW], in_v.at[slot], gsems[slot]
        )

    def wait_stage(slot):
        pltpu.make_async_copy(
            tv_hbm.at[:, 0], in_v.at[slot], gsems[slot]
        ).wait()

    def fire_wb(k, slot):
        pltpu.async_copy(
            oc_v.at[slot].at[:, pl.ds(0, DIM)],
            out_hbm.at[pl.ds((wid + k * NW) * 128, 128)],
            osems[slot],
        )

    def wait_wb(slot):
        pltpu.make_async_copy(
            oc_v.at[slot].at[:, pl.ds(0, DIM)],
            out_hbm.at[pl.ds(0, 128)],
            osems[slot],
        ).wait()

    fire_stage(0, 0)

    def outer(g, carry):
        for b in range(2):
            k = g * 2 + b
            c = wid + k * NW

            @pl.when(c < TC_)
            def _():
                wait_stage(b)

                @pl.when(c + NW < TC_)
                def _():
                    fire_stage(k + 1, 1 - b)

                @pl.when(k >= 2)
                def _():
                    wait_wb(b)

                oc = oc_v.at[b]
                for dg in range(DIM // 8):
                    iv = in_v.at[b].at[dg]

                    @plsc.parallel_loop(0, 8, 1, unroll=2)
                    def _(sx):
                        d_sp = jnp.zeros((16,), jnp.int32) + (dg * 8 + sx)
                        for m in range(8):
                            plsc.store_scatter(
                                oc,
                                [l_idx[m], d_sp],
                                iv[sx, pl.ds(m * 16, 16)],
                            )
                fire_wb(k, b)
        return carry

    lax.fori_loop(0, KMAX // 2, outer, 0)

    for slot in range(2):
        wait_wb(slot)


@functools.partial(
    pl.kernel,
    out_type=jax.ShapeDtypeStruct((NP, DIM // 8, NW, 8, 128), jnp.float32),
    mesh=_mesh,
    compiler_params=_params,
    scratch_types=[
        pltpu.VMEM((PG, 8, 128), jnp.int32),
        pltpu.VMEM((2, RB, DIM), jnp.float32),
        pltpu.VMEM((2, PB, DIM // 8, 8, 129), jnp.float32),
    ]
    + [pltpu.SemaphoreType.DMA] * 2
    + [pltpu.SemaphoreType.DMA] * 2,
)
def _embed_sc(x_hbm, table_hbm, out_hbm, x_v, rows_v, t_v, *sems):
    gsems, osems = sems[:2], sems[2:]
    wid = lax.axis_index("s") * NC + lax.axis_index("c")

    pltpu.sync_copy(x_hbm.at[:, wid], x_v)

    d_iota = lax.iota(jnp.int32, 16)
    r_idx = [d_iota // 8 + 2 * h for h in range(2)]
    s_idx = lax.rem(d_iota, 8)

    def fire_gather(bi, slot):
        for j in range(PB):
            p = bi * PB + j
            pg = p // 8
            sx = lax.rem(p, 8)
            pltpu.async_copy(
                table_hbm.at[x_v.at[pg, sx]],
                rows_v.at[slot].at[pl.ds(j * 128, 128)],
                gsems[slot],
            )

    def wait_gather(slot):
        pltpu.make_async_copy(
            table_hbm.at[pl.ds(0, RB)], rows_v.at[slot], gsems[slot]
        ).wait()

    def fire_wb(bi, slot):
        pltpu.async_copy(
            t_v.at[slot].at[:, :, :, pl.ds(0, 128)],
            out_hbm.at[pl.ds(bi * PB, PB), :, wid],
            osems[slot],
        )

    def wait_wb(slot):
        pltpu.make_async_copy(
            t_v.at[slot].at[:, :, :, pl.ds(0, 128)],
            out_hbm.at[pl.ds(0, PB), :, 0],
            osems[slot],
        ).wait()

    fire_gather(0, 0)

    def outer(g, carry):
        for b in range(2):
            bi = g * 2 + b
            wait_gather(b)

            @pl.when(bi + 1 < NB)
            def _():
                fire_gather(bi + 1, 1 - b)

            @pl.when(bi >= 2)
            def _():
                wait_wb(b)

            rows = rows_v.at[b]
            for j in range(PB):
                tj = t_v.at[b].at[j]

                @plsc.parallel_loop(0, 128, 1, unroll=4)
                def _(l):
                    l_sp = jnp.zeros((16,), jnp.int32) + l
                    for h in range(2):
                        vals = rows[j * 128 + l, pl.ds(h * 16, 16)] * SCALE
                        plsc.store_scatter(
                            tj, [r_idx[h], s_idx, l_sp], vals
                        )

            fire_wb(bi, b)
        return carry

    lax.fori_loop(0, NB // 2, outer, 0)

    for slot in range(2):
        wait_wb(slot)


def kernel(x, table):
    xt = (
        x.astype(jnp.int32)
        .T.reshape(PG, 8, NW, 128)
        .transpose(0, 2, 1, 3)
    )
    tpad = jnp.pad(table, ((0, VPAD - table.shape[0]), (0, 0)))
    tv = tpad.T.reshape(DIM // 8, 8, TC_, 128).transpose(0, 2, 1, 3)
    trm = _detile_sc(tv)
    v = _embed_sc(xt, trm)
    return v.transpose(2, 4, 0, 1, 3).reshape(NA, NP, DIM)

# --- scband reference (transcript-rebuilt; emitter-appended) ---
"""Pipeline reference for scband-embedding-layer-82952998355597 (READ-ONLY COPY).

The authoritative reference and input builder live on the scoring server;
editing this copy changes nothing except your own understanding.
"""

import jax, jax.numpy as jnp
import numpy as np
import math

VOCAB = 1000000
DIM = 32

def setup_inputs(seed: int = 0) -> dict:
    key = jax.random.key(seed)
    k1, k2 = jax.random.split(key)
    x = jax.random.randint(k1, (4096, 200), 0, VOCAB, dtype=jnp.int64 if jax.config.jax_enable_x64 else jnp.int32)
    table = jax.random.normal(k2, (VOCAB, DIM), dtype=jnp.float32)
    return {"x": x, "table": table}

def reference(x, table):
    # nn.Embedding lookup followed by sqrt(embed_dim) scaling
    out = jnp.take(table, x, axis=0)
    return out * math.sqrt(DIM)

if __name__ == "__main__":
    import jax
    _d = setup_inputs()
    print(jax.jit(kernel)(*tuple(_d.values())))

</pallas_src>

<mosaic_0001>
#map = affine_map<(d0, d1) -> (0, 0, 0, 0)>
#map1 = affine_map<(d0, d1) -> (0, 0)>
#map2 = affine_map<(d0, d1) -> (0, 0, 0, 0, 0)>
module attributes {stable_mosaic.version = 14 : i64} {
  func.func @_embed_sc(%arg0: i32, %arg1: i32, %arg2: memref<25x32x8x128xi32, #tpu.memory_space<hbm>>, %arg3: memref<1000064x32xf32, #tpu.memory_space<hbm>>, %arg4: memref<200x4x32x8x128xf32, #tpu.memory_space<hbm>>, %arg5: memref<25x8x128xi32, #tpu.memory_space<vmem>>, %arg6: memref<2x512x32xf32, #tpu.memory_space<vmem>>, %arg7: memref<2x4x4x8x129xf32, #tpu.memory_space<vmem>>, %arg8: memref<!tpu.dma_semaphore, #tpu.memory_space<semaphore_mem>>, %arg9: memref<!tpu.dma_semaphore, #tpu.memory_space<semaphore_mem>>, %arg10: memref<!tpu.dma_semaphore, #tpu.memory_space<semaphore_mem>>, %arg11: memref<!tpu.dma_semaphore, #tpu.memory_space<semaphore_mem>>) attributes {dimension_semantics = [#tpu.dimension_semantics<core_parallel>, #tpu.dimension_semantics<subcore_parallel>], iteration_bounds = array<i64: 2, 16>, scalar_prefetch = 0 : i64, scratch_operands = 7 : i64, tpu.core_type = #tpu.core_type<sc_vector_subcore>, window_params = [{transform_indices = #map}, {transform_indices = #map1}, {transform_indices = #map2}]} {
    %mul3A = arith.constant 2 : i32
    %mul3A_0 = arith.muli %arg1, %mul3A : i32
    %add3A = arith.addi %mul3A_0, %arg0 : i32
    "tpu.region"() ({
      %run_scoped3A = tpu.sem_alloc : memref<!tpu.dma_semaphore, #tpu.memory_space<semaphore_mem>>
      %dma_start3A_211 = arith.constant 0 : i32
      %dma_start3A_212 = arith.constant 0 : i32
      %dma_start3A_213 = arith.constant 0 : i32
      %dma_start3A_214 = tpu.memref_slice %arg2[%dma_start3A_211, %add3A, %dma_start3A_212, %dma_start3A_213] : memref<25x32x8x128xi32, #tpu.memory_space<hbm>> -> memref<25x1x8x128xi32, #tpu.memory_space<hbm>>
      %dma_start3A_215 = tpu.memref_squeeze %dma_start3A_214 : memref<25x1x8x128xi32, #tpu.memory_space<hbm>> -> memref<25x8x128xi32, #tpu.memory_space<hbm>>
      %dma_start3A_216 = arith.constant 0 : i32
      %dma_start3A_217 = arith.constant 0 : i32
      %dma_start3A_218 = arith.constant 0 : i32
      %dma_start3A_219 = tpu.memref_slice %arg2[%dma_start3A_216, %add3A, %dma_start3A_217, %dma_start3A_218] : memref<25x32x8x128xi32, #tpu.memory_space<hbm>> -> memref<25x1x8x128xi32, #tpu.memory_space<hbm>>
      %dma_start3A_220 = tpu.memref_squeeze %dma_start3A_219 : memref<25x1x8x128xi32, #tpu.memory_space<hbm>> -> memref<25x8x128xi32, #tpu.memory_space<hbm>>
      tpu.enqueue_dma source(%dma_start3A_220 : memref<25x8x128xi32, #tpu.memory_space<hbm>>) target(%arg5 : memref<25x8x128xi32, #tpu.memory_space<vmem>>) target_semaphore(%run_scoped3A : memref<!tpu.dma_semaphore, #tpu.memory_space<semaphore_mem>>)
      %dma_wait3A_221 = arith.constant 0 : i32
      %dma_wait3A_222 = arith.constant 0 : i32
      %dma_wait3A_223 = arith.constant 0 : i32
      %dma_wait3A_224 = tpu.memref_slice %arg2[%dma_wait3A_221, %add3A, %dma_wait3A_222, %dma_wait3A_223] : memref<25x32x8x128xi32, #tpu.memory_space<hbm>> -> memref<25x1x8x128xi32, #tpu.memory_space<hbm>>
      %dma_wait3A_225 = tpu.memref_squeeze %dma_wait3A_224 : memref<25x1x8x128xi32, #tpu.memory_space<hbm>> -> memref<25x8x128xi32, #tpu.memory_space<hbm>>
      %dma_wait3A_226 = arith.constant 0 : i32
      %dma_wait3A_227 = arith.constant 0 : i32
      %dma_wait3A_228 = arith.constant 0 : i32
      %dma_wait3A_229 = tpu.memref_slice %arg2[%dma_wait3A_226, %add3A, %dma_wait3A_227, %dma_wait3A_228] : memref<25x32x8x128xi32, #tpu.memory_space<hbm>> -> memref<25x1x8x128xi32, #tpu.memory_space<hbm>>
      %dma_wait3A_230 = tpu.memref_squeeze %dma_wait3A_229 : memref<25x1x8x128xi32, #tpu.memory_space<hbm>> -> memref<25x8x128xi32, #tpu.memory_space<hbm>>
      tpu.wait_dma2 semaphore(%run_scoped3A : memref<!tpu.dma_semaphore, #tpu.memory_space<semaphore_mem>>) src(%dma_wait3A_230 : memref<25x8x128xi32, #tpu.memory_space<hbm>>) dst(%arg5 : memref<25x8x128xi32, #tpu.memory_space<vmem>>)
      tpu.yield
    }) : () -> ()
    %iota3A = tpu.iota {dimensions = array<i32: 0>} : vector<16xi32>
    %jit3A = arith.constant 8 : i32
    %div3A = vector.broadcast %jit3A : i32 to vector<16xi32>
    %div3A_1 = arith.divsi %iota3A, %div3A : vector<16xi32>
    %sign3A = arith.constant 0 : i32
    %sign3A_2 = vector.broadcast %sign3A : i32 to vector<16xi32>
    %sign3A_3 = arith.cmpi sgt, %iota3A, %sign3A_2 : vector<16xi32>
    %sign3A_4 = arith.extui %sign3A_3 : vector<16xi1> to vector<16xi32>
    %sign3A_5 = arith.constant 0 : i32
    %sign3A_6 = vector.broadcast %sign3A_5 : i32 to vector<16xi32>
    %sign3A_7 = arith.cmpi slt, %iota3A, %sign3A_6 : vector<16xi32>
    %sign3A_8 = arith.extui %sign3A_7 : vector<16xi1> to vector<16xi32>
    %sign3A_9 = arith.subi %sign3A_4, %sign3A_8 : vector<16xi32>
    %sign3A_10 = arith.constant 0 : i32
    %sign3A_11 = arith.cmpi sgt, %jit3A, %sign3A_10 : i32
    %sign3A_12 = arith.extui %sign3A_11 : i1 to i32
    %sign3A_13 = arith.constant 0 : i32
    %sign3A_14 = arith.cmpi slt, %jit3A, %sign3A_13 : i32
    %sign3A_15 = arith.extui %sign3A_14 : i1 to i32
    %sign3A_16 = arith.subi %sign3A_12, %sign3A_15 : i32
    %ne3A = vector.broadcast %sign3A_16 : i32 to vector<16xi32>
    %ne3A_17 = arith.cmpi ne, %sign3A_9, %ne3A : vector<16xi32>
    %rem3A = vector.broadcast %jit3A : i32 to vector<16xi32>
    %rem3A_18 = arith.remsi %iota3A, %rem3A : vector<16xi32>
    %ne3A_19 = arith.constant 0 : i32
    %ne3A_20 = vector.broadcast %ne3A_19 : i32 to vector<16xi32>
    %ne3A_21 = arith.cmpi ne, %rem3A_18, %ne3A_20 : vector<16xi32>
    %and3A = arith.andi %ne3A_17, %ne3A_21 : vector<16xi1>
    %sub3A = arith.constant 1 : i32
    %sub3A_22 = vector.broadcast %sub3A : i32 to vector<16xi32>
    %sub3A_23 = arith.subi %div3A_1, %sub3A_22 : vector<16xi32>
    %select_n3A = arith.select %and3A, %sub3A_23, %div3A_1 : vector<16xi1>, vector<16xi32>
    %add3A_24 = arith.constant 0 : i32
    %add3A_25 = vector.broadcast %add3A_24 : i32 to vector<16xi32>
    %add3A_26 = arith.addi %select_n3A, %add3A_25 : vector<16xi32>
    %jit3A_27 = arith.constant 8 : i32
    %div3A_28 = vector.broadcast %jit3A_27 : i32 to vector<16xi32>
    %div3A_29 = arith.divsi %iota3A, %div3A_28 : vector<16xi32>
    %sign3A_30 = arith.constant 0 : i32
    %sign3A_31 = vector.broadcast %sign3A_30 : i32 to vector<16xi32>
    %sign3A_32 = arith.cmpi sgt, %iota3A, %sign3A_31 : vector<16xi32>
    %sign3A_33 = arith.extui %sign3A_32 : vector<16xi1> to vector<16xi32>
    %sign3A_34 = arith.constant 0 : i32
    %sign3A_35 = vector.broadcast %sign3A_34 : i32 to vector<16xi32>
    %sign3A_36 = arith.cmpi slt, %iota3A, %sign3A_35 : vector<16xi32>
    %sign3A_37 = arith.extui %sign3A_36 : vector<16xi1> to vector<16xi32>
    %sign3A_38 = arith.subi %sign3A_33, %sign3A_37 : vector<16xi32>
    %sign3A_39 = arith.constant 0 : i32
    %sign3A_40 = arith.cmpi sgt, %jit3A_27, %sign3A_39 : i32
    %sign3A_41 = arith.extui %sign3A_40 : i1 to i32
    %sign3A_42 = arith.constant 0 : i32
    %sign3A_43 = arith.cmpi slt, %jit3A_27, %sign3A_42 : i32
    %sign3A_44 = arith.extui %sign3A_43 : i1 to i32
    %sign3A_45 = arith.subi %sign3A_41, %sign3A_44 : i32
    %ne3A_46 = vector.broadcast %sign3A_45 : i32 to vector<16xi32>
    %ne3A_47 = arith.cmpi ne, %sign3A_38, %ne3A_46 : vector<16xi32>
    %rem3A_48 = vector.broadcast %jit3A_27 : i32 to vector<16xi32>
    %rem3A_49 = arith.remsi %iota3A, %rem3A_48 : vector<16xi32>
    %ne3A_50 = arith.constant 0 : i32
    %ne3A_51 = vector.broadcast %ne3A_50 : i32 to vector<16xi32>
    %ne3A_52 = arith.cmpi ne, %rem3A_49, %ne3A_51 : vector<16xi32>
    %and3A_53 = arith.andi %ne3A_47, %ne3A_52 : vector<16xi1>
    %sub3A_54 = arith.constant 1 : i32
    %sub3A_55 = vector.broadcast %sub3A_54 : i32 to vector<16xi32>
    %sub3A_56 = arith.subi %div3A_29, %sub3A_55 : vector<16xi32>
    %select_n3A_57 = arith.select %and3A_53, %sub3A_56, %div3A_29 : vector<16xi1>, vector<16xi32>
    %add3A_58 = arith.constant 2 : i32
    %add3A_59 = vector.broadcast %add3A_58 : i32 to vector<16xi32>
    %add3A_60 = arith.addi %select_n3A_57, %add3A_59 : vector<16xi32>
    %rem3A_61 = arith.constant 8 : i32
    %rem3A_62 = vector.broadcast %rem3A_61 : i32 to vector<16xi32>
    %rem3A_63 = arith.remsi %iota3A, %rem3A_62 : vector<16xi32>
    %rem3A_64 = arith.constant 0 : i32
    %rem3A_65 = arith.constant 8 : i32
    %rem3A_66 = arith.remsi %rem3A_64, %rem3A_65 : i32
    %dma_start3A = arith.constant 0 : i32
    %dma_start3A_67 = arith.constant 0 : i32
    %dma_start3A_68 = arith.constant 0 : i32
    %dma_start3A_69 = arith.constant 0 : i32
    %dma_start3A_70 = tpu.memref_slice %arg6[%dma_start3A_67, %dma_start3A_68, %dma_start3A_69] : memref<2x512x32xf32, #tpu.memory_space<vmem>> -> memref<1x512x32xf32, #tpu.memory_space<vmem>>
    %dma_start3A_71 = tpu.memref_squeeze %dma_start3A_70 : memref<1x512x32xf32, #tpu.memory_space<vmem>> -> memref<512x32xf32, #tpu.memory_space<vmem>>
    %dma_start3A_72 = arith.constant 0 : i32
    %dma_start3A_73 = arith.constant 0 : i32
    %dma_start3A_74 = tpu.memref_slice %dma_start3A_71[%dma_start3A_72, %dma_start3A_73] : memref<512x32xf32, #tpu.memory_space<vmem>> -> memref<128x32xf32, #tpu.memory_space<vmem>>
    %dma_start3A_75 = arith.constant 0 : i32
    %dma_start3A_76 = tpu.memref_slice %arg5[%dma_start3A, %rem3A_66, %dma_start3A_75] : memref<25x8x128xi32, #tpu.memory_space<vmem>> -> memref<1x1x128xi32, #tpu.memory_space<vmem>>
    %dma_start3A_77 = tpu.memref_squeeze %dma_start3A_76 : memref<1x1x128xi32, #tpu.memory_space<vmem>> -> memref<128xi32, #tpu.memory_space<vmem>>
    %dma_start3A_78 = arith.constant 0 : i32
    %dma_start3A_79 = arith.constant 0 : i32
    %dma_start3A_80 = tpu.memref_slice %arg3[%dma_start3A_78, %dma_start3A_79] : memref<1000064x32xf32, #tpu.memory_space<hbm>> -> memref<1000064x32xf32, #tpu.memory_space<hbm>>
    tpu.enqueue_indirect_dma source(%dma_start3A_80 : memref<1000064x32xf32, #tpu.memory_space<hbm>>) target(%dma_start3A_74 : memref<128x32xf32, #tpu.memory_space<vmem>>) offsets(%dma_start3A_77 : memref<128xi32, #tpu.memory_space<vmem>>) semaphore(%arg8 : memref<!tpu.dma_semaphore, #tpu.memory_space<semaphore_mem>>)
    %rem3A_81 = arith.constant 1 : i32
    %rem3A_82 = arith.constant 8 : i32
    %rem3A_83 = arith.remsi %rem3A_81, %rem3A_82 : i32
    %dma_start3A_84 = arith.constant 0 : i32
    %dma_start3A_85 = arith.constant 0 : i32
    %dma_start3A_86 = arith.constant 0 : i32
    %dma_start3A_87 = arith.constant 0 : i32
    %dma_start3A_88 = tpu.memref_slice %arg6[%dma_start3A_85, %dma_start3A_86, %dma_start3A_87] : memref<2x512x32xf32, #tpu.memory_space<vmem>> -> memref<1x512x32xf32, #tpu.memory_space<vmem>>
    %dma_start3A_89 = tpu.memref_squeeze %dma_start3A_88 : memref<1x512x32xf32, #tpu.memory_space<vmem>> -> memref<512x32xf32, #tpu.memory_space<vmem>>
    %dma_start3A_90 = arith.constant 128 : i32
    %dma_start3A_91 = arith.constant 0 : i32
    %dma_start3A_92 = tpu.memref_slice %dma_start3A_89[%dma_start3A_90, %dma_start3A_91] : memref<512x32xf32, #tpu.memory_space<vmem>> -> memref<128x32xf32, #tpu.memory_space<vmem>>
    %dma_start3A_93 = arith.constant 0 : i32
    %dma_start3A_94 = tpu.memref_slice %arg5[%dma_start3A_84, %rem3A_83, %dma_start3A_93] : memref<25x8x128xi32, #tpu.memory_space<vmem>> -> memref<1x1x128xi32, #tpu.memory_space<vmem>>
    %dma_start3A_95 = tpu.memref_squeeze %dma_start3A_94 : memref<1x1x128xi32, #tpu.memory_space<vmem>> -> memref<128xi32, #tpu.memory_space<vmem>>
    %dma_start3A_96 = arith.constant 0 : i32
    %dma_start3A_97 = arith.constant 0 : i32
    %dma_start3A_98 = tpu.memref_slice %arg3[%dma_start3A_96, %dma_start3A_97] : memref<1000064x32xf32, #tpu.memory_space<hbm>> -> memref<1000064x32xf32, #tpu.memory_space<hbm>>
    tpu.enqueue_indirect_dma source(%dma_start3A_98 : memref<1000064x32xf32, #tpu.memory_space<hbm>>) target(%dma_start3A_92 : memref<128x32xf32, #tpu.memory_space<vmem>>) offsets(%dma_start3A_95 : memref<128xi32, #tpu.memory_space<vmem>>) semaphore(%arg8 : memref<!tpu.dma_semaphore, #tpu.memory_space<semaphore_mem>>)
    %rem3A_99 = arith.constant 2 : i32
    %rem3A_100 = arith.constant 8 : i32
    %rem3A_101 = arith.remsi %rem3A_99, %rem3A_100 : i32
    %dma_start3A_102 = arith.constant 0 : i32
    %dma_start3A_103 = arith.constant 0 : i32
    %dma_start3A_104 = arith.constant 0 : i32
    %dma_start3A_105 = arith.constant 0 : i32
    %dma_start3A_106 = tpu.memref_slice %arg6[%dma_start3A_103, %dma_start3A_104, %dma_start3A_105] : memref<2x512x32xf32, #tpu.memory_space<vmem>> -> memref<1x512x32xf32, #tpu.memory_space<vmem>>
    %dma_start3A_107 = tpu.memref_squeeze %dma_start3A_106 : memref<1x512x32xf32, #tpu.memory_space<vmem>> -> memref<512x32xf32, #tpu.memory_space<vmem>>
    %dma_start3A_108 = arith.constant 256 : i32
    %dma_start3A_109 = arith.constant 0 : i32
    %dma_start3A_110 = tpu.memref_slice %dma_start3A_107[%dma_start3A_108, %dma_start3A_109] : memref<512x32xf32, #tpu.memory_space<vmem>> -> memref<128x32xf32, #tpu.memory_space<vmem>>
    %dma_start3A_111 = arith.constant 0 : i32
    %dma_start3A_112 = tpu.memref_slice %arg5[%dma_start3A_102, %rem3A_101, %dma_start3A_111] : memref<25x8x128xi32, #tpu.memory_space<vmem>> -> memref<1x1x128xi32, #tpu.memory_space<vmem>>
    %dma_start3A_113 = tpu.memref_squeeze %dma_start3A_112 : memref<1x1x128xi32, #tpu.memory_space<vmem>> -> memref<128xi32, #tpu.memory_space<vmem>>
    %dma_start3A_114 = arith.constant 0 : i32
    %dma_start3A_115 = arith.constant 0 : i32
    %dma_start3A_116 = tpu.memref_slice %arg3[%dma_start3A_114, %dma_start3A_115] : memref<1000064x32xf32, #tpu.memory_space<hbm>> -> memref<1000064x32xf32, #tpu.memory_space<hbm>>
    tpu.enqueue_indirect_dma source(%dma_start3A_116 : memref<1000064x32xf32, #tpu.memory_space<hbm>>) target(%dma_start3A_110 : memref<128x32xf32, #tpu.memory_space<vmem>>) offsets(%dma_start3A_113 : memref<128xi32, #tpu.memory_space<vmem>>) semaphore(%arg8 : memref<!tpu.dma_semaphore, #tpu.memory_space<semaphore_mem>>)
    %rem3A_117 = arith.constant 3 : i32
    %rem3A_118 = arith.constant 8 : i32
    %rem3A_119 = arith.remsi %rem3A_117, %rem3A_118 : i32
    %dma_start3A_120 = arith.constant 0 : i32
    %dma_start3A_121 = arith.constant 0 : i32
    %dma_start3A_122 = arith.constant 0 : i32
    %dma_start3A_123 = arith.constant 0 : i32
    %dma_start3A_124 = tpu.memref_slice %arg6[%dma_start3A_121, %dma_start3A_122, %dma_start3A_123] : memref<2x512x32xf32, #tpu.memory_space<vmem>> -> memref<1x512x32xf32, #tpu.memory_space<vmem>>
    %dma_start3A_125 = tpu.memref_squeeze %dma_start3A_124 : memref<1x512x32xf32, #tpu.memory_space<vmem>> -> memref<512x32xf32, #tpu.memory_space<vmem>>
    %dma_start3A_126 = arith.constant 384 : i32
    %dma_start3A_127 = arith.constant 0 : i32
    %dma_start3A_128 = tpu.memref_slice %dma_start3A_125[%dma_start3A_126, %dma_start3A_127] : memref<512x32xf32, #tpu.memory_space<vmem>> -> memref<128x32xf32, #tpu.memory_space<vmem>>
    %dma_start3A_129 = arith.constant 0 : i32
    %dma_start3A_130 = tpu.memref_slice %arg5[%dma_start3A_120, %rem3A_119, %dma_start3A_129] : memref<25x8x128xi32, #tpu.memory_space<vmem>> -> memref<1x1x128xi32, #tpu.memory_space<vmem>>
    %dma_start3A_131 = tpu.memref_squeeze %dma_start3A_130 : memref<1x1x128xi32, #tpu.memory_space<vmem>> -> memref<128xi32, #tpu.memory_space<vmem>>
    %dma_start3A_132 = arith.constant 0 : i32
    %dma_start3A_133 = arith.constant 0 : i32
    %dma_start3A_134 = tpu.memref_slice %arg3[%dma_start3A_132, %dma_start3A_133] : memref<1000064x32xf32, #tpu.memory_space<hbm>> -> memref<1000064x32xf32, #tpu.memory_space<hbm>>
    tpu.enqueue_indirect_dma source(%dma_start3A_134 : memref<1000064x32xf32, #tpu.memory_space<hbm>>) target(%dma_start3A_128 : memref<128x32xf32, #tpu.memory_space<vmem>>) offsets(%dma_start3A_131 : memref<128xi32, #tpu.memory_space<vmem>>) semaphore(%arg8 : memref<!tpu.dma_semaphore, #tpu.memory_space<semaphore_mem>>)
    %scan3A = arith.constant 0 : i32
    %scan3A_135 = arith.constant 0 : i32
    %scan3A_136 = arith.constant 25 : i32
    %scan3A_137 = arith.addi %scan3A_135, %scan3A_136 : i32
    %scan3A_138 = arith.constant 1 : i32
    scf.for %scan3A_211 = %scan3A_135 to %scan3A_137 step %scan3A_138  : i32 {
      %mul3A_212 = arith.constant 2 : i32
      %mul3A_213 = arith.muli %scan3A_211, %mul3A_212 : i32
      %add3A_214 = arith.constant 0 : i32
      %add3A_215 = arith.addi %mul3A_213, %add3A_214 : i32
      %dma_wait3A_216 = arith.constant 0 : i32
      %dma_wait3A_217 = arith.constant 0 : i32
      %dma_wait3A_218 = arith.constant 0 : i32
      %dma_wait3A_219 = tpu.memref_slice %arg6[%dma_wait3A_216, %dma_wait3A_217, %dma_wait3A_218] : memref<2x512x32xf32, #tpu.memory_space<vmem>> -> memref<1x512x32xf32, #tpu.memory_space<vmem>>
      %dma_wait3A_220 = tpu.memref_squeeze %dma_wait3A_219 : memref<1x512x32xf32, #tpu.memory_space<vmem>> -> memref<512x32xf32, #tpu.memory_space<vmem>>
      %dma_wait3A_221 = arith.constant 0 : i32
      %dma_wait3A_222 = arith.constant 0 : i32
      %dma_wait3A_223 = tpu.memref_slice %arg3[%dma_wait3A_221, %dma_wait3A_222] : memref<1000064x32xf32, #tpu.memory_space<hbm>> -> memref<512x32xf32, #tpu.memory_space<hbm>>
      %dma_wait3A_224 = arith.constant 0 : i32
      %dma_wait3A_225 = arith.constant 0 : i32
      %dma_wait3A_226 = tpu.memref_slice %arg6[%dma_wait3A_216, %dma_wait3A_224, %dma_wait3A_225] : memref<2x512x32xf32, #tpu.memory_space<vmem>> -> memref<1x512x32xf32, #tpu.memory_space<vmem>>
      %dma_wait3A_227 = tpu.memref_squeeze %dma_wait3A_226 : memref<1x512x32xf32, #tpu.memory_space<vmem>> -> memref<512x32xf32, #tpu.memory_space<vmem>>
      %dma_wait3A_228 = arith.constant 0 : i32
      %dma_wait3A_229 = arith.constant 0 : i32
      %dma_wait3A_230 = tpu.memref_slice %arg3[%dma_wait3A_228, %dma_wait3A_229] : memref<1000064x32xf32, #tpu.memory_space<hbm>> -> memref<512x32xf32, #tpu.memory_space<hbm>>
      tpu.wait_dma2 semaphore(%arg8 : memref<!tpu.dma_semaphore, #tpu.memory_space<semaphore_mem>>) src(%dma_wait3A_230 : memref<512x32xf32, #tpu.memory_space<hbm>>) dst(%dma_wait3A_227 : memref<512x32xf32, #tpu.memory_space<vmem>>)
      %add3A_231 = arith.constant 1 : i32
      %add3A_232 = arith.addi %add3A_215, %add3A_231 : i32
      %lt3A = arith.constant 50 : i32
      %lt3A_233 = arith.cmpi slt, %add3A_232, %lt3A : i32
      %convert_element_type3A = arith.extui %lt3A_233 : i1 to i32
      %cond3A = arith.constant 0 : i32
      %cond3A_234 = arith.cmpi ne, %convert_element_type3A, %cond3A : i32
      scf.if %cond3A_234 {
        %add3A_387 = arith.constant 1 : i32
        %add3A_388 = arith.addi %add3A_215, %add3A_387 : i32
        %mul3A_389 = arith.constant 4 : i32
        %mul3A_390 = arith.muli %add3A_388, %mul3A_389 : i32
        %add3A_391 = arith.constant 0 : i32
        %add3A_392 = arith.addi %mul3A_390, %add3A_391 : i32
        %jit3A_393 = arith.constant 8 : i32
        %div3A_394 = arith.divsi %add3A_392, %jit3A_393 : i32
        %sign3A_395 = arith.constant 0 : i32
        %sign3A_396 = arith.cmpi sgt, %add3A_392, %sign3A_395 : i32
        %sign3A_397 = arith.extui %sign3A_396 : i1 to i32
        %sign3A_398 = arith.constant 0 : i32
        %sign3A_399 = arith.cmpi slt, %add3A_392, %sign3A_398 : i32
        %sign3A_400 = arith.extui %sign3A_399 : i1 to i32
        %sign3A_401 = arith.subi %sign3A_397, %sign3A_400 : i32
        %sign3A_402 = arith.constant 0 : i32
        %sign3A_403 = arith.cmpi sgt, %jit3A_393, %sign3A_402 : i32
        %sign3A_404 = arith.extui %sign3A_403 : i1 to i32
        %sign3A_405 = arith.constant 0 : i32
        %sign3A_406 = arith.cmpi slt, %jit3A_393, %sign3A_405 : i32
        %sign3A_407 = arith.extui %sign3A_406 : i1 to i32
        %sign3A_408 = arith.subi %sign3A_404, %sign3A_407 : i32
        %ne3A_409 = arith.cmpi ne, %sign3A_401, %sign3A_408 : i32
        %rem3A_410 = arith.remsi %add3A_392, %jit3A_393 : i32
        %ne3A_411 = arith.constant 0 : i32
        %ne3A_412 = arith.cmpi ne, %rem3A_410, %ne3A_411 : i32
        %and3A_413 = arith.andi %ne3A_409, %ne3A_412 : i1
        %sub3A_414 = arith.constant 1 : i32
        %sub3A_415 = arith.subi %div3A_394, %sub3A_414 : i32
        %select_n3A_416 = arith.select %and3A_413, %sub3A_415, %div3A_394 : i32
        %rem3A_417 = arith.constant 8 : i32
        %rem3A_418 = arith.remsi %add3A_392, %rem3A_417 : i32
        %dma_start3A_419 = arith.constant 1 : i32
        %dma_start3A_420 = arith.constant 0 : i32
        %dma_start3A_421 = arith.constant 0 : i32
        %dma_start3A_422 = tpu.memref_slice %arg6[%dma_start3A_419, %dma_start3A_420, %dma_start3A_421] : memref<2x512x32xf32, #tpu.memory_space<vmem>> -> memref<1x512x32xf32, #tpu.memory_space<vmem>>
        %dma_start3A_423 = tpu.memref_squeeze %dma_start3A_422 : memref<1x512x32xf32, #tpu.memory_space<vmem>> -> memref<512x32xf32, #tpu.memory_space<vmem>>
        %dma_start3A_424 = arith.constant 0 : i32
        %dma_start3A_425 = arith.constant 0 : i32
        %dma_start3A_426 = tpu.memref_slice %dma_start3A_423[%dma_start3A_424, %dma_start3A_425] : memref<512x32xf32, #tpu.memory_space<vmem>> -> memref<128x32xf32, #tpu.memory_space<vmem>>
        %dma_start3A_427 = arith.constant 0 : i32
        %dma_start3A_428 = tpu.memref_slice %arg5[%select_n3A_416, %rem3A_418, %dma_start3A_427] : memref<25x8x128xi32, #tpu.memory_space<vmem>> -> memref<1x1x128xi32, #tpu.memory_space<vmem>>
        %dma_start3A_429 = tpu.memref_squeeze %dma_start3A_428 : memref<1x1x128xi32, #tpu.memory_space<vmem>> -> memref<128xi32, #tpu.memory_space<vmem>>
        %dma_start3A_430 = arith.constant 0 : i32
        %dma_start3A_431 = arith.constant 0 : i32
        %dma_start3A_432 = tpu.memref_slice %arg3[%dma_start3A_430, %dma_start3A_431] : memref<1000064x32xf32, #tpu.memory_space<hbm>> -> memref<1000064x32xf32, #tpu.memory_space<hbm>>
        tpu.enqueue_indirect_dma source(%dma_start3A_432 : memref<1000064x32xf32, #tpu.memory_space<hbm>>) target(%dma_start3A_426 : memref<128x32xf32, #tpu.memory_space<vmem>>) offsets(%dma_start3A_429 : memref<128xi32, #tpu.memory_space<vmem>>) semaphore(%arg9 : memref<!tpu.dma_semaphore, #tpu.memory_space<semaphore_mem>>)
        %mul3A_433 = arith.constant 4 : i32
        %mul3A_434 = arith.muli %add3A_388, %mul3A_433 : i32
        %add3A_435 = arith.constant 1 : i32
        %add3A_436 = arith.addi %mul3A_434, %add3A_435 : i32
        %jit3A_437 = arith.constant 8 : i32
        %div3A_438 = arith.divsi %add3A_436, %jit3A_437 : i32
        %sign3A_439 = arith.constant 0 : i32
        %sign3A_440 = arith.cmpi sgt, %add3A_436, %sign3A_439 : i32
        %sign3A_441 = arith.extui %sign3A_440 : i1 to i32
        %sign3A_442 = arith.constant 0 : i32
        %sign3A_443 = arith.cmpi slt, %add3A_436, %sign3A_442 : i32
        %sign3A_444 = arith.extui %sign3A_443 : i1 to i32
        %sign3A_445 = arith.subi %sign3A_441, %sign3A_444 : i32
        %sign3A_446 = arith.constant 0 : i32
        %sign3A_447 = arith.cmpi sgt, %jit3A_437, %sign3A_446 : i32
        %sign3A_448 = arith.extui %sign3A_447 : i1 to i32
        %sign3A_449 = arith.constant 0 : i32
        %sign3A_450 = arith.cmpi slt, %jit3A_437, %sign3A_449 : i32
        %sign3A_451 = arith.extui %sign3A_450 : i1 to i32
        %sign3A_452 = arith.subi %sign3A_448, %sign3A_451 : i32
        %ne3A_453 = arith.cmpi ne, %sign3A_445, %sign3A_452 : i32
        %rem3A_454 = arith.remsi %add3A_436, %jit3A_437 : i32
        %ne3A_455 = arith.constant 0 : i32
        %ne3A_456 = arith.cmpi ne, %rem3A_454, %ne3A_455 : i32
        %and3A_457 = arith.andi %ne3A_453, %ne3A_456 : i1
        %sub3A_458 = arith.constant 1 : i32
        %sub3A_459 = arith.subi %div3A_438, %sub3A_458 : i32
        %select_n3A_460 = arith.select %and3A_457, %sub3A_459, %div3A_438 : i32
        %rem3A_461 = arith.constant 8 : i32
        %rem3A_462 = arith.remsi %add3A_436, %rem3A_461 : i32
        %dma_start3A_463 = arith.constant 1 : i32
        %dma_start3A_464 = arith.constant 0 : i32
        %dma_start3A_465 = arith.constant 0 : i32
        %dma_start3A_466 = tpu.memref_slice %arg6[%dma_start3A_463, %dma_start3A_464, %dma_start3A_465] : memref<2x512x32xf32, #tpu.memory_space<vmem>> -> memref<1x512x32xf32, #tpu.memory_space<vmem>>
        %dma_start3A_467 = tpu.memref_squeeze %dma_start3A_466 : memref<1x512x32xf32, #tpu.memory_space<vmem>> -> memref<512x32xf32, #tpu.memory_space<vmem>>
        %dma_start3A_468 = arith.constant 128 : i32
        %dma_start3A_469 = arith.constant 0 : i32
        %dma_start3A_470 = tpu.memref_slice %dma_start3A_467[%dma_start3A_468, %dma_start3A_469] : memref<512x32xf32, #tpu.memory_space<vmem>> -> memref<128x32xf32, #tpu.memory_space<vmem>>
        %dma_start3A_471 = arith.constant 0 : i32
        %dma_start3A_472 = tpu.memref_slice %arg5[%select_n3A_460, %rem3A_462, %dma_start3A_471] : memref<25x8x128xi32, #tpu.memory_space<vmem>> -> memref<1x1x128xi32, #tpu.memory_space<vmem>>
        %dma_start3A_473 = tpu.memref_squeeze %dma_start3A_472 : memref<1x1x128xi32, #tpu.memory_space<vmem>> -> memref<128xi32, #tpu.memory_space<vmem>>
        %dma_start3A_474 = arith.constant 0 : i32
        %dma_start3A_475 = arith.constant 0 : i32
        %dma_start3A_476 = tpu.memref_slice %arg3[%dma_start3A_474, %dma_start3A_475] : memref<1000064x32xf32, #tpu.memory_space<hbm>> -> memref<1000064x32xf32, #tpu.memory_space<hbm>>
        tpu.enqueue_indirect_dma source(%dma_start3A_476 : memref<1000064x32xf32, #tpu.memory_space<hbm>>) target(%dma_start3A_470 : memref<128x32xf32, #tpu.memory_space<vmem>>) offsets(%dma_start3A_473 : memref<128xi32, #tpu.memory_space<vmem>>) semaphore(%arg9 : memref<!tpu.dma_semaphore, #tpu.memory_space<semaphore_mem>>)
        %mul3A_477 = arith.constant 4 : i32
        %mul3A_478 = arith.muli %add3A_388, %mul3A_477 : i32
        %add3A_479 = arith.constant 2 : i32
        %add3A_480 = arith.addi %mul3A_478, %add3A_479 : i32
        %jit3A_481 = arith.constant 8 : i32
        %div3A_482 = arith.divsi %add3A_480, %jit3A_481 : i32
        %sign3A_483 = arith.constant 0 : i32
        %sign3A_484 = arith.cmpi sgt, %add3A_480, %sign3A_483 : i32
        %sign3A_485 = arith.extui %sign3A_484 : i1 to i32
        %sign3A_486 = arith.constant 0 : i32
        %sign3A_487 = arith.cmpi slt, %add3A_480, %sign3A_486 : i32
        %sign3A_488 = arith.extui %sign3A_487 : i1 to i32
        %sign3A_489 = arith.subi %sign3A_485, %sign3A_488 : i32
        %sign3A_490 = arith.constant 0 : i32
        %sign3A_491 = arith.cmpi sgt, %jit3A_481, %sign3A_490 : i32
        %sign3A_492 = arith.extui %sign3A_491 : i1 to i32
        %sign3A_493 = arith.constant 0 : i32
        %sign3A_494 = arith.cmpi slt, %jit3A_481, %sign3A_493 : i32
        %sign3A_495 = arith.extui %sign3A_494 : i1 to i32
        %sign3A_496 = arith.subi %sign3A_492, %sign3A_495 : i32
        %ne3A_497 = arith.cmpi ne, %sign3A_489, %sign3A_496 : i32
        %rem3A_498 = arith.remsi %add3A_480, %jit3A_481 : i32
        %ne3A_499 = arith.constant 0 : i32
        %ne3A_500 = arith.cmpi ne, %rem3A_498, %ne3A_499 : i32
        %and3A_501 = arith.andi %ne3A_497, %ne3A_500 : i1
        %sub3A_502 = arith.constant 1 : i32
        %sub3A_503 = arith.subi %div3A_482, %sub3A_502 : i32
        %select_n3A_504 = arith.select %and3A_501, %sub3A_503, %div3A_482 : i32
        %rem3A_505 = arith.constant 8 : i32
        %rem3A_506 = arith.remsi %add3A_480, %rem3A_505 : i32
        %dma_start3A_507 = arith.constant 1 : i32
        %dma_start3A_508 = arith.constant 0 : i32
        %dma_start3A_509 = arith.constant 0 : i32
        %dma_start3A_510 = tpu.memref_slice %arg6[%dma_start3A_507, %dma_start3A_508, %dma_start3A_509] : memref<2x512x32xf32, #tpu.memory_space<vmem>> -> memref<1x512x32xf32, #tpu.memory_space<vmem>>
        %dma_start3A_511 = tpu.memref_squeeze %dma_start3A_510 : memref<1x512x32xf32, #tpu.memory_space<vmem>> -> memref<512x32xf32, #tpu.memory_space<vmem>>
        %dma_start3A_512 = arith.constant 256 : i32
        %dma_start3A_513 = arith.constant 0 : i32
        %dma_start3A_514 = tpu.memref_slice %dma_start3A_511[%dma_start3A_512, %dma_start3A_513] : memref<512x32xf32, #tpu.memory_space<vmem>> -> memref<128x32xf32, #tpu.memory_space<vmem>>
        %dma_start3A_515 = arith.constant 0 : i32
        %dma_start3A_516 = tpu.memref_slice %arg5[%select_n3A_504, %rem3A_506, %dma_start3A_515] : memref<25x8x128xi32, #tpu.memory_space<vmem>> -> memref<1x1x128xi32, #tpu.memory_space<vmem>>
        %dma_start3A_517 = tpu.memref_squeeze %dma_start3A_516 : memref<1x1x128xi32, #tpu.memory_space<vmem>> -> memref<128xi32, #tpu.memory_space<vmem>>
        %dma_start3A_518 = arith.constant 0 : i32
        %dma_start3A_519 = arith.constant 0 : i32
        %dma_start3A_520 = tpu.memref_slice %arg3[%dma_start3A_518, %dma_start3A_519] : memref<1000064x32xf32, #tpu.memory_space<hbm>> -> memref<1000064x32xf32, #tpu.memory_space<hbm>>
        tpu.enqueue_indirect_dma source(%dma_start3A_520 : memref<1000064x32xf32, #tpu.memory_space<hbm>>) target(%dma_start3A_514 : memref<128x32xf32, #tpu.memory_space<vmem>>) offsets(%dma_start3A_517 : memref<128xi32, #tpu.memory_space<vmem>>) semaphore(%arg9 : memref<!tpu.dma_semaphore, #tpu.memory_space<semaphore_mem>>)
        %mul3A_521 = arith.constant 4 : i32
        %mul3A_522 = arith.muli %add3A_388, %mul3A_521 : i32
        %add3A_523 = arith.constant 3 : i32
        %add3A_524 = arith.addi %mul3A_522, %add3A_523 : i32
        %jit3A_525 = arith.constant 8 : i32
        %div3A_526 = arith.divsi %add3A_524, %jit3A_525 : i32
        %sign3A_527 = arith.constant 0 : i32
        %sign3A_528 = arith.cmpi sgt, %add3A_524, %sign3A_527 : i32
        %sign3A_529 = arith.extui %sign3A_528 : i1 to i32
        %sign3A_530 = arith.constant 0 : i32
        %sign3A_531 = arith.cmpi slt, %add3A_524, %sign3A_530 : i32
        %sign3A_532 = arith.extui %sign3A_531 : i1 to i32
        %sign3A_533 = arith.subi %sign3A_529, %sign3A_532 : i32
        %sign3A_534 = arith.constant 0 : i32
        %sign3A_535 = arith.cmpi sgt, %jit3A_525, %sign3A_534 : i32
        %sign3A_536 = arith.extui %sign3A_535 : i1 to i32
        %sign3A_537 = arith.constant 0 : i32
        %sign3A_538 = arith.cmpi slt, %jit3A_525, %sign3A_537 : i32
        %sign3A_539 = arith.extui %sign3A_538 : i1 to i32
        %sign3A_540 = arith.subi %sign3A_536, %sign3A_539 : i32
        %ne3A_541 = arith.cmpi ne, %sign3A_533, %sign3A_540 : i32
        %rem3A_542 = arith.remsi %add3A_524, %jit3A_525 : i32
        %ne3A_543 = arith.constant 0 : i32
        %ne3A_544 = arith.cmpi ne, %rem3A_542, %ne3A_543 : i32
        %and3A_545 = arith.andi %ne3A_541, %ne3A_544 : i1
        %sub3A_546 = arith.constant 1 : i32
        %sub3A_547 = arith.subi %div3A_526, %sub3A_546 : i32
        %select_n3A_548 = arith.select %and3A_545, %sub3A_547, %div3A_526 : i32
        %rem3A_549 = arith.constant 8 : i32
        %rem3A_550 = arith.remsi %add3A_524, %rem3A_549 : i32
        %dma_start3A_551 = arith.constant 1 : i32
        %dma_start3A_552 = arith.constant 0 : i32
        %dma_start3A_553 = arith.constant 0 : i32
        %dma_start3A_554 = tpu.memref_slice %arg6[%dma_start3A_551, %dma_start3A_552, %dma_start3A_553] : memref<2x512x32xf32, #tpu.memory_space<vmem>> -> memref<1x512x32xf32, #tpu.memory_space<vmem>>
        %dma_start3A_555 = tpu.memref_squeeze %dma_start3A_554 : memref<1x512x32xf32, #tpu.memory_space<vmem>> -> memref<512x32xf32, #tpu.memory_space<vmem>>
        %dma_start3A_556 = arith.constant 384 : i32
        %dma_start3A_557 = arith.constant 0 : i32
        %dma_start3A_558 = tpu.memref_slice %dma_start3A_555[%dma_start3A_556, %dma_start3A_557] : memref<512x32xf32, #tpu.memory_space<vmem>> -> memref<128x32xf32, #tpu.memory_space<vmem>>
        %dma_start3A_559 = arith.constant 0 : i32
        %dma_start3A_560 = tpu.memref_slice %arg5[%select_n3A_548, %rem3A_550, %dma_start3A_559] : memref<25x8x128xi32, #tpu.memory_space<vmem>> -> memref<1x1x128xi32, #tpu.memory_space<vmem>>
        %dma_start3A_561 = tpu.memref_squeeze %dma_start3A_560 : memref<1x1x128xi32, #tpu.memory_space<vmem>> -> memref<128xi32, #tpu.memory_space<vmem>>
        %dma_start3A_562 = arith.constant 0 : i32
        %dma_start3A_563 = arith.constant 0 : i32
        %dma_start3A_564 = tpu.memref_slice %arg3[%dma_start3A_562, %dma_start3A_563] : memref<1000064x32xf32, #tpu.memory_space<hbm>> -> memref<1000064x32xf32, #tpu.memory_space<hbm>>
        tpu.enqueue_indirect_dma source(%dma_start3A_564 : memref<1000064x32xf32, #tpu.memory_space<hbm>>) target(%dma_start3A_558 : memref<128x32xf32, #tpu.memory_space<vmem>>) offsets(%dma_start3A_561 : memref<128xi32, #tpu.memory_space<vmem>>) semaphore(%arg9 : memref<!tpu.dma_semaphore, #tpu.memory_space<semaphore_mem>>)
      } else {
      }
      %ge3A = arith.constant 2 : i32
      %ge3A_235 = arith.cmpi sge, %add3A_215, %ge3A : i32
      %convert_element_type3A_236 = arith.extui %ge3A_235 : i1 to i32
      %cond3A_237 = arith.constant 0 : i32
      %cond3A_238 = arith.cmpi ne, %convert_element_type3A_236, %cond3A_237 : i32
      scf.if %cond3A_238 {
        %dma_wait3A_387 = arith.constant 0 : i32
        %dma_wait3A_388 = arith.constant 0 : i32
        %dma_wait3A_389 = arith.constant 0 : i32
        %dma_wait3A_390 = arith.constant 0 : i32
        %dma_wait3A_391 = arith.constant 0 : i32
        %dma_wait3A_392 = arith.constant 0 : i32
        %dma_wait3A_393 = tpu.memref_slice %arg7[%dma_wait3A_387, %dma_wait3A_389, %dma_wait3A_390, %dma_wait3A_391, %dma_wait3A_392] : memref<2x4x4x8x129xf32, #tpu.memory_space<vmem>> -> memref<1x4x4x8x129xf32, #tpu.memory_space<vmem>>
        %dma_wait3A_394 = tpu.memref_squeeze %dma_wait3A_393 : memref<1x4x4x8x129xf32, #tpu.memory_space<vmem>> -> memref<4x4x8x129xf32, #tpu.memory_space<vmem>>
        %dma_wait3A_395 = arith.constant 0 : i32
        %dma_wait3A_396 = arith.constant 0 : i32
        %dma_wait3A_397 = arith.constant 0 : i32
        %dma_wait3A_398 = arith.constant 0 : i32
        %dma_wait3A_399 = tpu.memref_slice %dma_wait3A_394[%dma_wait3A_395, %dma_wait3A_396, %dma_wait3A_397, %dma_wait3A_398] : memref<4x4x8x129xf32, #tpu.memory_space<vmem>> -> memref<4x4x8x128xf32, #tpu.memory_space<vmem>>
        %dma_wait3A_400 = arith.constant 0 : i32
        %dma_wait3A_401 = arith.constant 0 : i32
        %dma_wait3A_402 = arith.constant 0 : i32
        %dma_wait3A_403 = arith.constant 0 : i32
        %dma_wait3A_404 = tpu.memref_slice %arg4[%dma_wait3A_400, %dma_wait3A_401, %dma_wait3A_388, %dma_wait3A_402, %dma_wait3A_403] : memref<200x4x32x8x128xf32, #tpu.memory_space<hbm>> -> memref<4x4x1x8x128xf32, #tpu.memory_space<hbm>>
        %dma_wait3A_405 = tpu.memref_squeeze %dma_wait3A_404 : memref<4x4x1x8x128xf32, #tpu.memory_space<hbm>> -> memref<4x4x8x128xf32, #tpu.memory_space<hbm>>
        %dma_wait3A_406 = arith.constant 0 : i32
        %dma_wait3A_407 = arith.constant 0 : i32
        %dma_wait3A_408 = arith.constant 0 : i32
        %dma_wait3A_409 = arith.constant 0 : i32
        %dma_wait3A_410 = tpu.memref_slice %arg4[%dma_wait3A_406, %dma_wait3A_407, %dma_wait3A_388, %dma_wait3A_408, %dma_wait3A_409] : memref<200x4x32x8x128xf32, #tpu.memory_space<hbm>> -> memref<4x4x1x8x128xf32, #tpu.memory_space<hbm>>
        %dma_wait3A_411 = tpu.memref_squeeze %dma_wait3A_410 : memref<4x4x1x8x128xf32, #tpu.memory_space<hbm>> -> memref<4x4x8x128xf32, #tpu.memory_space<hbm>>
        %dma_wait3A_412 = arith.constant 0 : i32
        %dma_wait3A_413 = arith.constant 0 : i32
        %dma_wait3A_414 = arith.constant 0 : i32
        %dma_wait3A_415 = arith.constant 0 : i32
        %dma_wait3A_416 = tpu.memref_slice %arg7[%dma_wait3A_387, %dma_wait3A_412, %dma_wait3A_413, %dma_wait3A_414, %dma_wait3A_415] : memref<2x4x4x8x129xf32, #tpu.memory_space<vmem>> -> memref<1x4x4x8x129xf32, #tpu.memory_space<vmem>>
        %dma_wait3A_417 = tpu.memref_squeeze %dma_wait3A_416 : memref<1x4x4x8x129xf32, #tpu.memory_space<vmem>> -> memref<4x4x8x129xf32, #tpu.memory_space<vmem>>
        %dma_wait3A_418 = arith.constant 0 : i32
        %dma_wait3A_419 = arith.constant 0 : i32
        %dma_wait3A_420 = arith.constant 0 : i32
        %dma_wait3A_421 = arith.constant 0 : i32
        %dma_wait3A_422 = tpu.memref_slice %dma_wait3A_417[%dma_wait3A_418, %dma_wait3A_419, %dma_wait3A_420, %dma_wait3A_421] : memref<4x4x8x129xf32, #tpu.memory_space<vmem>> -> memref<4x4x8x128xf32, #tpu.memory_space<vmem>>
        tpu.wait_dma2 semaphore(%arg10 : memref<!tpu.dma_semaphore, #tpu.memory_space<semaphore_mem>>) src(%dma_wait3A_422 : memref<4x4x8x128xf32, #tpu.memory_space<vmem>>) dst(%dma_wait3A_411 : memref<4x4x8x128xf32, #tpu.memory_space<hbm>>)
      } else {
      }
      %parallel_loop3A = arith.constant 0 : i32
      %parallel_loop3A_239 = arith.constant 128 : i32
      %parallel_loop3A_240 = arith.constant 1 : i32
      %parallel_loop3A_241 = arith.constant 0 : i32
      %parallel_loop3A_242 = arith.constant 0 : i32
      %parallel_loop3A_243 = arith.constant 0 : i32
      scf.for %parallel_loop3A_387 = %parallel_loop3A to %parallel_loop3A_239 step %parallel_loop3A_240  : i32 {
        %parallel_loop3A_388 = arith.constant 0 : i32
        %parallel_loop3A_389 = vector.broadcast %parallel_loop3A_388 : i32 to vector<16xi32>
        %parallel_loop3A_390 = vector.broadcast %parallel_loop3A_387 : i32 to vector<16xi32>
        %parallel_loop3A_391 = arith.addi %parallel_loop3A_389, %parallel_loop3A_390 : vector<16xi32>
        %parallel_loop3A_392 = arith.constant 0 : i32
        %parallel_loop3A_393 = arith.addi %parallel_loop3A_392, %parallel_loop3A_387 : i32
        %parallel_loop3A_394 = arith.constant 0 : i32
        %parallel_loop3A_395 = arith.constant 0 : i32
        %parallel_loop3A_396 = tpu.memref_slice %arg6[%parallel_loop3A_241, %parallel_loop3A_394, %parallel_loop3A_395] : memref<2x512x32xf32, #tpu.memory_space<vmem>> -> memref<1x512x32xf32, #tpu.memory_space<vmem>>
        %parallel_loop3A_397 = tpu.memref_squeeze %parallel_loop3A_396 : memref<1x512x32xf32, #tpu.memory_space<vmem>> -> memref<512x32xf32, #tpu.memory_space<vmem>>
        %parallel_loop3A_398 = arith.index_cast %parallel_loop3A_393 : i32 to index
        %parallel_loop3A_399 = arith.constant 0 : index
        %parallel_loop3A_400 = tpu.vector_load %parallel_loop3A_397[%parallel_loop3A_398, %parallel_loop3A_399] {strides = array<i32>} : memref<512x32xf32, #tpu.memory_space<vmem>>, vector<16xf32>,
        %parallel_loop3A_401 = arith.constant 5.65685415 : f32
        %parallel_loop3A_402 = vector.broadcast %parallel_loop3A_401 : f32 to vector<16xf32>
        %parallel_loop3A_403 = arith.mulf %parallel_loop3A_400, %parallel_loop3A_402 : vector<16xf32>
        %parallel_loop3A_404 = arith.constant 0 : i32
        %parallel_loop3A_405 = arith.constant 0 : i32
        %parallel_loop3A_406 = arith.constant 0 : i32
        %parallel_loop3A_407 = arith.constant 0 : i32
        %parallel_loop3A_408 = tpu.memref_slice %arg7[%parallel_loop3A_242, %parallel_loop3A_404, %parallel_loop3A_405, %parallel_loop3A_406, %parallel_loop3A_407] : memref<2x4x4x8x129xf32, #tpu.memory_space<vmem>> -> memref<1x4x4x8x129xf32, #tpu.memory_space<vmem>>
        %parallel_loop3A_409 = tpu.memref_squeeze %parallel_loop3A_408 : memref<1x4x4x8x129xf32, #tpu.memory_space<vmem>> -> memref<4x4x8x129xf32, #tpu.memory_space<vmem>>
        %parallel_loop3A_410 = arith.constant 0 : i32
        %parallel_loop3A_411 = arith.constant 0 : i32
        %parallel_loop3A_412 = arith.constant 0 : i32
        %parallel_loop3A_413 = tpu.memref_slice %parallel_loop3A_409[%parallel_loop3A_243, %parallel_loop3A_410, %parallel_loop3A_411, %parallel_loop3A_412] : memref<4x4x8x129xf32, #tpu.memory_space<vmem>> -> memref<1x4x8x129xf32, #tpu.memory_space<vmem>>
        %parallel_loop3A_414 = tpu.memref_squeeze %parallel_loop3A_413 : memref<1x4x8x129xf32, #tpu.memory_space<vmem>> -> memref<4x8x129xf32, #tpu.memory_space<vmem>>
        tpu.vector_store_idx %parallel_loop3A_414[%add3A_26, %rem3A_63, %parallel_loop3A_391], %parallel_loop3A_403 : memref<4x8x129xf32, #tpu.memory_space<vmem>>[vector<16xi32>, vector<16xi32>, vector<16xi32>], vector<16xf32>,
        %parallel_loop3A_415 = arith.constant 0 : i32
        %parallel_loop3A_416 = arith.addi %parallel_loop3A_415, %parallel_loop3A_387 : i32
        %parallel_loop3A_417 = arith.constant 0 : i32
        %parallel_loop3A_418 = arith.constant 0 : i32
        %parallel_loop3A_419 = tpu.memref_slice %arg6[%parallel_loop3A_241, %parallel_loop3A_417, %parallel_loop3A_418] : memref<2x512x32xf32, #tpu.memory_space<vmem>> -> memref<1x512x32xf32, #tpu.memory_space<vmem>>
        %parallel_loop3A_420 = tpu.memref_squeeze %parallel_loop3A_419 : memref<1x512x32xf32, #tpu.memory_space<vmem>> -> memref<512x32xf32, #tpu.memory_space<vmem>>
        %parallel_loop3A_421 = arith.index_cast %parallel_loop3A_416 : i32 to index
        %parallel_loop3A_422 = arith.constant 16 : index
        %parallel_loop3A_423 = tpu.vector_load %parallel_loop3A_420[%parallel_loop3A_421, %parallel_loop3A_422] {strides = array<i32>} : memref<512x32xf32, #tpu.memory_space<vmem>>, vector<16xf32>,
        %parallel_loop3A_424 = arith.constant 5.65685415 : f32
        %parallel_loop3A_425 = vector.broadcast %parallel_loop3A_424 : f32 to vector<16xf32>
        %parallel_loop3A_426 = arith.mulf %parallel_loop3A_423, %parallel_loop3A_425 : vector<16xf32>
        %parallel_loop3A_427 = arith.constant 0 : i32
        %parallel_loop3A_428 = arith.constant 0 : i32
        %parallel_loop3A_429 = arith.constant 0 : i32
        %parallel_loop3A_430 = arith.constant 0 : i32
        %parallel_loop3A_431 = tpu.memref_slice %arg7[%parallel_loop3A_242, %parallel_loop3A_427, %parallel_loop3A_428, %parallel_loop3A_429, %parallel_loop3A_430] : memref<2x4x4x8x129xf32, #tpu.memory_space<vmem>> -> memref<1x4x4x8x129xf32, #tpu.memory_space<vmem>>
        %parallel_loop3A_432 = tpu.memref_squeeze %parallel_loop3A_431 : memref<1x4x4x8x129xf32, #tpu.memory_space<vmem>> -> memref<4x4x8x129xf32, #tpu.memory_space<vmem>>
        %parallel_loop3A_433 = arith.constant 0 : i32
        %parallel_loop3A_434 = arith.constant 0 : i32
        %parallel_loop3A_435 = arith.constant 0 : i32
        %parallel_loop3A_436 = tpu.memref_slice %parallel_loop3A_432[%parallel_loop3A_243, %parallel_loop3A_433, %parallel_loop3A_434, %parallel_loop3A_435] : memref<4x4x8x129xf32, #tpu.memory_space<vmem>> -> memref<1x4x8x129xf32, #tpu.memory_space<vmem>>
        %parallel_loop3A_437 = tpu.memref_squeeze %parallel_loop3A_436 : memref<1x4x8x129xf32, #tpu.memory_space<vmem>> -> memref<4x8x129xf32, #tpu.memory_space<vmem>>
        tpu.vector_store_idx %parallel_loop3A_437[%add3A_60, %rem3A_63, %parallel_loop3A_391], %parallel_loop3A_426 : memref<4x8x129xf32, #tpu.memory_space<vmem>>[vector<16xi32>, vector<16xi32>, vector<16xi32>], vector<16xf32>,
      } {sc.loop_unroll_factor = 4 : i64, sc.parallel_access}
      %parallel_loop3A_244 = arith.constant 0 : i32
      %parallel_loop3A_245 = arith.constant 128 : i32
      %parallel_loop3A_246 = arith.constant 1 : i32
      %parallel_loop3A_247 = arith.constant 0 : i32
      %parallel_loop3A_248 = arith.constant 0 : i32
      %parallel_loop3A_249 = arith.constant 1 : i32
      scf.for %parallel_loop3A_387 = %parallel_loop3A_244 to %parallel_loop3A_245 step %parallel_loop3A_246  : i32 {
        %parallel_loop3A_388 = arith.constant 0 : i32
        %parallel_loop3A_389 = vector.broadcast %parallel_loop3A_388 : i32 to vector<16xi32>
        %parallel_loop3A_390 = vector.broadcast %parallel_loop3A_387 : i32 to vector<16xi32>
        %parallel_loop3A_391 = arith.addi %parallel_loop3A_389, %parallel_loop3A_390 : vector<16xi32>
        %parallel_loop3A_392 = arith.constant 128 : i32
        %parallel_loop3A_393 = arith.addi %parallel_loop3A_392, %parallel_loop3A_387 : i32
        %parallel_loop3A_394 = arith.constant 0 : i32
        %parallel_loop3A_395 = arith.constant 0 : i32
        %parallel_loop3A_396 = tpu.memref_slice %arg6[%parallel_loop3A_247, %parallel_loop3A_394, %parallel_loop3A_395] : memref<2x512x32xf32, #tpu.memory_space<vmem>> -> memref<1x512x32xf32, #tpu.memory_space<vmem>>
        %parallel_loop3A_397 = tpu.memref_squeeze %parallel_loop3A_396 : memref<1x512x32xf32, #tpu.memory_space<vmem>> -> memref<512x32xf32, #tpu.memory_space<vmem>>
        %parallel_loop3A_398 = arith.index_cast %parallel_loop3A_393 : i32 to index
        %parallel_loop3A_399 = arith.constant 0 : index
        %parallel_loop3A_400 = tpu.vector_load %parallel_loop3A_397[%parallel_loop3A_398, %parallel_loop3A_399] {strides = array<i32>} : memref<512x32xf32, #tpu.memory_space<vmem>>, vector<16xf32>,
        %parallel_loop3A_401 = arith.constant 5.65685415 : f32
        %parallel_loop3A_402 = vector.broadcast %parallel_loop3A_401 : f32 to vector<16xf32>
        %parallel_loop3A_403 = arith.mulf %parallel_loop3A_400, %parallel_loop3A_402 : vector<16xf32>
        %parallel_loop3A_404 = arith.constant 0 : i32
        %parallel_loop3A_405 = arith.constant 0 : i32
        %parallel_loop3A_406 = arith.constant 0 : i32
        %parallel_loop3A_407 = arith.constant 0 : i32
        %parallel_loop3A_408 = tpu.memref_slice %arg7[%parallel_loop3A_248, %parallel_loop3A_404, %parallel_loop3A_405, %parallel_loop3A_406, %parallel_loop3A_407] : memref<2x4x4x8x129xf32, #tpu.memory_space<vmem>> -> memref<1x4x4x8x129xf32, #tpu.memory_space<vmem>>
        %parallel_loop3A_409 = tpu.memref_squeeze %parallel_loop3A_408 : memref<1x4x4x8x129xf32, #tpu.memory_space<vmem>> -> memref<4x4x8x129xf32, #tpu.memory_space<vmem>>
        %parallel_loop3A_410 = arith.constant 0 : i32
        %parallel_loop3A_411 = arith.constant 0 : i32
        %parallel_loop3A_412 = arith.constant 0 : i32
        %parallel_loop3A_413 = tpu.memref_slice %parallel_loop3A_409[%parallel_loop3A_249, %parallel_loop3A_410, %parallel_loop3A_411, %parallel_loop3A_412] : memref<4x4x8x129xf32, #tpu.memory_space<vmem>> -> memref<1x4x8x129xf32, #tpu.memory_space<vmem>>
        %parallel_loop3A_414 = tpu.memref_squeeze %parallel_loop3A_413 : memref<1x4x8x129xf32, #tpu.memory_space<vmem>> -> memref<4x8x129xf32, #tpu.memory_space<vmem>>
        tpu.vector_store_idx %parallel_loop3A_414[%add3A_26, %rem3A_63, %parallel_loop3A_391], %parallel_loop3A_403 : memref<4x8x129xf32, #tpu.memory_space<vmem>>[vector<16xi32>, vector<16xi32>, vector<16xi32>], vector<16xf32>,
        %parallel_loop3A_415 = arith.constant 128 : i32
        %parallel_loop3A_416 = arith.addi %parallel_loop3A_415, %parallel_loop3A_387 : i32
        %parallel_loop3A_417 = arith.constant 0 : i32
        %parallel_loop3A_418 = arith.constant 0 : i32
        %parallel_loop3A_419 = tpu.memref_slice %arg6[%parallel_loop3A_247, %parallel_loop3A_417, %parallel_loop3A_418] : memref<2x512x32xf32, #tpu.memory_space<vmem>> -> memref<1x512x32xf32, #tpu.memory_space<vmem>>
        %parallel_loop3A_420 = tpu.memref_squeeze %parallel_loop3A_419 : memref<1x512x32xf32, #tpu.memory_space<vmem>> -> memref<512x32xf32, #tpu.memory_space<vmem>>
        %parallel_loop3A_421 = arith.index_cast %parallel_loop3A_416 : i32 to index
        %parallel_loop3A_422 = arith.constant 16 : index
        %parallel_loop3A_423 = tpu.vector_load %parallel_loop3A_420[%parallel_loop3A_421, %parallel_loop3A_422] {strides = array<i32>} : memref<512x32xf32, #tpu.memory_space<vmem>>, vector<16xf32>,
        %parallel_loop3A_424 = arith.constant 5.65685415 : f32
        %parallel_loop3A_425 = vector.broadcast %parallel_loop3A_424 : f32 to vector<16xf32>
        %parallel_loop3A_426 = arith.mulf %parallel_loop3A_423, %parallel_loop3A_425 : vector<16xf32>
        %parallel_loop3A_427 = arith.constant 0 : i32
        %parallel_loop3A_428 = arith.constant 0 : i32
        %parallel_loop3A_429 = arith.constant 0 : i32
        %parallel_loop3A_430 = arith.constant 0 : i32
        %parallel_loop3A_431 = tpu.memref_slice %arg7[%parallel_loop3A_248, %parallel_loop3A_427, %parallel_loop3A_428, %parallel_loop3A_429, %parallel_loop3A_430] : memref<2x4x4x8x129xf32, #tpu.memory_space<vmem>> -> memref<1x4x4x8x129xf32, #tpu.memory_space<vmem>>
        %parallel_loop3A_432 = tpu.memref_squeeze %parallel_loop3A_431 : memref<1x4x4x8x129xf32, #tpu.memory_space<vmem>> -> memref<4x4x8x129xf32, #tpu.memory_space<vmem>>
        %parallel_loop3A_433 = arith.constant 0 : i32
        %parallel_loop3A_434 = arith.constant 0 : i32
        %parallel_loop3A_435 = arith.constant 0 : i32
        %parallel_loop3A_436 = tpu.memref_slice %parallel_loop3A_432[%parallel_loop3A_249, %parallel_loop3A_433, %parallel_loop3A_434, %parallel_loop3A_435] : memref<4x4x8x129xf32, #tpu.memory_space<vmem>> -> memref<1x4x8x129xf32, #tpu.memory_space<vmem>>
        %parallel_loop3A_437 = tpu.memref_squeeze %parallel_loop3A_436 : memref<1x4x8x129xf32, #tpu.memory_space<vmem>> -> memref<4x8x129xf32, #tpu.memory_space<vmem>>
        tpu.vector_store_idx %parallel_loop3A_437[%add3A_60, %rem3A_63, %parallel_loop3A_391], %parallel_loop3A_426 : memref<4x8x129xf32, #tpu.memory_space<vmem>>[vector<16xi32>, vector<16xi32>, vector<16xi32>], vector<16xf32>,
      } {sc.loop_unroll_factor = 4 : i64, sc.parallel_access}
      %parallel_loop3A_250 = arith.constant 0 : i32
      %parallel_loop3A_251 = arith.constant 128 : i32
      %parallel_loop3A_252 = arith.constant 1 : i32
      %parallel_loop3A_253 = arith.constant 0 : i32
      %parallel_loop3A_254 = arith.constant 0 : i32
      %parallel_loop3A_255 = arith.constant 2 : i32
      scf.for %parallel_loop3A_387 = %parallel_loop3A_250 to %parallel_loop3A_251 step %parallel_loop3A_252  : i32 {
        %parallel_loop3A_388 = arith.constant 0 : i32
        %parallel_loop3A_389 = vector.broadcast %parallel_loop3A_388 : i32 to vector<16xi32>
        %parallel_loop3A_390 = vector.broadcast %parallel_loop3A_387 : i32 to vector<16xi32>
        %parallel_loop3A_391 = arith.addi %parallel_loop3A_389, %parallel_loop3A_390 : vector<16xi32>
        %parallel_loop3A_392 = arith.constant 256 : i32
        %parallel_loop3A_393 = arith.addi %parallel_loop3A_392, %parallel_loop3A_387 : i32
        %parallel_loop3A_394 = arith.constant 0 : i32
        %parallel_loop3A_395 = arith.constant 0 : i32
        %parallel_loop3A_396 = tpu.memref_slice %arg6[%parallel_loop3A_253, %parallel_loop3A_394, %parallel_loop3A_395] : memref<2x512x32xf32, #tpu.memory_space<vmem>> -> memref<1x512x32xf32, #tpu.memory_space<vmem>>
        %parallel_loop3A_397 = tpu.memref_squeeze %parallel_loop3A_396 : memref<1x512x32xf32, #tpu.memory_space<vmem>> -> memref<512x32xf32, #tpu.memory_space<vmem>>
        %parallel_loop3A_398 = arith.index_cast %parallel_loop3A_393 : i32 to index
        %parallel_loop3A_399 = arith.constant 0 : index
        %parallel_loop3A_400 = tpu.vector_load %parallel_loop3A_397[%parallel_loop3A_398, %parallel_loop3A_399] {strides = array<i32>} : memref<512x32xf32, #tpu.memory_space<vmem>>, vector<16xf32>,
        %parallel_loop3A_401 = arith.constant 5.65685415 : f32
        %parallel_loop3A_402 = vector.broadcast %parallel_loop3A_401 : f32 to vector<16xf32>
        %parallel_loop3A_403 = arith.mulf %parallel_loop3A_400, %parallel_loop3A_402 : vector<16xf32>
        %parallel_loop3A_404 = arith.constant 0 : i32
        %parallel_loop3A_405 = arith.constant 0 : i32
        %parallel_loop3A_406 = arith.constant 0 : i32
        %parallel_loop3A_407 = arith.constant 0 : i32
        %parallel_loop3A_408 = tpu.memref_slice %arg7[%parallel_loop3A_254, %parallel_loop3A_404, %parallel_loop3A_405, %parallel_loop3A_406, %parallel_loop3A_407] : memref<2x4x4x8x129xf32, #tpu.memory_space<vmem>> -> memref<1x4x4x8x129xf32, #tpu.memory_space<vmem>>
        %parallel_loop3A_409 = tpu.memref_squeeze %parallel_loop3A_408 : memref<1x4x4x8x129xf32, #tpu.memory_space<vmem>> -> memref<4x4x8x129xf32, #tpu.memory_space<vmem>>
        %parallel_loop3A_410 = arith.constant 0 : i32
        %parallel_loop3A_411 = arith.constant 0 : i32
        %parallel_loop3A_412 = arith.constant 0 : i32
        %parallel_loop3A_413 = tpu.memref_slice %parallel_loop3A_409[%parallel_loop3A_255, %parallel_loop3A_410, %parallel_loop3A_411, %parallel_loop3A_412] : memref<4x4x8x129xf32, #tpu.memory_space<vmem>> -> memref<1x4x8x129xf32, #tpu.memory_space<vmem>>
        %parallel_loop3A_414 = tpu.memref_squeeze %parallel_loop3A_413 : memref<1x4x8x129xf32, #tpu.memory_space<vmem>> -> memref<4x8x129xf32, #tpu.memory_space<vmem>>
        tpu.vector_store_idx %parallel_loop3A_414[%add3A_26, %rem3A_63, %parallel_loop3A_391], %parallel_loop3A_403 : memref<4x8x129xf32, #tpu.memory_space<vmem>>[vector<16xi32>, vector<16xi32>, vector<16xi32>], vector<16xf32>,
        %parallel_loop3A_415 = arith.constant 256 : i32
        %parallel_loop3A_416 = arith.addi %parallel_loop3A_415, %parallel_loop3A_387 : i32
        %parallel_loop3A_417 = arith.constant 0 : i32
        %parallel_loop3A_418 = arith.constant 0 : i32
        %parallel_loop3A_419 = tpu.memref_slice %arg6[%parallel_loop3A_253, %parallel_loop3A_417, %parallel_loop3A_418] : memref<2x512x32xf32, #tpu.memory_space<vmem>> -> memref<1x512x32xf32, #tpu.memory_space<vmem>>
        %parallel_loop3A_420 = tpu.memref_squeeze %parallel_loop3A_419 : memref<1x512x32xf32, #tpu.memory_space<vmem>> -> memref<512x32xf32, #tpu.memory_space<vmem>>
        %parallel_loop3A_421 = arith.index_cast %parallel_loop3A_416 : i32 to index
        %parallel_loop3A_422 = arith.constant 16 : index
        %parallel_loop3A_423 = tpu.vector_load %parallel_loop3A_420[%parallel_loop3A_421, %parallel_loop3A_422] {strides = array<i32>} : memref<512x32xf32, #tpu.memory_space<vmem>>, vector<16xf32>,
        %parallel_loop3A_424 = arith.constant 5.65685415 : f32
        %parallel_loop3A_425 = vector.broadcast %parallel_loop3A_424 : f32 to vector<16xf32>
        %parallel_loop3A_426 = arith.mulf %parallel_loop3A_423, %parallel_loop3A_425 : vector<16xf32>
        %parallel_loop3A_427 = arith.constant 0 : i32
        %parallel_loop3A_428 = arith.constant 0 : i32
        %parallel_loop3A_429 = arith.constant 0 : i32
        %parallel_loop3A_430 = arith.constant 0 : i32
        %parallel_loop3A_431 = tpu.memref_slice %arg7[%parallel_loop3A_254, %parallel_loop3A_427, %parallel_loop3A_428, %parallel_loop3A_429, %parallel_loop3A_430] : memref<2x4x4x8x129xf32, #tpu.memory_space<vmem>> -> memref<1x4x4x8x129xf32, #tpu.memory_space<vmem>>
        %parallel_loop3A_432 = tpu.memref_squeeze %parallel_loop3A_431 : memref<1x4x4x8x129xf32, #tpu.memory_space<vmem>> -> memref<4x4x8x129xf32, #tpu.memory_space<vmem>>
        %parallel_loop3A_433 = arith.constant 0 : i32
        %parallel_loop3A_434 = arith.constant 0 : i32
        %parallel_loop3A_435 = arith.constant 0 : i32
        %parallel_loop3A_436 = tpu.memref_slice %parallel_loop3A_432[%parallel_loop3A_255, %parallel_loop3A_433, %parallel_loop3A_434, %parallel_loop3A_435] : memref<4x4x8x129xf32, #tpu.memory_space<vmem>> -> memref<1x4x8x129xf32, #tpu.memory_space<vmem>>
        %parallel_loop3A_437 = tpu.memref_squeeze %parallel_loop3A_436 : memref<1x4x8x129xf32, #tpu.memory_space<vmem>> -> memref<4x8x129xf32, #tpu.memory_space<vmem>>
        tpu.vector_store_idx %parallel_loop3A_437[%add3A_60, %rem3A_63, %parallel_loop3A_391], %parallel_loop3A_426 : memref<4x8x129xf32, #tpu.memory_space<vmem>>[vector<16xi32>, vector<16xi32>, vector<16xi32>], vector<16xf32>,
      } {sc.loop_unroll_factor = 4 : i64, sc.parallel_access}
      %parallel_loop3A_256 = arith.constant 0 : i32
      %parallel_loop3A_257 = arith.constant 128 : i32
      %parallel_loop3A_258 = arith.constant 1 : i32
      %parallel_loop3A_259 = arith.constant 0 : i32
      %parallel_loop3A_260 = arith.constant 0 : i32
      %parallel_loop3A_261 = arith.constant 3 : i32
      scf.for %parallel_loop3A_387 = %parallel_loop3A_256 to %parallel_loop3A_257 step %parallel_loop3A_258  : i32 {
        %parallel_loop3A_388 = arith.constant 0 : i32
        %parallel_loop3A_389 = vector.broadcast %parallel_loop3A_388 : i32 to vector<16xi32>
        %parallel_loop3A_390 = vector.broadcast %parallel_loop3A_387 : i32 to vector<16xi32>
        %parallel_loop3A_391 = arith.addi %parallel_loop3A_389, %parallel_loop3A_390 : vector<16xi32>
        %parallel_loop3A_392 = arith.constant 384 : i32
        %parallel_loop3A_393 = arith.addi %parallel_loop3A_392, %parallel_loop3A_387 : i32
        %parallel_loop3A_394 = arith.constant 0 : i32
        %parallel_loop3A_395 = arith.constant 0 : i32
        %parallel_loop3A_396 = tpu.memref_slice %arg6[%parallel_loop3A_259, %parallel_loop3A_394, %parallel_loop3A_395] : memref<2x512x32xf32, #tpu.memory_space<vmem>> -> memref<1x512x32xf32, #tpu.memory_space<vmem>>
        %parallel_loop3A_397 = tpu.memref_squeeze %parallel_loop3A_396 : memref<1x512x32xf32, #tpu.memory_space<vmem>> -> memref<512x32xf32, #tpu.memory_space<vmem>>
        %parallel_loop3A_398 = arith.index_cast %parallel_loop3A_393 : i32 to index
        %parallel_loop3A_399 = arith.constant 0 : index
        %parallel_loop3A_400 = tpu.vector_load %parallel_loop3A_397[%parallel_loop3A_398, %parallel_loop3A_399] {strides = array<i32>} : memref<512x32xf32, #tpu.memory_space<vmem>>, vector<16xf32>,
        %parallel_loop3A_401 = arith.constant 5.65685415 : f32
        %parallel_loop3A_402 = vector.broadcast %parallel_loop3A_401 : f32 to vector<16xf32>
        %parallel_loop3A_403 = arith.mulf %parallel_loop3A_400, %parallel_loop3A_402 : vector<16xf32>
        %parallel_loop3A_404 = arith.constant 0 : i32
        %parallel_loop3A_405 = arith.constant 0 : i32
        %parallel_loop3A_406 = arith.constant 0 : i32
        %parallel_loop3A_407 = arith.constant 0 : i32
        %parallel_loop3A_408 = tpu.memref_slice %arg7[%parallel_loop3A_260, %parallel_loop3A_404, %parallel_loop3A_405, %parallel_loop3A_406, %parallel_loop3A_407] : memref<2x4x4x8x129xf32, #tpu.memory_space<vmem>> -> memref<1x4x4x8x129xf32, #tpu.memory_space<vmem>>
        %parallel_loop3A_409 = tpu.memref_squeeze %parallel_loop3A_408 : memref<1x4x4x8x129xf32, #tpu.memory_space<vmem>> -> memref<4x4x8x129xf32, #tpu.memory_space<vmem>>
        %parallel_loop3A_410 = arith.constant 0 : i32
        %parallel_loop3A_411 = arith.constant 0 : i32
        %parallel_loop3A_412 = arith.constant 0 : i32
        %parallel_loop3A_413 = tpu.memref_slice %parallel_loop3A_409[%parallel_loop3A_261, %parallel_loop3A_410, %parallel_loop3A_411, %parallel_loop3A_412] : memref<4x4x8x129xf32, #tpu.memory_space<vmem>> -> memref<1x4x8x129xf32, #tpu.memory_space<vmem>>
        %parallel_loop3A_414 = tpu.memref_squeeze %parallel_loop3A_413 : memref<1x4x8x129xf32, #tpu.memory_space<vmem>> -> memref<4x8x129xf32, #tpu.memory_space<vmem>>
        tpu.vector_store_idx %parallel_loop3A_414[%add3A_26, %rem3A_63, %parallel_loop3A_391], %parallel_loop3A_403 : memref<4x8x129xf32, #tpu.memory_space<vmem>>[vector<16xi32>, vector<16xi32>, vector<16xi32>], vector<16xf32>,
        %parallel_loop3A_415 = arith.constant 384 : i32
        %parallel_loop3A_416 = arith.addi %parallel_loop3A_415, %parallel_loop3A_387 : i32
        %parallel_loop3A_417 = arith.constant 0 : i32
        %parallel_loop3A_418 = arith.constant 0 : i32
        %parallel_loop3A_419 = tpu.memref_slice %arg6[%parallel_loop3A_259, %parallel_loop3A_417, %parallel_loop3A_418] : memref<2x512x32xf32, #tpu.memory_space<vmem>> -> memref<1x512x32xf32, #tpu.memory_space<vmem>>
        %parallel_loop3A_420 = tpu.memref_squeeze %parallel_loop3A_419 : memref<1x512x32xf32, #tpu.memory_space<vmem>> -> memref<512x32xf32, #tpu.memory_space<vmem>>
        %parallel_loop3A_421 = arith.index_cast %parallel_loop3A_416 : i32 to index
        %parallel_loop3A_422 = arith.constant 16 : index
        %parallel_loop3A_423 = tpu.vector_load %parallel_loop3A_420[%parallel_loop3A_421, %parallel_loop3A_422] {strides = array<i32>} : memref<512x32xf32, #tpu.memory_space<vmem>>, vector<16xf32>,
        %parallel_loop3A_424 = arith.constant 5.65685415 : f32
        %parallel_loop3A_425 = vector.broadcast %parallel_loop3A_424 : f32 to vector<16xf32>
        %parallel_loop3A_426 = arith.mulf %parallel_loop3A_423, %parallel_loop3A_425 : vector<16xf32>
        %parallel_loop3A_427 = arith.constant 0 : i32
        %parallel_loop3A_428 = arith.constant 0 : i32
        %parallel_loop3A_429 = arith.constant 0 : i32
        %parallel_loop3A_430 = arith.constant 0 : i32
        %parallel_loop3A_431 = tpu.memref_slice %arg7[%parallel_loop3A_260, %parallel_loop3A_427, %parallel_loop3A_428, %parallel_loop3A_429, %parallel_loop3A_430] : memref<2x4x4x8x129xf32, #tpu.memory_space<vmem>> -> memref<1x4x4x8x129xf32, #tpu.memory_space<vmem>>
        %parallel_loop3A_432 = tpu.memref_squeeze %parallel_loop3A_431 : memref<1x4x4x8x129xf32, #tpu.memory_space<vmem>> -> memref<4x4x8x129xf32, #tpu.memory_space<vmem>>
        %parallel_loop3A_433 = arith.constant 0 : i32
        %parallel_loop3A_434 = arith.constant 0 : i32
        %parallel_loop3A_435 = arith.constant 0 : i32
        %parallel_loop3A_436 = tpu.memref_slice %parallel_loop3A_432[%parallel_loop3A_261, %parallel_loop3A_433, %parallel_loop3A_434, %parallel_loop3A_435] : memref<4x4x8x129xf32, #tpu.memory_space<vmem>> -> memref<1x4x8x129xf32, #tpu.memory_space<vmem>>
        %parallel_loop3A_437 = tpu.memref_squeeze %parallel_loop3A_436 : memref<1x4x8x129xf32, #tpu.memory_space<vmem>> -> memref<4x8x129xf32, #tpu.memory_space<vmem>>
        tpu.vector_store_idx %parallel_loop3A_437[%add3A_60, %rem3A_63, %parallel_loop3A_391], %parallel_loop3A_426 : memref<4x8x129xf32, #tpu.memory_space<vmem>>[vector<16xi32>, vector<16xi32>, vector<16xi32>], vector<16xf32>,
      } {sc.loop_unroll_factor = 4 : i64, sc.parallel_access}
      %mul3A_262 = arith.constant 4 : i32
      %mul3A_263 = arith.muli %add3A_215, %mul3A_262 : i32
      %dma_start3A_264 = arith.constant 0 : i32
      %dma_start3A_265 = arith.constant 0 : i32
      %dma_start3A_266 = arith.constant 0 : i32
      %dma_start3A_267 = arith.constant 0 : i32
      %dma_start3A_268 = arith.constant 0 : i32
      %dma_start3A_269 = tpu.memref_slice %arg7[%dma_start3A_264, %dma_start3A_265, %dma_start3A_266, %dma_start3A_267, %dma_start3A_268] : memref<2x4x4x8x129xf32, #tpu.memory_space<vmem>> -> memref<1x4x4x8x129xf32, #tpu.memory_space<vmem>>
      %dma_start3A_270 = tpu.memref_squeeze %dma_start3A_269 : memref<1x4x4x8x129xf32, #tpu.memory_space<vmem>> -> memref<4x4x8x129xf32, #tpu.memory_space<vmem>>
      %dma_start3A_271 = arith.constant 0 : i32
      %dma_start3A_272 = arith.constant 0 : i32
      %dma_start3A_273 = arith.constant 0 : i32
      %dma_start3A_274 = arith.constant 0 : i32
      %dma_start3A_275 = tpu.memref_slice %dma_start3A_270[%dma_start3A_271, %dma_start3A_272, %dma_start3A_273, %dma_start3A_274] : memref<4x4x8x129xf32, #tpu.memory_space<vmem>> -> memref<4x4x8x128xf32, #tpu.memory_space<vmem>>
      %dma_start3A_276 = arith.constant 0 : i32
      %dma_start3A_277 = arith.constant 0 : i32
      %dma_start3A_278 = arith.constant 0 : i32
      %dma_start3A_279 = tpu.memref_slice %arg4[%mul3A_263, %dma_start3A_276, %add3A, %dma_start3A_277, %dma_start3A_278] : memref<200x4x32x8x128xf32, #tpu.memory_space<hbm>> -> memref<4x4x1x8x128xf32, #tpu.memory_space<hbm>>
      %dma_start3A_280 = tpu.memref_squeeze %dma_start3A_279 : memref<4x4x1x8x128xf32, #tpu.memory_space<hbm>> -> memref<4x4x8x128xf32, #tpu.memory_space<hbm>>
      %dma_start3A_281 = arith.constant 0 : i32
      %dma_start3A_282 = arith.constant 0 : i32
      %dma_start3A_283 = arith.constant 0 : i32
      %dma_start3A_284 = tpu.memref_slice %arg4[%mul3A_263, %dma_start3A_281, %add3A, %dma_start3A_282, %dma_start3A_283] : memref<200x4x32x8x128xf32, #tpu.memory_space<hbm>> -> memref<4x4x1x8x128xf32, #tpu.memory_space<hbm>>
      %dma_start3A_285 = tpu.memref_squeeze %dma_start3A_284 : memref<4x4x1x8x128xf32, #tpu.memory_space<hbm>> -> memref<4x4x8x128xf32, #tpu.memory_space<hbm>>
      %dma_start3A_286 = arith.constant 0 : i32
      %dma_start3A_287 = arith.constant 0 : i32
      %dma_start3A_288 = arith.constant 0 : i32
      %dma_start3A_289 = arith.constant 0 : i32
      %dma_start3A_290 = tpu.memref_slice %arg7[%dma_start3A_264, %dma_start3A_286, %dma_start3A_287, %dma_start3A_288, %dma_start3A_289] : memref<2x4x4x8x129xf32, #tpu.memory_space<vmem>> -> memref<1x4x4x8x129xf32, #tpu.memory_space<vmem>>
      %dma_start3A_291 = tpu.memref_squeeze %dma_start3A_290 : memref<1x4x4x8x129xf32, #tpu.memory_space<vmem>> -> memref<4x4x8x129xf32, #tpu.memory_space<vmem>>
      %dma_start3A_292 = arith.constant 0 : i32
      %dma_start3A_293 = arith.constant 0 : i32
      %dma_start3A_294 = arith.constant 0 : i32
      %dma_start3A_295 = arith.constant 0 : i32
      %dma_start3A_296 = tpu.memref_slice %dma_start3A_291[%dma_start3A_292, %dma_start3A_293, %dma_start3A_294, %dma_start3A_295] : memref<4x4x8x129xf32, #tpu.memory_space<vmem>> -> memref<4x4x8x128xf32, #tpu.memory_space<vmem>>
      tpu.enqueue_dma source(%dma_start3A_296 : memref<4x4x8x128xf32, #tpu.memory_space<vmem>>) target(%dma_start3A_285 : memref<4x4x8x128xf32, #tpu.memory_space<hbm>>) target_semaphore(%arg10 : memref<!tpu.dma_semaphore, #tpu.memory_space<semaphore_mem>>)
      %mul3A_297 = arith.constant 2 : i32
      %mul3A_298 = arith.muli %scan3A_211, %mul3A_297 : i32
      %add3A_299 = arith.constant 1 : i32
      %add3A_300 = arith.addi %mul3A_298, %add3A_299 : i32
      %dma_wait3A_301 = arith.constant 1 : i32
      %dma_wait3A_302 = arith.constant 0 : i32
      %dma_wait3A_303 = arith.constant 0 : i32
      %dma_wait3A_304 = tpu.memref_slice %arg6[%dma_wait3A_301, %dma_wait3A_302, %dma_wait3A_303] : memref<2x512x32xf32, #tpu.memory_space<vmem>> -> memref<1x512x32xf32, #tpu.memory_space<vmem>>
      %dma_wait3A_305 = tpu.memref_squeeze %dma_wait3A_304 : memref<1x512x32xf32, #tpu.memory_space<vmem>> -> memref<512x32xf32, #tpu.memory_space<vmem>>
      %dma_wait3A_306 = arith.constant 0 : i32
      %dma_wait3A_307 = arith.constant 0 : i32
      %dma_wait3A_308 = tpu.memref_slice %arg3[%dma_wait3A_306, %dma_wait3A_307] : memref<1000064x32xf32, #tpu.memory_space<hbm>> -> memref<512x32xf32, #tpu.memory_space<hbm>>
      %dma_wait3A_309 = arith.constant 0 : i32
      %dma_wait3A_310 = arith.constant 0 : i32
      %dma_wait3A_311 = tpu.memref_slice %arg6[%dma_wait3A_301, %dma_wait3A_309, %dma_wait3A_310] : memref<2x512x32xf32, #tpu.memory_space<vmem>> -> memref<1x512x32xf32, #tpu.memory_space<vmem>>
      %dma_wait3A_312 = tpu.memref_squeeze %dma_wait3A_311 : memref<1x512x32xf32, #tpu.memory_space<vmem>> -> memref<512x32xf32, #tpu.memory_space<vmem>>
      %dma_wait3A_313 = arith.constant 0 : i32
      %dma_wait3A_314 = arith.constant 0 : i32
      %dma_wait3A_315 = tpu.memref_slice %arg3[%dma_wait3A_313, %dma_wait3A_314] : memref<1000064x32xf32, #tpu.memory_space<hbm>> -> memref<512x32xf32, #tpu.memory_space<hbm>>
      tpu.wait_dma2 semaphore(%arg9 : memref<!tpu.dma_semaphore, #tpu.memory_space<semaphore_mem>>) src(%dma_wait3A_315 : memref<512x32xf32, #tpu.memory_space<hbm>>) dst(%dma_wait3A_312 : memref<512x32xf32, #tpu.memory_space<vmem>>)
      %add3A_316 = arith.constant 1 : i32
      %add3A_317 = arith.addi %add3A_300, %add3A_316 : i32
      %lt3A_318 = arith.constant 50 : i32
      %lt3A_319 = arith.cmpi slt, %add3A_317, %lt3A_318 : i32
      %convert_element_type3A_320 = arith.extui %lt3A_319 : i1 to i32
      %cond3A_321 = arith.constant 0 : i32
      %cond3A_322 = arith.cmpi ne, %convert_element_type3A_320, %cond3A_321 : i32
      scf.if %cond3A_322 {
        %add3A_387 = arith.constant 1 : i32
        %add3A_388 = arith.addi %add3A_300, %add3A_387 : i32
        %mul3A_389 = arith.constant 4 : i32
        %mul3A_390 = arith.muli %add3A_388, %mul3A_389 : i32
        %add3A_391 = arith.constant 0 : i32
        %add3A_392 = arith.addi %mul3A_390, %add3A_391 : i32
        %jit3A_393 = arith.constant 8 : i32
        %div3A_394 = arith.divsi %add3A_392, %jit3A_393 : i32
        %sign3A_395 = arith.constant 0 : i32
        %sign3A_396 = arith.cmpi sgt, %add3A_392, %sign3A_395 : i32
        %sign3A_397 = arith.extui %sign3A_396 : i1 to i32
        %sign3A_398 = arith.constant 0 : i32
        %sign3A_399 = arith.cmpi slt, %add3A_392, %sign3A_398 : i32
        %sign3A_400 = arith.extui %sign3A_399 : i1 to i32
        %sign3A_401 = arith.subi %sign3A_397, %sign3A_400 : i32
        %sign3A_402 = arith.constant 0 : i32
        %sign3A_403 = arith.cmpi sgt, %jit3A_393, %sign3A_402 : i32
        %sign3A_404 = arith.extui %sign3A_403 : i1 to i32
        %sign3A_405 = arith.constant 0 : i32
        %sign3A_406 = arith.cmpi slt, %jit3A_393, %sign3A_405 : i32
        %sign3A_407 = arith.extui %sign3A_406 : i1 to i32
        %sign3A_408 = arith.subi %sign3A_404, %sign3A_407 : i32
        %ne3A_409 = arith.cmpi ne, %sign3A_401, %sign3A_408 : i32
        %rem3A_410 = arith.remsi %add3A_392, %jit3A_393 : i32
        %ne3A_411 = arith.constant 0 : i32
        %ne3A_412 = arith.cmpi ne, %rem3A_410, %ne3A_411 : i32
        %and3A_413 = arith.andi %ne3A_409, %ne3A_412 : i1
        %sub3A_414 = arith.constant 1 : i32
        %sub3A_415 = arith.subi %div3A_394, %sub3A_414 : i32
        %select_n3A_416 = arith.select %and3A_413, %sub3A_415, %div3A_394 : i32
        %rem3A_417 = arith.constant 8 : i32
        %rem3A_418 = arith.remsi %add3A_392, %rem3A_417 : i32
        %dma_start3A_419 = arith.constant 0 : i32
        %dma_start3A_420 = arith.constant 0 : i32
        %dma_start3A_421 = arith.constant 0 : i32
        %dma_start3A_422 = tpu.memref_slice %arg6[%dma_start3A_419, %dma_start3A_420, %dma_start3A_421] : memref<2x512x32xf32, #tpu.memory_space<vmem>> -> memref<1x512x32xf32, #tpu.memory_space<vmem>>
        %dma_start3A_423 = tpu.memref_squeeze %dma_start3A_422 : memref<1x512x32xf32, #tpu.memory_space<vmem>> -> memref<512x32xf32, #tpu.memory_space<vmem>>
        %dma_start3A_424 = arith.constant 0 : i32
        %dma_start3A_425 = arith.constant 0 : i32
        %dma_start3A_426 = tpu.memref_slice %dma_start3A_423[%dma_start3A_424, %dma_start3A_425] : memref<512x32xf32, #tpu.memory_space<vmem>> -> memref<128x32xf32, #tpu.memory_space<vmem>>
        %dma_start3A_427 = arith.constant 0 : i32
        %dma_start3A_428 = tpu.memref_slice %arg5[%select_n3A_416, %rem3A_418, %dma_start3A_427] : memref<25x8x128xi32, #tpu.memory_space<vmem>> -> memref<1x1x128xi32, #tpu.memory_space<vmem>>
        %dma_start3A_429 = tpu.memref_squeeze %dma_start3A_428 : memref<1x1x128xi32, #tpu.memory_space<vmem>> -> memref<128xi32, #tpu.memory_space<vmem>>
        %dma_start3A_430 = arith.constant 0 : i32
        %dma_start3A_431 = arith.constant 0 : i32
        %dma_start3A_432 = tpu.memref_slice %arg3[%dma_start3A_430, %dma_start3A_431] : memref<1000064x32xf32, #tpu.memory_space<hbm>> -> memref<1000064x32xf32, #tpu.memory_space<hbm>>
        tpu.enqueue_indirect_dma source(%dma_start3A_432 : memref<1000064x32xf32, #tpu.memory_space<hbm>>) target(%dma_start3A_426 : memref<128x32xf32, #tpu.memory_space<vmem>>) offsets(%dma_start3A_429 : memref<128xi32, #tpu.memory_space<vmem>>) semaphore(%arg8 : memref<!tpu.dma_semaphore, #tpu.memory_space<semaphore_mem>>)
        %mul3A_433 = arith.constant 4 : i32
        %mul3A_434 = arith.muli %add3A_388, %mul3A_433 : i32
        %add3A_435 = arith.constant 1 : i32
        %add3A_436 = arith.addi %mul3A_434, %add3A_435 : i32
        %jit3A_437 = arith.constant 8 : i32
        %div3A_438 = arith.divsi %add3A_436, %jit3A_437 : i32
        %sign3A_439 = arith.constant 0 : i32
        %sign3A_440 = arith.cmpi sgt, %add3A_436, %sign3A_439 : i32
        %sign3A_441 = arith.extui %sign3A_440 : i1 to i32
        %sign3A_442 = arith.constant 0 : i32
        %sign3A_443 = arith.cmpi slt, %add3A_436, %sign3A_442 : i32
        %sign3A_444 = arith.extui %sign3A_443 : i1 to i32
        %sign3A_445 = arith.subi %sign3A_441, %sign3A_444 : i32
        %sign3A_446 = arith.constant 0 : i32
        %sign3A_447 = arith.cmpi sgt, %jit3A_437, %sign3A_446 : i32
        %sign3A_448 = arith.extui %sign3A_447 : i1 to i32
        %sign3A_449 = arith.constant 0 : i32
        %sign3A_450 = arith.cmpi slt, %jit3A_437, %sign3A_449 : i32
        %sign3A_451 = arith.extui %sign3A_450 : i1 to i32
        %sign3A_452 = arith.subi %sign3A_448, %sign3A_451 : i32
        %ne3A_453 = arith.cmpi ne, %sign3A_445, %sign3A_452 : i32
        %rem3A_454 = arith.remsi %add3A_436, %jit3A_437 : i32
        %ne3A_455 = arith.constant 0 : i32
        %ne3A_456 = arith.cmpi ne, %rem3A_454, %ne3A_455 : i32
        %and3A_457 = arith.andi %ne3A_453, %ne3A_456 : i1
        %sub3A_458 = arith.constant 1 : i32
        %sub3A_459 = arith.subi %div3A_438, %sub3A_458 : i32
        %select_n3A_460 = arith.select %and3A_457, %sub3A_459, %div3A_438 : i32
        %rem3A_461 = arith.constant 8 : i32
        %rem3A_462 = arith.remsi %add3A_436, %rem3A_461 : i32
        %dma_start3A_463 = arith.constant 0 : i32
        %dma_start3A_464 = arith.constant 0 : i32
        %dma_start3A_465 = arith.constant 0 : i32
        %dma_start3A_466 = tpu.memref_slice %arg6[%dma_start3A_463, %dma_start3A_464, %dma_start3A_465] : memref<2x512x32xf32, #tpu.memory_space<vmem>> -> memref<1x512x32xf32, #tpu.memory_space<vmem>>
        %dma_start3A_467 = tpu.memref_squeeze %dma_start3A_466 : memref<1x512x32xf32, #tpu.memory_space<vmem>> -> memref<512x32xf32, #tpu.memory_space<vmem>>
        %dma_start3A_468 = arith.constant 128 : i32
        %dma_start3A_469 = arith.constant 0 : i32
        %dma_start3A_470 = tpu.memref_slice %dma_start3A_467[%dma_start3A_468, %dma_start3A_469] : memref<512x32xf32, #tpu.memory_space<vmem>> -> memref<128x32xf32, #tpu.memory_space<vmem>>
        %dma_start3A_471 = arith.constant 0 : i32
        %dma_start3A_472 = tpu.memref_slice %arg5[%select_n3A_460, %rem3A_462, %dma_start3A_471] : memref<25x8x128xi32, #tpu.memory_space<vmem>> -> memref<1x1x128xi32, #tpu.memory_space<vmem>>
        %dma_start3A_473 = tpu.memref_squeeze %dma_start3A_472 : memref<1x1x128xi32, #tpu.memory_space<vmem>> -> memref<128xi32, #tpu.memory_space<vmem>>
        %dma_start3A_474 = arith.constant 0 : i32
        %dma_start3A_475 = arith.constant 0 : i32
        %dma_start3A_476 = tpu.memref_slice %arg3[%dma_start3A_474, %dma_start3A_475] : memref<1000064x32xf32, #tpu.memory_space<hbm>> -> memref<1000064x32xf32, #tpu.memory_space<hbm>>
        tpu.enqueue_indirect_dma source(%dma_start3A_476 : memref<1000064x32xf32, #tpu.memory_space<hbm>>) target(%dma_start3A_470 : memref<128x32xf32, #tpu.memory_space<vmem>>) offsets(%dma_start3A_473 : memref<128xi32, #tpu.memory_space<vmem>>) semaphore(%arg8 : memref<!tpu.dma_semaphore, #tpu.memory_space<semaphore_mem>>)
        %mul3A_477 = arith.constant 4 : i32
        %mul3A_478 = arith.muli %add3A_388, %mul3A_477 : i32
        %add3A_479 = arith.constant 2 : i32
        %add3A_480 = arith.addi %mul3A_478, %add3A_479 : i32
        %jit3A_481 = arith.constant 8 : i32
        %div3A_482 = arith.divsi %add3A_480, %jit3A_481 : i32
        %sign3A_483 = arith.constant 0 : i32
        %sign3A_484 = arith.cmpi sgt, %add3A_480, %sign3A_483 : i32
        %sign3A_485 = arith.extui %sign3A_484 : i1 to i32
        %sign3A_486 = arith.constant 0 : i32
        %sign3A_487 = arith.cmpi slt, %add3A_480, %sign3A_486 : i32
        %sign3A_488 = arith.extui %sign3A_487 : i1 to i32
        %sign3A_489 = arith.subi %sign3A_485, %sign3A_488 : i32
        %sign3A_490 = arith.constant 0 : i32
        %sign3A_491 = arith.cmpi sgt, %jit3A_481, %sign3A_490 : i32
        %sign3A_492 = arith.extui %sign3A_491 : i1 to i32
        %sign3A_493 = arith.constant 0 : i32
        %sign3A_494 = arith.cmpi slt, %jit3A_481, %sign3A_493 : i32
        %sign3A_495 = arith.extui %sign3A_494 : i1 to i32
        %sign3A_496 = arith.subi %sign3A_492, %sign3A_495 : i32
        %ne3A_497 = arith.cmpi ne, %sign3A_489, %sign3A_496 : i32
        %rem3A_498 = arith.remsi %add3A_480, %jit3A_481 : i32
        %ne3A_499 = arith.constant 0 : i32
        %ne3A_500 = arith.cmpi ne, %rem3A_498, %ne3A_499 : i32
        %and3A_501 = arith.andi %ne3A_497, %ne3A_500 : i1
        %sub3A_502 = arith.constant 1 : i32
        %sub3A_503 = arith.subi %div3A_482, %sub3A_502 : i32
        %select_n3A_504 = arith.select %and3A_501, %sub3A_503, %div3A_482 : i32
        %rem3A_505 = arith.constant 8 : i32
        %rem3A_506 = arith.remsi %add3A_480, %rem3A_505 : i32
        %dma_start3A_507 = arith.constant 0 : i32
        %dma_start3A_508 = arith.constant 0 : i32
        %dma_start3A_509 = arith.constant 0 : i32
        %dma_start3A_510 = tpu.memref_slice %arg6[%dma_start3A_507, %dma_start3A_508, %dma_start3A_509] : memref<2x512x32xf32, #tpu.memory_space<vmem>> -> memref<1x512x32xf32, #tpu.memory_space<vmem>>
        %dma_start3A_511 = tpu.memref_squeeze %dma_start3A_510 : memref<1x512x32xf32, #tpu.memory_space<vmem>> -> memref<512x32xf32, #tpu.memory_space<vmem>>
        %dma_start3A_512 = arith.constant 256 : i32
        %dma_start3A_513 = arith.constant 0 : i32
        %dma_start3A_514 = tpu.memref_slice %dma_start3A_511[%dma_start3A_512, %dma_start3A_513] : memref<512x32xf32, #tpu.memory_space<vmem>> -> memref<128x32xf32, #tpu.memory_space<vmem>>
        %dma_start3A_515 = arith.constant 0 : i32
        %dma_start3A_516 = tpu.memref_slice %arg5[%select_n3A_504, %rem3A_506, %dma_start3A_515] : memref<25x8x128xi32, #tpu.memory_space<vmem>> -> memref<1x1x128xi32, #tpu.memory_space<vmem>>
        %dma_start3A_517 = tpu.memref_squeeze %dma_start3A_516 : memref<1x1x128xi32, #tpu.memory_space<vmem>> -> memref<128xi32, #tpu.memory_space<vmem>>
        %dma_start3A_518 = arith.constant 0 : i32
        %dma_start3A_519 = arith.constant 0 : i32
        %dma_start3A_520 = tpu.memref_slice %arg3[%dma_start3A_518, %dma_start3A_519] : memref<1000064x32xf32, #tpu.memory_space<hbm>> -> memref<1000064x32xf32, #tpu.memory_space<hbm>>
        tpu.enqueue_indirect_dma source(%dma_start3A_520 : memref<1000064x32xf32, #tpu.memory_space<hbm>>) target(%dma_start3A_514 : memref<128x32xf32, #tpu.memory_space<vmem>>) offsets(%dma_start3A_517 : memref<128xi32, #tpu.memory_space<vmem>>) semaphore(%arg8 : memref<!tpu.dma_semaphore, #tpu.memory_space<semaphore_mem>>)
        %mul3A_521 = arith.constant 4 : i32
        %mul3A_522 = arith.muli %add3A_388, %mul3A_521 : i32
        %add3A_523 = arith.constant 3 : i32
        %add3A_524 = arith.addi %mul3A_522, %add3A_523 : i32
        %jit3A_525 = arith.constant 8 : i32
        %div3A_526 = arith.divsi %add3A_524, %jit3A_525 : i32
        %sign3A_527 = arith.constant 0 : i32
        %sign3A_528 = arith.cmpi sgt, %add3A_524, %sign3A_527 : i32
        %sign3A_529 = arith.extui %sign3A_528 : i1 to i32
        %sign3A_530 = arith.constant 0 : i32
        %sign3A_531 = arith.cmpi slt, %add3A_524, %sign3A_530 : i32
        %sign3A_532 = arith.extui %sign3A_531 : i1 to i32
        %sign3A_533 = arith.subi %sign3A_529, %sign3A_532 : i32
        %sign3A_534 = arith.constant 0 : i32
        %sign3A_535 = arith.cmpi sgt, %jit3A_525, %sign3A_534 : i32
        %sign3A_536 = arith.extui %sign3A_535 : i1 to i32
        %sign3A_537 = arith.constant 0 : i32
        %sign3A_538 = arith.cmpi slt, %jit3A_525, %sign3A_537 : i32
        %sign3A_539 = arith.extui %sign3A_538 : i1 to i32
        %sign3A_540 = arith.subi %sign3A_536, %sign3A_539 : i32
        %ne3A_541 = arith.cmpi ne, %sign3A_533, %sign3A_540 : i32
        %rem3A_542 = arith.remsi %add3A_524, %jit3A_525 : i32
        %ne3A_543 = arith.constant 0 : i32
        %ne3A_544 = arith.cmpi ne, %rem3A_542, %ne3A_543 : i32
        %and3A_545 = arith.andi %ne3A_541, %ne3A_544 : i1
        %sub3A_546 = arith.constant 1 : i32
        %sub3A_547 = arith.subi %div3A_526, %sub3A_546 : i32
        %select_n3A_548 = arith.select %and3A_545, %sub3A_547, %div3A_526 : i32
        %rem3A_549 = arith.constant 8 : i32
        %rem3A_550 = arith.remsi %add3A_524, %rem3A_549 : i32
        %dma_start3A_551 = arith.constant 0 : i32
        %dma_start3A_552 = arith.constant 0 : i32
        %dma_start3A_553 = arith.constant 0 : i32
        %dma_start3A_554 = tpu.memref_slice %arg6[%dma_start3A_551, %dma_start3A_552, %dma_start3A_553] : memref<2x512x32xf32, #tpu.memory_space<vmem>> -> memref<1x512x32xf32, #tpu.memory_space<vmem>>
        %dma_start3A_555 = tpu.memref_squeeze %dma_start3A_554 : memref<1x512x32xf32, #tpu.memory_space<vmem>> -> memref<512x32xf32, #tpu.memory_space<vmem>>
        %dma_start3A_556 = arith.constant 384 : i32
        %dma_start3A_557 = arith.constant 0 : i32
        %dma_start3A_558 = tpu.memref_slice %dma_start3A_555[%dma_start3A_556, %dma_start3A_557] : memref<512x32xf32, #tpu.memory_space<vmem>> -> memref<128x32xf32, #tpu.memory_space<vmem>>
        %dma_start3A_559 = arith.constant 0 : i32
        %dma_start3A_560 = tpu.memref_slice %arg5[%select_n3A_548, %rem3A_550, %dma_start3A_559] : memref<25x8x128xi32, #tpu.memory_space<vmem>> -> memref<1x1x128xi32, #tpu.memory_space<vmem>>
        %dma_start3A_561 = tpu.memref_squeeze %dma_start3A_560 : memref<1x1x128xi32, #tpu.memory_space<vmem>> -> memref<128xi32, #tpu.memory_space<vmem>>
        %dma_start3A_562 = arith.constant 0 : i32
        %dma_start3A_563 = arith.constant 0 : i32
        %dma_start3A_564 = tpu.memref_slice %arg3[%dma_start3A_562, %dma_start3A_563] : memref<1000064x32xf32, #tpu.memory_space<hbm>> -> memref<1000064x32xf32, #tpu.memory_space<hbm>>
        tpu.enqueue_indirect_dma source(%dma_start3A_564 : memref<1000064x32xf32, #tpu.memory_space<hbm>>) target(%dma_start3A_558 : memref<128x32xf32, #tpu.memory_space<vmem>>) offsets(%dma_start3A_561 : memref<128xi32, #tpu.memory_space<vmem>>) semaphore(%arg8 : memref<!tpu.dma_semaphore, #tpu.memory_space<semaphore_mem>>)
      } else {
      }
      %ge3A_323 = arith.constant 2 : i32
      %ge3A_324 = arith.cmpi sge, %add3A_300, %ge3A_323 : i32
      %convert_element_type3A_325 = arith.extui %ge3A_324 : i1 to i32
      %cond3A_326 = arith.constant 0 : i32
      %cond3A_327 = arith.cmpi ne, %convert_element_type3A_325, %cond3A_326 : i32
      scf.if %cond3A_327 {
        %dma_wait3A_387 = arith.constant 1 : i32
        %dma_wait3A_388 = arith.constant 0 : i32
        %dma_wait3A_389 = arith.constant 0 : i32
        %dma_wait3A_390 = arith.constant 0 : i32
        %dma_wait3A_391 = arith.constant 0 : i32
        %dma_wait3A_392 = arith.constant 0 : i32
        %dma_wait3A_393 = tpu.memref_slice %arg7[%dma_wait3A_387, %dma_wait3A_389, %dma_wait3A_390, %dma_wait3A_391, %dma_wait3A_392] : memref<2x4x4x8x129xf32, #tpu.memory_space<vmem>> -> memref<1x4x4x8x129xf32, #tpu.memory_space<vmem>>
        %dma_wait3A_394 = tpu.memref_squeeze %dma_wait3A_393 : memref<1x4x4x8x129xf32, #tpu.memory_space<vmem>> -> memref<4x4x8x129xf32, #tpu.memory_space<vmem>>
        %dma_wait3A_395 = arith.constant 0 : i32
        %dma_wait3A_396 = arith.constant 0 : i32
        %dma_wait3A_397 = arith.constant 0 : i32
        %dma_wait3A_398 = arith.constant 0 : i32
        %dma_wait3A_399 = tpu.memref_slice %dma_wait3A_394[%dma_wait3A_395, %dma_wait3A_396, %dma_wait3A_397, %dma_wait3A_398] : memref<4x4x8x129xf32, #tpu.memory_space<vmem>> -> memref<4x4x8x128xf32, #tpu.memory_space<vmem>>
        %dma_wait3A_400 = arith.constant 0 : i32
        %dma_wait3A_401 = arith.constant 0 : i32
        %dma_wait3A_402 = arith.constant 0 : i32
        %dma_wait3A_403 = arith.constant 0 : i32
        %dma_wait3A_404 = tpu.memref_slice %arg4[%dma_wait3A_400, %dma_wait3A_401, %dma_wait3A_388, %dma_wait3A_402, %dma_wait3A_403] : memref<200x4x32x8x128xf32, #tpu.memory_space<hbm>> -> memref<4x4x1x8x128xf32, #tpu.memory_space<hbm>>
        %dma_wait3A_405 = tpu.memref_squeeze %dma_wait3A_404 : memref<4x4x1x8x128xf32, #tpu.memory_space<hbm>> -> memref<4x4x8x128xf32, #tpu.memory_space<hbm>>
        %dma_wait3A_406 = arith.constant 0 : i32
        %dma_wait3A_407 = arith.constant 0 : i32
        %dma_wait3A_408 = arith.constant 0 : i32
        %dma_wait3A_409 = arith.constant 0 : i32
        %dma_wait3A_410 = tpu.memref_slice %arg4[%dma_wait3A_406, %dma_wait3A_407, %dma_wait3A_388, %dma_wait3A_408, %dma_wait3A_409] : memref<200x4x32x8x128xf32, #tpu.memory_space<hbm>> -> memref<4x4x1x8x128xf32, #tpu.memory_space<hbm>>
        %dma_wait3A_411 = tpu.memref_squeeze %dma_wait3A_410 : memref<4x4x1x8x128xf32, #tpu.memory_space<hbm>> -> memref<4x4x8x128xf32, #tpu.memory_space<hbm>>
        %dma_wait3A_412 = arith.constant 0 : i32
        %dma_wait3A_413 = arith.constant 0 : i32
        %dma_wait3A_414 = arith.constant 0 : i32
        %dma_wait3A_415 = arith.constant 0 : i32
        %dma_wait3A_416 = tpu.memref_slice %arg7[%dma_wait3A_387, %dma_wait3A_412, %dma_wait3A_413, %dma_wait3A_414, %dma_wait3A_415] : memref<2x4x4x8x129xf32, #tpu.memory_space<vmem>> -> memref<1x4x4x8x129xf32, #tpu.memory_space<vmem>>
        %dma_wait3A_417 = tpu.memref_squeeze %dma_wait3A_416 : memref<1x4x4x8x129xf32, #tpu.memory_space<vmem>> -> memref<4x4x8x129xf32, #tpu.memory_space<vmem>>
        %dma_wait3A_418 = arith.constant 0 : i32
        %dma_wait3A_419 = arith.constant 0 : i32
        %dma_wait3A_420 = arith.constant 0 : i32
        %dma_wait3A_421 = arith.constant 0 : i32
        %dma_wait3A_422 = tpu.memref_slice %dma_wait3A_417[%dma_wait3A_418, %dma_wait3A_419, %dma_wait3A_420, %dma_wait3A_421] : memref<4x4x8x129xf32, #tpu.memory_space<vmem>> -> memref<4x4x8x128xf32, #tpu.memory_space<vmem>>
        tpu.wait_dma2 semaphore(%arg11 : memref<!tpu.dma_semaphore, #tpu.memory_space<semaphore_mem>>) src(%dma_wait3A_422 : memref<4x4x8x128xf32, #tpu.memory_space<vmem>>) dst(%dma_wait3A_411 : memref<4x4x8x128xf32, #tpu.memory_space<hbm>>)
      } else {
      }
      %parallel_loop3A_328 = arith.constant 0 : i32
      %parallel_loop3A_329 = arith.constant 128 : i32
      %parallel_loop3A_330 = arith.constant 1 : i32
      %parallel_loop3A_331 = arith.constant 1 : i32
      %parallel_loop3A_332 = arith.constant 1 : i32
      %parallel_loop3A_333 = arith.constant 0 : i32
      scf.for %parallel_loop3A_387 = %parallel_loop3A_328 to %parallel_loop3A_329 step %parallel_loop3A_330  : i32 {
        %parallel_loop3A_388 = arith.constant 0 : i32
        %parallel_loop3A_389 = vector.broadcast %parallel_loop3A_388 : i32 to vector<16xi32>
        %parallel_loop3A_390 = vector.broadcast %parallel_loop3A_387 : i32 to vector<16xi32>
        %parallel_loop3A_391 = arith.addi %parallel_loop3A_389, %parallel_loop3A_390 : vector<16xi32>
        %parallel_loop3A_392 = arith.constant 0 : i32
        %parallel_loop3A_393 = arith.addi %parallel_loop3A_392, %parallel_loop3A_387 : i32
        %parallel_loop3A_394 = arith.constant 0 : i32
        %parallel_loop3A_395 = arith.constant 0 : i32
        %parallel_loop3A_396 = tpu.memref_slice %arg6[%parallel_loop3A_331, %parallel_loop3A_394, %parallel_loop3A_395] : memref<2x512x32xf32, #tpu.memory_space<vmem>> -> memref<1x512x32xf32, #tpu.memory_space<vmem>>
        %parallel_loop3A_397 = tpu.memref_squeeze %parallel_loop3A_396 : memref<1x512x32xf32, #tpu.memory_space<vmem>> -> memref<512x32xf32, #tpu.memory_space<vmem>>
        %parallel_loop3A_398 = arith.index_cast %parallel_loop3A_393 : i32 to index
        %parallel_loop3A_399 = arith.constant 0 : index
        %parallel_loop3A_400 = tpu.vector_load %parallel_loop3A_397[%parallel_loop3A_398, %parallel_loop3A_399] {strides = array<i32>} : memref<512x32xf32, #tpu.memory_space<vmem>>, vector<16xf32>,
        %parallel_loop3A_401 = arith.constant 5.65685415 : f32
        %parallel_loop3A_402 = vector.broadcast %parallel_loop3A_401 : f32 to vector<16xf32>
        %parallel_loop3A_403 = arith.mulf %parallel_loop3A_400, %parallel_loop3A_402 : vector<16xf32>
        %parallel_loop3A_404 = arith.constant 0 : i32
        %parallel_loop3A_405 = arith.constant 0 : i32
        %parallel_loop3A_406 = arith.constant 0 : i32
        %parallel_loop3A_407 = arith.constant 0 : i32
        %parallel_loop3A_408 = tpu.memref_slice %arg7[%parallel_loop3A_332, %parallel_loop3A_404, %parallel_loop3A_405, %parallel_loop3A_406, %parallel_loop3A_407] : memref<2x4x4x8x129xf32, #tpu.memory_space<vmem>> -> memref<1x4x4x8x129xf32, #tpu.memory_space<vmem>>
        %parallel_loop3A_409 = tpu.memref_squeeze %parallel_loop3A_408 : memref<1x4x4x8x129xf32, #tpu.memory_space<vmem>> -> memref<4x4x8x129xf32, #tpu.memory_space<vmem>>
        %parallel_loop3A_410 = arith.constant 0 : i32
        %parallel_loop3A_411 = arith.constant 0 : i32
        %parallel_loop3A_412 = arith.constant 0 : i32
        %parallel_loop3A_413 = tpu.memref_slice %parallel_loop3A_409[%parallel_loop3A_333, %parallel_loop3A_410, %parallel_loop3A_411, %parallel_loop3A_412] : memref<4x4x8x129xf32, #tpu.memory_space<vmem>> -> memref<1x4x8x129xf32, #tpu.memory_space<vmem>>
        %parallel_loop3A_414 = tpu.memref_squeeze %parallel_loop3A_413 : memref<1x4x8x129xf32, #tpu.memory_space<vmem>> -> memref<4x8x129xf32, #tpu.memory_space<vmem>>
        tpu.vector_store_idx %parallel_loop3A_414[%add3A_26, %rem3A_63, %parallel_loop3A_391], %parallel_loop3A_403 : memref<4x8x129xf32, #tpu.memory_space<vmem>>[vector<16xi32>, vector<16xi32>, vector<16xi32>], vector<16xf32>,
        %parallel_loop3A_415 = arith.constant 0 : i32
        %parallel_loop3A_416 = arith.addi %parallel_loop3A_415, %parallel_loop3A_387 : i32
        %parallel_loop3A_417 = arith.constant 0 : i32
        %parallel_loop3A_418 = arith.constant 0 : i32
        %parallel_loop3A_419 = tpu.memref_slice %arg6[%parallel_loop3A_331, %parallel_loop3A_417, %parallel_loop3A_418] : memref<2x512x32xf32, #tpu.memory_space<vmem>> -> memref<1x512x32xf32, #tpu.memory_space<vmem>>
        %parallel_loop3A_420 = tpu.memref_squeeze %parallel_loop3A_419 : memref<1x512x32xf32, #tpu.memory_space<vmem>> -> memref<512x32xf32, #tpu.memory_space<vmem>>
        %parallel_loop3A_421 = arith.index_cast %parallel_loop3A_416 : i32 to index
        %parallel_loop3A_422 = arith.constant 16 : index
        %parallel_loop3A_423 = tpu.vector_load %parallel_loop3A_420[%parallel_loop3A_421, %parallel_loop3A_422] {strides = array<i32>} : memref<512x32xf32, #tpu.memory_space<vmem>>, vector<16xf32>,
        %parallel_loop3A_424 = arith.constant 5.65685415 : f32
        %parallel_loop3A_425 = vector.broadcast %parallel_loop3A_424 : f32 to vector<16xf32>
        %parallel_loop3A_426 = arith.mulf %parallel_loop3A_423, %parallel_loop3A_425 : vector<16xf32>
        %parallel_loop3A_427 = arith.constant 0 : i32
        %parallel_loop3A_428 = arith.constant 0 : i32
        %parallel_loop3A_429 = arith.constant 0 : i32
        %parallel_loop3A_430 = arith.constant 0 : i32
        %parallel_loop3A_431 = tpu.memref_slice %arg7[%parallel_loop3A_332, %parallel_loop3A_427, %parallel_loop3A_428, %parallel_loop3A_429, %parallel_loop3A_430] : memref<2x4x4x8x129xf32, #tpu.memory_space<vmem>> -> memref<1x4x4x8x129xf32, #tpu.memory_space<vmem>>
        %parallel_loop3A_432 = tpu.memref_squeeze %parallel_loop3A_431 : memref<1x4x4x8x129xf32, #tpu.memory_space<vmem>> -> memref<4x4x8x129xf32, #tpu.memory_space<vmem>>
        %parallel_loop3A_433 = arith.constant 0 : i32
        %parallel_loop3A_434 = arith.constant 0 : i32
        %parallel_loop3A_435 = arith.constant 0 : i32
        %parallel_loop3A_436 = tpu.memref_slice %parallel_loop3A_432[%parallel_loop3A_333, %parallel_loop3A_433, %parallel_loop3A_434, %parallel_loop3A_435] : memref<4x4x8x129xf32, #tpu.memory_space<vmem>> -> memref<1x4x8x129xf32, #tpu.memory_space<vmem>>
        %parallel_loop3A_437 = tpu.memref_squeeze %parallel_loop3A_436 : memref<1x4x8x129xf32, #tpu.memory_space<vmem>> -> memref<4x8x129xf32, #tpu.memory_space<vmem>>
        tpu.vector_store_idx %parallel_loop3A_437[%add3A_60, %rem3A_63, %parallel_loop3A_391], %parallel_loop3A_426 : memref<4x8x129xf32, #tpu.memory_space<vmem>>[vector<16xi32>, vector<16xi32>, vector<16xi32>], vector<16xf32>,
      } {sc.loop_unroll_factor = 4 : i64, sc.parallel_access}
      %parallel_loop3A_334 = arith.constant 0 : i32
      %parallel_loop3A_335 = arith.constant 128 : i32
      %parallel_loop3A_336 = arith.constant 1 : i32
      %parallel_loop3A_337 = arith.constant 1 : i32
      %parallel_loop3A_338 = arith.constant 1 : i32
      %parallel_loop3A_339 = arith.constant 1 : i32
      scf.for %parallel_loop3A_387 = %parallel_loop3A_334 to %parallel_loop3A_335 step %parallel_loop3A_336  : i32 {
        %parallel_loop3A_388 = arith.constant 0 : i32
        %parallel_loop3A_389 = vector.broadcast %parallel_loop3A_388 : i32 to vector<16xi32>
        %parallel_loop3A_390 = vector.broadcast %parallel_loop3A_387 : i32 to vector<16xi32>
        %parallel_loop3A_391 = arith.addi %parallel_loop3A_389, %parallel_loop3A_390 : vector<16xi32>
        %parallel_loop3A_392 = arith.constant 128 : i32
        %parallel_loop3A_393 = arith.addi %parallel_loop3A_392, %parallel_loop3A_387 : i32
        %parallel_loop3A_394 = arith.constant 0 : i32
        %parallel_loop3A_395 = arith.constant 0 : i32
        %parallel_loop3A_396 = tpu.memref_slice %arg6[%parallel_loop3A_337, %parallel_loop3A_394, %parallel_loop3A_395] : memref<2x512x32xf32, #tpu.memory_space<vmem>> -> memref<1x512x32xf32, #tpu.memory_space<vmem>>
        %parallel_loop3A_397 = tpu.memref_squeeze %parallel_loop3A_396 : memref<1x512x32xf32, #tpu.memory_space<vmem>> -> memref<512x32xf32, #tpu.memory_space<vmem>>
        %parallel_loop3A_398 = arith.index_cast %parallel_loop3A_393 : i32 to index
        %parallel_loop3A_399 = arith.constant 0 : index
        %parallel_loop3A_400 = tpu.vector_load %parallel_loop3A_397[%parallel_loop3A_398, %parallel_loop3A_399] {strides = array<i32>} : memref<512x32xf32, #tpu.memory_space<vmem>>, vector<16xf32>,
        %parallel_loop3A_401 = arith.constant 5.65685415 : f32
        %parallel_loop3A_402 = vector.broadcast %parallel_loop3A_401 : f32 to vector<16xf32>
        %parallel_loop3A_403 = arith.mulf %parallel_loop3A_400, %parallel_loop3A_402 : vector<16xf32>
        %parallel_loop3A_404 = arith.constant 0 : i32
        %parallel_loop3A_405 = arith.constant 0 : i32
        %parallel_loop3A_406 = arith.constant 0 : i32
        %parallel_loop3A_407 = arith.constant 0 : i32
        %parallel_loop3A_408 = tpu.memref_slice %arg7[%parallel_loop3A_338, %parallel_loop3A_404, %parallel_loop3A_405, %parallel_loop3A_406, %parallel_loop3A_407] : memref<2x4x4x8x129xf32, #tpu.memory_space<vmem>> -> memref<1x4x4x8x129xf32, #tpu.memory_space<vmem>>
        %parallel_loop3A_409 = tpu.memref_squeeze %parallel_loop3A_408 : memref<1x4x4x8x129xf32, #tpu.memory_space<vmem>> -> memref<4x4x8x129xf32, #tpu.memory_space<vmem>>
        %parallel_loop3A_410 = arith.constant 0 : i32
        %parallel_loop3A_411 = arith.constant 0 : i32
        %parallel_loop3A_412 = arith.constant 0 : i32
        %parallel_loop3A_413 = tpu.memref_slice %parallel_loop3A_409[%parallel_loop3A_339, %parallel_loop3A_410, %parallel_loop3A_411, %parallel_loop3A_412] : memref<4x4x8x129xf32, #tpu.memory_space<vmem>> -> memref<1x4x8x129xf32, #tpu.memory_space<vmem>>
        %parallel_loop3A_414 = tpu.memref_squeeze %parallel_loop3A_413 : memref<1x4x8x129xf32, #tpu.memory_space<vmem>> -> memref<4x8x129xf32, #tpu.memory_space<vmem>>
        tpu.vector_store_idx %parallel_loop3A_414[%add3A_26, %rem3A_63, %parallel_loop3A_391], %parallel_loop3A_403 : memref<4x8x129xf32, #tpu.memory_space<vmem>>[vector<16xi32>, vector<16xi32>, vector<16xi32>], vector<16xf32>,
        %parallel_loop3A_415 = arith.constant 128 : i32
        %parallel_loop3A_416 = arith.addi %parallel_loop3A_415, %parallel_loop3A_387 : i32
        %parallel_loop3A_417 = arith.constant 0 : i32
        %parallel_loop3A_418 = arith.constant 0 : i32
        %parallel_loop3A_419 = tpu.memref_slice %arg6[%parallel_loop3A_337, %parallel_loop3A_417, %parallel_loop3A_418] : memref<2x512x32xf32, #tpu.memory_space<vmem>> -> memref<1x512x32xf32, #tpu.memory_space<vmem>>
        %parallel_loop3A_420 = tpu.memref_squeeze %parallel_loop3A_419 : memref<1x512x32xf32, #tpu.memory_space<vmem>> -> memref<512x32xf32, #tpu.memory_space<vmem>>
        %parallel_loop3A_421 = arith.index_cast %parallel_loop3A_416 : i32 to index
        %parallel_loop3A_422 = arith.constant 16 : index
        %parallel_loop3A_423 = tpu.vector_load %parallel_loop3A_420[%parallel_loop3A_421, %parallel_loop3A_422] {strides = array<i32>} : memref<512x32xf32, #tpu.memory_space<vmem>>, vector<16xf32>,
        %parallel_loop3A_424 = arith.constant 5.65685415 : f32
        %parallel_loop3A_425 = vector.broadcast %parallel_loop3A_424 : f32 to vector<16xf32>
        %parallel_loop3A_426 = arith.mulf %parallel_loop3A_423, %parallel_loop3A_425 : vector<16xf32>
        %parallel_loop3A_427 = arith.constant 0 : i32
        %parallel_loop3A_428 = arith.constant 0 : i32
        %parallel_loop3A_429 = arith.constant 0 : i32
        %parallel_loop3A_430 = arith.constant 0 : i32
        %parallel_loop3A_431 = tpu.memref_slice %arg7[%parallel_loop3A_338, %parallel_loop3A_427, %parallel_loop3A_428, %parallel_loop3A_429, %parallel_loop3A_430] : memref<2x4x4x8x129xf32, #tpu.memory_space<vmem>> -> memref<1x4x4x8x129xf32, #tpu.memory_space<vmem>>
        %parallel_loop3A_432 = tpu.memref_squeeze %parallel_loop3A_431 : memref<1x4x4x8x129xf32, #tpu.memory_space<vmem>> -> memref<4x4x8x129xf32, #tpu.memory_space<vmem>>
        %parallel_loop3A_433 = arith.constant 0 : i32
        %parallel_loop3A_434 = arith.constant 0 : i32
        %parallel_loop3A_435 = arith.constant 0 : i32
        %parallel_loop3A_436 = tpu.memref_slice %parallel_loop3A_432[%parallel_loop3A_339, %parallel_loop3A_433, %parallel_loop3A_434, %parallel_loop3A_435] : memref<4x4x8x129xf32, #tpu.memory_space<vmem>> -> memref<1x4x8x129xf32, #tpu.memory_space<vmem>>
        %parallel_loop3A_437 = tpu.memref_squeeze %parallel_loop3A_436 : memref<1x4x8x129xf32, #tpu.memory_space<vmem>> -> memref<4x8x129xf32, #tpu.memory_space<vmem>>
        tpu.vector_store_idx %parallel_loop3A_437[%add3A_60, %rem3A_63, %parallel_loop3A_391], %parallel_loop3A_426 : memref<4x8x129xf32, #tpu.memory_space<vmem>>[vector<16xi32>, vector<16xi32>, vector<16xi32>], vector<16xf32>,
      } {sc.loop_unroll_factor = 4 : i64, sc.parallel_access}
      %parallel_loop3A_340 = arith.constant 0 : i32
      %parallel_loop3A_341 = arith.constant 128 : i32
      %parallel_loop3A_342 = arith.constant 1 : i32
      %parallel_loop3A_343 = arith.constant 1 : i32
      %parallel_loop3A_344 = arith.constant 1 : i32
      %parallel_loop3A_345 = arith.constant 2 : i32
      scf.for %parallel_loop3A_387 = %parallel_loop3A_340 to %parallel_loop3A_341 step %parallel_loop3A_342  : i32 {
        %parallel_loop3A_388 = arith.constant 0 : i32
        %parallel_loop3A_389 = vector.broadcast %parallel_loop3A_388 : i32 to vector<16xi32>
        %parallel_loop3A_390 = vector.broadcast %parallel_loop3A_387 : i32 to vector<16xi32>
        %parallel_loop3A_391 = arith.addi %parallel_loop3A_389, %parallel_loop3A_390 : vector<16xi32>
        %parallel_loop3A_392 = arith.constant 256 : i32
        %parallel_loop3A_393 = arith.addi %parallel_loop3A_392, %parallel_loop3A_387 : i32
        %parallel_loop3A_394 = arith.constant 0 : i32
        %parallel_loop3A_395 = arith.constant 0 : i32
        %parallel_loop3A_396 = tpu.memref_slice %arg6[%parallel_loop3A_343, %parallel_loop3A_394, %parallel_loop3A_395] : memref<2x512x32xf32, #tpu.memory_space<vmem>> -> memref<1x512x32xf32, #tpu.memory_space<vmem>>
        %parallel_loop3A_397 = tpu.memref_squeeze %parallel_loop3A_396 : memref<1x512x32xf32, #tpu.memory_space<vmem>> -> memref<512x32xf32, #tpu.memory_space<vmem>>
        %parallel_loop3A_398 = arith.index_cast %parallel_loop3A_393 : i32 to index
        %parallel_loop3A_399 = arith.constant 0 : index
        %parallel_loop3A_400 = tpu.vector_load %parallel_loop3A_397[%parallel_loop3A_398, %parallel_loop3A_399] {strides = array<i32>} : memref<512x32xf32, #tpu.memory_space<vmem>>, vector<16xf32>,
        %parallel_loop3A_401 = arith.constant 5.65685415 : f32
        %parallel_loop3A_402 = vector.broadcast %parallel_loop3A_401 : f32 to vector<16xf32>
        %parallel_loop3A_403 = arith.mulf %parallel_loop3A_400, %parallel_loop3A_402 : vector<16xf32>
        %parallel_loop3A_404 = arith.constant 0 : i32
        %parallel_loop3A_405 = arith.constant 0 : i32
        %parallel_loop3A_406 = arith.constant 0 : i32
        %parallel_loop3A_407 = arith.constant 0 : i32
        %parallel_loop3A_408 = tpu.memref_slice %arg7[%parallel_loop3A_344, %parallel_loop3A_404, %parallel_loop3A_405, %parallel_loop3A_406, %parallel_loop3A_407] : memref<2x4x4x8x129xf32, #tpu.memory_space<vmem>> -> memref<1x4x4x8x129xf32, #tpu.memory_space<vmem>>
        %parallel_loop3A_409 = tpu.memref_squeeze %parallel_loop3A_408 : memref<1x4x4x8x129xf32, #tpu.memory_space<vmem>> -> memref<4x4x8x129xf32, #tpu.memory_space<vmem>>
        %parallel_loop3A_410 = arith.constant 0 : i32
        %parallel_loop3A_411 = arith.constant 0 : i32
        %parallel_loop3A_412 = arith.constant 0 : i32
        %parallel_loop3A_413 = tpu.memref_slice %parallel_loop3A_409[%parallel_loop3A_345, %parallel_loop3A_410, %parallel_loop3A_411, %parallel_loop3A_412] : memref<4x4x8x129xf32, #tpu.memory_space<vmem>> -> memref<1x4x8x129xf32, #tpu.memory_space<vmem>>
        %parallel_loop3A_414 = tpu.memref_squeeze %parallel_loop3A_413 : memref<1x4x8x129xf32, #tpu.memory_space<vmem>> -> memref<4x8x129xf32, #tpu.memory_space<vmem>>
        tpu.vector_store_idx %parallel_loop3A_414[%add3A_26, %rem3A_63, %parallel_loop3A_391], %parallel_loop3A_403 : memref<4x8x129xf32, #tpu.memory_space<vmem>>[vector<16xi32>, vector<16xi32>, vector<16xi32>], vector<16xf32>,
        %parallel_loop3A_415 = arith.constant 256 : i32
        %parallel_loop3A_416 = arith.addi %parallel_loop3A_415, %parallel_loop3A_387 : i32
        %parallel_loop3A_417 = arith.constant 0 : i32
        %parallel_loop3A_418 = arith.constant 0 : i32
        %parallel_loop3A_419 = tpu.memref_slice %arg6[%parallel_loop3A_343, %parallel_loop3A_417, %parallel_loop3A_418] : memref<2x512x32xf32, #tpu.memory_space<vmem>> -> memref<1x512x32xf32, #tpu.memory_space<vmem>>
        %parallel_loop3A_420 = tpu.memref_squeeze %parallel_loop3A_419 : memref<1x512x32xf32, #tpu.memory_space<vmem>> -> memref<512x32xf32, #tpu.memory_space<vmem>>
        %parallel_loop3A_421 = arith.index_cast %parallel_loop3A_416 : i32 to index
        %parallel_loop3A_422 = arith.constant 16 : index
        %parallel_loop3A_423 = tpu.vector_load %parallel_loop3A_420[%parallel_loop3A_421, %parallel_loop3A_422] {strides = array<i32>} : memref<512x32xf32, #tpu.memory_space<vmem>>, vector<16xf32>,
        %parallel_loop3A_424 = arith.constant 5.65685415 : f32
        %parallel_loop3A_425 = vector.broadcast %parallel_loop3A_424 : f32 to vector<16xf32>
        %parallel_loop3A_426 = arith.mulf %parallel_loop3A_423, %parallel_loop3A_425 : vector<16xf32>
        %parallel_loop3A_427 = arith.constant 0 : i32
        %parallel_loop3A_428 = arith.constant 0 : i32
        %parallel_loop3A_429 = arith.constant 0 : i32
        %parallel_loop3A_430 = arith.constant 0 : i32
        %parallel_loop3A_431 = tpu.memref_slice %arg7[%parallel_loop3A_344, %parallel_loop3A_427, %parallel_loop3A_428, %parallel_loop3A_429, %parallel_loop3A_430] : memref<2x4x4x8x129xf32, #tpu.memory_space<vmem>> -> memref<1x4x4x8x129xf32, #tpu.memory_space<vmem>>
        %parallel_loop3A_432 = tpu.memref_squeeze %parallel_loop3A_431 : memref<1x4x4x8x129xf32, #tpu.memory_space<vmem>> -> memref<4x4x8x129xf32, #tpu.memory_space<vmem>>
        %parallel_loop3A_433 = arith.constant 0 : i32
        %parallel_loop3A_434 = arith.constant 0 : i32
        %parallel_loop3A_435 = arith.constant 0 : i32
        %parallel_loop3A_436 = tpu.memref_slice %parallel_loop3A_432[%parallel_loop3A_345, %parallel_loop3A_433, %parallel_loop3A_434, %parallel_loop3A_435] : memref<4x4x8x129xf32, #tpu.memory_space<vmem>> -> memref<1x4x8x129xf32, #tpu.memory_space<vmem>>
        %parallel_loop3A_437 = tpu.memref_squeeze %parallel_loop3A_436 : memref<1x4x8x129xf32, #tpu.memory_space<vmem>> -> memref<4x8x129xf32, #tpu.memory_space<vmem>>
        tpu.vector_store_idx %parallel_loop3A_437[%add3A_60, %rem3A_63, %parallel_loop3A_391], %parallel_loop3A_426 : memref<4x8x129xf32, #tpu.memory_space<vmem>>[vector<16xi32>, vector<16xi32>, vector<16xi32>], vector<16xf32>,
      } {sc.loop_unroll_factor = 4 : i64, sc.parallel_access}
      %parallel_loop3A_346 = arith.constant 0 : i32
      %parallel_loop3A_347 = arith.constant 128 : i32
      %parallel_loop3A_348 = arith.constant 1 : i32
      %parallel_loop3A_349 = arith.constant 1 : i32
      %parallel_loop3A_350 = arith.constant 1 : i32
      %parallel_loop3A_351 = arith.constant 3 : i32
      scf.for %parallel_loop3A_387 = %parallel_loop3A_346 to %parallel_loop3A_347 step %parallel_loop3A_348  : i32 {
        %parallel_loop3A_388 = arith.constant 0 : i32
        %parallel_loop3A_389 = vector.broadcast %parallel_loop3A_388 : i32 to vector<16xi32>
        %parallel_loop3A_390 = vector.broadcast %parallel_loop3A_387 : i32 to vector<16xi32>
        %parallel_loop3A_391 = arith.addi %parallel_loop3A_389, %parallel_loop3A_390 : vector<16xi32>
        %parallel_loop3A_392 = arith.constant 384 : i32
        %parallel_loop3A_393 = arith.addi %parallel_loop3A_392, %parallel_loop3A_387 : i32
        %parallel_loop3A_394 = arith.constant 0 : i32
        %parallel_loop3A_395 = arith.constant 0 : i32
        %parallel_loop3A_396 = tpu.memref_slice %arg6[%parallel_loop3A_349, %parallel_loop3A_394, %parallel_loop3A_395] : memref<2x512x32xf32, #tpu.memory_space<vmem>> -> memref<1x512x32xf32, #tpu.memory_space<vmem>>
        %parallel_loop3A_397 = tpu.memref_squeeze %parallel_loop3A_396 : memref<1x512x32xf32, #tpu.memory_space<vmem>> -> memref<512x32xf32, #tpu.memory_space<vmem>>
        %parallel_loop3A_398 = arith.index_cast %parallel_loop3A_393 : i32 to index
        %parallel_loop3A_399 = arith.constant 0 : index
        %parallel_loop3A_400 = tpu.vector_load %parallel_loop3A_397[%parallel_loop3A_398, %parallel_loop3A_399] {strides = array<i32>} : memref<512x32xf32, #tpu.memory_space<vmem>>, vector<16xf32>,
        %parallel_loop3A_401 = arith.constant 5.65685415 : f32
        %parallel_loop3A_402 = vector.broadcast %parallel_loop3A_401 : f32 to vector<16xf32>
        %parallel_loop3A_403 = arith.mulf %parallel_loop3A_400, %parallel_loop3A_402 : vector<16xf32>
        %parallel_loop3A_404 = arith.constant 0 : i32
        %parallel_loop3A_405 = arith.constant 0 : i32
        %parallel_loop3A_406 = arith.constant 0 : i32
        %parallel_loop3A_407 = arith.constant 0 : i32
        %parallel_loop3A_408 = tpu.memref_slice %arg7[%parallel_loop3A_350, %parallel_loop3A_404, %parallel_loop3A_405, %parallel_loop3A_406, %parallel_loop3A_407] : memref<2x4x4x8x129xf32, #tpu.memory_space<vmem>> -> memref<1x4x4x8x129xf32, #tpu.memory_space<vmem>>
        %parallel_loop3A_409 = tpu.memref_squeeze %parallel_loop3A_408 : memref<1x4x4x8x129xf32, #tpu.memory_space<vmem>> -> memref<4x4x8x129xf32, #tpu.memory_space<vmem>>
        %parallel_loop3A_410 = arith.constant 0 : i32
        %parallel_loop3A_411 = arith.constant 0 : i32
        %parallel_loop3A_412 = arith.constant 0 : i32
        %parallel_loop3A_413 = tpu.memref_slice %parallel_loop3A_409[%parallel_loop3A_351, %parallel_loop3A_410, %parallel_loop3A_411, %parallel_loop3A_412] : memref<4x4x8x129xf32, #tpu.memory_space<vmem>> -> memref<1x4x8x129xf32, #tpu.memory_space<vmem>>
        %parallel_loop3A_414 = tpu.memref_squeeze %parallel_loop3A_413 : memref<1x4x8x129xf32, #tpu.memory_space<vmem>> -> memref<4x8x129xf32, #tpu.memory_space<vmem>>
        tpu.vector_store_idx %parallel_loop3A_414[%add3A_26, %rem3A_63, %parallel_loop3A_391], %parallel_loop3A_403 : memref<4x8x129xf32, #tpu.memory_space<vmem>>[vector<16xi32>, vector<16xi32>, vector<16xi32>], vector<16xf32>,
        %parallel_loop3A_415 = arith.constant 384 : i32
        %parallel_loop3A_416 = arith.addi %parallel_loop3A_415, %parallel_loop3A_387 : i32
        %parallel_loop3A_417 = arith.constant 0 : i32
        %parallel_loop3A_418 = arith.constant 0 : i32
        %parallel_loop3A_419 = tpu.memref_slice %arg6[%parallel_loop3A_349, %parallel_loop3A_417, %parallel_loop3A_418] : memref<2x512x32xf32, #tpu.memory_space<vmem>> -> memref<1x512x32xf32, #tpu.memory_space<vmem>>
        %parallel_loop3A_420 = tpu.memref_squeeze %parallel_loop3A_419 : memref<1x512x32xf32, #tpu.memory_space<vmem>> -> memref<512x32xf32, #tpu.memory_space<vmem>>
        %parallel_loop3A_421 = arith.index_cast %parallel_loop3A_416 : i32 to index
        %parallel_loop3A_422 = arith.constant 16 : index
        %parallel_loop3A_423 = tpu.vector_load %parallel_loop3A_420[%parallel_loop3A_421, %parallel_loop3A_422] {strides = array<i32>} : memref<512x32xf32, #tpu.memory_space<vmem>>, vector<16xf32>,
        %parallel_loop3A_424 = arith.constant 5.65685415 : f32
        %parallel_loop3A_425 = vector.broadcast %parallel_loop3A_424 : f32 to vector<16xf32>
        %parallel_loop3A_426 = arith.mulf %parallel_loop3A_423, %parallel_loop3A_425 : vector<16xf32>
        %parallel_loop3A_427 = arith.constant 0 : i32
        %parallel_loop3A_428 = arith.constant 0 : i32
        %parallel_loop3A_429 = arith.constant 0 : i32
        %parallel_loop3A_430 = arith.constant 0 : i32
        %parallel_loop3A_431 = tpu.memref_slice %arg7[%parallel_loop3A_350, %parallel_loop3A_427, %parallel_loop3A_428, %parallel_loop3A_429, %parallel_loop3A_430] : memref<2x4x4x8x129xf32, #tpu.memory_space<vmem>> -> memref<1x4x4x8x129xf32, #tpu.memory_space<vmem>>
        %parallel_loop3A_432 = tpu.memref_squeeze %parallel_loop3A_431 : memref<1x4x4x8x129xf32, #tpu.memory_space<vmem>> -> memref<4x4x8x129xf32, #tpu.memory_space<vmem>>
        %parallel_loop3A_433 = arith.constant 0 : i32
        %parallel_loop3A_434 = arith.constant 0 : i32
        %parallel_loop3A_435 = arith.constant 0 : i32
        %parallel_loop3A_436 = tpu.memref_slice %parallel_loop3A_432[%parallel_loop3A_351, %parallel_loop3A_433, %parallel_loop3A_434, %parallel_loop3A_435] : memref<4x4x8x129xf32, #tpu.memory_space<vmem>> -> memref<1x4x8x129xf32, #tpu.memory_space<vmem>>
        %parallel_loop3A_437 = tpu.memref_squeeze %parallel_loop3A_436 : memref<1x4x8x129xf32, #tpu.memory_space<vmem>> -> memref<4x8x129xf32, #tpu.memory_space<vmem>>
        tpu.vector_store_idx %parallel_loop3A_437[%add3A_60, %rem3A_63, %parallel_loop3A_391], %parallel_loop3A_426 : memref<4x8x129xf32, #tpu.memory_space<vmem>>[vector<16xi32>, vector<16xi32>, vector<16xi32>], vector<16xf32>,
      } {sc.loop_unroll_factor = 4 : i64, sc.parallel_access}
      %mul3A_352 = arith.constant 4 : i32
      %mul3A_353 = arith.muli %add3A_300, %mul3A_352 : i32
      %dma_start3A_354 = arith.constant 1 : i32
      %dma_start3A_355 = arith.constant 0 : i32
      %dma_start3A_356 = arith.constant 0 : i32
      %dma_start3A_357 = arith.constant 0 : i32
      %dma_start3A_358 = arith.constant 0 : i32
      %dma_start3A_359 = tpu.memref_slice %arg7[%dma_start3A_354, %dma_start3A_355, %dma_start3A_356, %dma_start3A_357, %dma_start3A_358] : memref<2x4x4x8x129xf32, #tpu.memory_space<vmem>> -> memref<1x4x4x8x129xf32, #tpu.memory_space<vmem>>
      %dma_start3A_360 = tpu.memref_squeeze %dma_start3A_359 : memref<1x4x4x8x129xf32, #tpu.memory_space<vmem>> -> memref<4x4x8x129xf32, #tpu.memory_space<vmem>>
      %dma_start3A_361 = arith.constant 0 : i32
      %dma_start3A_362 = arith.constant 0 : i32
      %dma_start3A_363 = arith.constant 0 : i32
      %dma_start3A_364 = arith.constant 0 : i32
      %dma_start3A_365 = tpu.memref_slice %dma_start3A_360[%dma_start3A_361, %dma_start3A_362, %dma_start3A_363, %dma_start3A_364] : memref<4x4x8x129xf32, #tpu.memory_space<vmem>> -> memref<4x4x8x128xf32, #tpu.memory_space<vmem>>
      %dma_start3A_366 = arith.constant 0 : i32
      %dma_start3A_367 = arith.constant 0 : i32
      %dma_start3A_368 = arith.constant 0 : i32
      %dma_start3A_369 = tpu.memref_slice %arg4[%mul3A_353, %dma_start3A_366, %add3A, %dma_start3A_367, %dma_start3A_368] : memref<200x4x32x8x128xf32, #tpu.memory_space<hbm>> -> memref<4x4x1x8x128xf32, #tpu.memory_space<hbm>>
      %dma_start3A_370 = tpu.memref_squeeze %dma_start3A_369 : memref<4x4x1x8x128xf32, #tpu.memory_space<hbm>> -> memref<4x4x8x128xf32, #tpu.memory_space<hbm>>
      %dma_start3A_371 = arith.constant 0 : i32
      %dma_start3A_372 = arith.constant 0 : i32
      %dma_start3A_373 = arith.constant 0 : i32
      %dma_start3A_374 = tpu.memref_slice %arg4[%mul3A_353, %dma_start3A_371, %add3A, %dma_start3A_372, %dma_start3A_373] : memref<200x4x32x8x128xf32, #tpu.memory_space<hbm>> -> memref<4x4x1x8x128xf32, #tpu.memory_space<hbm>>
      %dma_start3A_375 = tpu.memref_squeeze %dma_start3A_374 : memref<4x4x1x8x128xf32, #tpu.memory_space<hbm>> -> memref<4x4x8x128xf32, #tpu.memory_space<hbm>>
      %dma_start3A_376 = arith.constant 0 : i32
      %dma_start3A_377 = arith.constant 0 : i32
      %dma_start3A_378 = arith.constant 0 : i32
      %dma_start3A_379 = arith.constant 0 : i32
      %dma_start3A_380 = tpu.memref_slice %arg7[%dma_start3A_354, %dma_start3A_376, %dma_start3A_377, %dma_start3A_378, %dma_start3A_379] : memref<2x4x4x8x129xf32, #tpu.memory_space<vmem>> -> memref<1x4x4x8x129xf32, #tpu.memory_space<vmem>>
      %dma_start3A_381 = tpu.memref_squeeze %dma_start3A_380 : memref<1x4x4x8x129xf32, #tpu.memory_space<vmem>> -> memref<4x4x8x129xf32, #tpu.memory_space<vmem>>
      %dma_start3A_382 = arith.constant 0 : i32
      %dma_start3A_383 = arith.constant 0 : i32
      %dma_start3A_384 = arith.constant 0 : i32
      %dma_start3A_385 = arith.constant 0 : i32
      %dma_start3A_386 = tpu.memref_slice %dma_start3A_381[%dma_start3A_382, %dma_start3A_383, %dma_start3A_384, %dma_start3A_385] : memref<4x4x8x129xf32, #tpu.memory_space<vmem>> -> memref<4x4x8x128xf32, #tpu.memory_space<vmem>>
      tpu.enqueue_dma source(%dma_start3A_386 : memref<4x4x8x128xf32, #tpu.memory_space<vmem>>) target(%dma_start3A_375 : memref<4x4x8x128xf32, #tpu.memory_space<hbm>>) target_semaphore(%arg11 : memref<!tpu.dma_semaphore, #tpu.memory_space<semaphore_mem>>)
    }
    %scan3A_139 = arith.constant 25 : i32
    %dma_wait3A = arith.constant 0 : i32
    %dma_wait3A_140 = arith.constant 0 : i32
    %dma_wait3A_141 = arith.constant 0 : i32
    %dma_wait3A_142 = arith.constant 0 : i32
    %dma_wait3A_143 = arith.constant 0 : i32
    %dma_wait3A_144 = arith.constant 0 : i32
    %dma_wait3A_145 = tpu.memref_slice %arg7[%dma_wait3A, %dma_wait3A_141, %dma_wait3A_142, %dma_wait3A_143, %dma_wait3A_144] : memref<2x4x4x8x129xf32, #tpu.memory_space<vmem>> -> memref<1x4x4x8x129xf32, #tpu.memory_space<vmem>>
    %dma_wait3A_146 = tpu.memref_squeeze %dma_wait3A_145 : memref<1x4x4x8x129xf32, #tpu.memory_space<vmem>> -> memref<4x4x8x129xf32, #tpu.memory_space<vmem>>
    %dma_wait3A_147 = arith.constant 0 : i32
    %dma_wait3A_148 = arith.constant 0 : i32
    %dma_wait3A_149 = arith.constant 0 : i32
    %dma_wait3A_150 = arith.constant 0 : i32
    %dma_wait3A_151 = tpu.memref_slice %dma_wait3A_146[%dma_wait3A_147, %dma_wait3A_148, %dma_wait3A_149, %dma_wait3A_150] : memref<4x4x8x129xf32, #tpu.memory_space<vmem>> -> memref<4x4x8x128xf32, #tpu.memory_space<vmem>>
    %dma_wait3A_152 = arith.constant 0 : i32
    %dma_wait3A_153 = arith.constant 0 : i32
    %dma_wait3A_154 = arith.constant 0 : i32
    %dma_wait3A_155 = arith.constant 0 : i32
    %dma_wait3A_156 = tpu.memref_slice %arg4[%dma_wait3A_152, %dma_wait3A_153, %dma_wait3A_140, %dma_wait3A_154, %dma_wait3A_155] : memref<200x4x32x8x128xf32, #tpu.memory_space<hbm>> -> memref<4x4x1x8x128xf32, #tpu.memory_space<hbm>>
    %dma_wait3A_157 = tpu.memref_squeeze %dma_wait3A_156 : memref<4x4x1x8x128xf32, #tpu.memory_space<hbm>> -> memref<4x4x8x128xf32, #tpu.memory_space<hbm>>
    %dma_wait3A_158 = arith.constant 0 : i32
    %dma_wait3A_159 = arith.constant 0 : i32
    %dma_wait3A_160 = arith.constant 0 : i32
    %dma_wait3A_161 = arith.constant 0 : i32
    %dma_wait3A_162 = tpu.memref_slice %arg4[%dma_wait3A_158, %dma_wait3A_159, %dma_wait3A_140, %dma_wait3A_160, %dma_wait3A_161] : memref<200x4x32x8x128xf32, #tpu.memory_space<hbm>> -> memref<4x4x1x8x128xf32, #tpu.memory_space<hbm>>
    %dma_wait3A_163 = tpu.memref_squeeze %dma_wait3A_162 : memref<4x4x1x8x128xf32, #tpu.memory_space<hbm>> -> memref<4x4x8x128xf32, #tpu.memory_space<hbm>>
    %dma_wait3A_164 = arith.constant 0 : i32
    %dma_wait3A_165 = arith.constant 0 : i32
    %dma_wait3A_166 = arith.constant 0 : i32
    %dma_wait3A_167 = arith.constant 0 : i32
    %dma_wait3A_168 = tpu.memref_slice %arg7[%dma_wait3A, %dma_wait3A_164, %dma_wait3A_165, %dma_wait3A_166, %dma_wait3A_167] : memref<2x4x4x8x129xf32, #tpu.memory_space<vmem>> -> memref<1x4x4x8x129xf32, #tpu.memory_space<vmem>>
    %dma_wait3A_169 = tpu.memref_squeeze %dma_wait3A_168 : memref<1x4x4x8x129xf32, #tpu.memory_space<vmem>> -> memref<4x4x8x129xf32, #tpu.memory_space<vmem>>
    %dma_wait3A_170 = arith.constant 0 : i32
    %dma_wait3A_171 = arith.constant 0 : i32
    %dma_wait3A_172 = arith.constant 0 : i32
    %dma_wait3A_173 = arith.constant 0 : i32
    %dma_wait3A_174 = tpu.memref_slice %dma_wait3A_169[%dma_wait3A_170, %dma_wait3A_171, %dma_wait3A_172, %dma_wait3A_173] : memref<4x4x8x129xf32, #tpu.memory_space<vmem>> -> memref<4x4x8x128xf32, #tpu.memory_space<vmem>>
    tpu.wait_dma2 semaphore(%arg10 : memref<!tpu.dma_semaphore, #tpu.memory_space<semaphore_mem>>) src(%dma_wait3A_174 : memref<4x4x8x128xf32, #tpu.memory_space<vmem>>) dst(%dma_wait3A_163 : memref<4x4x8x128xf32, #tpu.memory_space<hbm>>)
    %dma_wait3A_175 = arith.constant 1 : i32
    %dma_wait3A_176 = arith.constant 0 : i32
    %dma_wait3A_177 = arith.constant 0 : i32
    %dma_wait3A_178 = arith.constant 0 : i32
    %dma_wait3A_179 = arith.constant 0 : i32
    %dma_wait3A_180 = arith.constant 0 : i32
    %dma_wait3A_181 = tpu.memref_slice %arg7[%dma_wait3A_175, %dma_wait3A_177, %dma_wait3A_178, %dma_wait3A_179, %dma_wait3A_180] : memref<2x4x4x8x129xf32, #tpu.memory_space<vmem>> -> memref<1x4x4x8x129xf32, #tpu.memory_space<vmem>>
    %dma_wait3A_182 = tpu.memref_squeeze %dma_wait3A_181 : memref<1x4x4x8x129xf32, #tpu.memory_space<vmem>> -> memref<4x4x8x129xf32, #tpu.memory_space<vmem>>
    %dma_wait3A_183 = arith.constant 0 : i32
    %dma_wait3A_184 = arith.constant 0 : i32
    %dma_wait3A_185 = arith.constant 0 : i32
    %dma_wait3A_186 = arith.constant 0 : i32
    %dma_wait3A_187 = tpu.memref_slice %dma_wait3A_182[%dma_wait3A_183, %dma_wait3A_184, %dma_wait3A_185, %dma_wait3A_186] : memref<4x4x8x129xf32, #tpu.memory_space<vmem>> -> memref<4x4x8x128xf32, #tpu.memory_space<vmem>>
    %dma_wait3A_188 = arith.constant 0 : i32
    %dma_wait3A_189 = arith.constant 0 : i32
    %dma_wait3A_190 = arith.constant 0 : i32
    %dma_wait3A_191 = arith.constant 0 : i32
    %dma_wait3A_192 = tpu.memref_slice %arg4[%dma_wait3A_188, %dma_wait3A_189, %dma_wait3A_176, %dma_wait3A_190, %dma_wait3A_191] : memref<200x4x32x8x128xf32, #tpu.memory_space<hbm>> -> memref<4x4x1x8x128xf32, #tpu.memory_space<hbm>>
    %dma_wait3A_193 = tpu.memref_squeeze %dma_wait3A_192 : memref<4x4x1x8x128xf32, #tpu.memory_space<hbm>> -> memref<4x4x8x128xf32, #tpu.memory_space<hbm>>
    %dma_wait3A_194 = arith.constant 0 : i32
    %dma_wait3A_195 = arith.constant 0 : i32
    %dma_wait3A_196 = arith.constant 0 : i32
    %dma_wait3A_197 = arith.constant 0 : i32
    %dma_wait3A_198 = tpu.memref_slice %arg4[%dma_wait3A_194, %dma_wait3A_195, %dma_wait3A_176, %dma_wait3A_196, %dma_wait3A_197] : memref<200x4x32x8x128xf32, #tpu.memory_space<hbm>> -> memref<4x4x1x8x128xf32, #tpu.memory_space<hbm>>
    %dma_wait3A_199 = tpu.memref_squeeze %dma_wait3A_198 : memref<4x4x1x8x128xf32, #tpu.memory_space<hbm>> -> memref<4x4x8x128xf32, #tpu.memory_space<hbm>>
    %dma_wait3A_200 = arith.constant 0 : i32
    %dma_wait3A_201 = arith.constant 0 : i32
    %dma_wait3A_202 = arith.constant 0 : i32
    %dma_wait3A_203 = arith.constant 0 : i32
    %dma_wait3A_204 = tpu.memref_slice %arg7[%dma_wait3A_175, %dma_wait3A_200, %dma_wait3A_201, %dma_wait3A_202, %dma_wait3A_203] : memref<2x4x4x8x129xf32, #tpu.memory_space<vmem>> -> memref<1x4x4x8x129xf32, #tpu.memory_space<vmem>>
    %dma_wait3A_205 = tpu.memref_squeeze %dma_wait3A_204 : memref<1x4x4x8x129xf32, #tpu.memory_space<vmem>> -> memref<4x4x8x129xf32, #tpu.memory_space<vmem>>
    %dma_wait3A_206 = arith.constant 0 : i32
    %dma_wait3A_207 = arith.constant 0 : i32
    %dma_wait3A_208 = arith.constant 0 : i32
    %dma_wait3A_209 = arith.constant 0 : i32
    %dma_wait3A_210 = tpu.memref_slice %dma_wait3A_205[%dma_wait3A_206, %dma_wait3A_207, %dma_wait3A_208, %dma_wait3A_209] : memref<4x4x8x129xf32, #tpu.memory_space<vmem>> -> memref<4x4x8x128xf32, #tpu.memory_space<vmem>>
    tpu.wait_dma2 semaphore(%arg11 : memref<!tpu.dma_semaphore, #tpu.memory_space<semaphore_mem>>) src(%dma_wait3A_210 : memref<4x4x8x128xf32, #tpu.memory_space<vmem>>) dst(%dma_wait3A_199 : memref<4x4x8x128xf32, #tpu.memory_space<hbm>>)
    return
  }
}

#map = affine_map<(d0, d1) -> (0, 0, 0, 0)>
#map1 = affine_map<(d0, d1) -> (0, 0)>
module attributes {stable_mosaic.version = 14 : i64} {
  func.func @_detile_sc(%arg0: i32, %arg1: i32, %arg2: memref<4x7813x8x128xf32, #tpu.memory_space<hbm>>, %arg3: memref<1000064x32xf32, #tpu.memory_space<hbm>>, %arg4: memref<2x4x8x128xf32, #tpu.memory_space<vmem>>, %arg5: memref<2x128x33xf32, #tpu.memory_space<vmem>>, %arg6: memref<!tpu.dma_semaphore, #tpu.memory_space<semaphore_mem>>, %arg7: memref<!tpu.dma_semaphore, #tpu.memory_space<semaphore_mem>>, %arg8: memref<!tpu.dma_semaphore, #tpu.memory_space<semaphore_mem>>, %arg9: memref<!tpu.dma_semaphore, #tpu.memory_space<semaphore_mem>>) attributes {dimension_semantics = [#tpu.dimension_semantics<core_parallel>, #tpu.dimension_semantics<subcore_parallel>], iteration_bounds = array<i64: 2, 16>, scalar_prefetch = 0 : i64, scratch_operands = 6 : i64, tpu.core_type = #tpu.core_type<sc_vector_subcore>, window_params = [{transform_indices = #map}, {transform_indices = #map1}]} {
    %mul3A = arith.constant 2 : i32
    %mul3A_0 = arith.muli %arg1, %mul3A : i32
    %add3A = arith.addi %mul3A_0, %arg0 : i32
    %iota3A = tpu.iota {dimensions = array<i32: 0>} : vector<16xi32>
    %add3A_1 = arith.constant 0 : i32
    %add3A_2 = vector.broadcast %add3A_1 : i32 to vector<16xi32>
    %add3A_3 = arith.addi %iota3A, %add3A_2 : vector<16xi32>
    %iota3A_4 = tpu.iota {dimensions = array<i32: 0>} : vector<16xi32>
    %add3A_5 = arith.constant 16 : i32
    %add3A_6 = vector.broadcast %add3A_5 : i32 to vector<16xi32>
    %add3A_7 = arith.addi %iota3A_4, %add3A_6 : vector<16xi32>
    %iota3A_8 = tpu.iota {dimensions = array<i32: 0>} : vector<16xi32>
    %add3A_9 = arith.constant 32 : i32
    %add3A_10 = vector.broadcast %add3A_9 : i32 to vector<16xi32>
    %add3A_11 = arith.addi %iota3A_8, %add3A_10 : vector<16xi32>
    %iota3A_12 = tpu.iota {dimensions = array<i32: 0>} : vector<16xi32>
    %add3A_13 = arith.constant 48 : i32
    %add3A_14 = vector.broadcast %add3A_13 : i32 to vector<16xi32>
    %add3A_15 = arith.addi %iota3A_12, %add3A_14 : vector<16xi32>
    %iota3A_16 = tpu.iota {dimensions = array<i32: 0>} : vector<16xi32>
    %add3A_17 = arith.constant 64 : i32
    %add3A_18 = vector.broadcast %add3A_17 : i32 to vector<16xi32>
    %add3A_19 = arith.addi %iota3A_16, %add3A_18 : vector<16xi32>
    %iota3A_20 = tpu.iota {dimensions = array<i32: 0>} : vector<16xi32>
    %add3A_21 = arith.constant 80 : i32
    %add3A_22 = vector.broadcast %add3A_21 : i32 to vector<16xi32>
    %add3A_23 = arith.addi %iota3A_20, %add3A_22 : vector<16xi32>
    %iota3A_24 = tpu.iota {dimensions = array<i32: 0>} : vector<16xi32>
    %add3A_25 = arith.constant 96 : i32
    %add3A_26 = vector.broadcast %add3A_25 : i32 to vector<16xi32>
    %add3A_27 = arith.addi %iota3A_24, %add3A_26 : vector<16xi32>
    %iota3A_28 = tpu.iota {dimensions = array<i32: 0>} : vector<16xi32>
    %add3A_29 = arith.constant 112 : i32
    %add3A_30 = vector.broadcast %add3A_29 : i32 to vector<16xi32>
    %add3A_31 = arith.addi %iota3A_28, %add3A_30 : vector<16xi32>
    %add3A_32 = arith.constant 0 : i32
    %add3A_33 = arith.addi %add3A, %add3A_32 : i32
    %dma_start3A = arith.constant 0 : i32
    %dma_start3A_34 = arith.constant 0 : i32
    %dma_start3A_35 = arith.constant 0 : i32
    %dma_start3A_36 = arith.constant 0 : i32
    %dma_start3A_37 = tpu.memref_slice %arg4[%dma_start3A, %dma_start3A_34, %dma_start3A_35, %dma_start3A_36] : memref<2x4x8x128xf32, #tpu.memory_space<vmem>> -> memref<1x4x8x128xf32, #tpu.memory_space<vmem>>
    %dma_start3A_38 = tpu.memref_squeeze %dma_start3A_37 : memref<1x4x8x128xf32, #tpu.memory_space<vmem>> -> memref<4x8x128xf32, #tpu.memory_space<vmem>>
    %dma_start3A_39 = arith.constant 0 : i32
    %dma_start3A_40 = arith.constant 0 : i32
    %dma_start3A_41 = arith.constant 0 : i32
    %dma_start3A_42 = tpu.memref_slice %arg2[%dma_start3A_39, %add3A_33, %dma_start3A_40, %dma_start3A_41] : memref<4x7813x8x128xf32, #tpu.memory_space<hbm>> -> memref<4x1x8x128xf32, #tpu.memory_space<hbm>>
    %dma_start3A_43 = tpu.memref_squeeze %dma_start3A_42 : memref<4x1x8x128xf32, #tpu.memory_space<hbm>> -> memref<4x8x128xf32, #tpu.memory_space<hbm>>
    %dma_start3A_44 = arith.constant 0 : i32
    %dma_start3A_45 = arith.constant 0 : i32
    %dma_start3A_46 = arith.constant 0 : i32
    %dma_start3A_47 = tpu.memref_slice %arg4[%dma_start3A, %dma_start3A_44, %dma_start3A_45, %dma_start3A_46] : memref<2x4x8x128xf32, #tpu.memory_space<vmem>> -> memref<1x4x8x128xf32, #tpu.memory_space<vmem>>
    %dma_start3A_48 = tpu.memref_squeeze %dma_start3A_47 : memref<1x4x8x128xf32, #tpu.memory_space<vmem>> -> memref<4x8x128xf32, #tpu.memory_space<vmem>>
    %dma_start3A_49 = arith.constant 0 : i32
    %dma_start3A_50 = arith.constant 0 : i32
    %dma_start3A_51 = arith.constant 0 : i32
    %dma_start3A_52 = tpu.memref_slice %arg2[%dma_start3A_49, %add3A_33, %dma_start3A_50, %dma_start3A_51] : memref<4x7813x8x128xf32, #tpu.memory_space<hbm>> -> memref<4x1x8x128xf32, #tpu.memory_space<hbm>>
    %dma_start3A_53 = tpu.memref_squeeze %dma_start3A_52 : memref<4x1x8x128xf32, #tpu.memory_space<hbm>> -> memref<4x8x128xf32, #tpu.memory_space<hbm>>
    tpu.enqueue_dma source(%dma_start3A_53 : memref<4x8x128xf32, #tpu.memory_space<hbm>>) target(%dma_start3A_48 : memref<4x8x128xf32, #tpu.memory_space<vmem>>) target_semaphore(%arg6 : memref<!tpu.dma_semaphore, #tpu.memory_space<semaphore_mem>>)
    %scan3A = arith.constant 0 : i32
    %scan3A_54 = arith.constant 0 : i32
    %scan3A_55 = arith.constant 123 : i32
    %scan3A_56 = arith.addi %scan3A_54, %scan3A_55 : i32
    %scan3A_57 = arith.constant 1 : i32
    scf.for %scan3A_100 = %scan3A_54 to %scan3A_56 step %scan3A_57  : i32 {
      %mul3A_101 = arith.constant 2 : i32
      %mul3A_102 = arith.muli %scan3A_100, %mul3A_101 : i32
      %add3A_103 = arith.constant 0 : i32
      %add3A_104 = arith.addi %mul3A_102, %add3A_103 : i32
      %mul3A_105 = arith.constant 32 : i32
      %mul3A_106 = arith.muli %add3A_104, %mul3A_105 : i32
      %add3A_107 = arith.addi %add3A, %mul3A_106 : i32
      %lt3A = arith.constant 7813 : i32
      %lt3A_108 = arith.cmpi slt, %add3A_107, %lt3A : i32
      %convert_element_type3A = arith.extui %lt3A_108 : i1 to i32
      %cond3A = arith.constant 0 : i32
      %cond3A_109 = arith.cmpi ne, %convert_element_type3A, %cond3A : i32
      scf.if %cond3A_109 {
        %dma_wait3A_122 = arith.constant 0 : i32
        %dma_wait3A_123 = arith.constant 0 : i32
        %dma_wait3A_124 = arith.constant 0 : i32
        %dma_wait3A_125 = arith.constant 0 : i32
        %dma_wait3A_126 = arith.constant 0 : i32
        %dma_wait3A_127 = tpu.memref_slice %arg4[%dma_wait3A_123, %dma_wait3A_124, %dma_wait3A_125, %dma_wait3A_126] : memref<2x4x8x128xf32, #tpu.memory_space<vmem>> -> memref<1x4x8x128xf32, #tpu.memory_space<vmem>>
        %dma_wait3A_128 = tpu.memref_squeeze %dma_wait3A_127 : memref<1x4x8x128xf32, #tpu.memory_space<vmem>> -> memref<4x8x128xf32, #tpu.memory_space<vmem>>
        %dma_wait3A_129 = arith.constant 0 : i32
        %dma_wait3A_130 = arith.constant 0 : i32
        %dma_wait3A_131 = arith.constant 0 : i32
        %dma_wait3A_132 = tpu.memref_slice %arg2[%dma_wait3A_129, %dma_wait3A_122, %dma_wait3A_130, %dma_wait3A_131] : memref<4x7813x8x128xf32, #tpu.memory_space<hbm>> -> memref<4x1x8x128xf32, #tpu.memory_space<hbm>>
        %dma_wait3A_133 = tpu.memref_squeeze %dma_wait3A_132 : memref<4x1x8x128xf32, #tpu.memory_space<hbm>> -> memref<4x8x128xf32, #tpu.memory_space<hbm>>
        %dma_wait3A_134 = arith.constant 0 : i32
        %dma_wait3A_135 = arith.constant 0 : i32
        %dma_wait3A_136 = arith.constant 0 : i32
        %dma_wait3A_137 = tpu.memref_slice %arg4[%dma_wait3A_123, %dma_wait3A_134, %dma_wait3A_135, %dma_wait3A_136] : memref<2x4x8x128xf32, #tpu.memory_space<vmem>> -> memref<1x4x8x128xf32, #tpu.memory_space<vmem>>
        %dma_wait3A_138 = tpu.memref_squeeze %dma_wait3A_137 : memref<1x4x8x128xf32, #tpu.memory_space<vmem>> -> memref<4x8x128xf32, #tpu.memory_space<vmem>>
        %dma_wait3A_139 = arith.constant 0 : i32
        %dma_wait3A_140 = arith.constant 0 : i32
        %dma_wait3A_141 = arith.constant 0 : i32
        %dma_wait3A_142 = tpu.memref_slice %arg2[%dma_wait3A_139, %dma_wait3A_122, %dma_wait3A_140, %dma_wait3A_141] : memref<4x7813x8x128xf32, #tpu.memory_space<hbm>> -> memref<4x1x8x128xf32, #tpu.memory_space<hbm>>
        %dma_wait3A_143 = tpu.memref_squeeze %dma_wait3A_142 : memref<4x1x8x128xf32, #tpu.memory_space<hbm>> -> memref<4x8x128xf32, #tpu.memory_space<hbm>>
        tpu.wait_dma2 semaphore(%arg6 : memref<!tpu.dma_semaphore, #tpu.memory_space<semaphore_mem>>) src(%dma_wait3A_143 : memref<4x8x128xf32, #tpu.memory_space<hbm>>) dst(%dma_wait3A_138 : memref<4x8x128xf32, #tpu.memory_space<vmem>>)
        %add3A_144 = arith.constant 32 : i32
        %add3A_145 = arith.addi %add3A_107, %add3A_144 : i32
        %lt3A_146 = arith.constant 7813 : i32
        %lt3A_147 = arith.cmpi slt, %add3A_145, %lt3A_146 : i32
        %convert_element_type3A_148 = arith.extui %lt3A_147 : i1 to i32
        %cond3A_149 = arith.constant 0 : i32
        %cond3A_150 = arith.cmpi ne, %convert_element_type3A_148, %cond3A_149 : i32
        scf.if %cond3A_150 {
          %add3A_202 = arith.constant 1 : i32
          %add3A_203 = arith.addi %add3A_104, %add3A_202 : i32
          %mul3A_204 = arith.constant 32 : i32
          %mul3A_205 = arith.muli %add3A_203, %mul3A_204 : i32
          %add3A_206 = arith.addi %add3A, %mul3A_205 : i32
          %dma_start3A_207 = arith.constant 1 : i32
          %dma_start3A_208 = arith.constant 0 : i32
          %dma_start3A_209 = arith.constant 0 : i32
          %dma_start3A_210 = arith.constant 0 : i32
          %dma_start3A_211 = tpu.memref_slice %arg4[%dma_start3A_207, %dma_start3A_208, %dma_start3A_209, %dma_start3A_210] : memref<2x4x8x128xf32, #tpu.memory_space<vmem>> -> memref<1x4x8x128xf32, #tpu.memory_space<vmem>>
          %dma_start3A_212 = tpu.memref_squeeze %dma_start3A_211 : memref<1x4x8x128xf32, #tpu.memory_space<vmem>> -> memref<4x8x128xf32, #tpu.memory_space<vmem>>
          %dma_start3A_213 = arith.constant 0 : i32
          %dma_start3A_214 = arith.constant 0 : i32
          %dma_start3A_215 = arith.constant 0 : i32
          %dma_start3A_216 = tpu.memref_slice %arg2[%dma_start3A_213, %add3A_206, %dma_start3A_214, %dma_start3A_215] : memref<4x7813x8x128xf32, #tpu.memory_space<hbm>> -> memref<4x1x8x128xf32, #tpu.memory_space<hbm>>
          %dma_start3A_217 = tpu.memref_squeeze %dma_start3A_216 : memref<4x1x8x128xf32, #tpu.memory_space<hbm>> -> memref<4x8x128xf32, #tpu.memory_space<hbm>>
          %dma_start3A_218 = arith.constant 0 : i32
          %dma_start3A_219 = arith.constant 0 : i32
          %dma_start3A_220 = arith.constant 0 : i32
          %dma_start3A_221 = tpu.memref_slice %arg4[%dma_start3A_207, %dma_start3A_218, %dma_start3A_219, %dma_start3A_220] : memref<2x4x8x128xf32, #tpu.memory_space<vmem>> -> memref<1x4x8x128xf32, #tpu.memory_space<vmem>>
          %dma_start3A_222 = tpu.memref_squeeze %dma_start3A_221 : memref<1x4x8x128xf32, #tpu.memory_space<vmem>> -> memref<4x8x128xf32, #tpu.memory_space<vmem>>
          %dma_start3A_223 = arith.constant 0 : i32
          %dma_start3A_224 = arith.constant 0 : i32
          %dma_start3A_225 = arith.constant 0 : i32
          %dma_start3A_226 = tpu.memref_slice %arg2[%dma_start3A_223, %add3A_206, %dma_start3A_224, %dma_start3A_225] : memref<4x7813x8x128xf32, #tpu.memory_space<hbm>> -> memref<4x1x8x128xf32, #tpu.memory_space<hbm>>
          %dma_start3A_227 = tpu.memref_squeeze %dma_start3A_226 : memref<4x1x8x128xf32, #tpu.memory_space<hbm>> -> memref<4x8x128xf32, #tpu.memory_space<hbm>>
          tpu.enqueue_dma source(%dma_start3A_227 : memref<4x8x128xf32, #tpu.memory_space<hbm>>) target(%dma_start3A_222 : memref<4x8x128xf32, #tpu.memory_space<vmem>>) target_semaphore(%arg7 : memref<!tpu.dma_semaphore, #tpu.memory_space<semaphore_mem>>)
        } else {
        }
        %ge3A = arith.constant 2 : i32
        %ge3A_151 = arith.cmpi sge, %add3A_104, %ge3A : i32
        %convert_element_type3A_152 = arith.extui %ge3A_151 : i1 to i32
        %cond3A_153 = arith.constant 0 : i32
        %cond3A_154 = arith.cmpi ne, %convert_element_type3A_152, %cond3A_153 : i32
        scf.if %cond3A_154 {
          %dma_wait3A_202 = arith.constant 0 : i32
          %dma_wait3A_203 = arith.constant 0 : i32
          %dma_wait3A_204 = arith.constant 0 : i32
          %dma_wait3A_205 = tpu.memref_slice %arg5[%dma_wait3A_202, %dma_wait3A_203, %dma_wait3A_204] : memref<2x128x33xf32, #tpu.memory_space<vmem>> -> memref<1x128x33xf32, #tpu.memory_space<vmem>>
          %dma_wait3A_206 = tpu.memref_squeeze %dma_wait3A_205 : memref<1x128x33xf32, #tpu.memory_space<vmem>> -> memref<128x33xf32, #tpu.memory_space<vmem>>
          %dma_wait3A_207 = arith.constant 0 : i32
          %dma_wait3A_208 = arith.constant 0 : i32
          %dma_wait3A_209 = tpu.memref_slice %dma_wait3A_206[%dma_wait3A_207, %dma_wait3A_208] : memref<128x33xf32, #tpu.memory_space<vmem>> -> memref<128x32xf32, #tpu.memory_space<vmem>>
          %dma_wait3A_210 = arith.constant 0 : i32
          %dma_wait3A_211 = arith.constant 0 : i32
          %dma_wait3A_212 = tpu.memref_slice %arg3[%dma_wait3A_210, %dma_wait3A_211] : memref<1000064x32xf32, #tpu.memory_space<hbm>> -> memref<128x32xf32, #tpu.memory_space<hbm>>
          %dma_wait3A_213 = arith.constant 0 : i32
          %dma_wait3A_214 = arith.constant 0 : i32
          %dma_wait3A_215 = tpu.memref_slice %arg3[%dma_wait3A_213, %dma_wait3A_214] : memref<1000064x32xf32, #tpu.memory_space<hbm>> -> memref<128x32xf32, #tpu.memory_space<hbm>>
          %dma_wait3A_216 = arith.constant 0 : i32
          %dma_wait3A_217 = arith.constant 0 : i32
          %dma_wait3A_218 = tpu.memref_slice %arg5[%dma_wait3A_202, %dma_wait3A_216, %dma_wait3A_217] : memref<2x128x33xf32, #tpu.memory_space<vmem>> -> memref<1x128x33xf32, #tpu.memory_space<vmem>>
          %dma_wait3A_219 = tpu.memref_squeeze %dma_wait3A_218 : memref<1x128x33xf32, #tpu.memory_space<vmem>> -> memref<128x33xf32, #tpu.memory_space<vmem>>
          %dma_wait3A_220 = arith.constant 0 : i32
          %dma_wait3A_221 = arith.constant 0 : i32
          %dma_wait3A_222 = tpu.memref_slice %dma_wait3A_219[%dma_wait3A_220, %dma_wait3A_221] : memref<128x33xf32, #tpu.memory_space<vmem>> -> memref<128x32xf32, #tpu.memory_space<vmem>>
          tpu.wait_dma2 semaphore(%arg8 : memref<!tpu.dma_semaphore, #tpu.memory_space<semaphore_mem>>) src(%dma_wait3A_222 : memref<128x32xf32, #tpu.memory_space<vmem>>) dst(%dma_wait3A_215 : memref<128x32xf32, #tpu.memory_space<hbm>>)
        } else {
        }
        %parallel_loop3A = arith.constant 0 : i32
        %parallel_loop3A_155 = arith.constant 8 : i32
        %parallel_loop3A_156 = arith.constant 1 : i32
        %parallel_loop3A_157 = arith.constant 0 : i32
        %parallel_loop3A_158 = arith.constant 0 : i32
        %parallel_loop3A_159 = arith.constant 0 : i32
        scf.for %parallel_loop3A_202 = %parallel_loop3A to %parallel_loop3A_155 step %parallel_loop3A_156  : i32 {
          %parallel_loop3A_203 = arith.constant 0 : i32
          %parallel_loop3A_204 = vector.broadcast %parallel_loop3A_203 : i32 to vector<16xi32>
          %parallel_loop3A_205 = arith.constant 0 : i32
          %parallel_loop3A_206 = arith.addi %parallel_loop3A_205, %parallel_loop3A_202 : i32
          %parallel_loop3A_207 = vector.broadcast %parallel_loop3A_206 : i32 to vector<16xi32>
          %parallel_loop3A_208 = arith.addi %parallel_loop3A_204, %parallel_loop3A_207 : vector<16xi32>
          %parallel_loop3A_209 = arith.constant 0 : i32
          %parallel_loop3A_210 = arith.constant 0 : i32
          %parallel_loop3A_211 = arith.constant 0 : i32
          %parallel_loop3A_212 = tpu.memref_slice %arg4[%parallel_loop3A_157, %parallel_loop3A_209, %parallel_loop3A_210, %parallel_loop3A_211] : memref<2x4x8x128xf32, #tpu.memory_space<vmem>> -> memref<1x4x8x128xf32, #tpu.memory_space<vmem>>
          %parallel_loop3A_213 = tpu.memref_squeeze %parallel_loop3A_212 : memref<1x4x8x128xf32, #tpu.memory_space<vmem>> -> memref<4x8x128xf32, #tpu.memory_space<vmem>>
          %parallel_loop3A_214 = arith.constant 0 : i32
          %parallel_loop3A_215 = arith.constant 0 : i32
          %parallel_loop3A_216 = tpu.memref_slice %parallel_loop3A_213[%parallel_loop3A_158, %parallel_loop3A_214, %parallel_loop3A_215] : memref<4x8x128xf32, #tpu.memory_space<vmem>> -> memref<1x8x128xf32, #tpu.memory_space<vmem>>
          %parallel_loop3A_217 = tpu.memref_squeeze %parallel_loop3A_216 : memref<1x8x128xf32, #tpu.memory_space<vmem>> -> memref<8x128xf32, #tpu.memory_space<vmem>>
          %parallel_loop3A_218 = arith.index_cast %parallel_loop3A_202 : i32 to index
          %parallel_loop3A_219 = arith.constant 0 : index
          %parallel_loop3A_220 = tpu.vector_load %parallel_loop3A_217[%parallel_loop3A_218, %parallel_loop3A_219] {strides = array<i32>} : memref<8x128xf32, #tpu.memory_space<vmem>>, vector<16xf32>,
          %parallel_loop3A_221 = arith.constant 0 : i32
          %parallel_loop3A_222 = arith.constant 0 : i32
          %parallel_loop3A_223 = tpu.memref_slice %arg5[%parallel_loop3A_159, %parallel_loop3A_221, %parallel_loop3A_222] : memref<2x128x33xf32, #tpu.memory_space<vmem>> -> memref<1x128x33xf32, #tpu.memory_space<vmem>>
          %parallel_loop3A_224 = tpu.memref_squeeze %parallel_loop3A_223 : memref<1x128x33xf32, #tpu.memory_space<vmem>> -> memref<128x33xf32, #tpu.memory_space<vmem>>
          tpu.vector_store_idx %parallel_loop3A_224[%add3A_3, %parallel_loop3A_208], %parallel_loop3A_220 : memref<128x33xf32, #tpu.memory_space<vmem>>[vector<16xi32>, vector<16xi32>], vector<16xf32>,
          %parallel_loop3A_225 = arith.constant 0 : i32
          %parallel_loop3A_226 = arith.constant 0 : i32
          %parallel_loop3A_227 = arith.constant 0 : i32
          %parallel_loop3A_228 = tpu.memref_slice %arg4[%parallel_loop3A_157, %parallel_loop3A_225, %parallel_loop3A_226, %parallel_loop3A_227] : memref<2x4x8x128xf32, #tpu.memory_space<vmem>> -> memref<1x4x8x128xf32, #tpu.memory_space<vmem>>
          %parallel_loop3A_229 = tpu.memref_squeeze %parallel_loop3A_228 : memref<1x4x8x128xf32, #tpu.memory_space<vmem>> -> memref<4x8x128xf32, #tpu.memory_space<vmem>>
          %parallel_loop3A_230 = arith.constant 0 : i32
          %parallel_loop3A_231 = arith.constant 0 : i32
          %parallel_loop3A_232 = tpu.memref_slice %parallel_loop3A_229[%parallel_loop3A_158, %parallel_loop3A_230, %parallel_loop3A_231] : memref<4x8x128xf32, #tpu.memory_space<vmem>> -> memref<1x8x128xf32, #tpu.memory_space<vmem>>
          %parallel_loop3A_233 = tpu.memref_squeeze %parallel_loop3A_232 : memref<1x8x128xf32, #tpu.memory_space<vmem>> -> memref<8x128xf32, #tpu.memory_space<vmem>>
          %parallel_loop3A_234 = arith.index_cast %parallel_loop3A_202 : i32 to index
          %parallel_loop3A_235 = arith.constant 16 : index
          %parallel_loop3A_236 = tpu.vector_load %parallel_loop3A_233[%parallel_loop3A_234, %parallel_loop3A_235] {strides = array<i32>} : memref<8x128xf32, #tpu.memory_space<vmem>>, vector<16xf32>,
          %parallel_loop3A_237 = arith.constant 0 : i32
          %parallel_loop3A_238 = arith.constant 0 : i32
          %parallel_loop3A_239 = tpu.memref_slice %arg5[%parallel_loop3A_159, %parallel_loop3A_237, %parallel_loop3A_238] : memref<2x128x33xf32, #tpu.memory_space<vmem>> -> memref<1x128x33xf32, #tpu.memory_space<vmem>>
          %parallel_loop3A_240 = tpu.memref_squeeze %parallel_loop3A_239 : memref<1x128x33xf32, #tpu.memory_space<vmem>> -> memref<128x33xf32, #tpu.memory_space<vmem>>
          tpu.vector_store_idx %parallel_loop3A_240[%add3A_7, %parallel_loop3A_208], %parallel_loop3A_236 : memref<128x33xf32, #tpu.memory_space<vmem>>[vector<16xi32>, vector<16xi32>], vector<16xf32>,
          %parallel_loop3A_241 = arith.constant 0 : i32
          %parallel_loop3A_242 = arith.constant 0 : i32
          %parallel_loop3A_243 = arith.constant 0 : i32
          %parallel_loop3A_244 = tpu.memref_slice %arg4[%parallel_loop3A_157, %parallel_loop3A_241, %parallel_loop3A_242, %parallel_loop3A_243] : memref<2x4x8x128xf32, #tpu.memory_space<vmem>> -> memref<1x4x8x128xf32, #tpu.memory_space<vmem>>
          %parallel_loop3A_245 = tpu.memref_squeeze %parallel_loop3A_244 : memref<1x4x8x128xf32, #tpu.memory_space<vmem>> -> memref<4x8x128xf32, #tpu.memory_space<vmem>>
          %parallel_loop3A_246 = arith.constant 0 : i32
          %parallel_loop3A_247 = arith.constant 0 : i32
          %parallel_loop3A_248 = tpu.memref_slice %parallel_loop3A_245[%parallel_loop3A_158, %parallel_loop3A_246, %parallel_loop3A_247] : memref<4x8x128xf32, #tpu.memory_space<vmem>> -> memref<1x8x128xf32, #tpu.memory_space<vmem>>
          %parallel_loop3A_249 = tpu.memref_squeeze %parallel_loop3A_248 : memref<1x8x128xf32, #tpu.memory_space<vmem>> -> memref<8x128xf32, #tpu.memory_space<vmem>>
          %parallel_loop3A_250 = arith.index_cast %parallel_loop3A_202 : i32 to index
          %parallel_loop3A_251 = arith.constant 32 : index
          %parallel_loop3A_252 = tpu.vector_load %parallel_loop3A_249[%parallel_loop3A_250, %parallel_loop3A_251] {strides = array<i32>} : memref<8x128xf32, #tpu.memory_space<vmem>>, vector<16xf32>,
          %parallel_loop3A_253 = arith.constant 0 : i32
          %parallel_loop3A_254 = arith.constant 0 : i32
          %parallel_loop3A_255 = tpu.memref_slice %arg5[%parallel_loop3A_159, %parallel_loop3A_253, %parallel_loop3A_254] : memref<2x128x33xf32, #tpu.memory_space<vmem>> -> memref<1x128x33xf32, #tpu.memory_space<vmem>>
          %parallel_loop3A_256 = tpu.memref_squeeze %parallel_loop3A_255 : memref<1x128x33xf32, #tpu.memory_space<vmem>> -> memref<128x33xf32, #tpu.memory_space<vmem>>
          tpu.vector_store_idx %parallel_loop3A_256[%add3A_11, %parallel_loop3A_208], %parallel_loop3A_252 : memref<128x33xf32, #tpu.memory_space<vmem>>[vector<16xi32>, vector<16xi32>], vector<16xf32>,
          %parallel_loop3A_257 = arith.constant 0 : i32
          %parallel_loop3A_258 = arith.constant 0 : i32
          %parallel_loop3A_259 = arith.constant 0 : i32
          %parallel_loop3A_260 = tpu.memref_slice %arg4[%parallel_loop3A_157, %parallel_loop3A_257, %parallel_loop3A_258, %parallel_loop3A_259] : memref<2x4x8x128xf32, #tpu.memory_space<vmem>> -> memref<1x4x8x128xf32, #tpu.memory_space<vmem>>
          %parallel_loop3A_261 = tpu.memref_squeeze %parallel_loop3A_260 : memref<1x4x8x128xf32, #tpu.memory_space<vmem>> -> memref<4x8x128xf32, #tpu.memory_space<vmem>>
          %parallel_loop3A_262 = arith.constant 0 : i32
          %parallel_loop3A_263 = arith.constant 0 : i32
          %parallel_loop3A_264 = tpu.memref_slice %parallel_loop3A_261[%parallel_loop3A_158, %parallel_loop3A_262, %parallel_loop3A_263] : memref<4x8x128xf32, #tpu.memory_space<vmem>> -> memref<1x8x128xf32, #tpu.memory_space<vmem>>
          %parallel_loop3A_265 = tpu.memref_squeeze %parallel_loop3A_264 : memref<1x8x128xf32, #tpu.memory_space<vmem>> -> memref<8x128xf32, #tpu.memory_space<vmem>>
          %parallel_loop3A_266 = arith.index_cast %parallel_loop3A_202 : i32 to index
          %parallel_loop3A_267 = arith.constant 48 : index
          %parallel_loop3A_268 = tpu.vector_load %parallel_loop3A_265[%parallel_loop3A_266, %parallel_loop3A_267] {strides = array<i32>} : memref<8x128xf32, #tpu.memory_space<vmem>>, vector<16xf32>,
          %parallel_loop3A_269 = arith.constant 0 : i32
          %parallel_loop3A_270 = arith.constant 0 : i32
          %parallel_loop3A_271 = tpu.memref_slice %arg5[%parallel_loop3A_159, %parallel_loop3A_269, %parallel_loop3A_270] : memref<2x128x33xf32, #tpu.memory_space<vmem>> -> memref<1x128x33xf32, #tpu.memory_space<vmem>>
          %parallel_loop3A_272 = tpu.memref_squeeze %parallel_loop3A_271 : memref<1x128x33xf32, #tpu.memory_space<vmem>> -> memref<128x33xf32, #tpu.memory_space<vmem>>
          tpu.vector_store_idx %parallel_loop3A_272[%add3A_15, %parallel_loop3A_208], %parallel_loop3A_268 : memref<128x33xf32, #tpu.memory_space<vmem>>[vector<16xi32>, vector<16xi32>], vector<16xf32>,
          %parallel_loop3A_273 = arith.constant 0 : i32
          %parallel_loop3A_274 = arith.constant 0 : i32
          %parallel_loop3A_275 = arith.constant 0 : i32
          %parallel_loop3A_276 = tpu.memref_slice %arg4[%parallel_loop3A_157, %parallel_loop3A_273, %parallel_loop3A_274, %parallel_loop3A_275] : memref<2x4x8x128xf32, #tpu.memory_space<vmem>> -> memref<1x4x8x128xf32, #tpu.memory_space<vmem>>
          %parallel_loop3A_277 = tpu.memref_squeeze %parallel_loop3A_276 : memref<1x4x8x128xf32, #tpu.memory_space<vmem>> -> memref<4x8x128xf32, #tpu.memory_space<vmem>>
          %parallel_loop3A_278 = arith.constant 0 : i32
          %parallel_loop3A_279 = arith.constant 0 : i32
          %parallel_loop3A_280 = tpu.memref_slice %parallel_loop3A_277[%parallel_loop3A_158, %parallel_loop3A_278, %parallel_loop3A_279] : memref<4x8x128xf32, #tpu.memory_space<vmem>> -> memref<1x8x128xf32, #tpu.memory_space<vmem>>
          %parallel_loop3A_281 = tpu.memref_squeeze %parallel_loop3A_280 : memref<1x8x128xf32, #tpu.memory_space<vmem>> -> memref<8x128xf32, #tpu.memory_space<vmem>>
          %parallel_loop3A_282 = arith.index_cast %parallel_loop3A_202 : i32 to index
          %parallel_loop3A_283 = arith.constant 64 : index
          %parallel_loop3A_284 = tpu.vector_load %parallel_loop3A_281[%parallel_loop3A_282, %parallel_loop3A_283] {strides = array<i32>} : memref<8x128xf32, #tpu.memory_space<vmem>>, vector<16xf32>,
          %parallel_loop3A_285 = arith.constant 0 : i32
          %parallel_loop3A_286 = arith.constant 0 : i32
          %parallel_loop3A_287 = tpu.memref_slice %arg5[%parallel_loop3A_159, %parallel_loop3A_285, %parallel_loop3A_286] : memref<2x128x33xf32, #tpu.memory_space<vmem>> -> memref<1x128x33xf32, #tpu.memory_space<vmem>>
          %parallel_loop3A_288 = tpu.memref_squeeze %parallel_loop3A_287 : memref<1x128x33xf32, #tpu.memory_space<vmem>> -> memref<128x33xf32, #tpu.memory_space<vmem>>
          tpu.vector_store_idx %parallel_loop3A_288[%add3A_19, %parallel_loop3A_208], %parallel_loop3A_284 : memref<128x33xf32, #tpu.memory_space<vmem>>[vector<16xi32>, vector<16xi32>], vector<16xf32>,
          %parallel_loop3A_289 = arith.constant 0 : i32
          %parallel_loop3A_290 = arith.constant 0 : i32
          %parallel_loop3A_291 = arith.constant 0 : i32
          %parallel_loop3A_292 = tpu.memref_slice %arg4[%parallel_loop3A_157, %parallel_loop3A_289, %parallel_loop3A_290, %parallel_loop3A_291] : memref<2x4x8x128xf32, #tpu.memory_space<vmem>> -> memref<1x4x8x128xf32, #tpu.memory_space<vmem>>
          %parallel_loop3A_293 = tpu.memref_squeeze %parallel_loop3A_292 : memref<1x4x8x128xf32, #tpu.memory_space<vmem>> -> memref<4x8x128xf32, #tpu.memory_space<vmem>>
          %parallel_loop3A_294 = arith.constant 0 : i32
          %parallel_loop3A_295 = arith.constant 0 : i32
          %parallel_loop3A_296 = tpu.memref_slice %parallel_loop3A_293[%parallel_loop3A_158, %parallel_loop3A_294, %parallel_loop3A_295] : memref<4x8x128xf32, #tpu.memory_space<vmem>> -> memref<1x8x128xf32, #tpu.memory_space<vmem>>
          %parallel_loop3A_297 = tpu.memref_squeeze %parallel_loop3A_296 : memref<1x8x128xf32, #tpu.memory_space<vmem>> -> memref<8x128xf32, #tpu.memory_space<vmem>>
          %parallel_loop3A_298 = arith.index_cast %parallel_loop3A_202 : i32 to index
          %parallel_loop3A_299 = arith.constant 80 : index
          %parallel_loop3A_300 = tpu.vector_load %parallel_loop3A_297[%parallel_loop3A_298, %parallel_loop3A_299] {strides = array<i32>} : memref<8x128xf32, #tpu.memory_space<vmem>>, vector<16xf32>,
          %parallel_loop3A_301 = arith.constant 0 : i32
          %parallel_loop3A_302 = arith.constant 0 : i32
          %parallel_loop3A_303 = tpu.memref_slice %arg5[%parallel_loop3A_159, %parallel_loop3A_301, %parallel_loop3A_302] : memref<2x128x33xf32, #tpu.memory_space<vmem>> -> memref<1x128x33xf32, #tpu.memory_space<vmem>>
          %parallel_loop3A_304 = tpu.memref_squeeze %parallel_loop3A_303 : memref<1x128x33xf32, #tpu.memory_space<vmem>> -> memref<128x33xf32, #tpu.memory_space<vmem>>
          tpu.vector_store_idx %parallel_loop3A_304[%add3A_23, %parallel_loop3A_208], %parallel_loop3A_300 : memref<128x33xf32, #tpu.memory_space<vmem>>[vector<16xi32>, vector<16xi32>], vector<16xf32>,
          %parallel_loop3A_305 = arith.constant 0 : i32
          %parallel_loop3A_306 = arith.constant 0 : i32
          %parallel_loop3A_307 = arith.constant 0 : i32
          %parallel_loop3A_308 = tpu.memref_slice %arg4[%parallel_loop3A_157, %parallel_loop3A_305, %parallel_loop3A_306, %parallel_loop3A_307] : memref<2x4x8x128xf32, #tpu.memory_space<vmem>> -> memref<1x4x8x128xf32, #tpu.memory_space<vmem>>
          %parallel_loop3A_309 = tpu.memref_squeeze %parallel_loop3A_308 : memref<1x4x8x128xf32, #tpu.memory_space<vmem>> -> memref<4x8x128xf32, #tpu.memory_space<vmem>>
          %parallel_loop3A_310 = arith.constant 0 : i32
          %parallel_loop3A_311 = arith.constant 0 : i32
          %parallel_loop3A_312 = tpu.memref_slice %parallel_loop3A_309[%parallel_loop3A_158, %parallel_loop3A_310, %parallel_loop3A_311] : memref<4x8x128xf32, #tpu.memory_space<vmem>> -> memref<1x8x128xf32, #tpu.memory_space<vmem>>
          %parallel_loop3A_313 = tpu.memref_squeeze %parallel_loop3A_312 : memref<1x8x128xf32, #tpu.memory_space<vmem>> -> memref<8x128xf32, #tpu.memory_space<vmem>>
          %parallel_loop3A_314 = arith.index_cast %parallel_loop3A_202 : i32 to index
          %parallel_loop3A_315 = arith.constant 96 : index
          %parallel_loop3A_316 = tpu.vector_load %parallel_loop3A_313[%parallel_loop3A_314, %parallel_loop3A_315] {strides = array<i32>} : memref<8x128xf32, #tpu.memory_space<vmem>>, vector<16xf32>,
          %parallel_loop3A_317 = arith.constant 0 : i32
          %parallel_loop3A_318 = arith.constant 0 : i32
          %parallel_loop3A_319 = tpu.memref_slice %arg5[%parallel_loop3A_159, %parallel_loop3A_317, %parallel_loop3A_318] : memref<2x128x33xf32, #tpu.memory_space<vmem>> -> memref<1x128x33xf32, #tpu.memory_space<vmem>>
          %parallel_loop3A_320 = tpu.memref_squeeze %parallel_loop3A_319 : memref<1x128x33xf32, #tpu.memory_space<vmem>> -> memref<128x33xf32, #tpu.memory_space<vmem>>
          tpu.vector_store_idx %parallel_loop3A_320[%add3A_27, %parallel_loop3A_208], %parallel_loop3A_316 : memref<128x33xf32, #tpu.memory_space<vmem>>[vector<16xi32>, vector<16xi32>], vector<16xf32>,
          %parallel_loop3A_321 = arith.constant 0 : i32
          %parallel_loop3A_322 = arith.constant 0 : i32
          %parallel_loop3A_323 = arith.constant 0 : i32
          %parallel_loop3A_324 = tpu.memref_slice %arg4[%parallel_loop3A_157, %parallel_loop3A_321, %parallel_loop3A_322, %parallel_loop3A_323] : memref<2x4x8x128xf32, #tpu.memory_space<vmem>> -> memref<1x4x8x128xf32, #tpu.memory_space<vmem>>
          %parallel_loop3A_325 = tpu.memref_squeeze %parallel_loop3A_324 : memref<1x4x8x128xf32, #tpu.memory_space<vmem>> -> memref<4x8x128xf32, #tpu.memory_space<vmem>>
          %parallel_loop3A_326 = arith.constant 0 : i32
          %parallel_loop3A_327 = arith.constant 0 : i32
          %parallel_loop3A_328 = tpu.memref_slice %parallel_loop3A_325[%parallel_loop3A_158, %parallel_loop3A_326, %parallel_loop3A_327] : memref<4x8x128xf32, #tpu.memory_space<vmem>> -> memref<1x8x128xf32, #tpu.memory_space<vmem>>
          %parallel_loop3A_329 = tpu.memref_squeeze %parallel_loop3A_328 : memref<1x8x128xf32, #tpu.memory_space<vmem>> -> memref<8x128xf32, #tpu.memory_space<vmem>>
          %parallel_loop3A_330 = arith.index_cast %parallel_loop3A_202 : i32 to index
          %parallel_loop3A_331 = arith.constant 112 : index
          %parallel_loop3A_332 = tpu.vector_load %parallel_loop3A_329[%parallel_loop3A_330, %parallel_loop3A_331] {strides = array<i32>} : memref<8x128xf32, #tpu.memory_space<vmem>>, vector<16xf32>,
          %parallel_loop3A_333 = arith.constant 0 : i32
          %parallel_loop3A_334 = arith.constant 0 : i32
          %parallel_loop3A_335 = tpu.memref_slice %arg5[%parallel_loop3A_159, %parallel_loop3A_333, %parallel_loop3A_334] : memref<2x128x33xf32, #tpu.memory_space<vmem>> -> memref<1x128x33xf32, #tpu.memory_space<vmem>>
          %parallel_loop3A_336 = tpu.memref_squeeze %parallel_loop3A_335 : memref<1x128x33xf32, #tpu.memory_space<vmem>> -> memref<128x33xf32, #tpu.memory_space<vmem>>
          tpu.vector_store_idx %parallel_loop3A_336[%add3A_31, %parallel_loop3A_208], %parallel_loop3A_332 : memref<128x33xf32, #tpu.memory_space<vmem>>[vector<16xi32>, vector<16xi32>], vector<16xf32>,
        } {sc.loop_unroll_factor = 2 : i64, sc.parallel_access}
        %parallel_loop3A_160 = arith.constant 0 : i32
        %parallel_loop3A_161 = arith.constant 8 : i32
        %parallel_loop3A_162 = arith.constant 1 : i32
        %parallel_loop3A_163 = arith.constant 0 : i32
        %parallel_loop3A_164 = arith.constant 1 : i32
        %parallel_loop3A_165 = arith.constant 0 : i32
        scf.for %parallel_loop3A_202 = %parallel_loop3A_160 to %parallel_loop3A_161 step %parallel_loop3A_162  : i32 {
          %parallel_loop3A_203 = arith.constant 0 : i32
          %parallel_loop3A_204 = vector.broadcast %parallel_loop3A_203 : i32 to vector<16xi32>
          %parallel_loop3A_205 = arith.constant 8 : i32
          %parallel_loop3A_206 = arith.addi %parallel_loop3A_205, %parallel_loop3A_202 : i32
          %parallel_loop3A_207 = vector.broadcast %parallel_loop3A_206 : i32 to vector<16xi32>
          %parallel_loop3A_208 = arith.addi %parallel_loop3A_204, %parallel_loop3A_207 : vector<16xi32>
          %parallel_loop3A_209 = arith.constant 0 : i32
          %parallel_loop3A_210 = arith.constant 0 : i32
          %parallel_loop3A_211 = arith.constant 0 : i32
          %parallel_loop3A_212 = tpu.memref_slice %arg4[%parallel_loop3A_163, %parallel_loop3A_209, %parallel_loop3A_210, %parallel_loop3A_211] : memref<2x4x8x128xf32, #tpu.memory_space<vmem>> -> memref<1x4x8x128xf32, #tpu.memory_space<vmem>>
          %parallel_loop3A_213 = tpu.memref_squeeze %parallel_loop3A_212 : memref<1x4x8x128xf32, #tpu.memory_space<vmem>> -> memref<4x8x128xf32, #tpu.memory_space<vmem>>
          %parallel_loop3A_214 = arith.constant 0 : i32
          %parallel_loop3A_215 = arith.constant 0 : i32
          %parallel_loop3A_216 = tpu.memref_slice %parallel_loop3A_213[%parallel_loop3A_164, %parallel_loop3A_214, %parallel_loop3A_215] : memref<4x8x128xf32, #tpu.memory_space<vmem>> -> memref<1x8x128xf32, #tpu.memory_space<vmem>>
          %parallel_loop3A_217 = tpu.memref_squeeze %parallel_loop3A_216 : memref<1x8x128xf32, #tpu.memory_space<vmem>> -> memref<8x128xf32, #tpu.memory_space<vmem>>
          %parallel_loop3A_218 = arith.index_cast %parallel_loop3A_202 : i32 to index
          %parallel_loop3A_219 = arith.constant 0 : index
          %parallel_loop3A_220 = tpu.vector_load %parallel_loop3A_217[%parallel_loop3A_218, %parallel_loop3A_219] {strides = array<i32>} : memref<8x128xf32, #tpu.memory_space<vmem>>, vector<16xf32>,
          %parallel_loop3A_221 = arith.constant 0 : i32
          %parallel_loop3A_222 = arith.constant 0 : i32
          %parallel_loop3A_223 = tpu.memref_slice %arg5[%parallel_loop3A_165, %parallel_loop3A_221, %parallel_loop3A_222] : memref<2x128x33xf32, #tpu.memory_space<vmem>> -> memref<1x128x33xf32, #tpu.memory_space<vmem>>
          %parallel_loop3A_224 = tpu.memref_squeeze %parallel_loop3A_223 : memref<1x128x33xf32, #tpu.memory_space<vmem>> -> memref<128x33xf32, #tpu.memory_space<vmem>>
          tpu.vector_store_idx %parallel_loop3A_224[%add3A_3, %parallel_loop3A_208], %parallel_loop3A_220 : memref<128x33xf32, #tpu.memory_space<vmem>>[vector<16xi32>, vector<16xi32>], vector<16xf32>,
          %parallel_loop3A_225 = arith.constant 0 : i32
          %parallel_loop3A_226 = arith.constant 0 : i32
          %parallel_loop3A_227 = arith.constant 0 : i32
          %parallel_loop3A_228 = tpu.memref_slice %arg4[%parallel_loop3A_163, %parallel_loop3A_225, %parallel_loop3A_226, %parallel_loop3A_227] : memref<2x4x8x128xf32, #tpu.memory_space<vmem>> -> memref<1x4x8x128xf32, #tpu.memory_space<vmem>>
          %parallel_loop3A_229 = tpu.memref_squeeze %parallel_loop3A_228 : memref<1x4x8x128xf32, #tpu.memory_space<vmem>> -> memref<4x8x128xf32, #tpu.memory_space<vmem>>
          %parallel_loop3A_230 = arith.constant 0 : i32
          %parallel_loop3A_231 = arith.constant 0 : i32
          %parallel_loop3A_232 = tpu.memref_slice %parallel_loop3A_229[%parallel_loop3A_164, %parallel_loop3A_230, %parallel_loop3A_231] : memref<4x8x128xf32, #tpu.memory_space<vmem>> -> memref<1x8x128xf32, #tpu.memory_space<vmem>>
          %parallel_loop3A_233 = tpu.memref_squeeze %parallel_loop3A_232 : memref<1x8x128xf32, #tpu.memory_space<vmem>> -> memref<8x128xf32, #tpu.memory_space<vmem>>
          %parallel_loop3A_234 = arith.index_cast %parallel_loop3A_202 : i32 to index
          %parallel_loop3A_235 = arith.constant 16 : index
          %parallel_loop3A_236 = tpu.vector_load %parallel_loop3A_233[%parallel_loop3A_234, %parallel_loop3A_235] {strides = array<i32>} : memref<8x128xf32, #tpu.memory_space<vmem>>, vector<16xf32>,
          %parallel_loop3A_237 = arith.constant 0 : i32
          %parallel_loop3A_238 = arith.constant 0 : i32
          %parallel_loop3A_239 = tpu.memref_slice %arg5[%parallel_loop3A_165, %parallel_loop3A_237, %parallel_loop3A_238] : memref<2x128x33xf32, #tpu.memory_space<vmem>> -> memref<1x128x33xf32, #tpu.memory_space<vmem>>
          %parallel_loop3A_240 = tpu.memref_squeeze %parallel_loop3A_239 : memref<1x128x33xf32, #tpu.memory_space<vmem>> -> memref<128x33xf32, #tpu.memory_space<vmem>>
          tpu.vector_store_idx %parallel_loop3A_240[%add3A_7, %parallel_loop3A_208], %parallel_loop3A_236 : memref<128x33xf32, #tpu.memory_space<vmem>>[vector<16xi32>, vector<16xi32>], vector<16xf32>,
          %parallel_loop3A_241 = arith.constant 0 : i32
          %parallel_loop3A_242 = arith.constant 0 : i32
          %parallel_loop3A_243 = arith.constant 0 : i32
          %parallel_loop3A_244 = tpu.memref_slice %arg4[%parallel_loop3A_163, %parallel_loop3A_241, %parallel_loop3A_242, %parallel_loop3A_243] : memref<2x4x8x128xf32, #tpu.memory_space<vmem>> -> memref<1x4x8x128xf32, #tpu.memory_space<vmem>>
          %parallel_loop3A_245 = tpu.memref_squeeze %parallel_loop3A_244 : memref<1x4x8x128xf32, #tpu.memory_space<vmem>> -> memref<4x8x128xf32, #tpu.memory_space<vmem>>
          %parallel_loop3A_246 = arith.constant 0 : i32
          %parallel_loop3A_247 = arith.constant 0 : i32
          %parallel_loop3A_248 = tpu.memref_slice %parallel_loop3A_245[%parallel_loop3A_164, %parallel_loop3A_246, %parallel_loop3A_247] : memref<4x8x128xf32, #tpu.memory_space<vmem>> -> memref<1x8x128xf32, #tpu.memory_space<vmem>>
          %parallel_loop3A_249 = tpu.memref_squeeze %parallel_loop3A_248 : memref<1x8x128xf32, #tpu.memory_space<vmem>> -> memref<8x128xf32, #tpu.memory_space<vmem>>
          %parallel_loop3A_250 = arith.index_cast %parallel_loop3A_202 : i32 to index
          %parallel_loop3A_251 = arith.constant 32 : index
          %parallel_loop3A_252 = tpu.vector_load %parallel_loop3A_249[%parallel_loop3A_250, %parallel_loop3A_251] {strides = array<i32>} : memref<8x128xf32, #tpu.memory_space<vmem>>, vector<16xf32>,
          %parallel_loop3A_253 = arith.constant 0 : i32
          %parallel_loop3A_254 = arith.constant 0 : i32
          %parallel_loop3A_255 = tpu.memref_slice %arg5[%parallel_loop3A_165, %parallel_loop3A_253, %parallel_loop3A_254] : memref<2x128x33xf32, #tpu.memory_space<vmem>> -> memref<1x128x33xf32, #tpu.memory_space<vmem>>
          %parallel_loop3A_256 = tpu.memref_squeeze %parallel_loop3A_255 : memref<1x128x33xf32, #tpu.memory_space<vmem>> -> memref<128x33xf32, #tpu.memory_space<vmem>>
          tpu.vector_store_idx %parallel_loop3A_256[%add3A_11, %parallel_loop3A_208], %parallel_loop3A_252 : memref<128x33xf32, #tpu.memory_space<vmem>>[vector<16xi32>, vector<16xi32>], vector<16xf32>,
          %parallel_loop3A_257 = arith.constant 0 : i32
          %parallel_loop3A_258 = arith.constant 0 : i32
          %parallel_loop3A_259 = arith.constant 0 : i32
          %parallel_loop3A_260 = tpu.memref_slice %arg4[%parallel_loop3A_163, %parallel_loop3A_257, %parallel_loop3A_258, %parallel_loop3A_259] : memref<2x4x8x128xf32, #tpu.memory_space<vmem>> -> memref<1x4x8x128xf32, #tpu.memory_space<vmem>>
          %parallel_loop3A_261 = tpu.memref_squeeze %parallel_loop3A_260 : memref<1x4x8x128xf32, #tpu.memory_space<vmem>> -> memref<4x8x128xf32, #tpu.memory_space<vmem>>
          %parallel_loop3A_262 = arith.constant 0 : i32
          %parallel_loop3A_263 = arith.constant 0 : i32
          %parallel_loop3A_264 = tpu.memref_slice %parallel_loop3A_261[%parallel_loop3A_164, %parallel_loop3A_262, %parallel_loop3A_263] : memref<4x8x128xf32, #tpu.memory_space<vmem>> -> memref<1x8x128xf32, #tpu.memory_space<vmem>>
          %parallel_loop3A_265 = tpu.memref_squeeze %parallel_loop3A_264 : memref<1x8x128xf32, #tpu.memory_space<vmem>> -> memref<8x128xf32, #tpu.memory_space<vmem>>
          %parallel_loop3A_266 = arith.index_cast %parallel_loop3A_202 : i32 to index
          %parallel_loop3A_267 = arith.constant 48 : index
          %parallel_loop3A_268 = tpu.vector_load %parallel_loop3A_265[%parallel_loop3A_266, %parallel_loop3A_267] {strides = array<i32>} : memref<8x128xf32, #tpu.memory_space<vmem>>, vector<16xf32>,
          %parallel_loop3A_269 = arith.constant 0 : i32
          %parallel_loop3A_270 = arith.constant 0 : i32
          %parallel_loop3A_271 = tpu.memref_slice %arg5[%parallel_loop3A_165, %parallel_loop3A_269, %parallel_loop3A_270] : memref<2x128x33xf32, #tpu.memory_space<vmem>> -> memref<1x128x33xf32, #tpu.memory_space<vmem>>
          %parallel_loop3A_272 = tpu.memref_squeeze %parallel_loop3A_271 : memref<1x128x33xf32, #tpu.memory_space<vmem>> -> memref<128x33xf32, #tpu.memory_space<vmem>>
          tpu.vector_store_idx %parallel_loop3A_272[%add3A_15, %parallel_loop3A_208], %parallel_loop3A_268 : memref<128x33xf32, #tpu.memory_space<vmem>>[vector<16xi32>, vector<16xi32>], vector<16xf32>,
          %parallel_loop3A_273 = arith.constant 0 : i32
          %parallel_loop3A_274 = arith.constant 0 : i32
          %parallel_loop3A_275 = arith.constant 0 : i32
          %parallel_loop3A_276 = tpu.memref_slice %arg4[%parallel_loop3A_163, %parallel_loop3A_273, %parallel_loop3A_274, %parallel_loop3A_275] : memref<2x4x8x128xf32, #tpu.memory_space<vmem>> -> memref<1x4x8x128xf32, #tpu.memory_space<vmem>>
          %parallel_loop3A_277 = tpu.memref_squeeze %parallel_loop3A_276 : memref<1x4x8x128xf32, #tpu.memory_space<vmem>> -> memref<4x8x128xf32, #tpu.memory_space<vmem>>
          %parallel_loop3A_278 = arith.constant 0 : i32
          %parallel_loop3A_279 = arith.constant 0 : i32
          %parallel_loop3A_280 = tpu.memref_slice %parallel_loop3A_277[%parallel_loop3A_164, %parallel_loop3A_278, %parallel_loop3A_279] : memref<4x8x128xf32, #tpu.memory_space<vmem>> -> memref<1x8x128xf32, #tpu.memory_space<vmem>>
          %parallel_loop3A_281 = tpu.memref_squeeze %parallel_loop3A_280 : memref<1x8x128xf32, #tpu.memory_space<vmem>> -> memref<8x128xf32, #tpu.memory_space<vmem>>
          %parallel_loop3A_282 = arith.index_cast %parallel_loop3A_202 : i32 to index
          %parallel_loop3A_283 = arith.constant 64 : index
          %parallel_loop3A_284 = tpu.vector_load %parallel_loop3A_281[%parallel_loop3A_282, %parallel_loop3A_283] {strides = array<i32>} : memref<8x128xf32, #tpu.memory_space<vmem>>, vector<16xf32>,
          %parallel_loop3A_285 = arith.constant 0 : i32
          %parallel_loop3A_286 = arith.constant 0 : i32
          %parallel_loop3A_287 = tpu.memref_slice %arg5[%parallel_loop3A_165, %parallel_loop3A_285, %parallel_loop3A_286] : memref<2x128x33xf32, #tpu.memory_space<vmem>> -> memref<1x128x33xf32, #tpu.memory_space<vmem>>
          %parallel_loop3A_288 = tpu.memref_squeeze %parallel_loop3A_287 : memref<1x128x33xf32, #tpu.memory_space<vmem>> -> memref<128x33xf32, #tpu.memory_space<vmem>>
          tpu.vector_store_idx %parallel_loop3A_288[%add3A_19, %parallel_loop3A_208], %parallel_loop3A_284 : memref<128x33xf32, #tpu.memory_space<vmem>>[vector<16xi32>, vector<16xi32>], vector<16xf32>,
          %parallel_loop3A_289 = arith.constant 0 : i32
          %parallel_loop3A_290 = arith.constant 0 : i32
          %parallel_loop3A_291 = arith.constant 0 : i32
          %parallel_loop3A_292 = tpu.memref_slice %arg4[%parallel_loop3A_163, %parallel_loop3A_289, %parallel_loop3A_290, %parallel_loop3A_291] : memref<2x4x8x128xf32, #tpu.memory_space<vmem>> -> memref<1x4x8x128xf32, #tpu.memory_space<vmem>>
          %parallel_loop3A_293 = tpu.memref_squeeze %parallel_loop3A_292 : memref<1x4x8x128xf32, #tpu.memory_space<vmem>> -> memref<4x8x128xf32, #tpu.memory_space<vmem>>
          %parallel_loop3A_294 = arith.constant 0 : i32
          %parallel_loop3A_295 = arith.constant 0 : i32
          %parallel_loop3A_296 = tpu.memref_slice %parallel_loop3A_293[%parallel_loop3A_164, %parallel_loop3A_294, %parallel_loop3A_295] : memref<4x8x128xf32, #tpu.memory_space<vmem>> -> memref<1x8x128xf32, #tpu.memory_space<vmem>>
          %parallel_loop3A_297 = tpu.memref_squeeze %parallel_loop3A_296 : memref<1x8x128xf32, #tpu.memory_space<vmem>> -> memref<8x128xf32, #tpu.memory_space<vmem>>
          %parallel_loop3A_298 = arith.index_cast %parallel_loop3A_202 : i32 to index
          %parallel_loop3A_299 = arith.constant 80 : index
          %parallel_loop3A_300 = tpu.vector_load %parallel_loop3A_297[%parallel_loop3A_298, %parallel_loop3A_299] {strides = array<i32>} : memref<8x128xf32, #tpu.memory_space<vmem>>, vector<16xf32>,
          %parallel_loop3A_301 = arith.constant 0 : i32
          %parallel_loop3A_302 = arith.constant 0 : i32
          %parallel_loop3A_303 = tpu.memref_slice %arg5[%parallel_loop3A_165, %parallel_loop3A_301, %parallel_loop3A_302] : memref<2x128x33xf32, #tpu.memory_space<vmem>> -> memref<1x128x33xf32, #tpu.memory_space<vmem>>
          %parallel_loop3A_304 = tpu.memref_squeeze %parallel_loop3A_303 : memref<1x128x33xf32, #tpu.memory_space<vmem>> -> memref<128x33xf32, #tpu.memory_space<vmem>>
          tpu.vector_store_idx %parallel_loop3A_304[%add3A_23, %parallel_loop3A_208], %parallel_loop3A_300 : memref<128x33xf32, #tpu.memory_space<vmem>>[vector<16xi32>, vector<16xi32>], vector<16xf32>,
          %parallel_loop3A_305 = arith.constant 0 : i32
          %parallel_loop3A_306 = arith.constant 0 : i32
          %parallel_loop3A_307 = arith.constant 0 : i32
          %parallel_loop3A_308 = tpu.memref_slice %arg4[%parallel_loop3A_163, %parallel_loop3A_305, %parallel_loop3A_306, %parallel_loop3A_307] : memref<2x4x8x128xf32, #tpu.memory_space<vmem>> -> memref<1x4x8x128xf32, #tpu.memory_space<vmem>>
          %parallel_loop3A_309 = tpu.memref_squeeze %parallel_loop3A_308 : memref<1x4x8x128xf32, #tpu.memory_space<vmem>> -> memref<4x8x128xf32, #tpu.memory_space<vmem>>
          %parallel_loop3A_310 = arith.constant 0 : i32
          %parallel_loop3A_311 = arith.constant 0 : i32
          %parallel_loop3A_312 = tpu.memref_slice %parallel_loop3A_309[%parallel_loop3A_164, %parallel_loop3A_310, %parallel_loop3A_311] : memref<4x8x128xf32, #tpu.memory_space<vmem>> -> memref<1x8x128xf32, #tpu.memory_space<vmem>>
          %parallel_loop3A_313 = tpu.memref_squeeze %parallel_loop3A_312 : memref<1x8x128xf32, #tpu.memory_space<vmem>> -> memref<8x128xf32, #tpu.memory_space<vmem>>
          %parallel_loop3A_314 = arith.index_cast %parallel_loop3A_202 : i32 to index
          %parallel_loop3A_315 = arith.constant 96 : index
          %parallel_loop3A_316 = tpu.vector_load %parallel_loop3A_313[%parallel_loop3A_314, %parallel_loop3A_315] {strides = array<i32>} : memref<8x128xf32, #tpu.memory_space<vmem>>, vector<16xf32>,
          %parallel_loop3A_317 = arith.constant 0 : i32
          %parallel_loop3A_318 = arith.constant 0 : i32
          %parallel_loop3A_319 = tpu.memref_slice %arg5[%parallel_loop3A_165, %parallel_loop3A_317, %parallel_loop3A_318] : memref<2x128x33xf32, #tpu.memory_space<vmem>> -> memref<1x128x33xf32, #tpu.memory_space<vmem>>
          %parallel_loop3A_320 = tpu.memref_squeeze %parallel_loop3A_319 : memref<1x128x33xf32, #tpu.memory_space<vmem>> -> memref<128x33xf32, #tpu.memory_space<vmem>>
          tpu.vector_store_idx %parallel_loop3A_320[%add3A_27, %parallel_loop3A_208], %parallel_loop3A_316 : memref<128x33xf32, #tpu.memory_space<vmem>>[vector<16xi32>, vector<16xi32>], vector<16xf32>,
          %parallel_loop3A_321 = arith.constant 0 : i32
          %parallel_loop3A_322 = arith.constant 0 : i32
          %parallel_loop3A_323 = arith.constant 0 : i32
          %parallel_loop3A_324 = tpu.memref_slice %arg4[%parallel_loop3A_163, %parallel_loop3A_321, %parallel_loop3A_322, %parallel_loop3A_323] : memref<2x4x8x128xf32, #tpu.memory_space<vmem>> -> memref<1x4x8x128xf32, #tpu.memory_space<vmem>>
          %parallel_loop3A_325 = tpu.memref_squeeze %parallel_loop3A_324 : memref<1x4x8x128xf32, #tpu.memory_space<vmem>> -> memref<4x8x128xf32, #tpu.memory_space<vmem>>
          %parallel_loop3A_326 = arith.constant 0 : i32
          %parallel_loop3A_327 = arith.constant 0 : i32
          %parallel_loop3A_328 = tpu.memref_slice %parallel_loop3A_325[%parallel_loop3A_164, %parallel_loop3A_326, %parallel_loop3A_327] : memref<4x8x128xf32, #tpu.memory_space<vmem>> -> memref<1x8x128xf32, #tpu.memory_space<vmem>>
          %parallel_loop3A_329 = tpu.memref_squeeze %parallel_loop3A_328 : memref<1x8x128xf32, #tpu.memory_space<vmem>> -> memref<8x128xf32, #tpu.memory_space<vmem>>
          %parallel_loop3A_330 = arith.index_cast %parallel_loop3A_202 : i32 to index
          %parallel_loop3A_331 = arith.constant 112 : index
          %parallel_loop3A_332 = tpu.vector_load %parallel_loop3A_329[%parallel_loop3A_330, %parallel_loop3A_331] {strides = array<i32>} : memref<8x128xf32, #tpu.memory_space<vmem>>, vector<16xf32>,
          %parallel_loop3A_333 = arith.constant 0 : i32
          %parallel_loop3A_334 = arith.constant 0 : i32
          %parallel_loop3A_335 = tpu.memref_slice %arg5[%parallel_loop3A_165, %parallel_loop3A_333, %parallel_loop3A_334] : memref<2x128x33xf32, #tpu.memory_space<vmem>> -> memref<1x128x33xf32, #tpu.memory_space<vmem>>
          %parallel_loop3A_336 = tpu.memref_squeeze %parallel_loop3A_335 : memref<1x128x33xf32, #tpu.memory_space<vmem>> -> memref<128x33xf32, #tpu.memory_space<vmem>>
          tpu.vector_store_idx %parallel_loop3A_336[%add3A_31, %parallel_loop3A_208], %parallel_loop3A_332 : memref<128x33xf32, #tpu.memory_space<vmem>>[vector<16xi32>, vector<16xi32>], vector<16xf32>,
        } {sc.loop_unroll_factor = 2 : i64, sc.parallel_access}
        %parallel_loop3A_166 = arith.constant 0 : i32
        %parallel_loop3A_167 = arith.constant 8 : i32
        %parallel_loop3A_168 = arith.constant 1 : i32
        %parallel_loop3A_169 = arith.constant 0 : i32
        %parallel_loop3A_170 = arith.constant 2 : i32
        %parallel_loop3A_171 = arith.constant 0 : i32
        scf.for %parallel_loop3A_202 = %parallel_loop3A_166 to %parallel_loop3A_167 step %parallel_loop3A_168  : i32 {
          %parallel_loop3A_203 = arith.constant 0 : i32
          %parallel_loop3A_204 = vector.broadcast %parallel_loop3A_203 : i32 to vector<16xi32>
          %parallel_loop3A_205 = arith.constant 16 : i32
          %parallel_loop3A_206 = arith.addi %parallel_loop3A_205, %parallel_loop3A_202 : i32
          %parallel_loop3A_207 = vector.broadcast %parallel_loop3A_206 : i32 to vector<16xi32>
          %parallel_loop3A_208 = arith.addi %parallel_loop3A_204, %parallel_loop3A_207 : vector<16xi32>
          %parallel_loop3A_209 = arith.constant 0 : i32
          %parallel_loop3A_210 = arith.constant 0 : i32
          %parallel_loop3A_211 = arith.constant 0 : i32
          %parallel_loop3A_212 = tpu.memref_slice %arg4[%parallel_loop3A_169, %parallel_loop3A_209, %parallel_loop3A_210, %parallel_loop3A_211] : memref<2x4x8x128xf32, #tpu.memory_space<vmem>> -> memref<1x4x8x128xf32, #tpu.memory_space<vmem>>
          %parallel_loop3A_213 = tpu.memref_squeeze %parallel_loop3A_212 : memref<1x4x8x128xf32, #tpu.memory_space<vmem>> -> memref<4x8x128xf32, #tpu.memory_space<vmem>>
          %parallel_loop3A_214 = arith.constant 0 : i32
          %parallel_loop3A_215 = arith.constant 0 : i32
          %parallel_loop3A_216 = tpu.memref_slice %parallel_loop3A_213[%parallel_loop3A_170, %parallel_loop3A_214, %parallel_loop3A_215] : memref<4x8x128xf32, #tpu.memory_space<vmem>> -> memref<1x8x128xf32, #tpu.memory_space<vmem>>
          %parallel_loop3A_217 = tpu.memref_squeeze %parallel_loop3A_216 : memref<1x8x128xf32, #tpu.memory_space<vmem>> -> memref<8x128xf32, #tpu.memory_space<vmem>>
          %parallel_loop3A_218 = arith.index_cast %parallel_loop3A_202 : i32 to index
          %parallel_loop3A_219 = arith.constant 0 : index
          %parallel_loop3A_220 = tpu.vector_load %parallel_loop3A_217[%parallel_loop3A_218, %parallel_loop3A_219] {strides = array<i32>} : memref<8x128xf32, #tpu.memory_space<vmem>>, vector<16xf32>,
          %parallel_loop3A_221 = arith.constant 0 : i32
          %parallel_loop3A_222 = arith.constant 0 : i32
          %parallel_loop3A_223 = tpu.memref_slice %arg5[%parallel_loop3A_171, %parallel_loop3A_221, %parallel_loop3A_222] : memref<2x128x33xf32, #tpu.memory_space<vmem>> -> memref<1x128x33xf32, #tpu.memory_space<vmem>>
          %parallel_loop3A_224 = tpu.memref_squeeze %parallel_loop3A_223 : memref<1x128x33xf32, #tpu.memory_space<vmem>> -> memref<128x33xf32, #tpu.memory_space<vmem>>
          tpu.vector_store_idx %parallel_loop3A_224[%add3A_3, %parallel_loop3A_208], %parallel_loop3A_220 : memref<128x33xf32, #tpu.memory_space<vmem>>[vector<16xi32>, vector<16xi32>], vector<16xf32>,
          %parallel_loop3A_225 = arith.constant 0 : i32
          %parallel_loop3A_226 = arith.constant 0 : i32
          %parallel_loop3A_227 = arith.constant 0 : i32
          %parallel_loop3A_228 = tpu.memref_slice %arg4[%parallel_loop3A_169, %parallel_loop3A_225, %parallel_loop3A_226, %parallel_loop3A_227] : memref<2x4x8x128xf32, #tpu.memory_space<vmem>> -> memref<1x4x8x128xf32, #tpu.memory_space<vmem>>
          %parallel_loop3A_229 = tpu.memref_squeeze %parallel_loop3A_228 : memref<1x4x8x128xf32, #tpu.memory_space<vmem>> -> memref<4x8x128xf32, #tpu.memory_space<vmem>>
          %parallel_loop3A_230 = arith.constant 0 : i32
          %parallel_loop3A_231 = arith.constant 0 : i32
          %parallel_loop3A_232 = tpu.memref_slice %parallel_loop3A_229[%parallel_loop3A_170, %parallel_loop3A_230, %parallel_loop3A_231] : memref<4x8x128xf32, #tpu.memory_space<vmem>> -> memref<1x8x128xf32, #tpu.memory_space<vmem>>
          %parallel_loop3A_233 = tpu.memref_squeeze %parallel_loop3A_232 : memref<1x8x128xf32, #tpu.memory_space<vmem>> -> memref<8x128xf32, #tpu.memory_space<vmem>>
          %parallel_loop3A_234 = arith.index_cast %parallel_loop3A_202 : i32 to index
          %parallel_loop3A_235 = arith.constant 16 : index
          %parallel_loop3A_236 = tpu.vector_load %parallel_loop3A_233[%parallel_loop3A_234, %parallel_loop3A_235] {strides = array<i32>} : memref<8x128xf32, #tpu.memory_space<vmem>>, vector<16xf32>,
          %parallel_loop3A_237 = arith.constant 0 : i32
          %parallel_loop3A_238 = arith.constant 0 : i32
          %parallel_loop3A_239 = tpu.memref_slice %arg5[%parallel_loop3A_171, %parallel_loop3A_237, %parallel_loop3A_238] : memref<2x128x33xf32, #tpu.memory_space<vmem>> -> memref<1x128x33xf32, #tpu.memory_space<vmem>>
          %parallel_loop3A_240 = tpu.memref_squeeze %parallel_loop3A_239 : memref<1x128x33xf32, #tpu.memory_space<vmem>> -> memref<128x33xf32, #tpu.memory_space<vmem>>
          tpu.vector_store_idx %parallel_loop3A_240[%add3A_7, %parallel_loop3A_208], %parallel_loop3A_236 : memref<128x33xf32, #tpu.memory_space<vmem>>[vector<16xi32>, vector<16xi32>], vector<16xf32>,
          %parallel_loop3A_241 = arith.constant 0 : i32
          %parallel_loop3A_242 = arith.constant 0 : i32
          %parallel_loop3A_243 = arith.constant 0 : i32
          %parallel_loop3A_244 = tpu.memref_slice %arg4[%parallel_loop3A_169, %parallel_loop3A_241, %parallel_loop3A_242, %parallel_loop3A_243] : memref<2x4x8x128xf32, #tpu.memory_space<vmem>> -> memref<1x4x8x128xf32, #tpu.memory_space<vmem>>
          %parallel_loop3A_245 = tpu.memref_squeeze %parallel_loop3A_244 : memref<1x4x8x128xf32, #tpu.memory_space<vmem>> -> memref<4x8x128xf32, #tpu.memory_space<vmem>>
          %parallel_loop3A_246 = arith.constant 0 : i32
          %parallel_loop3A_247 = arith.constant 0 : i32
          %parallel_loop3A_248 = tpu.memref_slice %parallel_loop3A_245[%parallel_loop3A_170, %parallel_loop3A_246, %parallel_loop3A_247] : memref<4x8x128xf32, #tpu.memory_space<vmem>> -> memref<1x8x128xf32, #tpu.memory_space<vmem>>
          %parallel_loop3A_249 = tpu.memref_squeeze %parallel_loop3A_248 : memref<1x8x128xf32, #tpu.memory_space<vmem>> -> memref<8x128xf32, #tpu.memory_space<vmem>>
          %parallel_loop3A_250 = arith.index_cast %parallel_loop3A_202 : i32 to index
          %parallel_loop3A_251 = arith.constant 32 : index
          %parallel_loop3A_252 = tpu.vector_load %parallel_loop3A_249[%parallel_loop3A_250, %parallel_loop3A_251] {strides = array<i32>} : memref<8x128xf32, #tpu.memory_space<vmem>>, vector<16xf32>,
          %parallel_loop3A_253 = arith.constant 0 : i32
          %parallel_loop3A_254 = arith.constant 0 : i32
          %parallel_loop3A_255 = tpu.memref_slice %arg5[%parallel_loop3A_171, %parallel_loop3A_253, %parallel_loop3A_254] : memref<2x128x33xf32, #tpu.memory_space<vmem>> -> memref<1x128x33xf32, #tpu.memory_space<vmem>>
          %parallel_loop3A_256 = tpu.memref_squeeze %parallel_loop3A_255 : memref<1x128x33xf32, #tpu.memory_space<vmem>> -> memref<128x33xf32, #tpu.memory_space<vmem>>
          tpu.vector_store_idx %parallel_loop3A_256[%add3A_11, %parallel_loop3A_208], %parallel_loop3A_252 : memref<128x33xf32, #tpu.memory_space<vmem>>[vector<16xi32>, vector<16xi32>], vector<16xf32>,
          %parallel_loop3A_257 = arith.constant 0 : i32
          %parallel_loop3A_258 = arith.constant 0 : i32
          %parallel_loop3A_259 = arith.constant 0 : i32
          %parallel_loop3A_260 = tpu.memref_slice %arg4[%parallel_loop3A_169, %parallel_loop3A_257, %parallel_loop3A_258, %parallel_loop3A_259] : memref<2x4x8x128xf32, #tpu.memory_space<vmem>> -> memref<1x4x8x128xf32, #tpu.memory_space<vmem>>
          %parallel_loop3A_261 = tpu.memref_squeeze %parallel_loop3A_260 : memref<1x4x8x128xf32, #tpu.memory_space<vmem>> -> memref<4x8x128xf32, #tpu.memory_space<vmem>>
          %parallel_loop3A_262 = arith.constant 0 : i32
          %parallel_loop3A_263 = arith.constant 0 : i32
          %parallel_loop3A_264 = tpu.memref_slice %parallel_loop3A_261[%parallel_loop3A_170, %parallel_loop3A_262, %parallel_loop3A_263] : memref<4x8x128xf32, #tpu.memory_space<vmem>> -> memref<1x8x128xf32, #tpu.memory_space<vmem>>
          %parallel_loop3A_265 = tpu.memref_squeeze %parallel_loop3A_264 : memref<1x8x128xf32, #tpu.memory_space<vmem>> -> memref<8x128xf32, #tpu.memory_space<vmem>>
          %parallel_loop3A_266 = arith.index_cast %parallel_loop3A_202 : i32 to index
          %parallel_loop3A_267 = arith.constant 48 : index
          %parallel_loop3A_268 = tpu.vector_load %parallel_loop3A_265[%parallel_loop3A_266, %parallel_loop3A_267] {strides = array<i32>} : memref<8x128xf32, #tpu.memory_space<vmem>>, vector<16xf32>,
          %parallel_loop3A_269 = arith.constant 0 : i32
          %parallel_loop3A_270 = arith.constant 0 : i32
          %parallel_loop3A_271 = tpu.memref_slice %arg5[%parallel_loop3A_171, %parallel_loop3A_269, %parallel_loop3A_270] : memref<2x128x33xf32, #tpu.memory_space<vmem>> -> memref<1x128x33xf32, #tpu.memory_space<vmem>>
          %parallel_loop3A_272 = tpu.memref_squeeze %parallel_loop3A_271 : memref<1x128x33xf32, #tpu.memory_space<vmem>> -> memref<128x33xf32, #tpu.memory_space<vmem>>
          tpu.vector_store_idx %parallel_loop3A_272[%add3A_15, %parallel_loop3A_208], %parallel_loop3A_268 : memref<128x33xf32, #tpu.memory_space<vmem>>[vector<16xi32>, vector<16xi32>], vector<16xf32>,
          %parallel_loop3A_273 = arith.constant 0 : i32
          %parallel_loop3A_274 = arith.constant 0 : i32
          %parallel_loop3A_275 = arith.constant 0 : i32
          %parallel_loop3A_276 = tpu.memref_slice %arg4[%parallel_loop3A_169, %parallel_loop3A_273, %parallel_loop3A_274, %parallel_loop3A_275] : memref<2x4x8x128xf32, #tpu.memory_space<vmem>> -> memref<1x4x8x128xf32, #tpu.memory_space<vmem>>
          %parallel_loop3A_277 = tpu.memref_squeeze %parallel_loop3A_276 : memref<1x4x8x128xf32, #tpu.memory_space<vmem>> -> memref<4x8x128xf32, #tpu.memory_space<vmem>>
          %parallel_loop3A_278 = arith.constant 0 : i32
          %parallel_loop3A_279 = arith.constant 0 : i32
          %parallel_loop3A_280 = tpu.memref_slice %parallel_loop3A_277[%parallel_loop3A_170, %parallel_loop3A_278, %parallel_loop3A_279] : memref<4x8x128xf32, #tpu.memory_space<vmem>> -> memref<1x8x128xf32, #tpu.memory_space<vmem>>
          %parallel_loop3A_281 = tpu.memref_squeeze %parallel_loop3A_280 : memref<1x8x128xf32, #tpu.memory_space<vmem>> -> memref<8x128xf32, #tpu.memory_space<vmem>>
          %parallel_loop3A_282 = arith.index_cast %parallel_loop3A_202 : i32 to index
          %parallel_loop3A_283 = arith.constant 64 : index
          %parallel_loop3A_284 = tpu.vector_load %parallel_loop3A_281[%parallel_loop3A_282, %parallel_loop3A_283] {strides = array<i32>} : memref<8x128xf32, #tpu.memory_space<vmem>>, vector<16xf32>,
          %parallel_loop3A_285 = arith.constant 0 : i32
          %parallel_loop3A_286 = arith.constant 0 : i32
          %parallel_loop3A_287 = tpu.memref_slice %arg5[%parallel_loop3A_171, %parallel_loop3A_285, %parallel_loop3A_286] : memref<2x128x33xf32, #tpu.memory_space<vmem>> -> memref<1x128x33xf32, #tpu.memory_space<vmem>>
          %parallel_loop3A_288 = tpu.memref_squeeze %parallel_loop3A_287 : memref<1x128x33xf32, #tpu.memory_space<vmem>> -> memref<128x33xf32, #tpu.memory_space<vmem>>
          tpu.vector_store_idx %parallel_loop3A_288[%add3A_19, %parallel_loop3A_208], %parallel_loop3A_284 : memref<128x33xf32, #tpu.memory_space<vmem>>[vector<16xi32>, vector<16xi32>], vector<16xf32>,
          %parallel_loop3A_289 = arith.constant 0 : i32
          %parallel_loop3A_290 = arith.constant 0 : i32
          %parallel_loop3A_291 = arith.constant 0 : i32
          %parallel_loop3A_292 = tpu.memref_slice %arg4[%parallel_loop3A_169, %parallel_loop3A_289, %parallel_loop3A_290, %parallel_loop3A_291] : memref<2x4x8x128xf32, #tpu.memory_space<vmem>> -> memref<1x4x8x128xf32, #tpu.memory_space<vmem>>
          %parallel_loop3A_293 = tpu.memref_squeeze %parallel_loop3A_292 : memref<1x4x8x128xf32, #tpu.memory_space<vmem>> -> memref<4x8x128xf32, #tpu.memory_space<vmem>>
          %parallel_loop3A_294 = arith.constant 0 : i32
          %parallel_loop3A_295 = arith.constant 0 : i32
          %parallel_loop3A_296 = tpu.memref_slice %parallel_loop3A_293[%parallel_loop3A_170, %parallel_loop3A_294, %parallel_loop3A_295] : memref<4x8x128xf32, #tpu.memory_space<vmem>> -> memref<1x8x128xf32, #tpu.memory_space<vmem>>
          %parallel_loop3A_297 = tpu.memref_squeeze %parallel_loop3A_296 : memref<1x8x128xf32, #tpu.memory_space<vmem>> -> memref<8x128xf32, #tpu.memory_space<vmem>>
          %parallel_loop3A_298 = arith.index_cast %parallel_loop3A_202 : i32 to index
          %parallel_loop3A_299 = arith.constant 80 : index
          %parallel_loop3A_300 = tpu.vector_load %parallel_loop3A_297[%parallel_loop3A_298, %parallel_loop3A_299] {strides = array<i32>} : memref<8x128xf32, #tpu.memory_space<vmem>>, vector<16xf32>,
          %parallel_loop3A_301 = arith.constant 0 : i32
          %parallel_loop3A_302 = arith.constant 0 : i32
          %parallel_loop3A_303 = tpu.memref_slice %arg5[%parallel_loop3A_171, %parallel_loop3A_301, %parallel_loop3A_302] : memref<2x128x33xf32, #tpu.memory_space<vmem>> -> memref<1x128x33xf32, #tpu.memory_space<vmem>>
          %parallel_loop3A_304 = tpu.memref_squeeze %parallel_loop3A_303 : memref<1x128x33xf32, #tpu.memory_space<vmem>> -> memref<128x33xf32, #tpu.memory_space<vmem>>
          tpu.vector_store_idx %parallel_loop3A_304[%add3A_23, %parallel_loop3A_208], %parallel_loop3A_300 : memref<128x33xf32, #tpu.memory_space<vmem>>[vector<16xi32>, vector<16xi32>], vector<16xf32>,
          %parallel_loop3A_305 = arith.constant 0 : i32
          %parallel_loop3A_306 = arith.constant 0 : i32
          %parallel_loop3A_307 = arith.constant 0 : i32
          %parallel_loop3A_308 = tpu.memref_slice %arg4[%parallel_loop3A_169, %parallel_loop3A_305, %parallel_loop3A_306, %parallel_loop3A_307] : memref<2x4x8x128xf32, #tpu.memory_space<vmem>> -> memref<1x4x8x128xf32, #tpu.memory_space<vmem>>
          %parallel_loop3A_309 = tpu.memref_squeeze %parallel_loop3A_308 : memref<1x4x8x128xf32, #tpu.memory_space<vmem>> -> memref<4x8x128xf32, #tpu.memory_space<vmem>>
          %parallel_loop3A_310 = arith.constant 0 : i32
          %parallel_loop3A_311 = arith.constant 0 : i32
          %parallel_loop3A_312 = tpu.memref_slice %parallel_loop3A_309[%parallel_loop3A_170, %parallel_loop3A_310, %parallel_loop3A_311] : memref<4x8x128xf32, #tpu.memory_space<vmem>> -> memref<1x8x128xf32, #tpu.memory_space<vmem>>
          %parallel_loop3A_313 = tpu.memref_squeeze %parallel_loop3A_312 : memref<1x8x128xf32, #tpu.memory_space<vmem>> -> memref<8x128xf32, #tpu.memory_space<vmem>>
          %parallel_loop3A_314 = arith.index_cast %parallel_loop3A_202 : i32 to index
          %parallel_loop3A_315 = arith.constant 96 : index
          %parallel_loop3A_316 = tpu.vector_load %parallel_loop3A_313[%parallel_loop3A_314, %parallel_loop3A_315] {strides = array<i32>} : memref<8x128xf32, #tpu.memory_space<vmem>>, vector<16xf32>,
          %parallel_loop3A_317 = arith.constant 0 : i32
          %parallel_loop3A_318 = arith.constant 0 : i32
          %parallel_loop3A_319 = tpu.memref_slice %arg5[%parallel_loop3A_171, %parallel_loop3A_317, %parallel_loop3A_318] : memref<2x128x33xf32, #tpu.memory_space<vmem>> -> memref<1x128x33xf32, #tpu.memory_space<vmem>>
          %parallel_loop3A_320 = tpu.memref_squeeze %parallel_loop3A_319 : memref<1x128x33xf32, #tpu.memory_space<vmem>> -> memref<128x33xf32, #tpu.memory_space<vmem>>
          tpu.vector_store_idx %parallel_loop3A_320[%add3A_27, %parallel_loop3A_208], %parallel_loop3A_316 : memref<128x33xf32, #tpu.memory_space<vmem>>[vector<16xi32>, vector<16xi32>], vector<16xf32>,
          %parallel_loop3A_321 = arith.constant 0 : i32
          %parallel_loop3A_322 = arith.constant 0 : i32
          %parallel_loop3A_323 = arith.constant 0 : i32
          %parallel_loop3A_324 = tpu.memref_slice %arg4[%parallel_loop3A_169, %parallel_loop3A_321, %parallel_loop3A_322, %parallel_loop3A_323] : memref<2x4x8x128xf32, #tpu.memory_space<vmem>> -> memref<1x4x8x128xf32, #tpu.memory_space<vmem>>
          %parallel_loop3A_325 = tpu.memref_squeeze %parallel_loop3A_324 : memref<1x4x8x128xf32, #tpu.memory_space<vmem>> -> memref<4x8x128xf32, #tpu.memory_space<vmem>>
          %parallel_loop3A_326 = arith.constant 0 : i32
          %parallel_loop3A_327 = arith.constant 0 : i32
          %parallel_loop3A_328 = tpu.memref_slice %parallel_loop3A_325[%parallel_loop3A_170, %parallel_loop3A_326, %parallel_loop3A_327] : memref<4x8x128xf32, #tpu.memory_space<vmem>> -> memref<1x8x128xf32, #tpu.memory_space<vmem>>
          %parallel_loop3A_329 = tpu.memref_squeeze %parallel_loop3A_328 : memref<1x8x128xf32, #tpu.memory_space<vmem>> -> memref<8x128xf32, #tpu.memory_space<vmem>>
          %parallel_loop3A_330 = arith.index_cast %parallel_loop3A_202 : i32 to index
          %parallel_loop3A_331 = arith.constant 112 : index
          %parallel_loop3A_332 = tpu.vector_load %parallel_loop3A_329[%parallel_loop3A_330, %parallel_loop3A_331] {strides = array<i32>} : memref<8x128xf32, #tpu.memory_space<vmem>>, vector<16xf32>,
          %parallel_loop3A_333 = arith.constant 0 : i32
          %parallel_loop3A_334 = arith.constant 0 : i32
          %parallel_loop3A_335 = tpu.memref_slice %arg5[%parallel_loop3A_171, %parallel_loop3A_333, %parallel_loop3A_334] : memref<2x128x33xf32, #tpu.memory_space<vmem>> -> memref<1x128x33xf32, #tpu.memory_space<vmem>>
          %parallel_loop3A_336 = tpu.memref_squeeze %parallel_loop3A_335 : memref<1x128x33xf32, #tpu.memory_space<vmem>> -> memref<128x33xf32, #tpu.memory_space<vmem>>
          tpu.vector_store_idx %parallel_loop3A_336[%add3A_31, %parallel_loop3A_208], %parallel_loop3A_332 : memref<128x33xf32, #tpu.memory_space<vmem>>[vector<16xi32>, vector<16xi32>], vector<16xf32>,
        } {sc.loop_unroll_factor = 2 : i64, sc.parallel_access}
        %parallel_loop3A_172 = arith.constant 0 : i32
        %parallel_loop3A_173 = arith.constant 8 : i32
        %parallel_loop3A_174 = arith.constant 1 : i32
        %parallel_loop3A_175 = arith.constant 0 : i32
        %parallel_loop3A_176 = arith.constant 3 : i32
        %parallel_loop3A_177 = arith.constant 0 : i32
        scf.for %parallel_loop3A_202 = %parallel_loop3A_172 to %parallel_loop3A_173 step %parallel_loop3A_174  : i32 {
          %parallel_loop3A_203 = arith.constant 0 : i32
          %parallel_loop3A_204 = vector.broadcast %parallel_loop3A_203 : i32 to vector<16xi32>
          %parallel_loop3A_205 = arith.constant 24 : i32
          %parallel_loop3A_206 = arith.addi %parallel_loop3A_205, %parallel_loop3A_202 : i32
          %parallel_loop3A_207 = vector.broadcast %parallel_loop3A_206 : i32 to vector<16xi32>
          %parallel_loop3A_208 = arith.addi %parallel_loop3A_204, %parallel_loop3A_207 : vector<16xi32>
          %parallel_loop3A_209 = arith.constant 0 : i32
          %parallel_loop3A_210 = arith.constant 0 : i32
          %parallel_loop3A_211 = arith.constant 0 : i32
          %parallel_loop3A_212 = tpu.memref_slice %arg4[%parallel_loop3A_175, %parallel_loop3A_209, %parallel_loop3A_210, %parallel_loop3A_211] : memref<2x4x8x128xf32, #tpu.memory_space<vmem>> -> memref<1x4x8x128xf32, #tpu.memory_space<vmem>>
          %parallel_loop3A_213 = tpu.memref_squeeze %parallel_loop3A_212 : memref<1x4x8x128xf32, #tpu.memory_space<vmem>> -> memref<4x8x128xf32, #tpu.memory_space<vmem>>
          %parallel_loop3A_214 = arith.constant 0 : i32
          %parallel_loop3A_215 = arith.constant 0 : i32
          %parallel_loop3A_216 = tpu.memref_slice %parallel_loop3A_213[%parallel_loop3A_176, %parallel_loop3A_214, %parallel_loop3A_215] : memref<4x8x128xf32, #tpu.memory_space<vmem>> -> memref<1x8x128xf32, #tpu.memory_space<vmem>>
          %parallel_loop3A_217 = tpu.memref_squeeze %parallel_loop3A_216 : memref<1x8x128xf32, #tpu.memory_space<vmem>> -> memref<8x128xf32, #tpu.memory_space<vmem>>
          %parallel_loop3A_218 = arith.index_cast %parallel_loop3A_202 : i32 to index
          %parallel_loop3A_219 = arith.constant 0 : index
          %parallel_loop3A_220 = tpu.vector_load %parallel_loop3A_217[%parallel_loop3A_218, %parallel_loop3A_219] {strides = array<i32>} : memref<8x128xf32, #tpu.memory_space<vmem>>, vector<16xf32>,
          %parallel_loop3A_221 = arith.constant 0 : i32
          %parallel_loop3A_222 = arith.constant 0 : i32
          %parallel_loop3A_223 = tpu.memref_slice %arg5[%parallel_loop3A_177, %parallel_loop3A_221, %parallel_loop3A_222] : memref<2x128x33xf32, #tpu.memory_space<vmem>> -> memref<1x128x33xf32, #tpu.memory_space<vmem>>
          %parallel_loop3A_224 = tpu.memref_squeeze %parallel_loop3A_223 : memref<1x128x33xf32, #tpu.memory_space<vmem>> -> memref<128x33xf32, #tpu.memory_space<vmem>>
          tpu.vector_store_idx %parallel_loop3A_224[%add3A_3, %parallel_loop3A_208], %parallel_loop3A_220 : memref<128x33xf32, #tpu.memory_space<vmem>>[vector<16xi32>, vector<16xi32>], vector<16xf32>,
          %parallel_loop3A_225 = arith.constant 0 : i32
          %parallel_loop3A_226 = arith.constant 0 : i32
          %parallel_loop3A_227 = arith.constant 0 : i32
          %parallel_loop3A_228 = tpu.memref_slice %arg4[%parallel_loop3A_175, %parallel_loop3A_225, %parallel_loop3A_226, %parallel_loop3A_227] : memref<2x4x8x128xf32, #tpu.memory_space<vmem>> -> memref<1x4x8x128xf32, #tpu.memory_space<vmem>>
          %parallel_loop3A_229 = tpu.memref_squeeze %parallel_loop3A_228 : memref<1x4x8x128xf32, #tpu.memory_space<vmem>> -> memref<4x8x128xf32, #tpu.memory_space<vmem>>
          %parallel_loop3A_230 = arith.constant 0 : i32
          %parallel_loop3A_231 = arith.constant 0 : i32
          %parallel_loop3A_232 = tpu.memref_slice %parallel_loop3A_229[%parallel_loop3A_176, %parallel_loop3A_230, %parallel_loop3A_231] : memref<4x8x128xf32, #tpu.memory_space<vmem>> -> memref<1x8x128xf32, #tpu.memory_space<vmem>>
          %parallel_loop3A_233 = tpu.memref_squeeze %parallel_loop3A_232 : memref<1x8x128xf32, #tpu.memory_space<vmem>> -> memref<8x128xf32, #tpu.memory_space<vmem>>
          %parallel_loop3A_234 = arith.index_cast %parallel_loop3A_202 : i32 to index
          %parallel_loop3A_235 = arith.constant 16 : index
          %parallel_loop3A_236 = tpu.vector_load %parallel_loop3A_233[%parallel_loop3A_234, %parallel_loop3A_235] {strides = array<i32>} : memref<8x128xf32, #tpu.memory_space<vmem>>, vector<16xf32>,
          %parallel_loop3A_237 = arith.constant 0 : i32
          %parallel_loop3A_238 = arith.constant 0 : i32
          %parallel_loop3A_239 = tpu.memref_slice %arg5[%parallel_loop3A_177, %parallel_loop3A_237, %parallel_loop3A_238] : memref<2x128x33xf32, #tpu.memory_space<vmem>> -> memref<1x128x33xf32, #tpu.memory_space<vmem>>
          %parallel_loop3A_240 = tpu.memref_squeeze %parallel_loop3A_239 : memref<1x128x33xf32, #tpu.memory_space<vmem>> -> memref<128x33xf32, #tpu.memory_space<vmem>>
          tpu.vector_store_idx %parallel_loop3A_240[%add3A_7, %parallel_loop3A_208], %parallel_loop3A_236 : memref<128x33xf32, #tpu.memory_space<vmem>>[vector<16xi32>, vector<16xi32>], vector<16xf32>,
          %parallel_loop3A_241 = arith.constant 0 : i32
          %parallel_loop3A_242 = arith.constant 0 : i32
          %parallel_loop3A_243 = arith.constant 0 : i32
          %parallel_loop3A_244 = tpu.memref_slice %arg4[%parallel_loop3A_175, %parallel_loop3A_241, %parallel_loop3A_242, %parallel_loop3A_243] : memref<2x4x8x128xf32, #tpu.memory_space<vmem>> -> memref<1x4x8x128xf32, #tpu.memory_space<vmem>>
          %parallel_loop3A_245 = tpu.memref_squeeze %parallel_loop3A_244 : memref<1x4x8x128xf32, #tpu.memory_space<vmem>> -> memref<4x8x128xf32, #tpu.memory_space<vmem>>
          %parallel_loop3A_246 = arith.constant 0 : i32
          %parallel_loop3A_247 = arith.constant 0 : i32
          %parallel_loop3A_248 = tpu.memref_slice %parallel_loop3A_245[%parallel_loop3A_176, %parallel_loop3A_246, %parallel_loop3A_247] : memref<4x8x128xf32, #tpu.memory_space<vmem>> -> memref<1x8x128xf32, #tpu.memory_space<vmem>>
          %parallel_loop3A_249 = tpu.memref_squeeze %parallel_loop3A_248 : memref<1x8x128xf32, #tpu.memory_space<vmem>> -> memref<8x128xf32, #tpu.memory_space<vmem>>
          %parallel_loop3A_250 = arith.index_cast %parallel_loop3A_202 : i32 to index
          %parallel_loop3A_251 = arith.constant 32 : index
          %parallel_loop3A_252 = tpu.vector_load %parallel_loop3A_249[%parallel_loop3A_250, %parallel_loop3A_251] {strides = array<i32>} : memref<8x128xf32, #tpu.memory_space<vmem>>, vector<16xf32>,
          %parallel_loop3A_253 = arith.constant 0 : i32
          %parallel_loop3A_254 = arith.constant 0 : i32
          %parallel_loop3A_255 = tpu.memref_slice %arg5[%parallel_loop3A_177, %parallel_loop3A_253, %parallel_loop3A_254] : memref<2x128x33xf32, #tpu.memory_space<vmem>> -> memref<1x128x33xf32, #tpu.memory_space<vmem>>
          %parallel_loop3A_256 = tpu.memref_squeeze %parallel_loop3A_255 : memref<1x128x33xf32, #tpu.memory_space<vmem>> -> memref<128x33xf32, #tpu.memory_space<vmem>>
          tpu.vector_store_idx %parallel_loop3A_256[%add3A_11, %parallel_loop3A_208], %parallel_loop3A_252 : memref<128x33xf32, #tpu.memory_space<vmem>>[vector<16xi32>, vector<16xi32>], vector<16xf32>,
          %parallel_loop3A_257 = arith.constant 0 : i32
          %parallel_loop3A_258 = arith.constant 0 : i32
          %parallel_loop3A_259 = arith.constant 0 : i32
          %parallel_loop3A_260 = tpu.memref_slice %arg4[%parallel_loop3A_175, %parallel_loop3A_257, %parallel_loop3A_258, %parallel_loop3A_259] : memref<2x4x8x128xf32, #tpu.memory_space<vmem>> -> memref<1x4x8x128xf32, #tpu.memory_space<vmem>>
          %parallel_loop3A_261 = tpu.memref_squeeze %parallel_loop3A_260 : memref<1x4x8x128xf32, #tpu.memory_space<vmem>> -> memref<4x8x128xf32, #tpu.memory_space<vmem>>
          %parallel_loop3A_262 = arith.constant 0 : i32
          %parallel_loop3A_263 = arith.constant 0 : i32
          %parallel_loop3A_264 = tpu.memref_slice %parallel_loop3A_261[%parallel_loop3A_176, %parallel_loop3A_262, %parallel_loop3A_263] : memref<4x8x128xf32, #tpu.memory_space<vmem>> -> memref<1x8x128xf32, #tpu.memory_space<vmem>>
          %parallel_loop3A_265 = tpu.memref_squeeze %parallel_loop3A_264 : memref<1x8x128xf32, #tpu.memory_space<vmem>> -> memref<8x128xf32, #tpu.memory_space<vmem>>
          %parallel_loop3A_266 = arith.index_cast %parallel_loop3A_202 : i32 to index
          %parallel_loop3A_267 = arith.constant 48 : index
          %parallel_loop3A_268 = tpu.vector_load %parallel_loop3A_265[%parallel_loop3A_266, %parallel_loop3A_267] {strides = array<i32>} : memref<8x128xf32, #tpu.memory_space<vmem>>, vector<16xf32>,
          %parallel_loop3A_269 = arith.constant 0 : i32
          %parallel_loop3A_270 = arith.constant 0 : i32
          %parallel_loop3A_271 = tpu.memref_slice %arg5[%parallel_loop3A_177, %parallel_loop3A_269, %parallel_loop3A_270] : memref<2x128x33xf32, #tpu.memory_space<vmem>> -> memref<1x128x33xf32, #tpu.memory_space<vmem>>
          %parallel_loop3A_272 = tpu.memref_squeeze %parallel_loop3A_271 : memref<1x128x33xf32, #tpu.memory_space<vmem>> -> memref<128x33xf32, #tpu.memory_space<vmem>>
          tpu.vector_store_idx %parallel_loop3A_272[%add3A_15, %parallel_loop3A_208], %parallel_loop3A_268 : memref<128x33xf32, #tpu.memory_space<vmem>>[vector<16xi32>, vector<16xi32>], vector<16xf32>,
          %parallel_loop3A_273 = arith.constant 0 : i32
          %parallel_loop3A_274 = arith.constant 0 : i32
          %parallel_loop3A_275 = arith.constant 0 : i32
          %parallel_loop3A_276 = tpu.memref_slice %arg4[%parallel_loop3A_175, %parallel_loop3A_273, %parallel_loop3A_274, %parallel_loop3A_275] : memref<2x4x8x128xf32, #tpu.memory_space<vmem>> -> memref<1x4x8x128xf32, #tpu.memory_space<vmem>>
          %parallel_loop3A_277 = tpu.memref_squeeze %parallel_loop3A_276 : memref<1x4x8x128xf32, #tpu.memory_space<vmem>> -> memref<4x8x128xf32, #tpu.memory_space<vmem>>
          %parallel_loop3A_278 = arith.constant 0 : i32
          %parallel_loop3A_279 = arith.constant 0 : i32
          %parallel_loop3A_280 = tpu.memref_slice %parallel_loop3A_277[%parallel_loop3A_176, %parallel_loop3A_278, %parallel_loop3A_279] : memref<4x8x128xf32, #tpu.memory_space<vmem>> -> memref<1x8x128xf32, #tpu.memory_space<vmem>>
          %parallel_loop3A_281 = tpu.memref_squeeze %parallel_loop3A_280 : memref<1x8x128xf32, #tpu.memory_space<vmem>> -> memref<8x128xf32, #tpu.memory_space<vmem>>
          %parallel_loop3A_282 = arith.index_cast %parallel_loop3A_202 : i32 to index
          %parallel_loop3A_283 = arith.constant 64 : index
          %parallel_loop3A_284 = tpu.vector_load %parallel_loop3A_281[%parallel_loop3A_282, %parallel_loop3A_283] {strides = array<i32>} : memref<8x128xf32, #tpu.memory_space<vmem>>, vector<16xf32>,
          %parallel_loop3A_285 = arith.constant 0 : i32
          %parallel_loop3A_286 = arith.constant 0 : i32
          %parallel_loop3A_287 = tpu.memref_slice %arg5[%parallel_loop3A_177, %parallel_loop3A_285, %parallel_loop3A_286] : memref<2x128x33xf32, #tpu.memory_space<vmem>> -> memref<1x128x33xf32, #tpu.memory_space<vmem>>
          %parallel_loop3A_288 = tpu.memref_squeeze %parallel_loop3A_287 : memref<1x128x33xf32, #tpu.memory_space<vmem>> -> memref<128x33xf32, #tpu.memory_space<vmem>>
          tpu.vector_store_idx %parallel_loop3A_288[%add3A_19, %parallel_loop3A_208], %parallel_loop3A_284 : memref<128x33xf32, #tpu.memory_space<vmem>>[vector<16xi32>, vector<16xi32>], vector<16xf32>,
          %parallel_loop3A_289 = arith.constant 0 : i32
          %parallel_loop3A_290 = arith.constant 0 : i32
          %parallel_loop3A_291 = arith.constant 0 : i32
          %parallel_loop3A_292 = tpu.memref_slice %arg4[%parallel_loop3A_175, %parallel_loop3A_289, %parallel_loop3A_290, %parallel_loop3A_291] : memref<2x4x8x128xf32, #tpu.memory_space<vmem>> -> memref<1x4x8x128xf32, #tpu.memory_space<vmem>>
          %parallel_loop3A_293 = tpu.memref_squeeze %parallel_loop3A_292 : memref<1x4x8x128xf32, #tpu.memory_space<vmem>> -> memref<4x8x128xf32, #tpu.memory_space<vmem>>
          %parallel_loop3A_294 = arith.constant 0 : i32
          %parallel_loop3A_295 = arith.constant 0 : i32
          %parallel_loop3A_296 = tpu.memref_slice %parallel_loop3A_293[%parallel_loop3A_176, %parallel_loop3A_294, %parallel_loop3A_295] : memref<4x8x128xf32, #tpu.memory_space<vmem>> -> memref<1x8x128xf32, #tpu.memory_space<vmem>>
          %parallel_loop3A_297 = tpu.memref_squeeze %parallel_loop3A_296 : memref<1x8x128xf32, #tpu.memory_space<vmem>> -> memref<8x128xf32, #tpu.memory_space<vmem>>
          %parallel_loop3A_298 = arith.index_cast %parallel_loop3A_202 : i32 to index
          %parallel_loop3A_299 = arith.constant 80 : index
          %parallel_loop3A_300 = tpu.vector_load %parallel_loop3A_297[%parallel_loop3A_298, %parallel_loop3A_299] {strides = array<i32>} : memref<8x128xf32, #tpu.memory_space<vmem>>, vector<16xf32>,
          %parallel_loop3A_301 = arith.constant 0 : i32
          %parallel_loop3A_302 = arith.constant 0 : i32
          %parallel_loop3A_303 = tpu.memref_slice %arg5[%parallel_loop3A_177, %parallel_loop3A_301, %parallel_loop3A_302] : memref<2x128x33xf32, #tpu.memory_space<vmem>> -> memref<1x128x33xf32, #tpu.memory_space<vmem>>
          %parallel_loop3A_304 = tpu.memref_squeeze %parallel_loop3A_303 : memref<1x128x33xf32, #tpu.memory_space<vmem>> -> memref<128x33xf32, #tpu.memory_space<vmem>>
          tpu.vector_store_idx %parallel_loop3A_304[%add3A_23, %parallel_loop3A_208], %parallel_loop3A_300 : memref<128x33xf32, #tpu.memory_space<vmem>>[vector<16xi32>, vector<16xi32>], vector<16xf32>,
          %parallel_loop3A_305 = arith.constant 0 : i32
          %parallel_loop3A_306 = arith.constant 0 : i32
          %parallel_loop3A_307 = arith.constant 0 : i32
          %parallel_loop3A_308 = tpu.memref_slice %arg4[%parallel_loop3A_175, %parallel_loop3A_305, %parallel_loop3A_306, %parallel_loop3A_307] : memref<2x4x8x128xf32, #tpu.memory_space<vmem>> -> memref<1x4x8x128xf32, #tpu.memory_space<vmem>>
          %parallel_loop3A_309 = tpu.memref_squeeze %parallel_loop3A_308 : memref<1x4x8x128xf32, #tpu.memory_space<vmem>> -> memref<4x8x128xf32, #tpu.memory_space<vmem>>
          %parallel_loop3A_310 = arith.constant 0 : i32
          %parallel_loop3A_311 = arith.constant 0 : i32
          %parallel_loop3A_312 = tpu.memref_slice %parallel_loop3A_309[%parallel_loop3A_176, %parallel_loop3A_310, %parallel_loop3A_311] : memref<4x8x128xf32, #tpu.memory_space<vmem>> -> memref<1x8x128xf32, #tpu.memory_space<vmem>>
          %parallel_loop3A_313 = tpu.memref_squeeze %parallel_loop3A_312 : memref<1x8x128xf32, #tpu.memory_space<vmem>> -> memref<8x128xf32, #tpu.memory_space<vmem>>
          %parallel_loop3A_314 = arith.index_cast %parallel_loop3A_202 : i32 to index
          %parallel_loop3A_315 = arith.constant 96 : index
          %parallel_loop3A_316 = tpu.vector_load %parallel_loop3A_313[%parallel_loop3A_314, %parallel_loop3A_315] {strides = array<i32>} : memref<8x128xf32, #tpu.memory_space<vmem>>, vector<16xf32>,
          %parallel_loop3A_317 = arith.constant 0 : i32
          %parallel_loop3A_318 = arith.constant 0 : i32
          %parallel_loop3A_319 = tpu.memref_slice %arg5[%parallel_loop3A_177, %parallel_loop3A_317, %parallel_loop3A_318] : memref<2x128x33xf32, #tpu.memory_space<vmem>> -> memref<1x128x33xf32, #tpu.memory_space<vmem>>
          %parallel_loop3A_320 = tpu.memref_squeeze %parallel_loop3A_319 : memref<1x128x33xf32, #tpu.memory_space<vmem>> -> memref<128x33xf32, #tpu.memory_space<vmem>>
          tpu.vector_store_idx %parallel_loop3A_320[%add3A_27, %parallel_loop3A_208], %parallel_loop3A_316 : memref<128x33xf32, #tpu.memory_space<vmem>>[vector<16xi32>, vector<16xi32>], vector<16xf32>,
          %parallel_loop3A_321 = arith.constant 0 : i32
          %parallel_loop3A_322 = arith.constant 0 : i32
          %parallel_loop3A_323 = arith.constant 0 : i32
          %parallel_loop3A_324 = tpu.memref_slice %arg4[%parallel_loop3A_175, %parallel_loop3A_321, %parallel_loop3A_322, %parallel_loop3A_323] : memref<2x4x8x128xf32, #tpu.memory_space<vmem>> -> memref<1x4x8x128xf32, #tpu.memory_space<vmem>>
          %parallel_loop3A_325 = tpu.memref_squeeze %parallel_loop3A_324 : memref<1x4x8x128xf32, #tpu.memory_space<vmem>> -> memref<4x8x128xf32, #tpu.memory_space<vmem>>
          %parallel_loop3A_326 = arith.constant 0 : i32
          %parallel_loop3A_327 = arith.constant 0 : i32
          %parallel_loop3A_328 = tpu.memref_slice %parallel_loop3A_325[%parallel_loop3A_176, %parallel_loop3A_326, %parallel_loop3A_327] : memref<4x8x128xf32, #tpu.memory_space<vmem>> -> memref<1x8x128xf32, #tpu.memory_space<vmem>>
          %parallel_loop3A_329 = tpu.memref_squeeze %parallel_loop3A_328 : memref<1x8x128xf32, #tpu.memory_space<vmem>> -> memref<8x128xf32, #tpu.memory_space<vmem>>
          %parallel_loop3A_330 = arith.index_cast %parallel_loop3A_202 : i32 to index
          %parallel_loop3A_331 = arith.constant 112 : index
          %parallel_loop3A_332 = tpu.vector_load %parallel_loop3A_329[%parallel_loop3A_330, %parallel_loop3A_331] {strides = array<i32>} : memref<8x128xf32, #tpu.memory_space<vmem>>, vector<16xf32>,
          %parallel_loop3A_333 = arith.constant 0 : i32
          %parallel_loop3A_334 = arith.constant 0 : i32
          %parallel_loop3A_335 = tpu.memref_slice %arg5[%parallel_loop3A_177, %parallel_loop3A_333, %parallel_loop3A_334] : memref<2x128x33xf32, #tpu.memory_space<vmem>> -> memref<1x128x33xf32, #tpu.memory_space<vmem>>
          %parallel_loop3A_336 = tpu.memref_squeeze %parallel_loop3A_335 : memref<1x128x33xf32, #tpu.memory_space<vmem>> -> memref<128x33xf32, #tpu.memory_space<vmem>>
          tpu.vector_store_idx %parallel_loop3A_336[%add3A_31, %parallel_loop3A_208], %parallel_loop3A_332 : memref<128x33xf32, #tpu.memory_space<vmem>>[vector<16xi32>, vector<16xi32>], vector<16xf32>,
        } {sc.loop_unroll_factor = 2 : i64, sc.parallel_access}
        %mul3A_178 = arith.constant 32 : i32
        %mul3A_179 = arith.muli %add3A_104, %mul3A_178 : i32
        %add3A_180 = arith.addi %add3A, %mul3A_179 : i32
        %mul3A_181 = arith.constant 128 : i32
        %mul3A_182 = arith.muli %add3A_180, %mul3A_181 : i32
        %dma_start3A_183 = arith.constant 0 : i32
        %dma_start3A_184 = arith.constant 0 : i32
        %dma_start3A_185 = arith.constant 0 : i32
        %dma_start3A_186 = tpu.memref_slice %arg5[%dma_start3A_183, %dma_start3A_184, %dma_start3A_185] : memref<2x128x33xf32, #tpu.memory_space<vmem>> -> memref<1x128x33xf32, #tpu.memory_space<vmem>>
        %dma_start3A_187 = tpu.memref_squeeze %dma_start3A_186 : memref<1x128x33xf32, #tpu.memory_space<vmem>> -> memref<128x33xf32, #tpu.memory_space<vmem>>
        %dma_start3A_188 = arith.constant 0 : i32
        %dma_start3A_189 = arith.constant 0 : i32
        %dma_start3A_190 = tpu.memref_slice %dma_start3A_187[%dma_start3A_188, %dma_start3A_189] : memref<128x33xf32, #tpu.memory_space<vmem>> -> memref<128x32xf32, #tpu.memory_space<vmem>>
        %dma_start3A_191 = arith.constant 0 : i32
        %dma_start3A_192 = tpu.memref_slice %arg3[%mul3A_182, %dma_start3A_191] : memref<1000064x32xf32, #tpu.memory_space<hbm>> -> memref<128x32xf32, #tpu.memory_space<hbm>>
        %dma_start3A_193 = arith.constant 0 : i32
        %dma_start3A_194 = tpu.memref_slice %arg3[%mul3A_182, %dma_start3A_193] : memref<1000064x32xf32, #tpu.memory_space<hbm>> -> memref<128x32xf32, #tpu.memory_space<hbm>>
        %dma_start3A_195 = arith.constant 0 : i32
        %dma_start3A_196 = arith.constant 0 : i32
        %dma_start3A_197 = tpu.memref_slice %arg5[%dma_start3A_183, %dma_start3A_195, %dma_start3A_196] : memref<2x128x33xf32, #tpu.memory_space<vmem>> -> memref<1x128x33xf32, #tpu.memory_space<vmem>>
        %dma_start3A_198 = tpu.memref_squeeze %dma_start3A_197 : memref<1x128x33xf32, #tpu.memory_space<vmem>> -> memref<128x33xf32, #tpu.memory_space<vmem>>
        %dma_start3A_199 = arith.constant 0 : i32
        %dma_start3A_200 = arith.constant 0 : i32
        %dma_start3A_201 = tpu.memref_slice %dma_start3A_198[%dma_start3A_199, %dma_start3A_200] : memref<128x33xf32, #tpu.memory_space<vmem>> -> memref<128x32xf32, #tpu.memory_space<vmem>>
        tpu.enqueue_dma source(%dma_start3A_201 : memref<128x32xf32, #tpu.memory_space<vmem>>) target(%dma_start3A_194 : memref<128x32xf32, #tpu.memory_space<hbm>>) target_semaphore(%arg8 : memref<!tpu.dma_semaphore, #tpu.memory_space<semaphore_mem>>)
      } else {
      }
      %mul3A_110 = arith.constant 2 : i32
      %mul3A_111 = arith.muli %scan3A_100, %mul3A_110 : i32
      %add3A_112 = arith.constant 1 : i32
      %add3A_113 = arith.addi %mul3A_111, %add3A_112 : i32
      %mul3A_114 = arith.constant 32 : i32
      %mul3A_115 = arith.muli %add3A_113, %mul3A_114 : i32
      %add3A_116 = arith.addi %add3A, %mul3A_115 : i32
      %lt3A_117 = arith.constant 7813 : i32
      %lt3A_118 = arith.cmpi slt, %add3A_116, %lt3A_117 : i32
      %convert_element_type3A_119 = arith.extui %lt3A_118 : i1 to i32
      %cond3A_120 = arith.constant 0 : i32
      %cond3A_121 = arith.cmpi ne, %convert_element_type3A_119, %cond3A_120 : i32
      scf.if %cond3A_121 {
        %dma_wait3A_122 = arith.constant 0 : i32
        %dma_wait3A_123 = arith.constant 1 : i32
        %dma_wait3A_124 = arith.constant 0 : i32
        %dma_wait3A_125 = arith.constant 0 : i32
        %dma_wait3A_126 = arith.constant 0 : i32
        %dma_wait3A_127 = tpu.memref_slice %arg4[%dma_wait3A_123, %dma_wait3A_124, %dma_wait3A_125, %dma_wait3A_126] : memref<2x4x8x128xf32, #tpu.memory_space<vmem>> -> memref<1x4x8x128xf32, #tpu.memory_space<vmem>>
        %dma_wait3A_128 = tpu.memref_squeeze %dma_wait3A_127 : memref<1x4x8x128xf32, #tpu.memory_space<vmem>> -> memref<4x8x128xf32, #tpu.memory_space<vmem>>
        %dma_wait3A_129 = arith.constant 0 : i32
        %dma_wait3A_130 = arith.constant 0 : i32
        %dma_wait3A_131 = arith.constant 0 : i32
        %dma_wait3A_132 = tpu.memref_slice %arg2[%dma_wait3A_129, %dma_wait3A_122, %dma_wait3A_130, %dma_wait3A_131] : memref<4x7813x8x128xf32, #tpu.memory_space<hbm>> -> memref<4x1x8x128xf32, #tpu.memory_space<hbm>>
        %dma_wait3A_133 = tpu.memref_squeeze %dma_wait3A_132 : memref<4x1x8x128xf32, #tpu.memory_space<hbm>> -> memref<4x8x128xf32, #tpu.memory_space<hbm>>
        %dma_wait3A_134 = arith.constant 0 : i32
        %dma_wait3A_135 = arith.constant 0 : i32
        %dma_wait3A_136 = arith.constant 0 : i32
        %dma_wait3A_137 = tpu.memref_slice %arg4[%dma_wait3A_123, %dma_wait3A_134, %dma_wait3A_135, %dma_wait3A_136] : memref<2x4x8x128xf32, #tpu.memory_space<vmem>> -> memref<1x4x8x128xf32, #tpu.memory_space<vmem>>
        %dma_wait3A_138 = tpu.memref_squeeze %dma_wait3A_137 : memref<1x4x8x128xf32, #tpu.memory_space<vmem>> -> memref<4x8x128xf32, #tpu.memory_space<vmem>>
        %dma_wait3A_139 = arith.constant 0 : i32
        %dma_wait3A_140 = arith.constant 0 : i32
        %dma_wait3A_141 = arith.constant 0 : i32
        %dma_wait3A_142 = tpu.memref_slice %arg2[%dma_wait3A_139, %dma_wait3A_122, %dma_wait3A_140, %dma_wait3A_141] : memref<4x7813x8x128xf32, #tpu.memory_space<hbm>> -> memref<4x1x8x128xf32, #tpu.memory_space<hbm>>
        %dma_wait3A_143 = tpu.memref_squeeze %dma_wait3A_142 : memref<4x1x8x128xf32, #tpu.memory_space<hbm>> -> memref<4x8x128xf32, #tpu.memory_space<hbm>>
        tpu.wait_dma2 semaphore(%arg7 : memref<!tpu.dma_semaphore, #tpu.memory_space<semaphore_mem>>) src(%dma_wait3A_143 : memref<4x8x128xf32, #tpu.memory_space<hbm>>) dst(%dma_wait3A_138 : memref<4x8x128xf32, #tpu.memory_space<vmem>>)
        %add3A_144 = arith.constant 32 : i32
        %add3A_145 = arith.addi %add3A_116, %add3A_144 : i32
        %lt3A_146 = arith.constant 7813 : i32
        %lt3A_147 = arith.cmpi slt, %add3A_145, %lt3A_146 : i32
        %convert_element_type3A_148 = arith.extui %lt3A_147 : i1 to i32
        %cond3A_149 = arith.constant 0 : i32
        %cond3A_150 = arith.cmpi ne, %convert_element_type3A_148, %cond3A_149 : i32
        scf.if %cond3A_150 {
          %add3A_202 = arith.constant 1 : i32
          %add3A_203 = arith.addi %add3A_113, %add3A_202 : i32
          %mul3A_204 = arith.constant 32 : i32
          %mul3A_205 = arith.muli %add3A_203, %mul3A_204 : i32
          %add3A_206 = arith.addi %add3A, %mul3A_205 : i32
          %dma_start3A_207 = arith.constant 0 : i32
          %dma_start3A_208 = arith.constant 0 : i32
          %dma_start3A_209 = arith.constant 0 : i32
          %dma_start3A_210 = arith.constant 0 : i32
          %dma_start3A_211 = tpu.memref_slice %arg4[%dma_start3A_207, %dma_start3A_208, %dma_start3A_209, %dma_start3A_210] : memref<2x4x8x128xf32, #tpu.memory_space<vmem>> -> memref<1x4x8x128xf32, #tpu.memory_space<vmem>>
          %dma_start3A_212 = tpu.memref_squeeze %dma_start3A_211 : memref<1x4x8x128xf32, #tpu.memory_space<vmem>> -> memref<4x8x128xf32, #tpu.memory_space<vmem>>
          %dma_start3A_213 = arith.constant 0 : i32
          %dma_start3A_214 = arith.constant 0 : i32
          %dma_start3A_215 = arith.constant 0 : i32
          %dma_start3A_216 = tpu.memref_slice %arg2[%dma_start3A_213, %add3A_206, %dma_start3A_214, %dma_start3A_215] : memref<4x7813x8x128xf32, #tpu.memory_space<hbm>> -> memref<4x1x8x128xf32, #tpu.memory_space<hbm>>
          %dma_start3A_217 = tpu.memref_squeeze %dma_start3A_216 : memref<4x1x8x128xf32, #tpu.memory_space<hbm>> -> memref<4x8x128xf32, #tpu.memory_space<hbm>>
          %dma_start3A_218 = arith.constant 0 : i32
          %dma_start3A_219 = arith.constant 0 : i32
          %dma_start3A_220 = arith.constant 0 : i32
          %dma_start3A_221 = tpu.memref_slice %arg4[%dma_start3A_207, %dma_start3A_218, %dma_start3A_219, %dma_start3A_220] : memref<2x4x8x128xf32, #tpu.memory_space<vmem>> -> memref<1x4x8x128xf32, #tpu.memory_space<vmem>>
          %dma_start3A_222 = tpu.memref_squeeze %dma_start3A_221 : memref<1x4x8x128xf32, #tpu.memory_space<vmem>> -> memref<4x8x128xf32, #tpu.memory_space<vmem>>
          %dma_start3A_223 = arith.constant 0 : i32
          %dma_start3A_224 = arith.constant 0 : i32
          %dma_start3A_225 = arith.constant 0 : i32
          %dma_start3A_226 = tpu.memref_slice %arg2[%dma_start3A_223, %add3A_206, %dma_start3A_224, %dma_start3A_225] : memref<4x7813x8x128xf32, #tpu.memory_space<hbm>> -> memref<4x1x8x128xf32, #tpu.memory_space<hbm>>
          %dma_start3A_227 = tpu.memref_squeeze %dma_start3A_226 : memref<4x1x8x128xf32, #tpu.memory_space<hbm>> -> memref<4x8x128xf32, #tpu.memory_space<hbm>>
          tpu.enqueue_dma source(%dma_start3A_227 : memref<4x8x128xf32, #tpu.memory_space<hbm>>) target(%dma_start3A_222 : memref<4x8x128xf32, #tpu.memory_space<vmem>>) target_semaphore(%arg6 : memref<!tpu.dma_semaphore, #tpu.memory_space<semaphore_mem>>)
        } else {
        }
        %ge3A = arith.constant 2 : i32
        %ge3A_151 = arith.cmpi sge, %add3A_113, %ge3A : i32
        %convert_element_type3A_152 = arith.extui %ge3A_151 : i1 to i32
        %cond3A_153 = arith.constant 0 : i32
        %cond3A_154 = arith.cmpi ne, %convert_element_type3A_152, %cond3A_153 : i32
        scf.if %cond3A_154 {
          %dma_wait3A_202 = arith.constant 1 : i32
          %dma_wait3A_203 = arith.constant 0 : i32
          %dma_wait3A_204 = arith.constant 0 : i32
          %dma_wait3A_205 = tpu.memref_slice %arg5[%dma_wait3A_202, %dma_wait3A_203, %dma_wait3A_204] : memref<2x128x33xf32, #tpu.memory_space<vmem>> -> memref<1x128x33xf32, #tpu.memory_space<vmem>>
          %dma_wait3A_206 = tpu.memref_squeeze %dma_wait3A_205 : memref<1x128x33xf32, #tpu.memory_space<vmem>> -> memref<128x33xf32, #tpu.memory_space<vmem>>
          %dma_wait3A_207 = arith.constant 0 : i32
          %dma_wait3A_208 = arith.constant 0 : i32
          %dma_wait3A_209 = tpu.memref_slice %dma_wait3A_206[%dma_wait3A_207, %dma_wait3A_208] : memref<128x33xf32, #tpu.memory_space<vmem>> -> memref<128x32xf32, #tpu.memory_space<vmem>>
          %dma_wait3A_210 = arith.constant 0 : i32
          %dma_wait3A_211 = arith.constant 0 : i32
          %dma_wait3A_212 = tpu.memref_slice %arg3[%dma_wait3A_210, %dma_wait3A_211] : memref<1000064x32xf32, #tpu.memory_space<hbm>> -> memref<128x32xf32, #tpu.memory_space<hbm>>
          %dma_wait3A_213 = arith.constant 0 : i32
          %dma_wait3A_214 = arith.constant 0 : i32
          %dma_wait3A_215 = tpu.memref_slice %arg3[%dma_wait3A_213, %dma_wait3A_214] : memref<1000064x32xf32, #tpu.memory_space<hbm>> -> memref<128x32xf32, #tpu.memory_space<hbm>>
          %dma_wait3A_216 = arith.constant 0 : i32
          %dma_wait3A_217 = arith.constant 0 : i32
          %dma_wait3A_218 = tpu.memref_slice %arg5[%dma_wait3A_202, %dma_wait3A_216, %dma_wait3A_217] : memref<2x128x33xf32, #tpu.memory_space<vmem>> -> memref<1x128x33xf32, #tpu.memory_space<vmem>>
          %dma_wait3A_219 = tpu.memref_squeeze %dma_wait3A_218 : memref<1x128x33xf32, #tpu.memory_space<vmem>> -> memref<128x33xf32, #tpu.memory_space<vmem>>
          %dma_wait3A_220 = arith.constant 0 : i32
          %dma_wait3A_221 = arith.constant 0 : i32
          %dma_wait3A_222 = tpu.memref_slice %dma_wait3A_219[%dma_wait3A_220, %dma_wait3A_221] : memref<128x33xf32, #tpu.memory_space<vmem>> -> memref<128x32xf32, #tpu.memory_space<vmem>>
          tpu.wait_dma2 semaphore(%arg9 : memref<!tpu.dma_semaphore, #tpu.memory_space<semaphore_mem>>) src(%dma_wait3A_222 : memref<128x32xf32, #tpu.memory_space<vmem>>) dst(%dma_wait3A_215 : memref<128x32xf32, #tpu.memory_space<hbm>>)
        } else {
        }
        %parallel_loop3A = arith.constant 0 : i32
        %parallel_loop3A_155 = arith.constant 8 : i32
        %parallel_loop3A_156 = arith.constant 1 : i32
        %parallel_loop3A_157 = arith.constant 1 : i32
        %parallel_loop3A_158 = arith.constant 0 : i32
        %parallel_loop3A_159 = arith.constant 1 : i32
        scf.for %parallel_loop3A_202 = %parallel_loop3A to %parallel_loop3A_155 step %parallel_loop3A_156  : i32 {
          %parallel_loop3A_203 = arith.constant 0 : i32
          %parallel_loop3A_204 = vector.broadcast %parallel_loop3A_203 : i32 to vector<16xi32>
          %parallel_loop3A_205 = arith.constant 0 : i32
          %parallel_loop3A_206 = arith.addi %parallel_loop3A_205, %parallel_loop3A_202 : i32
          %parallel_loop3A_207 = vector.broadcast %parallel_loop3A_206 : i32 to vector<16xi32>
          %parallel_loop3A_208 = arith.addi %parallel_loop3A_204, %parallel_loop3A_207 : vector<16xi32>
          %parallel_loop3A_209 = arith.constant 0 : i32
          %parallel_loop3A_210 = arith.constant 0 : i32
          %parallel_loop3A_211 = arith.constant 0 : i32
          %parallel_loop3A_212 = tpu.memref_slice %arg4[%parallel_loop3A_157, %parallel_loop3A_209, %parallel_loop3A_210, %parallel_loop3A_211] : memref<2x4x8x128xf32, #tpu.memory_space<vmem>> -> memref<1x4x8x128xf32, #tpu.memory_space<vmem>>
          %parallel_loop3A_213 = tpu.memref_squeeze %parallel_loop3A_212 : memref<1x4x8x128xf32, #tpu.memory_space<vmem>> -> memref<4x8x128xf32, #tpu.memory_space<vmem>>
          %parallel_loop3A_214 = arith.constant 0 : i32
          %parallel_loop3A_215 = arith.constant 0 : i32
          %parallel_loop3A_216 = tpu.memref_slice %parallel_loop3A_213[%parallel_loop3A_158, %parallel_loop3A_214, %parallel_loop3A_215] : memref<4x8x128xf32, #tpu.memory_space<vmem>> -> memref<1x8x128xf32, #tpu.memory_space<vmem>>
          %parallel_loop3A_217 = tpu.memref_squeeze %parallel_loop3A_216 : memref<1x8x128xf32, #tpu.memory_space<vmem>> -> memref<8x128xf32, #tpu.memory_space<vmem>>
          %parallel_loop3A_218 = arith.index_cast %parallel_loop3A_202 : i32 to index
          %parallel_loop3A_219 = arith.constant 0 : index
          %parallel_loop3A_220 = tpu.vector_load %parallel_loop3A_217[%parallel_loop3A_218, %parallel_loop3A_219] {strides = array<i32>} : memref<8x128xf32, #tpu.memory_space<vmem>>, vector<16xf32>,
          %parallel_loop3A_221 = arith.constant 0 : i32
          %parallel_loop3A_222 = arith.constant 0 : i32
          %parallel_loop3A_223 = tpu.memref_slice %arg5[%parallel_loop3A_159, %parallel_loop3A_221, %parallel_loop3A_222] : memref<2x128x33xf32, #tpu.memory_space<vmem>> -> memref<1x128x33xf32, #tpu.memory_space<vmem>>
          %parallel_loop3A_224 = tpu.memref_squeeze %parallel_loop3A_223 : memref<1x128x33xf32, #tpu.memory_space<vmem>> -> memref<128x33xf32, #tpu.memory_space<vmem>>
          tpu.vector_store_idx %parallel_loop3A_224[%add3A_3, %parallel_loop3A_208], %parallel_loop3A_220 : memref<128x33xf32, #tpu.memory_space<vmem>>[vector<16xi32>, vector<16xi32>], vector<16xf32>,
          %parallel_loop3A_225 = arith.constant 0 : i32
          %parallel_loop3A_226 = arith.constant 0 : i32
          %parallel_loop3A_227 = arith.constant 0 : i32
          %parallel_loop3A_228 = tpu.memref_slice %arg4[%parallel_loop3A_157, %parallel_loop3A_225, %parallel_loop3A_226, %parallel_loop3A_227] : memref<2x4x8x128xf32, #tpu.memory_space<vmem>> -> memref<1x4x8x128xf32, #tpu.memory_space<vmem>>
          %parallel_loop3A_229 = tpu.memref_squeeze %parallel_loop3A_228 : memref<1x4x8x128xf32, #tpu.memory_space<vmem>> -> memref<4x8x128xf32, #tpu.memory_space<vmem>>
          %parallel_loop3A_230 = arith.constant 0 : i32
          %parallel_loop3A_231 = arith.constant 0 : i32
          %parallel_loop3A_232 = tpu.memref_slice %parallel_loop3A_229[%parallel_loop3A_158, %parallel_loop3A_230, %parallel_loop3A_231] : memref<4x8x128xf32, #tpu.memory_space<vmem>> -> memref<1x8x128xf32, #tpu.memory_space<vmem>>
          %parallel_loop3A_233 = tpu.memref_squeeze %parallel_loop3A_232 : memref<1x8x128xf32, #tpu.memory_space<vmem>> -> memref<8x128xf32, #tpu.memory_space<vmem>>
          %parallel_loop3A_234 = arith.index_cast %parallel_loop3A_202 : i32 to index
          %parallel_loop3A_235 = arith.constant 16 : index
          %parallel_loop3A_236 = tpu.vector_load %parallel_loop3A_233[%parallel_loop3A_234, %parallel_loop3A_235] {strides = array<i32>} : memref<8x128xf32, #tpu.memory_space<vmem>>, vector<16xf32>,
          %parallel_loop3A_237 = arith.constant 0 : i32
          %parallel_loop3A_238 = arith.constant 0 : i32
          %parallel_loop3A_239 = tpu.memref_slice %arg5[%parallel_loop3A_159, %parallel_loop3A_237, %parallel_loop3A_238] : memref<2x128x33xf32, #tpu.memory_space<vmem>> -> memref<1x128x33xf32, #tpu.memory_space<vmem>>
          %parallel_loop3A_240 = tpu.memref_squeeze %parallel_loop3A_239 : memref<1x128x33xf32, #tpu.memory_space<vmem>> -> memref<128x33xf32, #tpu.memory_space<vmem>>
          tpu.vector_store_idx %parallel_loop3A_240[%add3A_7, %parallel_loop3A_208], %parallel_loop3A_236 : memref<128x33xf32, #tpu.memory_space<vmem>>[vector<16xi32>, vector<16xi32>], vector<16xf32>,
          %parallel_loop3A_241 = arith.constant 0 : i32
          %parallel_loop3A_242 = arith.constant 0 : i32
          %parallel_loop3A_243 = arith.constant 0 : i32
          %parallel_loop3A_244 = tpu.memref_slice %arg4[%parallel_loop3A_157, %parallel_loop3A_241, %parallel_loop3A_242, %parallel_loop3A_243] : memref<2x4x8x128xf32, #tpu.memory_space<vmem>> -> memref<1x4x8x128xf32, #tpu.memory_space<vmem>>
          %parallel_loop3A_245 = tpu.memref_squeeze %parallel_loop3A_244 : memref<1x4x8x128xf32, #tpu.memory_space<vmem>> -> memref<4x8x128xf32, #tpu.memory_space<vmem>>
          %parallel_loop3A_246 = arith.constant 0 : i32
          %parallel_loop3A_247 = arith.constant 0 : i32
          %parallel_loop3A_248 = tpu.memref_slice %parallel_loop3A_245[%parallel_loop3A_158, %parallel_loop3A_246, %parallel_loop3A_247] : memref<4x8x128xf32, #tpu.memory_space<vmem>> -> memref<1x8x128xf32, #tpu.memory_space<vmem>>
          %parallel_loop3A_249 = tpu.memref_squeeze %parallel_loop3A_248 : memref<1x8x128xf32, #tpu.memory_space<vmem>> -> memref<8x128xf32, #tpu.memory_space<vmem>>
          %parallel_loop3A_250 = arith.index_cast %parallel_loop3A_202 : i32 to index
          %parallel_loop3A_251 = arith.constant 32 : index
          %parallel_loop3A_252 = tpu.vector_load %parallel_loop3A_249[%parallel_loop3A_250, %parallel_loop3A_251] {strides = array<i32>} : memref<8x128xf32, #tpu.memory_space<vmem>>, vector<16xf32>,
          %parallel_loop3A_253 = arith.constant 0 : i32
          %parallel_loop3A_254 = arith.constant 0 : i32
          %parallel_loop3A_255 = tpu.memref_slice %arg5[%parallel_loop3A_159, %parallel_loop3A_253, %parallel_loop3A_254] : memref<2x128x33xf32, #tpu.memory_space<vmem>> -> memref<1x128x33xf32, #tpu.memory_space<vmem>>
          %parallel_loop3A_256 = tpu.memref_squeeze %parallel_loop3A_255 : memref<1x128x33xf32, #tpu.memory_space<vmem>> -> memref<128x33xf32, #tpu.memory_space<vmem>>
          tpu.vector_store_idx %parallel_loop3A_256[%add3A_11, %parallel_loop3A_208], %parallel_loop3A_252 : memref<128x33xf32, #tpu.memory_space<vmem>>[vector<16xi32>, vector<16xi32>], vector<16xf32>,
          %parallel_loop3A_257 = arith.constant 0 : i32
          %parallel_loop3A_258 = arith.constant 0 : i32
          %parallel_loop3A_259 = arith.constant 0 : i32
          %parallel_loop3A_260 = tpu.memref_slice %arg4[%parallel_loop3A_157, %parallel_loop3A_257, %parallel_loop3A_258, %parallel_loop3A_259] : memref<2x4x8x128xf32, #tpu.memory_space<vmem>> -> memref<1x4x8x128xf32, #tpu.memory_space<vmem>>
          %parallel_loop3A_261 = tpu.memref_squeeze %parallel_loop3A_260 : memref<1x4x8x128xf32, #tpu.memory_space<vmem>> -> memref<4x8x128xf32, #tpu.memory_space<vmem>>
          %parallel_loop3A_262 = arith.constant 0 : i32
          %parallel_loop3A_263 = arith.constant 0 : i32
          %parallel_loop3A_264 = tpu.memref_slice %parallel_loop3A_261[%parallel_loop3A_158, %parallel_loop3A_262, %parallel_loop3A_263] : memref<4x8x128xf32, #tpu.memory_space<vmem>> -> memref<1x8x128xf32, #tpu.memory_space<vmem>>
          %parallel_loop3A_265 = tpu.memref_squeeze %parallel_loop3A_264 : memref<1x8x128xf32, #tpu.memory_space<vmem>> -> memref<8x128xf32, #tpu.memory_space<vmem>>
          %parallel_loop3A_266 = arith.index_cast %parallel_loop3A_202 : i32 to index
          %parallel_loop3A_267 = arith.constant 48 : index
          %parallel_loop3A_268 = tpu.vector_load %parallel_loop3A_265[%parallel_loop3A_266, %parallel_loop3A_267] {strides = array<i32>} : memref<8x128xf32, #tpu.memory_space<vmem>>, vector<16xf32>,
          %parallel_loop3A_269 = arith.constant 0 : i32
          %parallel_loop3A_270 = arith.constant 0 : i32
          %parallel_loop3A_271 = tpu.memref_slice %arg5[%parallel_loop3A_159, %parallel_loop3A_269, %parallel_loop3A_270] : memref<2x128x33xf32, #tpu.memory_space<vmem>> -> memref<1x128x33xf32, #tpu.memory_space<vmem>>
          %parallel_loop3A_272 = tpu.memref_squeeze %parallel_loop3A_271 : memref<1x128x33xf32, #tpu.memory_space<vmem>> -> memref<128x33xf32, #tpu.memory_space<vmem>>
          tpu.vector_store_idx %parallel_loop3A_272[%add3A_15, %parallel_loop3A_208], %parallel_loop3A_268 : memref<128x33xf32, #tpu.memory_space<vmem>>[vector<16xi32>, vector<16xi32>], vector<16xf32>,
          %parallel_loop3A_273 = arith.constant 0 : i32
          %parallel_loop3A_274 = arith.constant 0 : i32
          %parallel_loop3A_275 = arith.constant 0 : i32
          %parallel_loop3A_276 = tpu.memref_slice %arg4[%parallel_loop3A_157, %parallel_loop3A_273, %parallel_loop3A_274, %parallel_loop3A_275] : memref<2x4x8x128xf32, #tpu.memory_space<vmem>> -> memref<1x4x8x128xf32, #tpu.memory_space<vmem>>
          %parallel_loop3A_277 = tpu.memref_squeeze %parallel_loop3A_276 : memref<1x4x8x128xf32, #tpu.memory_space<vmem>> -> memref<4x8x128xf32, #tpu.memory_space<vmem>>
          %parallel_loop3A_278 = arith.constant 0 : i32
          %parallel_loop3A_279 = arith.constant 0 : i32
          %parallel_loop3A_280 = tpu.memref_slice %parallel_loop3A_277[%parallel_loop3A_158, %parallel_loop3A_278, %parallel_loop3A_279] : memref<4x8x128xf32, #tpu.memory_space<vmem>> -> memref<1x8x128xf32, #tpu.memory_space<vmem>>
          %parallel_loop3A_281 = tpu.memref_squeeze %parallel_loop3A_280 : memref<1x8x128xf32, #tpu.memory_space<vmem>> -> memref<8x128xf32, #tpu.memory_space<vmem>>
          %parallel_loop3A_282 = arith.index_cast %parallel_loop3A_202 : i32 to index
          %parallel_loop3A_283 = arith.constant 64 : index
          %parallel_loop3A_284 = tpu.vector_load %parallel_loop3A_281[%parallel_loop3A_282, %parallel_loop3A_283] {strides = array<i32>} : memref<8x128xf32, #tpu.memory_space<vmem>>, vector<16xf32>,
          %parallel_loop3A_285 = arith.constant 0 : i32
          %parallel_loop3A_286 = arith.constant 0 : i32
          %parallel_loop3A_287 = tpu.memref_slice %arg5[%parallel_loop3A_159, %parallel_loop3A_285, %parallel_loop3A_286] : memref<2x128x33xf32, #tpu.memory_space<vmem>> -> memref<1x128x33xf32, #tpu.memory_space<vmem>>
          %parallel_loop3A_288 = tpu.memref_squeeze %parallel_loop3A_287 : memref<1x128x33xf32, #tpu.memory_space<vmem>> -> memref<128x33xf32, #tpu.memory_space<vmem>>
          tpu.vector_store_idx %parallel_loop3A_288[%add3A_19, %parallel_loop3A_208], %parallel_loop3A_284 : memref<128x33xf32, #tpu.memory_space<vmem>>[vector<16xi32>, vector<16xi32>], vector<16xf32>,
          %parallel_loop3A_289 = arith.constant 0 : i32
          %parallel_loop3A_290 = arith.constant 0 : i32
          %parallel_loop3A_291 = arith.constant 0 : i32
          %parallel_loop3A_292 = tpu.memref_slice %arg4[%parallel_loop3A_157, %parallel_loop3A_289, %parallel_loop3A_290, %parallel_loop3A_291] : memref<2x4x8x128xf32, #tpu.memory_space<vmem>> -> memref<1x4x8x128xf32, #tpu.memory_space<vmem>>
          %parallel_loop3A_293 = tpu.memref_squeeze %parallel_loop3A_292 : memref<1x4x8x128xf32, #tpu.memory_space<vmem>> -> memref<4x8x128xf32, #tpu.memory_space<vmem>>
          %parallel_loop3A_294 = arith.constant 0 : i32
          %parallel_loop3A_295 = arith.constant 0 : i32
          %parallel_loop3A_296 = tpu.memref_slice %parallel_loop3A_293[%parallel_loop3A_158, %parallel_loop3A_294, %parallel_loop3A_295] : memref<4x8x128xf32, #tpu.memory_space<vmem>> -> memref<1x8x128xf32, #tpu.memory_space<vmem>>
          %parallel_loop3A_297 = tpu.memref_squeeze %parallel_loop3A_296 : memref<1x8x128xf32, #tpu.memory_space<vmem>> -> memref<8x128xf32, #tpu.memory_space<vmem>>
          %parallel_loop3A_298 = arith.index_cast %parallel_loop3A_202 : i32 to index
          %parallel_loop3A_299 = arith.constant 80 : index
          %parallel_loop3A_300 = tpu.vector_load %parallel_loop3A_297[%parallel_loop3A_298, %parallel_loop3A_299] {strides = array<i32>} : memref<8x128xf32, #tpu.memory_space<vmem>>, vector<16xf32>,
          %parallel_loop3A_301 = arith.constant 0 : i32
          %parallel_loop3A_302 = arith.constant 0 : i32
          %parallel_loop3A_303 = tpu.memref_slice %arg5[%parallel_loop3A_159, %parallel_loop3A_301, %parallel_loop3A_302] : memref<2x128x33xf32, #tpu.memory_space<vmem>> -> memref<1x128x33xf32, #tpu.memory_space<vmem>>
          %parallel_loop3A_304 = tpu.memref_squeeze %parallel_loop3A_303 : memref<1x128x33xf32, #tpu.memory_space<vmem>> -> memref<128x33xf32, #tpu.memory_space<vmem>>
          tpu.vector_store_idx %parallel_loop3A_304[%add3A_23, %parallel_loop3A_208], %parallel_loop3A_300 : memref<128x33xf32, #tpu.memory_space<vmem>>[vector<16xi32>, vector<16xi32>], vector<16xf32>,
          %parallel_loop3A_305 = arith.constant 0 : i32
          %parallel_loop3A_306 = arith.constant 0 : i32
          %parallel_loop3A_307 = arith.constant 0 : i32
          %parallel_loop3A_308 = tpu.memref_slice %arg4[%parallel_loop3A_157, %parallel_loop3A_305, %parallel_loop3A_306, %parallel_loop3A_307] : memref<2x4x8x128xf32, #tpu.memory_space<vmem>> -> memref<1x4x8x128xf32, #tpu.memory_space<vmem>>
          %parallel_loop3A_309 = tpu.memref_squeeze %parallel_loop3A_308 : memref<1x4x8x128xf32, #tpu.memory_space<vmem>> -> memref<4x8x128xf32, #tpu.memory_space<vmem>>
          %parallel_loop3A_310 = arith.constant 0 : i32
          %parallel_loop3A_311 = arith.constant 0 : i32
          %parallel_loop3A_312 = tpu.memref_slice %parallel_loop3A_309[%parallel_loop3A_158, %parallel_loop3A_310, %parallel_loop3A_311] : memref<4x8x128xf32, #tpu.memory_space<vmem>> -> memref<1x8x128xf32, #tpu.memory_space<vmem>>
          %parallel_loop3A_313 = tpu.memref_squeeze %parallel_loop3A_312 : memref<1x8x128xf32, #tpu.memory_space<vmem>> -> memref<8x128xf32, #tpu.memory_space<vmem>>
          %parallel_loop3A_314 = arith.index_cast %parallel_loop3A_202 : i32 to index
          %parallel_loop3A_315 = arith.constant 96 : index
          %parallel_loop3A_316 = tpu.vector_load %parallel_loop3A_313[%parallel_loop3A_314, %parallel_loop3A_315] {strides = array<i32>} : memref<8x128xf32, #tpu.memory_space<vmem>>, vector<16xf32>,
          %parallel_loop3A_317 = arith.constant 0 : i32
          %parallel_loop3A_318 = arith.constant 0 : i32
          %parallel_loop3A_319 = tpu.memref_slice %arg5[%parallel_loop3A_159, %parallel_loop3A_317, %parallel_loop3A_318] : memref<2x128x33xf32, #tpu.memory_space<vmem>> -> memref<1x128x33xf32, #tpu.memory_space<vmem>>
          %parallel_loop3A_320 = tpu.memref_squeeze %parallel_loop3A_319 : memref<1x128x33xf32, #tpu.memory_space<vmem>> -> memref<128x33xf32, #tpu.memory_space<vmem>>
          tpu.vector_store_idx %parallel_loop3A_320[%add3A_27, %parallel_loop3A_208], %parallel_loop3A_316 : memref<128x33xf32, #tpu.memory_space<vmem>>[vector<16xi32>, vector<16xi32>], vector<16xf32>,
          %parallel_loop3A_321 = arith.constant 0 : i32
          %parallel_loop3A_322 = arith.constant 0 : i32
          %parallel_loop3A_323 = arith.constant 0 : i32
          %parallel_loop3A_324 = tpu.memref_slice %arg4[%parallel_loop3A_157, %parallel_loop3A_321, %parallel_loop3A_322, %parallel_loop3A_323] : memref<2x4x8x128xf32, #tpu.memory_space<vmem>> -> memref<1x4x8x128xf32, #tpu.memory_space<vmem>>
          %parallel_loop3A_325 = tpu.memref_squeeze %parallel_loop3A_324 : memref<1x4x8x128xf32, #tpu.memory_space<vmem>> -> memref<4x8x128xf32, #tpu.memory_space<vmem>>
          %parallel_loop3A_326 = arith.constant 0 : i32
          %parallel_loop3A_327 = arith.constant 0 : i32
          %parallel_loop3A_328 = tpu.memref_slice %parallel_loop3A_325[%parallel_loop3A_158, %parallel_loop3A_326, %parallel_loop3A_327] : memref<4x8x128xf32, #tpu.memory_space<vmem>> -> memref<1x8x128xf32, #tpu.memory_space<vmem>>
          %parallel_loop3A_329 = tpu.memref_squeeze %parallel_loop3A_328 : memref<1x8x128xf32, #tpu.memory_space<vmem>> -> memref<8x128xf32, #tpu.memory_space<vmem>>
          %parallel_loop3A_330 = arith.index_cast %parallel_loop3A_202 : i32 to index
          %parallel_loop3A_331 = arith.constant 112 : index
          %parallel_loop3A_332 = tpu.vector_load %parallel_loop3A_329[%parallel_loop3A_330, %parallel_loop3A_331] {strides = array<i32>} : memref<8x128xf32, #tpu.memory_space<vmem>>, vector<16xf32>,
          %parallel_loop3A_333 = arith.constant 0 : i32
          %parallel_loop3A_334 = arith.constant 0 : i32
          %parallel_loop3A_335 = tpu.memref_slice %arg5[%parallel_loop3A_159, %parallel_loop3A_333, %parallel_loop3A_334] : memref<2x128x33xf32, #tpu.memory_space<vmem>> -> memref<1x128x33xf32, #tpu.memory_space<vmem>>
          %parallel_loop3A_336 = tpu.memref_squeeze %parallel_loop3A_335 : memref<1x128x33xf32, #tpu.memory_space<vmem>> -> memref<128x33xf32, #tpu.memory_space<vmem>>
          tpu.vector_store_idx %parallel_loop3A_336[%add3A_31, %parallel_loop3A_208], %parallel_loop3A_332 : memref<128x33xf32, #tpu.memory_space<vmem>>[vector<16xi32>, vector<16xi32>], vector<16xf32>,
        } {sc.loop_unroll_factor = 2 : i64, sc.parallel_access}
        %parallel_loop3A_160 = arith.constant 0 : i32
        %parallel_loop3A_161 = arith.constant 8 : i32
        %parallel_loop3A_162 = arith.constant 1 : i32
        %parallel_loop3A_163 = arith.constant 1 : i32
        %parallel_loop3A_164 = arith.constant 1 : i32
        %parallel_loop3A_165 = arith.constant 1 : i32
        scf.for %parallel_loop3A_202 = %parallel_loop3A_160 to %parallel_loop3A_161 step %parallel_loop3A_162  : i32 {
          %parallel_loop3A_203 = arith.constant 0 : i32
          %parallel_loop3A_204 = vector.broadcast %parallel_loop3A_203 : i32 to vector<16xi32>
          %parallel_loop3A_205 = arith.constant 8 : i32
          %parallel_loop3A_206 = arith.addi %parallel_loop3A_205, %parallel_loop3A_202 : i32
          %parallel_loop3A_207 = vector.broadcast %parallel_loop3A_206 : i32 to vector<16xi32>
          %parallel_loop3A_208 = arith.addi %parallel_loop3A_204, %parallel_loop3A_207 : vector<16xi32>
          %parallel_loop3A_209 = arith.constant 0 : i32
          %parallel_loop3A_210 = arith.constant 0 : i32
          %parallel_loop3A_211 = arith.constant 0 : i32
          %parallel_loop3A_212 = tpu.memref_slice %arg4[%parallel_loop3A_163, %parallel_loop3A_209, %parallel_loop3A_210, %parallel_loop3A_211] : memref<2x4x8x128xf32, #tpu.memory_space<vmem>> -> memref<1x4x8x128xf32, #tpu.memory_space<vmem>>
          %parallel_loop3A_213 = tpu.memref_squeeze %parallel_loop3A_212 : memref<1x4x8x128xf32, #tpu.memory_space<vmem>> -> memref<4x8x128xf32, #tpu.memory_space<vmem>>
          %parallel_loop3A_214 = arith.constant 0 : i32
          %parallel_loop3A_215 = arith.constant 0 : i32
          %parallel_loop3A_216 = tpu.memref_slice %parallel_loop3A_213[%parallel_loop3A_164, %parallel_loop3A_214, %parallel_loop3A_215] : memref<4x8x128xf32, #tpu.memory_space<vmem>> -> memref<1x8x128xf32, #tpu.memory_space<vmem>>
          %parallel_loop3A_217 = tpu.memref_squeeze %parallel_loop3A_216 : memref<1x8x128xf32, #tpu.memory_space<vmem>> -> memref<8x128xf32, #tpu.memory_space<vmem>>
          %parallel_loop3A_218 = arith.index_cast %parallel_loop3A_202 : i32 to index
          %parallel_loop3A_219 = arith.constant 0 : index
          %parallel_loop3A_220 = tpu.vector_load %parallel_loop3A_217[%parallel_loop3A_218, %parallel_loop3A_219] {strides = array<i32>} : memref<8x128xf32, #tpu.memory_space<vmem>>, vector<16xf32>,
          %parallel_loop3A_221 = arith.constant 0 : i32
          %parallel_loop3A_222 = arith.constant 0 : i32
          %parallel_loop3A_223 = tpu.memref_slice %arg5[%parallel_loop3A_165, %parallel_loop3A_221, %parallel_loop3A_222] : memref<2x128x33xf32, #tpu.memory_space<vmem>> -> memref<1x128x33xf32, #tpu.memory_space<vmem>>
          %parallel_loop3A_224 = tpu.memref_squeeze %parallel_loop3A_223 : memref<1x128x33xf32, #tpu.memory_space<vmem>> -> memref<128x33xf32, #tpu.memory_space<vmem>>
          tpu.vector_store_idx %parallel_loop3A_224[%add3A_3, %parallel_loop3A_208], %parallel_loop3A_220 : memref<128x33xf32, #tpu.memory_space<vmem>>[vector<16xi32>, vector<16xi32>], vector<16xf32>,
          %parallel_loop3A_225 = arith.constant 0 : i32
          %parallel_loop3A_226 = arith.constant 0 : i32
          %parallel_loop3A_227 = arith.constant 0 : i32
          %parallel_loop3A_228 = tpu.memref_slice %arg4[%parallel_loop3A_163, %parallel_loop3A_225, %parallel_loop3A_226, %parallel_loop3A_227] : memref<2x4x8x128xf32, #tpu.memory_space<vmem>> -> memref<1x4x8x128xf32, #tpu.memory_space<vmem>>
          %parallel_loop3A_229 = tpu.memref_squeeze %parallel_loop3A_228 : memref<1x4x8x128xf32, #tpu.memory_space<vmem>> -> memref<4x8x128xf32, #tpu.memory_space<vmem>>
          %parallel_loop3A_230 = arith.constant 0 : i32
          %parallel_loop3A_231 = arith.constant 0 : i32
          %parallel_loop3A_232 = tpu.memref_slice %parallel_loop3A_229[%parallel_loop3A_164, %parallel_loop3A_230, %parallel_loop3A_231] : memref<4x8x128xf32, #tpu.memory_space<vmem>> -> memref<1x8x128xf32, #tpu.memory_space<vmem>>
          %parallel_loop3A_233 = tpu.memref_squeeze %parallel_loop3A_232 : memref<1x8x128xf32, #tpu.memory_space<vmem>> -> memref<8x128xf32, #tpu.memory_space<vmem>>
          %parallel_loop3A_234 = arith.index_cast %parallel_loop3A_202 : i32 to index
          %parallel_loop3A_235 = arith.constant 16 : index
          %parallel_loop3A_236 = tpu.vector_load %parallel_loop3A_233[%parallel_loop3A_234, %parallel_loop3A_235] {strides = array<i32>} : memref<8x128xf32, #tpu.memory_space<vmem>>, vector<16xf32>,
          %parallel_loop3A_237 = arith.constant 0 : i32
          %parallel_loop3A_238 = arith.constant 0 : i32
          %parallel_loop3A_239 = tpu.memref_slice %arg5[%parallel_loop3A_165, %parallel_loop3A_237, %parallel_loop3A_238] : memref<2x128x33xf32, #tpu.memory_space<vmem>> -> memref<1x128x33xf32, #tpu.memory_space<vmem>>
          %parallel_loop3A_240 = tpu.memref_squeeze %parallel_loop3A_239 : memref<1x128x33xf32, #tpu.memory_space<vmem>> -> memref<128x33xf32, #tpu.memory_space<vmem>>
          tpu.vector_store_idx %parallel_loop3A_240[%add3A_7, %parallel_loop3A_208], %parallel_loop3A_236 : memref<128x33xf32, #tpu.memory_space<vmem>>[vector<16xi32>, vector<16xi32>], vector<16xf32>,
          %parallel_loop3A_241 = arith.constant 0 : i32
          %parallel_loop3A_242 = arith.constant 0 : i32
          %parallel_loop3A_243 = arith.constant 0 : i32
          %parallel_loop3A_244 = tpu.memref_slice %arg4[%parallel_loop3A_163, %parallel_loop3A_241, %parallel_loop3A_242, %parallel_loop3A_243] : memref<2x4x8x128xf32, #tpu.memory_space<vmem>> -> memref<1x4x8x128xf32, #tpu.memory_space<vmem>>
          %parallel_loop3A_245 = tpu.memref_squeeze %parallel_loop3A_244 : memref<1x4x8x128xf32, #tpu.memory_space<vmem>> -> memref<4x8x128xf32, #tpu.memory_space<vmem>>
          %parallel_loop3A_246 = arith.constant 0 : i32
          %parallel_loop3A_247 = arith.constant 0 : i32
          %parallel_loop3A_248 = tpu.memref_slice %parallel_loop3A_245[%parallel_loop3A_164, %parallel_loop3A_246, %parallel_loop3A_247] : memref<4x8x128xf32, #tpu.memory_space<vmem>> -> memref<1x8x128xf32, #tpu.memory_space<vmem>>
          %parallel_loop3A_249 = tpu.memref_squeeze %parallel_loop3A_248 : memref<1x8x128xf32, #tpu.memory_space<vmem>> -> memref<8x128xf32, #tpu.memory_space<vmem>>
          %parallel_loop3A_250 = arith.index_cast %parallel_loop3A_202 : i32 to index
          %parallel_loop3A_251 = arith.constant 32 : index
          %parallel_loop3A_252 = tpu.vector_load %parallel_loop3A_249[%parallel_loop3A_250, %parallel_loop3A_251] {strides = array<i32>} : memref<8x128xf32, #tpu.memory_space<vmem>>, vector<16xf32>,
          %parallel_loop3A_253 = arith.constant 0 : i32
          %parallel_loop3A_254 = arith.constant 0 : i32
          %parallel_loop3A_255 = tpu.memref_slice %arg5[%parallel_loop3A_165, %parallel_loop3A_253, %parallel_loop3A_254] : memref<2x128x33xf32, #tpu.memory_space<vmem>> -> memref<1x128x33xf32, #tpu.memory_space<vmem>>
          %parallel_loop3A_256 = tpu.memref_squeeze %parallel_loop3A_255 : memref<1x128x33xf32, #tpu.memory_space<vmem>> -> memref<128x33xf32, #tpu.memory_space<vmem>>
          tpu.vector_store_idx %parallel_loop3A_256[%add3A_11, %parallel_loop3A_208], %parallel_loop3A_252 : memref<128x33xf32, #tpu.memory_space<vmem>>[vector<16xi32>, vector<16xi32>], vector<16xf32>,
          %parallel_loop3A_257 = arith.constant 0 : i32
          %parallel_loop3A_258 = arith.constant 0 : i32
          %parallel_loop3A_259 = arith.constant 0 : i32
          %parallel_loop3A_260 = tpu.memref_slice %arg4[%parallel_loop3A_163, %parallel_loop3A_257, %parallel_loop3A_258, %parallel_loop3A_259] : memref<2x4x8x128xf32, #tpu.memory_space<vmem>> -> memref<1x4x8x128xf32, #tpu.memory_space<vmem>>
          %parallel_loop3A_261 = tpu.memref_squeeze %parallel_loop3A_260 : memref<1x4x8x128xf32, #tpu.memory_space<vmem>> -> memref<4x8x128xf32, #tpu.memory_space<vmem>>
          %parallel_loop3A_262 = arith.constant 0 : i32
          %parallel_loop3A_263 = arith.constant 0 : i32
          %parallel_loop3A_264 = tpu.memref_slice %parallel_loop3A_261[%parallel_loop3A_164, %parallel_loop3A_262, %parallel_loop3A_263] : memref<4x8x128xf32, #tpu.memory_space<vmem>> -> memref<1x8x128xf32, #tpu.memory_space<vmem>>
          %parallel_loop3A_265 = tpu.memref_squeeze %parallel_loop3A_264 : memref<1x8x128xf32, #tpu.memory_space<vmem>> -> memref<8x128xf32, #tpu.memory_space<vmem>>
          %parallel_loop3A_266 = arith.index_cast %parallel_loop3A_202 : i32 to index
          %parallel_loop3A_267 = arith.constant 48 : index
          %parallel_loop3A_268 = tpu.vector_load %parallel_loop3A_265[%parallel_loop3A_266, %parallel_loop3A_267] {strides = array<i32>} : memref<8x128xf32, #tpu.memory_space<vmem>>, vector<16xf32>,
          %parallel_loop3A_269 = arith.constant 0 : i32
          %parallel_loop3A_270 = arith.constant 0 : i32
          %parallel_loop3A_271 = tpu.memref_slice %arg5[%parallel_loop3A_165, %parallel_loop3A_269, %parallel_loop3A_270] : memref<2x128x33xf32, #tpu.memory_space<vmem>> -> memref<1x128x33xf32, #tpu.memory_space<vmem>>
          %parallel_loop3A_272 = tpu.memref_squeeze %parallel_loop3A_271 : memref<1x128x33xf32, #tpu.memory_space<vmem>> -> memref<128x33xf32, #tpu.memory_space<vmem>>
          tpu.vector_store_idx %parallel_loop3A_272[%add3A_15, %parallel_loop3A_208], %parallel_loop3A_268 : memref<128x33xf32, #tpu.memory_space<vmem>>[vector<16xi32>, vector<16xi32>], vector<16xf32>,
          %parallel_loop3A_273 = arith.constant 0 : i32
          %parallel_loop3A_274 = arith.constant 0 : i32
          %parallel_loop3A_275 = arith.constant 0 : i32
          %parallel_loop3A_276 = tpu.memref_slice %arg4[%parallel_loop3A_163, %parallel_loop3A_273, %parallel_loop3A_274, %parallel_loop3A_275] : memref<2x4x8x128xf32, #tpu.memory_space<vmem>> -> memref<1x4x8x128xf32, #tpu.memory_space<vmem>>
          %parallel_loop3A_277 = tpu.memref_squeeze %parallel_loop3A_276 : memref<1x4x8x128xf32, #tpu.memory_space<vmem>> -> memref<4x8x128xf32, #tpu.memory_space<vmem>>
          %parallel_loop3A_278 = arith.constant 0 : i32
          %parallel_loop3A_279 = arith.constant 0 : i32
          %parallel_loop3A_280 = tpu.memref_slice %parallel_loop3A_277[%parallel_loop3A_164, %parallel_loop3A_278, %parallel_loop3A_279] : memref<4x8x128xf32, #tpu.memory_space<vmem>> -> memref<1x8x128xf32, #tpu.memory_space<vmem>>
          %parallel_loop3A_281 = tpu.memref_squeeze %parallel_loop3A_280 : memref<1x8x128xf32, #tpu.memory_space<vmem>> -> memref<8x128xf32, #tpu.memory_space<vmem>>
          %parallel_loop3A_282 = arith.index_cast %parallel_loop3A_202 : i32 to index
          %parallel_loop3A_283 = arith.constant 64 : index
          %parallel_loop3A_284 = tpu.vector_load %parallel_loop3A_281[%parallel_loop3A_282, %parallel_loop3A_283] {strides = array<i32>} : memref<8x128xf32, #tpu.memory_space<vmem>>, vector<16xf32>,
          %parallel_loop3A_285 = arith.constant 0 : i32
          %parallel_loop3A_286 = arith.constant 0 : i32
          %parallel_loop3A_287 = tpu.memref_slice %arg5[%parallel_loop3A_165, %parallel_loop3A_285, %parallel_loop3A_286] : memref<2x128x33xf32, #tpu.memory_space<vmem>> -> memref<1x128x33xf32, #tpu.memory_space<vmem>>
          %parallel_loop3A_288 = tpu.memref_squeeze %parallel_loop3A_287 : memref<1x128x33xf32, #tpu.memory_space<vmem>> -> memref<128x33xf32, #tpu.memory_space<vmem>>
          tpu.vector_store_idx %parallel_loop3A_288[%add3A_19, %parallel_loop3A_208], %parallel_loop3A_284 : memref<128x33xf32, #tpu.memory_space<vmem>>[vector<16xi32>, vector<16xi32>], vector<16xf32>,
          %parallel_loop3A_289 = arith.constant 0 : i32
          %parallel_loop3A_290 = arith.constant 0 : i32
          %parallel_loop3A_291 = arith.constant 0 : i32
          %parallel_loop3A_292 = tpu.memref_slice %arg4[%parallel_loop3A_163, %parallel_loop3A_289, %parallel_loop3A_290, %parallel_loop3A_291] : memref<2x4x8x128xf32, #tpu.memory_space<vmem>> -> memref<1x4x8x128xf32, #tpu.memory_space<vmem>>
          %parallel_loop3A_293 = tpu.memref_squeeze %parallel_loop3A_292 : memref<1x4x8x128xf32, #tpu.memory_space<vmem>> -> memref<4x8x128xf32, #tpu.memory_space<vmem>>
          %parallel_loop3A_294 = arith.constant 0 : i32
          %parallel_loop3A_295 = arith.constant 0 : i32
          %parallel_loop3A_296 = tpu.memref_slice %parallel_loop3A_293[%parallel_loop3A_164, %parallel_loop3A_294, %parallel_loop3A_295] : memref<4x8x128xf32, #tpu.memory_space<vmem>> -> memref<1x8x128xf32, #tpu.memory_space<vmem>>
          %parallel_loop3A_297 = tpu.memref_squeeze %parallel_loop3A_296 : memref<1x8x128xf32, #tpu.memory_space<vmem>> -> memref<8x128xf32, #tpu.memory_space<vmem>>
          %parallel_loop3A_298 = arith.index_cast %parallel_loop3A_202 : i32 to index
          %parallel_loop3A_299 = arith.constant 80 : index
          %parallel_loop3A_300 = tpu.vector_load %parallel_loop3A_297[%parallel_loop3A_298, %parallel_loop3A_299] {strides = array<i32>} : memref<8x128xf32, #tpu.memory_space<vmem>>, vector<16xf32>,
          %parallel_loop3A_301 = arith.constant 0 : i32
          %parallel_loop3A_302 = arith.constant 0 : i32
          %parallel_loop3A_303 = tpu.memref_slice %arg5[%parallel_loop3A_165, %parallel_loop3A_301, %parallel_loop3A_302] : memref<2x128x33xf32, #tpu.memory_space<vmem>> -> memref<1x128x33xf32, #tpu.memory_space<vmem>>
          %parallel_loop3A_304 = tpu.memref_squeeze %parallel_loop3A_303 : memref<1x128x33xf32, #tpu.memory_space<vmem>> -> memref<128x33xf32, #tpu.memory_space<vmem>>
          tpu.vector_store_idx %parallel_loop3A_304[%add3A_23, %parallel_loop3A_208], %parallel_loop3A_300 : memref<128x33xf32, #tpu.memory_space<vmem>>[vector<16xi32>, vector<16xi32>], vector<16xf32>,
          %parallel_loop3A_305 = arith.constant 0 : i32
          %parallel_loop3A_306 = arith.constant 0 : i32
          %parallel_loop3A_307 = arith.constant 0 : i32
          %parallel_loop3A_308 = tpu.memref_slice %arg4[%parallel_loop3A_163, %parallel_loop3A_305, %parallel_loop3A_306, %parallel_loop3A_307] : memref<2x4x8x128xf32, #tpu.memory_space<vmem>> -> memref<1x4x8x128xf32, #tpu.memory_space<vmem>>
          %parallel_loop3A_309 = tpu.memref_squeeze %parallel_loop3A_308 : memref<1x4x8x128xf32, #tpu.memory_space<vmem>> -> memref<4x8x128xf32, #tpu.memory_space<vmem>>
          %parallel_loop3A_310 = arith.constant 0 : i32
          %parallel_loop3A_311 = arith.constant 0 : i32
          %parallel_loop3A_312 = tpu.memref_slice %parallel_loop3A_309[%parallel_loop3A_164, %parallel_loop3A_310, %parallel_loop3A_311] : memref<4x8x128xf32, #tpu.memory_space<vmem>> -> memref<1x8x128xf32, #tpu.memory_space<vmem>>
          %parallel_loop3A_313 = tpu.memref_squeeze %parallel_loop3A_312 : memref<1x8x128xf32, #tpu.memory_space<vmem>> -> memref<8x128xf32, #tpu.memory_space<vmem>>
          %parallel_loop3A_314 = arith.index_cast %parallel_loop3A_202 : i32 to index
          %parallel_loop3A_315 = arith.constant 96 : index
          %parallel_loop3A_316 = tpu.vector_load %parallel_loop3A_313[%parallel_loop3A_314, %parallel_loop3A_315] {strides = array<i32>} : memref<8x128xf32, #tpu.memory_space<vmem>>, vector<16xf32>,
          %parallel_loop3A_317 = arith.constant 0 : i32
          %parallel_loop3A_318 = arith.constant 0 : i32
          %parallel_loop3A_319 = tpu.memref_slice %arg5[%parallel_loop3A_165, %parallel_loop3A_317, %parallel_loop3A_318] : memref<2x128x33xf32, #tpu.memory_space<vmem>> -> memref<1x128x33xf32, #tpu.memory_space<vmem>>
          %parallel_loop3A_320 = tpu.memref_squeeze %parallel_loop3A_319 : memref<1x128x33xf32, #tpu.memory_space<vmem>> -> memref<128x33xf32, #tpu.memory_space<vmem>>
          tpu.vector_store_idx %parallel_loop3A_320[%add3A_27, %parallel_loop3A_208], %parallel_loop3A_316 : memref<128x33xf32, #tpu.memory_space<vmem>>[vector<16xi32>, vector<16xi32>], vector<16xf32>,
          %parallel_loop3A_321 = arith.constant 0 : i32
          %parallel_loop3A_322 = arith.constant 0 : i32
          %parallel_loop3A_323 = arith.constant 0 : i32
          %parallel_loop3A_324 = tpu.memref_slice %arg4[%parallel_loop3A_163, %parallel_loop3A_321, %parallel_loop3A_322, %parallel_loop3A_323] : memref<2x4x8x128xf32, #tpu.memory_space<vmem>> -> memref<1x4x8x128xf32, #tpu.memory_space<vmem>>
          %parallel_loop3A_325 = tpu.memref_squeeze %parallel_loop3A_324 : memref<1x4x8x128xf32, #tpu.memory_space<vmem>> -> memref<4x8x128xf32, #tpu.memory_space<vmem>>
          %parallel_loop3A_326 = arith.constant 0 : i32
          %parallel_loop3A_327 = arith.constant 0 : i32
          %parallel_loop3A_328 = tpu.memref_slice %parallel_loop3A_325[%parallel_loop3A_164, %parallel_loop3A_326, %parallel_loop3A_327] : memref<4x8x128xf32, #tpu.memory_space<vmem>> -> memref<1x8x128xf32, #tpu.memory_space<vmem>>
          %parallel_loop3A_329 = tpu.memref_squeeze %parallel_loop3A_328 : memref<1x8x128xf32, #tpu.memory_space<vmem>> -> memref<8x128xf32, #tpu.memory_space<vmem>>
          %parallel_loop3A_330 = arith.index_cast %parallel_loop3A_202 : i32 to index
          %parallel_loop3A_331 = arith.constant 112 : index
          %parallel_loop3A_332 = tpu.vector_load %parallel_loop3A_329[%parallel_loop3A_330, %parallel_loop3A_331] {strides = array<i32>} : memref<8x128xf32, #tpu.memory_space<vmem>>, vector<16xf32>,
          %parallel_loop3A_333 = arith.constant 0 : i32
          %parallel_loop3A_334 = arith.constant 0 : i32
          %parallel_loop3A_335 = tpu.memref_slice %arg5[%parallel_loop3A_165, %parallel_loop3A_333, %parallel_loop3A_334] : memref<2x128x33xf32, #tpu.memory_space<vmem>> -> memref<1x128x33xf32, #tpu.memory_space<vmem>>
          %parallel_loop3A_336 = tpu.memref_squeeze %parallel_loop3A_335 : memref<1x128x33xf32, #tpu.memory_space<vmem>> -> memref<128x33xf32, #tpu.memory_space<vmem>>
          tpu.vector_store_idx %parallel_loop3A_336[%add3A_31, %parallel_loop3A_208], %parallel_loop3A_332 : memref<128x33xf32, #tpu.memory_space<vmem>>[vector<16xi32>, vector<16xi32>], vector<16xf32>,
        } {sc.loop_unroll_factor = 2 : i64, sc.parallel_access}
        %parallel_loop3A_166 = arith.constant 0 : i32
        %parallel_loop3A_167 = arith.constant 8 : i32
        %parallel_loop3A_168 = arith.constant 1 : i32
        %parallel_loop3A_169 = arith.constant 1 : i32
        %parallel_loop3A_170 = arith.constant 2 : i32
        %parallel_loop3A_171 = arith.constant 1 : i32
        scf.for %parallel_loop3A_202 = %parallel_loop3A_166 to %parallel_loop3A_167 step %parallel_loop3A_168  : i32 {
          %parallel_loop3A_203 = arith.constant 0 : i32
          %parallel_loop3A_204 = vector.broadcast %parallel_loop3A_203 : i32 to vector<16xi32>
          %parallel_loop3A_205 = arith.constant 16 : i32
          %parallel_loop3A_206 = arith.addi %parallel_loop3A_205, %parallel_loop3A_202 : i32
          %parallel_loop3A_207 = vector.broadcast %parallel_loop3A_206 : i32 to vector<16xi32>
          %parallel_loop3A_208 = arith.addi %parallel_loop3A_204, %parallel_loop3A_207 : vector<16xi32>
          %parallel_loop3A_209 = arith.constant 0 : i32
          %parallel_loop3A_210 = arith.constant 0 : i32
          %parallel_loop3A_211 = arith.constant 0 : i32
          %parallel_loop3A_212 = tpu.memref_slice %arg4[%parallel_loop3A_169, %parallel_loop3A_209, %parallel_loop3A_210, %parallel_loop3A_211] : memref<2x4x8x128xf32, #tpu.memory_space<vmem>> -> memref<1x4x8x128xf32, #tpu.memory_space<vmem>>
          %parallel_loop3A_213 = tpu.memref_squeeze %parallel_loop3A_212 : memref<1x4x8x128xf32, #tpu.memory_space<vmem>> -> memref<4x8x128xf32, #tpu.memory_space<vmem>>
          %parallel_loop3A_214 = arith.constant 0 : i32
          %parallel_loop3A_215 = arith.constant 0 : i32
          %parallel_loop3A_216 = tpu.memref_slice %parallel_loop3A_213[%parallel_loop3A_170, %parallel_loop3A_214, %parallel_loop3A_215] : memref<4x8x128xf32, #tpu.memory_space<vmem>> -> memref<1x8x128xf32, #tpu.memory_space<vmem>>
          %parallel_loop3A_217 = tpu.memref_squeeze %parallel_loop3A_216 : memref<1x8x128xf32, #tpu.memory_space<vmem>> -> memref<8x128xf32, #tpu.memory_space<vmem>>
          %parallel_loop3A_218 = arith.index_cast %parallel_loop3A_202 : i32 to index
          %parallel_loop3A_219 = arith.constant 0 : index
          %parallel_loop3A_220 = tpu.vector_load %parallel_loop3A_217[%parallel_loop3A_218, %parallel_loop3A_219] {strides = array<i32>} : memref<8x128xf32, #tpu.memory_space<vmem>>, vector<16xf32>,
          %parallel_loop3A_221 = arith.constant 0 : i32
          %parallel_loop3A_222 = arith.constant 0 : i32
          %parallel_loop3A_223 = tpu.memref_slice %arg5[%parallel_loop3A_171, %parallel_loop3A_221, %parallel_loop3A_222] : memref<2x128x33xf32, #tpu.memory_space<vmem>> -> memref<1x128x33xf32, #tpu.memory_space<vmem>>
          %parallel_loop3A_224 = tpu.memref_squeeze %parallel_loop3A_223 : memref<1x128x33xf32, #tpu.memory_space<vmem>> -> memref<128x33xf32, #tpu.memory_space<vmem>>
          tpu.vector_store_idx %parallel_loop3A_224[%add3A_3, %parallel_loop3A_208], %parallel_loop3A_220 : memref<128x33xf32, #tpu.memory_space<vmem>>[vector<16xi32>, vector<16xi32>], vector<16xf32>,
          %parallel_loop3A_225 = arith.constant 0 : i32
          %parallel_loop3A_226 = arith.constant 0 : i32
          %parallel_loop3A_227 = arith.constant 0 : i32
          %parallel_loop3A_228 = tpu.memref_slice %arg4[%parallel_loop3A_169, %parallel_loop3A_225, %parallel_loop3A_226, %parallel_loop3A_227] : memref<2x4x8x128xf32, #tpu.memory_space<vmem>> -> memref<1x4x8x128xf32, #tpu.memory_space<vmem>>
          %parallel_loop3A_229 = tpu.memref_squeeze %parallel_loop3A_228 : memref<1x4x8x128xf32, #tpu.memory_space<vmem>> -> memref<4x8x128xf32, #tpu.memory_space<vmem>>
          %parallel_loop3A_230 = arith.constant 0 : i32
          %parallel_loop3A_231 = arith.constant 0 : i32
          %parallel_loop3A_232 = tpu.memref_slice %parallel_loop3A_229[%parallel_loop3A_170, %parallel_loop3A_230, %parallel_loop3A_231] : memref<4x8x128xf32, #tpu.memory_space<vmem>> -> memref<1x8x128xf32, #tpu.memory_space<vmem>>
          %parallel_loop3A_233 = tpu.memref_squeeze %parallel_loop3A_232 : memref<1x8x128xf32, #tpu.memory_space<vmem>> -> memref<8x128xf32, #tpu.memory_space<vmem>>
          %parallel_loop3A_234 = arith.index_cast %parallel_loop3A_202 : i32 to index
          %parallel_loop3A_235 = arith.constant 16 : index
          %parallel_loop3A_236 = tpu.vector_load %parallel_loop3A_233[%parallel_loop3A_234, %parallel_loop3A_235] {strides = array<i32>} : memref<8x128xf32, #tpu.memory_space<vmem>>, vector<16xf32>,
          %parallel_loop3A_237 = arith.constant 0 : i32
          %parallel_loop3A_238 = arith.constant 0 : i32
          %parallel_loop3A_239 = tpu.memref_slice %arg5[%parallel_loop3A_171, %parallel_loop3A_237, %parallel_loop3A_238] : memref<2x128x33xf32, #tpu.memory_space<vmem>> -> memref<1x128x33xf32, #tpu.memory_space<vmem>>
          %parallel_loop3A_240 = tpu.memref_squeeze %parallel_loop3A_239 : memref<1x128x33xf32, #tpu.memory_space<vmem>> -> memref<128x33xf32, #tpu.memory_space<vmem>>
          tpu.vector_store_idx %parallel_loop3A_240[%add3A_7, %parallel_loop3A_208], %parallel_loop3A_236 : memref<128x33xf32, #tpu.memory_space<vmem>>[vector<16xi32>, vector<16xi32>], vector<16xf32>,
          %parallel_loop3A_241 = arith.constant 0 : i32
          %parallel_loop3A_242 = arith.constant 0 : i32
          %parallel_loop3A_243 = arith.constant 0 : i32
          %parallel_loop3A_244 = tpu.memref_slice %arg4[%parallel_loop3A_169, %parallel_loop3A_241, %parallel_loop3A_242, %parallel_loop3A_243] : memref<2x4x8x128xf32, #tpu.memory_space<vmem>> -> memref<1x4x8x128xf32, #tpu.memory_space<vmem>>
          %parallel_loop3A_245 = tpu.memref_squeeze %parallel_loop3A_244 : memref<1x4x8x128xf32, #tpu.memory_space<vmem>> -> memref<4x8x128xf32, #tpu.memory_space<vmem>>
          %parallel_loop3A_246 = arith.constant 0 : i32
          %parallel_loop3A_247 = arith.constant 0 : i32
          %parallel_loop3A_248 = tpu.memref_slice %parallel_loop3A_245[%parallel_loop3A_170, %parallel_loop3A_246, %parallel_loop3A_247] : memref<4x8x128xf32, #tpu.memory_space<vmem>> -> memref<1x8x128xf32, #tpu.memory_space<vmem>>
          %parallel_loop3A_249 = tpu.memref_squeeze %parallel_loop3A_248 : memref<1x8x128xf32, #tpu.memory_space<vmem>> -> memref<8x128xf32, #tpu.memory_space<vmem>>
          %parallel_loop3A_250 = arith.index_cast %parallel_loop3A_202 : i32 to index
          %parallel_loop3A_251 = arith.constant 32 : index
          %parallel_loop3A_252 = tpu.vector_load %parallel_loop3A_249[%parallel_loop3A_250, %parallel_loop3A_251] {strides = array<i32>} : memref<8x128xf32, #tpu.memory_space<vmem>>, vector<16xf32>,
          %parallel_loop3A_253 = arith.constant 0 : i32
          %parallel_loop3A_254 = arith.constant 0 : i32
          %parallel_loop3A_255 = tpu.memref_slice %arg5[%parallel_loop3A_171, %parallel_loop3A_253, %parallel_loop3A_254] : memref<2x128x33xf32, #tpu.memory_space<vmem>> -> memref<1x128x33xf32, #tpu.memory_space<vmem>>
          %parallel_loop3A_256 = tpu.memref_squeeze %parallel_loop3A_255 : memref<1x128x33xf32, #tpu.memory_space<vmem>> -> memref<128x33xf32, #tpu.memory_space<vmem>>
          tpu.vector_store_idx %parallel_loop3A_256[%add3A_11, %parallel_loop3A_208], %parallel_loop3A_252 : memref<128x33xf32, #tpu.memory_space<vmem>>[vector<16xi32>, vector<16xi32>], vector<16xf32>,
          %parallel_loop3A_257 = arith.constant 0 : i32
          %parallel_loop3A_258 = arith.constant 0 : i32
          %parallel_loop3A_259 = arith.constant 0 : i32
          %parallel_loop3A_260 = tpu.memref_slice %arg4[%parallel_loop3A_169, %parallel_loop3A_257, %parallel_loop3A_258, %parallel_loop3A_259] : memref<2x4x8x128xf32, #tpu.memory_space<vmem>> -> memref<1x4x8x128xf32, #tpu.memory_space<vmem>>
          %parallel_loop3A_261 = tpu.memref_squeeze %parallel_loop3A_260 : memref<1x4x8x128xf32, #tpu.memory_space<vmem>> -> memref<4x8x128xf32, #tpu.memory_space<vmem>>
          %parallel_loop3A_262 = arith.constant 0 : i32
          %parallel_loop3A_263 = arith.constant 0 : i32
          %parallel_loop3A_264 = tpu.memref_slice %parallel_loop3A_261[%parallel_loop3A_170, %parallel_loop3A_262, %parallel_loop3A_263] : memref<4x8x128xf32, #tpu.memory_space<vmem>> -> memref<1x8x128xf32, #tpu.memory_space<vmem>>
          %parallel_loop3A_265 = tpu.memref_squeeze %parallel_loop3A_264 : memref<1x8x128xf32, #tpu.memory_space<vmem>> -> memref<8x128xf32, #tpu.memory_space<vmem>>
          %parallel_loop3A_266 = arith.index_cast %parallel_loop3A_202 : i32 to index
          %parallel_loop3A_267 = arith.constant 48 : index
          %parallel_loop3A_268 = tpu.vector_load %parallel_loop3A_265[%parallel_loop3A_266, %parallel_loop3A_267] {strides = array<i32>} : memref<8x128xf32, #tpu.memory_space<vmem>>, vector<16xf32>,
          %parallel_loop3A_269 = arith.constant 0 : i32
          %parallel_loop3A_270 = arith.constant 0 : i32
          %parallel_loop3A_271 = tpu.memref_slice %arg5[%parallel_loop3A_171, %parallel_loop3A_269, %parallel_loop3A_270] : memref<2x128x33xf32, #tpu.memory_space<vmem>> -> memref<1x128x33xf32, #tpu.memory_space<vmem>>
          %parallel_loop3A_272 = tpu.memref_squeeze %parallel_loop3A_271 : memref<1x128x33xf32, #tpu.memory_space<vmem>> -> memref<128x33xf32, #tpu.memory_space<vmem>>
          tpu.vector_store_idx %parallel_loop3A_272[%add3A_15, %parallel_loop3A_208], %parallel_loop3A_268 : memref<128x33xf32, #tpu.memory_space<vmem>>[vector<16xi32>, vector<16xi32>], vector<16xf32>,
          %parallel_loop3A_273 = arith.constant 0 : i32
          %parallel_loop3A_274 = arith.constant 0 : i32
          %parallel_loop3A_275 = arith.constant 0 : i32
          %parallel_loop3A_276 = tpu.memref_slice %arg4[%parallel_loop3A_169, %parallel_loop3A_273, %parallel_loop3A_274, %parallel_loop3A_275] : memref<2x4x8x128xf32, #tpu.memory_space<vmem>> -> memref<1x4x8x128xf32, #tpu.memory_space<vmem>>
          %parallel_loop3A_277 = tpu.memref_squeeze %parallel_loop3A_276 : memref<1x4x8x128xf32, #tpu.memory_space<vmem>> -> memref<4x8x128xf32, #tpu.memory_space<vmem>>
          %parallel_loop3A_278 = arith.constant 0 : i32
          %parallel_loop3A_279 = arith.constant 0 : i32
          %parallel_loop3A_280 = tpu.memref_slice %parallel_loop3A_277[%parallel_loop3A_170, %parallel_loop3A_278, %parallel_loop3A_279] : memref<4x8x128xf32, #tpu.memory_space<vmem>> -> memref<1x8x128xf32, #tpu.memory_space<vmem>>
          %parallel_loop3A_281 = tpu.memref_squeeze %parallel_loop3A_280 : memref<1x8x128xf32, #tpu.memory_space<vmem>> -> memref<8x128xf32, #tpu.memory_space<vmem>>
          %parallel_loop3A_282 = arith.index_cast %parallel_loop3A_202 : i32 to index
          %parallel_loop3A_283 = arith.constant 64 : index
          %parallel_loop3A_284 = tpu.vector_load %parallel_loop3A_281[%parallel_loop3A_282, %parallel_loop3A_283] {strides = array<i32>} : memref<8x128xf32, #tpu.memory_space<vmem>>, vector<16xf32>,
          %parallel_loop3A_285 = arith.constant 0 : i32
          %parallel_loop3A_286 = arith.constant 0 : i32
          %parallel_loop3A_287 = tpu.memref_slice %arg5[%parallel_loop3A_171, %parallel_loop3A_285, %parallel_loop3A_286] : memref<2x128x33xf32, #tpu.memory_space<vmem>> -> memref<1x128x33xf32, #tpu.memory_space<vmem>>
          %parallel_loop3A_288 = tpu.memref_squeeze %parallel_loop3A_287 : memref<1x128x33xf32, #tpu.memory_space<vmem>> -> memref<128x33xf32, #tpu.memory_space<vmem>>
          tpu.vector_store_idx %parallel_loop3A_288[%add3A_19, %parallel_loop3A_208], %parallel_loop3A_284 : memref<128x33xf32, #tpu.memory_space<vmem>>[vector<16xi32>, vector<16xi32>], vector<16xf32>,
          %parallel_loop3A_289 = arith.constant 0 : i32
          %parallel_loop3A_290 = arith.constant 0 : i32
          %parallel_loop3A_291 = arith.constant 0 : i32
          %parallel_loop3A_292 = tpu.memref_slice %arg4[%parallel_loop3A_169, %parallel_loop3A_289, %parallel_loop3A_290, %parallel_loop3A_291] : memref<2x4x8x128xf32, #tpu.memory_space<vmem>> -> memref<1x4x8x128xf32, #tpu.memory_space<vmem>>
          %parallel_loop3A_293 = tpu.memref_squeeze %parallel_loop3A_292 : memref<1x4x8x128xf32, #tpu.memory_space<vmem>> -> memref<4x8x128xf32, #tpu.memory_space<vmem>>
          %parallel_loop3A_294 = arith.constant 0 : i32
          %parallel_loop3A_295 = arith.constant 0 : i32
          %parallel_loop3A_296 = tpu.memref_slice %parallel_loop3A_293[%parallel_loop3A_170, %parallel_loop3A_294, %parallel_loop3A_295] : memref<4x8x128xf32, #tpu.memory_space<vmem>> -> memref<1x8x128xf32, #tpu.memory_space<vmem>>
          %parallel_loop3A_297 = tpu.memref_squeeze %parallel_loop3A_296 : memref<1x8x128xf32, #tpu.memory_space<vmem>> -> memref<8x128xf32, #tpu.memory_space<vmem>>
          %parallel_loop3A_298 = arith.index_cast %parallel_loop3A_202 : i32 to index
          %parallel_loop3A_299 = arith.constant 80 : index
          %parallel_loop3A_300 = tpu.vector_load %parallel_loop3A_297[%parallel_loop3A_298, %parallel_loop3A_299] {strides = array<i32>} : memref<8x128xf32, #tpu.memory_space<vmem>>, vector<16xf32>,
          %parallel_loop3A_301 = arith.constant 0 : i32
          %parallel_loop3A_302 = arith.constant 0 : i32
          %parallel_loop3A_303 = tpu.memref_slice %arg5[%parallel_loop3A_171, %parallel_loop3A_301, %parallel_loop3A_302] : memref<2x128x33xf32, #tpu.memory_space<vmem>> -> memref<1x128x33xf32, #tpu.memory_space<vmem>>
          %parallel_loop3A_304 = tpu.memref_squeeze %parallel_loop3A_303 : memref<1x128x33xf32, #tpu.memory_space<vmem>> -> memref<128x33xf32, #tpu.memory_space<vmem>>
          tpu.vector_store_idx %parallel_loop3A_304[%add3A_23, %parallel_loop3A_208], %parallel_loop3A_300 : memref<128x33xf32, #tpu.memory_space<vmem>>[vector<16xi32>, vector<16xi32>], vector<16xf32>,
          %parallel_loop3A_305 = arith.constant 0 : i32
          %parallel_loop3A_306 = arith.constant 0 : i32
          %parallel_loop3A_307 = arith.constant 0 : i32
          %parallel_loop3A_308 = tpu.memref_slice %arg4[%parallel_loop3A_169, %parallel_loop3A_305, %parallel_loop3A_306, %parallel_loop3A_307] : memref<2x4x8x128xf32, #tpu.memory_space<vmem>> -> memref<1x4x8x128xf32, #tpu.memory_space<vmem>>
          %parallel_loop3A_309 = tpu.memref_squeeze %parallel_loop3A_308 : memref<1x4x8x128xf32, #tpu.memory_space<vmem>> -> memref<4x8x128xf32, #tpu.memory_space<vmem>>
          %parallel_loop3A_310 = arith.constant 0 : i32
          %parallel_loop3A_311 = arith.constant 0 : i32
          %parallel_loop3A_312 = tpu.memref_slice %parallel_loop3A_309[%parallel_loop3A_170, %parallel_loop3A_310, %parallel_loop3A_311] : memref<4x8x128xf32, #tpu.memory_space<vmem>> -> memref<1x8x128xf32, #tpu.memory_space<vmem>>
          %parallel_loop3A_313 = tpu.memref_squeeze %parallel_loop3A_312 : memref<1x8x128xf32, #tpu.memory_space<vmem>> -> memref<8x128xf32, #tpu.memory_space<vmem>>
          %parallel_loop3A_314 = arith.index_cast %parallel_loop3A_202 : i32 to index
          %parallel_loop3A_315 = arith.constant 96 : index
          %parallel_loop3A_316 = tpu.vector_load %parallel_loop3A_313[%parallel_loop3A_314, %parallel_loop3A_315] {strides = array<i32>} : memref<8x128xf32, #tpu.memory_space<vmem>>, vector<16xf32>,
          %parallel_loop3A_317 = arith.constant 0 : i32
          %parallel_loop3A_318 = arith.constant 0 : i32
          %parallel_loop3A_319 = tpu.memref_slice %arg5[%parallel_loop3A_171, %parallel_loop3A_317, %parallel_loop3A_318] : memref<2x128x33xf32, #tpu.memory_space<vmem>> -> memref<1x128x33xf32, #tpu.memory_space<vmem>>
          %parallel_loop3A_320 = tpu.memref_squeeze %parallel_loop3A_319 : memref<1x128x33xf32, #tpu.memory_space<vmem>> -> memref<128x33xf32, #tpu.memory_space<vmem>>
          tpu.vector_store_idx %parallel_loop3A_320[%add3A_27, %parallel_loop3A_208], %parallel_loop3A_316 : memref<128x33xf32, #tpu.memory_space<vmem>>[vector<16xi32>, vector<16xi32>], vector<16xf32>,
          %parallel_loop3A_321 = arith.constant 0 : i32
          %parallel_loop3A_322 = arith.constant 0 : i32
          %parallel_loop3A_323 = arith.constant 0 : i32
          %parallel_loop3A_324 = tpu.memref_slice %arg4[%parallel_loop3A_169, %parallel_loop3A_321, %parallel_loop3A_322, %parallel_loop3A_323] : memref<2x4x8x128xf32, #tpu.memory_space<vmem>> -> memref<1x4x8x128xf32, #tpu.memory_space<vmem>>
          %parallel_loop3A_325 = tpu.memref_squeeze %parallel_loop3A_324 : memref<1x4x8x128xf32, #tpu.memory_space<vmem>> -> memref<4x8x128xf32, #tpu.memory_space<vmem>>
          %parallel_loop3A_326 = arith.constant 0 : i32
          %parallel_loop3A_327 = arith.constant 0 : i32
          %parallel_loop3A_328 = tpu.memref_slice %parallel_loop3A_325[%parallel_loop3A_170, %parallel_loop3A_326, %parallel_loop3A_327] : memref<4x8x128xf32, #tpu.memory_space<vmem>> -> memref<1x8x128xf32, #tpu.memory_space<vmem>>
          %parallel_loop3A_329 = tpu.memref_squeeze %parallel_loop3A_328 : memref<1x8x128xf32, #tpu.memory_space<vmem>> -> memref<8x128xf32, #tpu.memory_space<vmem>>
          %parallel_loop3A_330 = arith.index_cast %parallel_loop3A_202 : i32 to index
          %parallel_loop3A_331 = arith.constant 112 : index
          %parallel_loop3A_332 = tpu.vector_load %parallel_loop3A_329[%parallel_loop3A_330, %parallel_loop3A_331] {strides = array<i32>} : memref<8x128xf32, #tpu.memory_space<vmem>>, vector<16xf32>,
          %parallel_loop3A_333 = arith.constant 0 : i32
          %parallel_loop3A_334 = arith.constant 0 : i32
          %parallel_loop3A_335 = tpu.memref_slice %arg5[%parallel_loop3A_171, %parallel_loop3A_333, %parallel_loop3A_334] : memref<2x128x33xf32, #tpu.memory_space<vmem>> -> memref<1x128x33xf32, #tpu.memory_space<vmem>>
          %parallel_loop3A_336 = tpu.memref_squeeze %parallel_loop3A_335 : memref<1x128x33xf32, #tpu.memory_space<vmem>> -> memref<128x33xf32, #tpu.memory_space<vmem>>
          tpu.vector_store_idx %parallel_loop3A_336[%add3A_31, %parallel_loop3A_208], %parallel_loop3A_332 : memref<128x33xf32, #tpu.memory_space<vmem>>[vector<16xi32>, vector<16xi32>], vector<16xf32>,
        } {sc.loop_unroll_factor = 2 : i64, sc.parallel_access}
        %parallel_loop3A_172 = arith.constant 0 : i32
        %parallel_loop3A_173 = arith.constant 8 : i32
        %parallel_loop3A_174 = arith.constant 1 : i32
        %parallel_loop3A_175 = arith.constant 1 : i32
        %parallel_loop3A_176 = arith.constant 3 : i32
        %parallel_loop3A_177 = arith.constant 1 : i32
        scf.for %parallel_loop3A_202 = %parallel_loop3A_172 to %parallel_loop3A_173 step %parallel_loop3A_174  : i32 {
          %parallel_loop3A_203 = arith.constant 0 : i32
          %parallel_loop3A_204 = vector.broadcast %parallel_loop3A_203 : i32 to vector<16xi32>
          %parallel_loop3A_205 = arith.constant 24 : i32
          %parallel_loop3A_206 = arith.addi %parallel_loop3A_205, %parallel_loop3A_202 : i32
          %parallel_loop3A_207 = vector.broadcast %parallel_loop3A_206 : i32 to vector<16xi32>
          %parallel_loop3A_208 = arith.addi %parallel_loop3A_204, %parallel_loop3A_207 : vector<16xi32>
          %parallel_loop3A_209 = arith.constant 0 : i32
          %parallel_loop3A_210 = arith.constant 0 : i32
          %parallel_loop3A_211 = arith.constant 0 : i32
          %parallel_loop3A_212 = tpu.memref_slice %arg4[%parallel_loop3A_175, %parallel_loop3A_209, %parallel_loop3A_210, %parallel_loop3A_211] : memref<2x4x8x128xf32, #tpu.memory_space<vmem>> -> memref<1x4x8x128xf32, #tpu.memory_space<vmem>>
          %parallel_loop3A_213 = tpu.memref_squeeze %parallel_loop3A_212 : memref<1x4x8x128xf32, #tpu.memory_space<vmem>> -> memref<4x8x128xf32, #tpu.memory_space<vmem>>
          %parallel_loop3A_214 = arith.constant 0 : i32
          %parallel_loop3A_215 = arith.constant 0 : i32
          %parallel_loop3A_216 = tpu.memref_slice %parallel_loop3A_213[%parallel_loop3A_176, %parallel_loop3A_214, %parallel_loop3A_215] : memref<4x8x128xf32, #tpu.memory_space<vmem>> -> memref<1x8x128xf32, #tpu.memory_space<vmem>>
          %parallel_loop3A_217 = tpu.memref_squeeze %parallel_loop3A_216 : memref<1x8x128xf32, #tpu.memory_space<vmem>> -> memref<8x128xf32, #tpu.memory_space<vmem>>
          %parallel_loop3A_218 = arith.index_cast %parallel_loop3A_202 : i32 to index
          %parallel_loop3A_219 = arith.constant 0 : index
          %parallel_loop3A_220 = tpu.vector_load %parallel_loop3A_217[%parallel_loop3A_218, %parallel_loop3A_219] {strides = array<i32>} : memref<8x128xf32, #tpu.memory_space<vmem>>, vector<16xf32>,
          %parallel_loop3A_221 = arith.constant 0 : i32
          %parallel_loop3A_222 = arith.constant 0 : i32
          %parallel_loop3A_223 = tpu.memref_slice %arg5[%parallel_loop3A_177, %parallel_loop3A_221, %parallel_loop3A_222] : memref<2x128x33xf32, #tpu.memory_space<vmem>> -> memref<1x128x33xf32, #tpu.memory_space<vmem>>
          %parallel_loop3A_224 = tpu.memref_squeeze %parallel_loop3A_223 : memref<1x128x33xf32, #tpu.memory_space<vmem>> -> memref<128x33xf32, #tpu.memory_space<vmem>>
          tpu.vector_store_idx %parallel_loop3A_224[%add3A_3, %parallel_loop3A_208], %parallel_loop3A_220 : memref<128x33xf32, #tpu.memory_space<vmem>>[vector<16xi32>, vector<16xi32>], vector<16xf32>,
          %parallel_loop3A_225 = arith.constant 0 : i32
          %parallel_loop3A_226 = arith.constant 0 : i32
          %parallel_loop3A_227 = arith.constant 0 : i32
          %parallel_loop3A_228 = tpu.memref_slice %arg4[%parallel_loop3A_175, %parallel_loop3A_225, %parallel_loop3A_226, %parallel_loop3A_227] : memref<2x4x8x128xf32, #tpu.memory_space<vmem>> -> memref<1x4x8x128xf32, #tpu.memory_space<vmem>>
          %parallel_loop3A_229 = tpu.memref_squeeze %parallel_loop3A_228 : memref<1x4x8x128xf32, #tpu.memory_space<vmem>> -> memref<4x8x128xf32, #tpu.memory_space<vmem>>
          %parallel_loop3A_230 = arith.constant 0 : i32
          %parallel_loop3A_231 = arith.constant 0 : i32
          %parallel_loop3A_232 = tpu.memref_slice %parallel_loop3A_229[%parallel_loop3A_176, %parallel_loop3A_230, %parallel_loop3A_231] : memref<4x8x128xf32, #tpu.memory_space<vmem>> -> memref<1x8x128xf32, #tpu.memory_space<vmem>>
          %parallel_loop3A_233 = tpu.memref_squeeze %parallel_loop3A_232 : memref<1x8x128xf32, #tpu.memory_space<vmem>> -> memref<8x128xf32, #tpu.memory_space<vmem>>
          %parallel_loop3A_234 = arith.index_cast %parallel_loop3A_202 : i32 to index
          %parallel_loop3A_235 = arith.constant 16 : index
          %parallel_loop3A_236 = tpu.vector_load %parallel_loop3A_233[%parallel_loop3A_234, %parallel_loop3A_235] {strides = array<i32>} : memref<8x128xf32, #tpu.memory_space<vmem>>, vector<16xf32>,
          %parallel_loop3A_237 = arith.constant 0 : i32
          %parallel_loop3A_238 = arith.constant 0 : i32
          %parallel_loop3A_239 = tpu.memref_slice %arg5[%parallel_loop3A_177, %parallel_loop3A_237, %parallel_loop3A_238] : memref<2x128x33xf32, #tpu.memory_space<vmem>> -> memref<1x128x33xf32, #tpu.memory_space<vmem>>
          %parallel_loop3A_240 = tpu.memref_squeeze %parallel_loop3A_239 : memref<1x128x33xf32, #tpu.memory_space<vmem>> -> memref<128x33xf32, #tpu.memory_space<vmem>>
          tpu.vector_store_idx %parallel_loop3A_240[%add3A_7, %parallel_loop3A_208], %parallel_loop3A_236 : memref<128x33xf32, #tpu.memory_space<vmem>>[vector<16xi32>, vector<16xi32>], vector<16xf32>,
          %parallel_loop3A_241 = arith.constant 0 : i32
          %parallel_loop3A_242 = arith.constant 0 : i32
          %parallel_loop3A_243 = arith.constant 0 : i32
          %parallel_loop3A_244 = tpu.memref_slice %arg4[%parallel_loop3A_175, %parallel_loop3A_241, %parallel_loop3A_242, %parallel_loop3A_243] : memref<2x4x8x128xf32, #tpu.memory_space<vmem>> -> memref<1x4x8x128xf32, #tpu.memory_space<vmem>>
          %parallel_loop3A_245 = tpu.memref_squeeze %parallel_loop3A_244 : memref<1x4x8x128xf32, #tpu.memory_space<vmem>> -> memref<4x8x128xf32, #tpu.memory_space<vmem>>
          %parallel_loop3A_246 = arith.constant 0 : i32
          %parallel_loop3A_247 = arith.constant 0 : i32
          %parallel_loop3A_248 = tpu.memref_slice %parallel_loop3A_245[%parallel_loop3A_176, %parallel_loop3A_246, %parallel_loop3A_247] : memref<4x8x128xf32, #tpu.memory_space<vmem>> -> memref<1x8x128xf32, #tpu.memory_space<vmem>>
          %parallel_loop3A_249 = tpu.memref_squeeze %parallel_loop3A_248 : memref<1x8x128xf32, #tpu.memory_space<vmem>> -> memref<8x128xf32, #tpu.memory_space<vmem>>
          %parallel_loop3A_250 = arith.index_cast %parallel_loop3A_202 : i32 to index
          %parallel_loop3A_251 = arith.constant 32 : index
          %parallel_loop3A_252 = tpu.vector_load %parallel_loop3A_249[%parallel_loop3A_250, %parallel_loop3A_251] {strides = array<i32>} : memref<8x128xf32, #tpu.memory_space<vmem>>, vector<16xf32>,
          %parallel_loop3A_253 = arith.constant 0 : i32
          %parallel_loop3A_254 = arith.constant 0 : i32
          %parallel_loop3A_255 = tpu.memref_slice %arg5[%parallel_loop3A_177, %parallel_loop3A_253, %parallel_loop3A_254] : memref<2x128x33xf32, #tpu.memory_space<vmem>> -> memref<1x128x33xf32, #tpu.memory_space<vmem>>
          %parallel_loop3A_256 = tpu.memref_squeeze %parallel_loop3A_255 : memref<1x128x33xf32, #tpu.memory_space<vmem>> -> memref<128x33xf32, #tpu.memory_space<vmem>>
          tpu.vector_store_idx %parallel_loop3A_256[%add3A_11, %parallel_loop3A_208], %parallel_loop3A_252 : memref<128x33xf32, #tpu.memory_space<vmem>>[vector<16xi32>, vector<16xi32>], vector<16xf32>,
          %parallel_loop3A_257 = arith.constant 0 : i32
          %parallel_loop3A_258 = arith.constant 0 : i32
          %parallel_loop3A_259 = arith.constant 0 : i32
          %parallel_loop3A_260 = tpu.memref_slice %arg4[%parallel_loop3A_175, %parallel_loop3A_257, %parallel_loop3A_258, %parallel_loop3A_259] : memref<2x4x8x128xf32, #tpu.memory_space<vmem>> -> memref<1x4x8x128xf32, #tpu.memory_space<vmem>>
          %parallel_loop3A_261 = tpu.memref_squeeze %parallel_loop3A_260 : memref<1x4x8x128xf32, #tpu.memory_space<vmem>> -> memref<4x8x128xf32, #tpu.memory_space<vmem>>
          %parallel_loop3A_262 = arith.constant 0 : i32
          %parallel_loop3A_263 = arith.constant 0 : i32
          %parallel_loop3A_264 = tpu.memref_slice %parallel_loop3A_261[%parallel_loop3A_176, %parallel_loop3A_262, %parallel_loop3A_263] : memref<4x8x128xf32, #tpu.memory_space<vmem>> -> memref<1x8x128xf32, #tpu.memory_space<vmem>>
          %parallel_loop3A_265 = tpu.memref_squeeze %parallel_loop3A_264 : memref<1x8x128xf32, #tpu.memory_space<vmem>> -> memref<8x128xf32, #tpu.memory_space<vmem>>
          %parallel_loop3A_266 = arith.index_cast %parallel_loop3A_202 : i32 to index
          %parallel_loop3A_267 = arith.constant 48 : index
          %parallel_loop3A_268 = tpu.vector_load %parallel_loop3A_265[%parallel_loop3A_266, %parallel_loop3A_267] {strides = array<i32>} : memref<8x128xf32, #tpu.memory_space<vmem>>, vector<16xf32>,
          %parallel_loop3A_269 = arith.constant 0 : i32
          %parallel_loop3A_270 = arith.constant 0 : i32
          %parallel_loop3A_271 = tpu.memref_slice %arg5[%parallel_loop3A_177, %parallel_loop3A_269, %parallel_loop3A_270] : memref<2x128x33xf32, #tpu.memory_space<vmem>> -> memref<1x128x33xf32, #tpu.memory_space<vmem>>
          %parallel_loop3A_272 = tpu.memref_squeeze %parallel_loop3A_271 : memref<1x128x33xf32, #tpu.memory_space<vmem>> -> memref<128x33xf32, #tpu.memory_space<vmem>>
          tpu.vector_store_idx %parallel_loop3A_272[%add3A_15, %parallel_loop3A_208], %parallel_loop3A_268 : memref<128x33xf32, #tpu.memory_space<vmem>>[vector<16xi32>, vector<16xi32>], vector<16xf32>,
          %parallel_loop3A_273 = arith.constant 0 : i32
          %parallel_loop3A_274 = arith.constant 0 : i32
          %parallel_loop3A_275 = arith.constant 0 : i32
          %parallel_loop3A_276 = tpu.memref_slice %arg4[%parallel_loop3A_175, %parallel_loop3A_273, %parallel_loop3A_274, %parallel_loop3A_275] : memref<2x4x8x128xf32, #tpu.memory_space<vmem>> -> memref<1x4x8x128xf32, #tpu.memory_space<vmem>>
          %parallel_loop3A_277 = tpu.memref_squeeze %parallel_loop3A_276 : memref<1x4x8x128xf32, #tpu.memory_space<vmem>> -> memref<4x8x128xf32, #tpu.memory_space<vmem>>
          %parallel_loop3A_278 = arith.constant 0 : i32
          %parallel_loop3A_279 = arith.constant 0 : i32
          %parallel_loop3A_280 = tpu.memref_slice %parallel_loop3A_277[%parallel_loop3A_176, %parallel_loop3A_278, %parallel_loop3A_279] : memref<4x8x128xf32, #tpu.memory_space<vmem>> -> memref<1x8x128xf32, #tpu.memory_space<vmem>>
          %parallel_loop3A_281 = tpu.memref_squeeze %parallel_loop3A_280 : memref<1x8x128xf32, #tpu.memory_space<vmem>> -> memref<8x128xf32, #tpu.memory_space<vmem>>
          %parallel_loop3A_282 = arith.index_cast %parallel_loop3A_202 : i32 to index
          %parallel_loop3A_283 = arith.constant 64 : index
          %parallel_loop3A_284 = tpu.vector_load %parallel_loop3A_281[%parallel_loop3A_282, %parallel_loop3A_283] {strides = array<i32>} : memref<8x128xf32, #tpu.memory_space<vmem>>, vector<16xf32>,
          %parallel_loop3A_285 = arith.constant 0 : i32
          %parallel_loop3A_286 = arith.constant 0 : i32
          %parallel_loop3A_287 = tpu.memref_slice %arg5[%parallel_loop3A_177, %parallel_loop3A_285, %parallel_loop3A_286] : memref<2x128x33xf32, #tpu.memory_space<vmem>> -> memref<1x128x33xf32, #tpu.memory_space<vmem>>
          %parallel_loop3A_288 = tpu.memref_squeeze %parallel_loop3A_287 : memref<1x128x33xf32, #tpu.memory_space<vmem>> -> memref<128x33xf32, #tpu.memory_space<vmem>>
          tpu.vector_store_idx %parallel_loop3A_288[%add3A_19, %parallel_loop3A_208], %parallel_loop3A_284 : memref<128x33xf32, #tpu.memory_space<vmem>>[vector<16xi32>, vector<16xi32>], vector<16xf32>,
          %parallel_loop3A_289 = arith.constant 0 : i32
          %parallel_loop3A_290 = arith.constant 0 : i32
          %parallel_loop3A_291 = arith.constant 0 : i32
          %parallel_loop3A_292 = tpu.memref_slice %arg4[%parallel_loop3A_175, %parallel_loop3A_289, %parallel_loop3A_290, %parallel_loop3A_291] : memref<2x4x8x128xf32, #tpu.memory_space<vmem>> -> memref<1x4x8x128xf32, #tpu.memory_space<vmem>>
          %parallel_loop3A_293 = tpu.memref_squeeze %parallel_loop3A_292 : memref<1x4x8x128xf32, #tpu.memory_space<vmem>> -> memref<4x8x128xf32, #tpu.memory_space<vmem>>
          %parallel_loop3A_294 = arith.constant 0 : i32
          %parallel_loop3A_295 = arith.constant 0 : i32
          %parallel_loop3A_296 = tpu.memref_slice %parallel_loop3A_293[%parallel_loop3A_176, %parallel_loop3A_294, %parallel_loop3A_295] : memref<4x8x128xf32, #tpu.memory_space<vmem>> -> memref<1x8x128xf32, #tpu.memory_space<vmem>>
          %parallel_loop3A_297 = tpu.memref_squeeze %parallel_loop3A_296 : memref<1x8x128xf32, #tpu.memory_space<vmem>> -> memref<8x128xf32, #tpu.memory_space<vmem>>
          %parallel_loop3A_298 = arith.index_cast %parallel_loop3A_202 : i32 to index
          %parallel_loop3A_299 = arith.constant 80 : index
          %parallel_loop3A_300 = tpu.vector_load %parallel_loop3A_297[%parallel_loop3A_298, %parallel_loop3A_299] {strides = array<i32>} : memref<8x128xf32, #tpu.memory_space<vmem>>, vector<16xf32>,
          %parallel_loop3A_301 = arith.constant 0 : i32
          %parallel_loop3A_302 = arith.constant 0 : i32
          %parallel_loop3A_303 = tpu.memref_slice %arg5[%parallel_loop3A_177, %parallel_loop3A_301, %parallel_loop3A_302] : memref<2x128x33xf32, #tpu.memory_space<vmem>> -> memref<1x128x33xf32, #tpu.memory_space<vmem>>
          %parallel_loop3A_304 = tpu.memref_squeeze %parallel_loop3A_303 : memref<1x128x33xf32, #tpu.memory_space<vmem>> -> memref<128x33xf32, #tpu.memory_space<vmem>>
          tpu.vector_store_idx %parallel_loop3A_304[%add3A_23, %parallel_loop3A_208], %parallel_loop3A_300 : memref<128x33xf32, #tpu.memory_space<vmem>>[vector<16xi32>, vector<16xi32>], vector<16xf32>,
          %parallel_loop3A_305 = arith.constant 0 : i32
          %parallel_loop3A_306 = arith.constant 0 : i32
          %parallel_loop3A_307 = arith.constant 0 : i32
          %parallel_loop3A_308 = tpu.memref_slice %arg4[%parallel_loop3A_175, %parallel_loop3A_305, %parallel_loop3A_306, %parallel_loop3A_307] : memref<2x4x8x128xf32, #tpu.memory_space<vmem>> -> memref<1x4x8x128xf32, #tpu.memory_space<vmem>>
          %parallel_loop3A_309 = tpu.memref_squeeze %parallel_loop3A_308 : memref<1x4x8x128xf32, #tpu.memory_space<vmem>> -> memref<4x8x128xf32, #tpu.memory_space<vmem>>
          %parallel_loop3A_310 = arith.constant 0 : i32
          %parallel_loop3A_311 = arith.constant 0 : i32
          %parallel_loop3A_312 = tpu.memref_slice %parallel_loop3A_309[%parallel_loop3A_176, %parallel_loop3A_310, %parallel_loop3A_311] : memref<4x8x128xf32, #tpu.memory_space<vmem>> -> memref<1x8x128xf32, #tpu.memory_space<vmem>>
          %parallel_loop3A_313 = tpu.memref_squeeze %parallel_loop3A_312 : memref<1x8x128xf32, #tpu.memory_space<vmem>> -> memref<8x128xf32, #tpu.memory_space<vmem>>
          %parallel_loop3A_314 = arith.index_cast %parallel_loop3A_202 : i32 to index
          %parallel_loop3A_315 = arith.constant 96 : index
          %parallel_loop3A_316 = tpu.vector_load %parallel_loop3A_313[%parallel_loop3A_314, %parallel_loop3A_315] {strides = array<i32>} : memref<8x128xf32, #tpu.memory_space<vmem>>, vector<16xf32>,
          %parallel_loop3A_317 = arith.constant 0 : i32
          %parallel_loop3A_318 = arith.constant 0 : i32
          %parallel_loop3A_319 = tpu.memref_slice %arg5[%parallel_loop3A_177, %parallel_loop3A_317, %parallel_loop3A_318] : memref<2x128x33xf32, #tpu.memory_space<vmem>> -> memref<1x128x33xf32, #tpu.memory_space<vmem>>
          %parallel_loop3A_320 = tpu.memref_squeeze %parallel_loop3A_319 : memref<1x128x33xf32, #tpu.memory_space<vmem>> -> memref<128x33xf32, #tpu.memory_space<vmem>>
          tpu.vector_store_idx %parallel_loop3A_320[%add3A_27, %parallel_loop3A_208], %parallel_loop3A_316 : memref<128x33xf32, #tpu.memory_space<vmem>>[vector<16xi32>, vector<16xi32>], vector<16xf32>,
          %parallel_loop3A_321 = arith.constant 0 : i32
          %parallel_loop3A_322 = arith.constant 0 : i32
          %parallel_loop3A_323 = arith.constant 0 : i32
          %parallel_loop3A_324 = tpu.memref_slice %arg4[%parallel_loop3A_175, %parallel_loop3A_321, %parallel_loop3A_322, %parallel_loop3A_323] : memref<2x4x8x128xf32, #tpu.memory_space<vmem>> -> memref<1x4x8x128xf32, #tpu.memory_space<vmem>>
          %parallel_loop3A_325 = tpu.memref_squeeze %parallel_loop3A_324 : memref<1x4x8x128xf32, #tpu.memory_space<vmem>> -> memref<4x8x128xf32, #tpu.memory_space<vmem>>
          %parallel_loop3A_326 = arith.constant 0 : i32
          %parallel_loop3A_327 = arith.constant 0 : i32
          %parallel_loop3A_328 = tpu.memref_slice %parallel_loop3A_325[%parallel_loop3A_176, %parallel_loop3A_326, %parallel_loop3A_327] : memref<4x8x128xf32, #tpu.memory_space<vmem>> -> memref<1x8x128xf32, #tpu.memory_space<vmem>>
          %parallel_loop3A_329 = tpu.memref_squeeze %parallel_loop3A_328 : memref<1x8x128xf32, #tpu.memory_space<vmem>> -> memref<8x128xf32, #tpu.memory_space<vmem>>
          %parallel_loop3A_330 = arith.index_cast %parallel_loop3A_202 : i32 to index
          %parallel_loop3A_331 = arith.constant 112 : index
          %parallel_loop3A_332 = tpu.vector_load %parallel_loop3A_329[%parallel_loop3A_330, %parallel_loop3A_331] {strides = array<i32>} : memref<8x128xf32, #tpu.memory_space<vmem>>, vector<16xf32>,
          %parallel_loop3A_333 = arith.constant 0 : i32
          %parallel_loop3A_334 = arith.constant 0 : i32
          %parallel_loop3A_335 = tpu.memref_slice %arg5[%parallel_loop3A_177, %parallel_loop3A_333, %parallel_loop3A_334] : memref<2x128x33xf32, #tpu.memory_space<vmem>> -> memref<1x128x33xf32, #tpu.memory_space<vmem>>
          %parallel_loop3A_336 = tpu.memref_squeeze %parallel_loop3A_335 : memref<1x128x33xf32, #tpu.memory_space<vmem>> -> memref<128x33xf32, #tpu.memory_space<vmem>>
          tpu.vector_store_idx %parallel_loop3A_336[%add3A_31, %parallel_loop3A_208], %parallel_loop3A_332 : memref<128x33xf32, #tpu.memory_space<vmem>>[vector<16xi32>, vector<16xi32>], vector<16xf32>,
        } {sc.loop_unroll_factor = 2 : i64, sc.parallel_access}
        %mul3A_178 = arith.constant 32 : i32
        %mul3A_179 = arith.muli %add3A_113, %mul3A_178 : i32
        %add3A_180 = arith.addi %add3A, %mul3A_179 : i32
        %mul3A_181 = arith.constant 128 : i32
        %mul3A_182 = arith.muli %add3A_180, %mul3A_181 : i32
        %dma_start3A_183 = arith.constant 1 : i32
        %dma_start3A_184 = arith.constant 0 : i32
        %dma_start3A_185 = arith.constant 0 : i32
        %dma_start3A_186 = tpu.memref_slice %arg5[%dma_start3A_183, %dma_start3A_184, %dma_start3A_185] : memref<2x128x33xf32, #tpu.memory_space<vmem>> -> memref<1x128x33xf32, #tpu.memory_space<vmem>>
        %dma_start3A_187 = tpu.memref_squeeze %dma_start3A_186 : memref<1x128x33xf32, #tpu.memory_space<vmem>> -> memref<128x33xf32, #tpu.memory_space<vmem>>
        %dma_start3A_188 = arith.constant 0 : i32
        %dma_start3A_189 = arith.constant 0 : i32
        %dma_start3A_190 = tpu.memref_slice %dma_start3A_187[%dma_start3A_188, %dma_start3A_189] : memref<128x33xf32, #tpu.memory_space<vmem>> -> memref<128x32xf32, #tpu.memory_space<vmem>>
        %dma_start3A_191 = arith.constant 0 : i32
        %dma_start3A_192 = tpu.memref_slice %arg3[%mul3A_182, %dma_start3A_191] : memref<1000064x32xf32, #tpu.memory_space<hbm>> -> memref<128x32xf32, #tpu.memory_space<hbm>>
        %dma_start3A_193 = arith.constant 0 : i32
        %dma_start3A_194 = tpu.memref_slice %arg3[%mul3A_182, %dma_start3A_193] : memref<1000064x32xf32, #tpu.memory_space<hbm>> -> memref<128x32xf32, #tpu.memory_space<hbm>>
        %dma_start3A_195 = arith.constant 0 : i32
        %dma_start3A_196 = arith.constant 0 : i32
        %dma_start3A_197 = tpu.memref_slice %arg5[%dma_start3A_183, %dma_start3A_195, %dma_start3A_196] : memref<2x128x33xf32, #tpu.memory_space<vmem>> -> memref<1x128x33xf32, #tpu.memory_space<vmem>>
        %dma_start3A_198 = tpu.memref_squeeze %dma_start3A_197 : memref<1x128x33xf32, #tpu.memory_space<vmem>> -> memref<128x33xf32, #tpu.memory_space<vmem>>
        %dma_start3A_199 = arith.constant 0 : i32
        %dma_start3A_200 = arith.constant 0 : i32
        %dma_start3A_201 = tpu.memref_slice %dma_start3A_198[%dma_start3A_199, %dma_start3A_200] : memref<128x33xf32, #tpu.memory_space<vmem>> -> memref<128x32xf32, #tpu.memory_space<vmem>>
        tpu.enqueue_dma source(%dma_start3A_201 : memref<128x32xf32, #tpu.memory_space<vmem>>) target(%dma_start3A_194 : memref<128x32xf32, #tpu.memory_space<hbm>>) target_semaphore(%arg9 : memref<!tpu.dma_semaphore, #tpu.memory_space<semaphore_mem>>)
      } else {
      }
    }
    %scan3A_58 = arith.constant 123 : i32
    %dma_wait3A = arith.constant 0 : i32
    %dma_wait3A_59 = arith.constant 0 : i32
    %dma_wait3A_60 = arith.constant 0 : i32
    %dma_wait3A_61 = tpu.memref_slice %arg5[%dma_wait3A, %dma_wait3A_59, %dma_wait3A_60] : memref<2x128x33xf32, #tpu.memory_space<vmem>> -> memref<1x128x33xf32, #tpu.memory_space<vmem>>
    %dma_wait3A_62 = tpu.memref_squeeze %dma_wait3A_61 : memref<1x128x33xf32, #tpu.memory_space<vmem>> -> memref<128x33xf32, #tpu.memory_space<vmem>>
    %dma_wait3A_63 = arith.constant 0 : i32
    %dma_wait3A_64 = arith.constant 0 : i32
    %dma_wait3A_65 = tpu.memref_slice %dma_wait3A_62[%dma_wait3A_63, %dma_wait3A_64] : memref<128x33xf32, #tpu.memory_space<vmem>> -> memref<128x32xf32, #tpu.memory_space<vmem>>
    %dma_wait3A_66 = arith.constant 0 : i32
    %dma_wait3A_67 = arith.constant 0 : i32
    %dma_wait3A_68 = tpu.memref_slice %arg3[%dma_wait3A_66, %dma_wait3A_67] : memref<1000064x32xf32, #tpu.memory_space<hbm>> -> memref<128x32xf32, #tpu.memory_space<hbm>>
    %dma_wait3A_69 = arith.constant 0 : i32
    %dma_wait3A_70 = arith.constant 0 : i32
    %dma_wait3A_71 = tpu.memref_slice %arg3[%dma_wait3A_69, %dma_wait3A_70] : memref<1000064x32xf32, #tpu.memory_space<hbm>> -> memref<128x32xf32, #tpu.memory_space<hbm>>
    %dma_wait3A_72 = arith.constant 0 : i32
    %dma_wait3A_73 = arith.constant 0 : i32
    %dma_wait3A_74 = tpu.memref_slice %arg5[%dma_wait3A, %dma_wait3A_72, %dma_wait3A_73] : memref<2x128x33xf32, #tpu.memory_space<vmem>> -> memref<1x128x33xf32, #tpu.memory_space<vmem>>
    %dma_wait3A_75 = tpu.memref_squeeze %dma_wait3A_74 : memref<1x128x33xf32, #tpu.memory_space<vmem>> -> memref<128x33xf32, #tpu.memory_space<vmem>>
    %dma_wait3A_76 = arith.constant 0 : i32
    %dma_wait3A_77 = arith.constant 0 : i32
    %dma_wait3A_78 = tpu.memref_slice %dma_wait3A_75[%dma_wait3A_76, %dma_wait3A_77] : memref<128x33xf32, #tpu.memory_space<vmem>> -> memref<128x32xf32, #tpu.memory_space<vmem>>
    tpu.wait_dma2 semaphore(%arg8 : memref<!tpu.dma_semaphore, #tpu.memory_space<semaphore_mem>>) src(%dma_wait3A_78 : memref<128x32xf32, #tpu.memory_space<vmem>>) dst(%dma_wait3A_71 : memref<128x32xf32, #tpu.memory_space<hbm>>)
    %dma_wait3A_79 = arith.constant 1 : i32
    %dma_wait3A_80 = arith.constant 0 : i32
    %dma_wait3A_81 = arith.constant 0 : i32
    %dma_wait3A_82 = tpu.memref_slice %arg5[%dma_wait3A_79, %dma_wait3A_80, %dma_wait3A_81] : memref<2x128x33xf32, #tpu.memory_space<vmem>> -> memref<1x128x33xf32, #tpu.memory_space<vmem>>
    %dma_wait3A_83 = tpu.memref_squeeze %dma_wait3A_82 : memref<1x128x33xf32, #tpu.memory_space<vmem>> -> memref<128x33xf32, #tpu.memory_space<vmem>>
    %dma_wait3A_84 = arith.constant 0 : i32
    %dma_wait3A_85 = arith.constant 0 : i32
    %dma_wait3A_86 = tpu.memref_slice %dma_wait3A_83[%dma_wait3A_84, %dma_wait3A_85] : memref<128x33xf32, #tpu.memory_space<vmem>> -> memref<128x32xf32, #tpu.memory_space<vmem>>
    %dma_wait3A_87 = arith.constant 0 : i32
    %dma_wait3A_88 = arith.constant 0 : i32
    %dma_wait3A_89 = tpu.memref_slice %arg3[%dma_wait3A_87, %dma_wait3A_88] : memref<1000064x32xf32, #tpu.memory_space<hbm>> -> memref<128x32xf32, #tpu.memory_space<hbm>>
    %dma_wait3A_90 = arith.constant 0 : i32
    %dma_wait3A_91 = arith.constant 0 : i32
    %dma_wait3A_92 = tpu.memref_slice %arg3[%dma_wait3A_90, %dma_wait3A_91] : memref<1000064x32xf32, #tpu.memory_space<hbm>> -> memref<128x32xf32, #tpu.memory_space<hbm>>
    %dma_wait3A_93 = arith.constant 0 : i32
    %dma_wait3A_94 = arith.constant 0 : i32
    %dma_wait3A_95 = tpu.memref_slice %arg5[%dma_wait3A_79, %dma_wait3A_93, %dma_wait3A_94] : memref<2x128x33xf32, #tpu.memory_space<vmem>> -> memref<1x128x33xf32, #tpu.memory_space<vmem>>
    %dma_wait3A_96 = tpu.memref_squeeze %dma_wait3A_95 : memref<1x128x33xf32, #tpu.memory_space<vmem>> -> memref<128x33xf32, #tpu.memory_space<vmem>>
    %dma_wait3A_97 = arith.constant 0 : i32
    %dma_wait3A_98 = arith.constant 0 : i32
    %dma_wait3A_99 = tpu.memref_slice %dma_wait3A_96[%dma_wait3A_97, %dma_wait3A_98] : memref<128x33xf32, #tpu.memory_space<vmem>> -> memref<128x32xf32, #tpu.memory_space<vmem>>
    tpu.wait_dma2 semaphore(%arg9 : memref<!tpu.dma_semaphore, #tpu.memory_space<semaphore_mem>>) src(%dma_wait3A_99 : memref<128x32xf32, #tpu.memory_space<vmem>>) dst(%dma_wait3A_92 : memref<128x32xf32, #tpu.memory_space<hbm>>)
    return
  }
}

</mosaic_0001>

<sc_bundles>
// kernel: kernel.4.cloned.1.call-start
scs
__scs_entry_jumppad:
0x0: {  	(pc) =	sbr.rel $0x88, $3  }
0x1: {  	(tag) =	ssettag $0x0;
	lr =	simm.s32 $0x1  }
0x2: {  	[smem:$0x3F9F] =	sst lr;
	_ =	strace $0xD0000000  }
0x3: {  	_ = 	snop  }
0x4: {  	_ = 	snop  }
0x5: {  	_ = 	snop  }
0x6: {  	_ = 	snop  }
0x7: {  	_ = 	snop  }
__scs_overlays_trampoline_lowered:
0x8: {  	[smem:$0x3FAE] =	sst s0  }
0x9: {  	[smem:$0x3FAF] =	sst s1  }
0xa: {  	[smem:$0x3FB0] =	sst s2  }
0xb: {  	[smem:$0x3FB1] =	sst s3  }
0xc: {  	[smem:$0x3FB2] =	sst s4  }
0xd: {  	[smem:$0x3FB3] =	sst s5  }
0xe: {  	[smem:$0x3FB4] =	sst s6  }
0xf: {  	[smem:$0x3FB5] =	sst s7  }
0x10: {  	[smem:$0x3FB6] =	sst s8  }
0x11: {  	[smem:$0x3FB7] =	sst s9;
	s0 =	simm.s32 @!p0 $0x0  }
0x12: {  	s1 =	sld [smem:$0x3F9D];
	s0 =	simm.s32 @p0 $0x1  }
0x13: {  	[smem:$0x3FB8] =	sst s0;
	s0 =	simm.s32 @!p1 $0x0  }
0x14: {  	s2 =	sld [smem:$0x3F9C];
	s0 =	simm.s32 @p1 $0x1  }
0x15: {  	[smem:$0x3FB9] =	sst s0;
	s0 =	simm.s32 @!p2 $0x0  }
0x16: {  	s3 =	sld [smem:$0x3FDB];
	s0 =	simm.s32 @p2 $0x1  }
0x17: {  	s4 =	simm.s32 $0x1BF5;
	[smem:$0x3FBB] =	sst s0  }
0x18: {  	s0 =	sld [smem:$0x3F9E];
	_ =	swait.ge [sflag:s4], $0x0  }
0x19: {  	s7 =	sld [smem:$0x3F9F]  }
0x1a: {  	s8 =	sadd.s32 $0xFFFFE003, lr  }
0x1b: {  	s9 =	sadd.s32 $0xFFFFFEF7, lr;
	s5 =	simm.s32 $0xFFFFFFFF;
	p2 =	slt.u32 s8, $0xFFFFF086  }
0x1c: {  	p1 =	slt.u32 s9, $0xF7A;
	s5 =	simm.s32 @!p2 $0x0  }
0x1d: {  	s5 =	simm.s32 @p1 $0x1;
	p0 =	seq.s32 s7, s2  }
0x1e: {  	s7 =	smul.u32 @!p0 $0xF7A, s2;
	p2 =	seq.s32 @!p0 s5, $0x0  }
0x1f: {  	s9 =	smul.u32 $0xF7A, s1;
	s8 =	simm.s32 @!p0 $0x1BF5;
	p2 =	por !p2, p0  }
0x20: {  	[sflag:s8] =	ssyncset.s32 @!p0 $0xFFFFF086;
	s6 =	sadd.s32 @!p0 s3, s7;
	s7 =	simm.s32 @!p0 $0x108  }
0x21: {  	s3 =	sadd.s32 s3, s9;
	s6 =	sadd.s32 @!p0 $0x88, s6;
	s7 =	simm.s32 @p2 $0x1082  }
0x22: {  	[simem:s7], [sflag:s8] =	dma.local @!p0 [hbm:s6], $0xF7A  }
0x23: {  	s9 =	sor.u32 $0xD0000000, s2;
	s6 =	simm.s32 $0x108;
	_ =	swait.ge @!p0 [sflag:s8], $0x0  }
0x24: {  	s3 =	sadd.s32 $0x88, s3;
	s6 =	simm.s32 @!p1 $0x1082;
	[sflag:s4] =	ssyncset.s32 $0xFFFFF086  }
0x25: {  	[simem:s6], [sflag:s4] =	dma.local [hbm:s3], $0xF7A  }
0x26: {  	[smem:$0x3F9F] =	sst s1;
	(tag) =	ssettag s2;
	_ =	strace s9  }
0x27: {  	s1 =	sld [smem:$0x3FAF]  }
0x28: {  	s2 =	sld [smem:$0x3FB0]  }
0x29: {  	s4 =	sld [smem:$0x3FB2]  }
0x2a: {  	p0 =	seq.s32 s5, $0x0;
	s5 =	sld [smem:$0x3FB3]  }
0x2b: {  	s6 =	sld [smem:$0x3FB4]  }
0x2c: {  	s7 =	sld [smem:$0x3FB5]  }
0x2d: {  	s3 =	simm.s32 $0x108;
	s8 =	sld [smem:$0x3FB6]  }
0x2e: {  	s3 =	simm.s32 @!p0 $0x1082;
	s9 =	sld [smem:$0x3FB7]  }
0x2f: {  	lr =	sadd.s32 s0, s3;
	s0 =	sld [smem:$0x3FAE]  }
0x30: {  	s3 =	sld [smem:$0x3FB1]  }
0x31: {  	[smem:$0x3FBA] =	sst s10  }
0x32: {  	s10 =	sld [smem:$0x3FB8];
	_ =	sdelay $0x3  }
0x33: {  	p0 =	seq.s32 s10, $0x1;
	s10 =	sld [smem:$0x3FBA];
	_ =	sdelay $0x3  }
0x34: {  	[smem:$0x3FBA] =	sst s10  }
0x35: {  	s10 =	sld [smem:$0x3FB9];
	_ =	sdelay $0x3  }
0x36: {  	p1 =	seq.s32 s10, $0x1;
	s10 =	sld [smem:$0x3FBA];
	_ =	sdelay $0x3  }
0x37: {  	[smem:$0x3FBA] =	sst s10  }
0x38: {  	s10 =	sld [smem:$0x3FBB]  }
0x39: {  	_ = 	snop;
	(pc) =	sbr.ind lr, $3  }
0x3a: {  	_ = 	snop  }
0x3b: {  	_ = 	snop  }
0x3c: {  	p2 =	seq.s32 s10, $0x1;
	s10 =	sld [smem:$0x3FBA]  }
0x3d: {  	_ =	shalt  }
0x3e: {  	_ =	shalt  }
0x3f: {  	_ =	shalt  }
0x40: {  	_ =	shalt  }
0x41: {  	_ =	shalt  }
0x42: {  	_ =	shalt  }
0x43: {  	_ =	shalt  }
0x44: {  	_ =	shalt  }
0x45: {  	_ =	shalt  }
0x46: {  	_ =	shalt  }
0x47: {  	_ =	shalt  }
0x48: {  	_ =	shalt  }
0x49: {  	_ =	shalt  }
0x4a: {  	_ =	shalt  }
0x4b: {  	_ =	shalt  }
0x4c: {  	_ =	shalt  }
0x4d: {  	_ =	shalt  }
0x4e: {  	_ =	shalt  }
0x4f: {  	_ =	shalt  }
0x50: {  	_ =	shalt  }
0x51: {  	_ =	shalt  }
0x52: {  	_ =	shalt  }
0x53: {  	_ =	shalt  }
0x54: {  	_ =	shalt  }
0x55: {  	_ =	shalt  }
0x56: {  	_ =	shalt  }
0x57: {  	_ =	shalt  }
0x58: {  	_ =	shalt  }
0x59: {  	_ =	shalt  }
0x5a: {  	_ =	shalt  }
0x5b: {  	_ =	shalt  }
0x5c: {  	_ =	shalt  }
0x5d: {  	_ =	shalt  }
0x5e: {  	_ =	shalt  }
0x5f: {  	_ =	shalt  }
0x60: {  	_ =	shalt  }
0x61: {  	_ =	shalt  }
0x62: {  	_ =	shalt  }
0x63: {  	_ =	shalt  }
0x64: {  	_ =	shalt  }
0x65: {  	_ =	shalt  }
0x66: {  	_ =	shalt  }
0x67: {  	_ =	shalt  }
0x68: {  	_ =	shalt  }
0x69: {  	_ =	shalt  }
0x6a: {  	_ =	shalt  }
0x6b: {  	_ =	shalt  }
0x6c: {  	_ =	shalt  }
0x6d: {  	_ =	shalt  }
0x6e: {  	_ =	shalt  }
0x6f: {  	_ =	shalt  }
0x70: {  	_ =	shalt  }
0x71: {  	_ =	shalt  }
0x72: {  	_ =	shalt  }
0x73: {  	_ =	shalt  }
0x74: {  	_ =	shalt  }
0x75: {  	_ =	shalt  }
0x76: {  	_ =	shalt  }
0x77: {  	_ =	shalt  }
0x78: {  	_ =	shalt  }
0x79: {  	_ =	shalt  }
0x7a: {  	_ =	shalt  }
0x7b: {  	_ =	shalt  }
0x7c: {  	_ =	shalt  }
0x7d: {  	_ =	shalt  }
0x7e: {  	_ =	shalt  }
0x7f: {  	_ =	shalt  }
0x80: {  	_ =	shalt  }
0x81: {  	_ =	shalt  }
0x82: {  	_ =	shalt  }
0x83: {  	_ =	shalt  }
0x84: {  	_ =	shalt  }
0x85: {  	_ =	shalt  }
0x86: {  	_ =	shalt  }
0x87: {  	_ =	shalt  }
.Lfunc_end0:
.L_simem_size_0:
called_computation_lowered:
.L_overlay_start_0:
0x88: {  	s2 =	sld [smem:$0x3FD9]  }
0x89: {  	s3 =	sld [smem:$0x3FFE];
	_ =	sdelay $0x1  }
0x8a: {  	s1 =	srdreg.scid  }
0x8b: {  	s0 =	sand.u32 $0x1, s1  }
0x8c: {  	s16 =	sshll.u32 s0, $0xA;
	s2 =	sadd.s32 s3, s2  }
0x8d: {  	s2 =	sadd.s32 s2, s16  }
0x8e: {  	[smem:$0x3FC6] =	sst s2  }
0x8f: {  	_ = 	snop  }
0x90: {  	(tm) =	ssettm $0x1  }
0x91: {  	s17 =	sld [smem:$0x3FFB];
	_ =	sdelay $0x3  }
0x92: {  	_ =	strace s17  }
0x93: {  	s2 =	sld [smem:$0x3FFC];
	_ =	sdelay $0x3  }
0x94: {  	_ =	strace s2  }
0x95: {  	s2 =	sld [smem:$0x3FFD];
	_ =	sdelay $0x3  }
0x96: {  	_ =	strace s2  }
0x97: {  	_ =	strace $0x8FFFFFFF  }
0x98: {  	s18 =	sld [smem:$0x3FDB];
	_ =	sdelay $0x1  }
0x99: {  	s19 =	simm.s32 $_scs_section_size  }
0x9a: {  	s4 =	simm.s32 $_size__tile_overlayer_lowered;
	s5 =	simm.s32 $_tile_overlayer_lowered  }
0x9b: {  	s22 =	simm.s32 $0x1BFF;
	s21 =	sshll.u32 s5, $0x1;
	s2 =	sadd.s32 s19, s18  }
0x9c: {  	s6 =	simm.s32 $0x0;
	s20 =	sshll.u32 s4, $0x1;
	s4 =	sadd.s32 s21, s2  }
0x9d: {  	[timem:s6], [sflag:s22] =	dma.local [hbm:s4], s20  }
0x9e: {  	_ =	swait.ge [sflag:s22], s20  }
0x9f: {  	s3 =	ssub.s32 $0x0, s20;
	[sflag:s22] =	ssyncset.done $0x0  }
0xa0: {  	[sflag:s22] =	ssyncadd.s32 s3;
	_ =	sdelay $0x1  }
0xa1: {  	s23 =	simm.s32 $0x1B8B  }
0xa2: {  	_ =	swait.ge [sflag:s23], $0x1  }
0xa3: {  	[sflag:s23] =	ssyncset.done $0x0  }
0xa4: {  	s25 =	simm.s32 $0x1B8E;
	s24 =	sld [smem:$0x3FFE];
	[sflag:s23] =	ssyncadd.s32 $0xFFFFFFFF  }
0xa5: {  	s26 =	simm.s32 $execute0_lowered;
	[smem:$0x3FD2] =	sst s25  }
0xa6: {  	s4 =	sshll.u32 s26, $0x1;
	_ =	strace $0x80000046;
	[dreg:$0x1] =	wrdreg $0xFFFFFFFF  }
0xa7: {  	s28 =	simm.s32 $_size_execute0_lowered;
	s2 =	sadd.s32 s2, s4;
	[dreg:$0x0] =	wrdreg $0x0  }
0xa8: {  	s4 =	sshll.u32 s28, $0x1;
	[dreg:$0x2] =	wrdreg s2  }
0xa9: {  	[dreg:$0x3] =	wrdreg s4  }
0xaa: {  	[dreg:$0x4] =	wrdreg $0xC0  }
0xab: {  	_ =	task [dreg:s6], $0x5FFFF  }
0xac: {  	[dreg:$0x1] =	wrdreg $0xFFFFFFFF  }
0xad: {  	[dreg:$0x0] =	wrdreg $0x60  }
0xae: {  	[dreg:$0x2] =	wrdreg s24  }
0xaf: {  	[dreg:$0x3] =	wrdreg $0x9  }
0xb0: {  	_ =	task.clear_ibuf [dreg:s6], $0x4FFFF;
	_ =	strace $0x90000046  }
0xb1: {  	s29 =	simm.s32 $0x9;
	_ =	strace $0x80000048  }
0xb2: {  	_ =	swait.ge [sflag:s29], $0x1  }
0xb3: {  	[sflag:s29] =	ssyncadd.s32 $0xFFFFFFFF  }
0xb4: {  	_ =	strace $0x90000048  }
0xb5: {  	_ =	sfence  }
0xb6: {  	s30 =	sld [smem:$0x0];
	_ =	sdelay $0x2  }
0xb7: {  	s31 =	sshll.u32 s1, $0xD;
	s1 =	sshrl.u32 s1, $0x2  }
0xb8: {  	s3 =	sand.u32 $0x4000, s31;
	s1 =	sadd.s32 s1, s30  }
0xb9: {  	s0 =	sor.u32 s3, s0;
	s1 =	sshll.u32 s1, $0x11  }
0xba: {  	s0 =	sor.u32 s1, s0  }
0xbb: {  	s0 =	sadd.s32 $0x8F2B, s0  }
0xbc: {  	[sflag:s0] =	ssyncadd.remote.s32 $0x1  }
0xbd: {  	_ =	sfence.sel $0xFFFF  }
0xbe: {  	[dreg:$0x0] =	wrdreg $0xFFFFFFFF;
	(pc) =	sbr.abs _section_cstart, $3  }
0xbf: {  	[dreg:$0x1] =	wrdreg $0xFFFFFFFF  }
0xc0: {  	_ =	task.clear_ibuf [dreg:s6], $0x2FFFF;
	_ =	strace $0x9FFFFFFF  }
0xc1: {  	(tm) =	ssettm $0x7FFFFFFF  }
tec
execute0_lowered:
.L_overlay_start_1:
0x0: {  	(tag) =	ssettag $0x1  }
0x1: {  	v0 =	vlaneseq.u32  }
0x2: {  	v0 =	vmul.u32 $0x28, v0;
	_ =	sdelay $0x1  }
0x3: {  	s5 =	rddreg [dreg:$0x0];
	v1 =	vadd.s32 $0x280, v0  }
0x4: {  	s0 =	rddreg [dreg:$0x1];
	v2 =	vadd.s32 $0x500, v0;
	v3 =	vadd.s32 $0x780, v0;
	v4 =	vadd.s32 $0xA00, v0  }
0x5: {  	s1 =	simm.s32 $0x0;
	s3 =	srdreg.scid;
	s2 =	stileid.u32;
	v5 =	vadd.s32 $0xC80, v0;
	v6 =	vadd.s32 $0xF00, v0;
	v7 =	vadd.s32 $0x1180, v0  }
0x6: {  	s9 =	simm.s32 $0x400;
	s10 =	simm.s32 $0x7A1400;
	s11 =	simm.s32 $0x1;
	v8 =	vadd.s32 $0x8, v0;
	v9 =	vadd.s32 $0x288, v0;
	v10 =	vadd.s32 $0x508, v0  }
0x7: {  	s12 =	simm.s32 $0x2000;
	s13 =	simm.s32 $0x2;
	s14 =	simm.s32 $0x3400;
	v11 =	vadd.s32 $0x788, v0;
	v12 =	vadd.s32 $0xA08, v0;
	v13 =	vadd.s32 $0xC88, v0  }
0x8: {  	s15 =	simm.s32 $0x3;
	s16 =	simm.s32 $0x4;
	s17 =	simm.s32 $0x0;
	v14 =	vadd.s32 $0xF08, v0;
	v15 =	vadd.s32 $0x1188, v0;
	v16 =	vadd.s32 $0x10, v0  }
.Ltmp0:
0x9: {  	[smem:$0x7FF] =	sst s1;
	s4 =	sand.u32 $0x1, s3;
	v17 =	vadd.s32 $0x290, v0;
	v18 =	vadd.s32 $0x510, v0;
	v19 =	vadd.s32 $0x790, v0;
	(pc) =	sbr.rel .LBB2_1-.Ltmp0, $4  }
0xa: {  	s7 =	sshll.u32 s2, $0x1;
	s3 =	sadd.s32 $0x800, s5;
	s6 =	ssub.s32 $0x2, s4;
	v20 =	vadd.s32 $0xA10, v0;
	v21 =	vadd.s32 $0xC90, v0;
	v22 =	vadd.s32 $0xF10, v0  }
0xb: {  	s5 =	sadd.s32 $0x3D1200, s5;
	s4 =	sor.u32 s4, s7;
	s8 =	sshrl.u32 s6, $0x1;
	v23 =	vadd.s32 $0x1190, v0;
	v24 =	vadd.s32 $0x18, v0;
	v25 =	vadd.s32 $0x298, v0  }
0xc: {  	_ =	strace $0x80000047;
	s31 =	sshll.u32 s4, $0x7;
	v26 =	vadd.s32 $0x518, v0;
	v27 =	vadd.s32 $0x798, v0;
	v28 =	vadd.s32 $0xA18, v0;
	s8 =	ssub.s32 s6, s8  }
0xd: {  	s7 =	sor.u32 $0x40, s4;
	v29 =	vadd.s32 $0xC98, v0;
	v30 =	vadd.s32 $0xF18, v0;
	v31 =	vadd.s32 $0x1198, v0;
	s6 =	sadd.s32 s3, s31;
	s8 =	smax.u32 s8, $0x1  }
.LBB2_27:
0xe: {  	s17 =	sadd.s32 $0x1, s17  }
0xf: {  	_ =	swait.ge [sflag:s15], $0x1000;
	p0 =	sne.s32 s17, s8  }
.Ltmp1:
0x10: {  	[sflag:s15] =	ssyncset.done $0x0;
	(pc) =	sbr.rel @!p0 .LBB2_28-.Ltmp1, $4  }
0x11: {  	[sflag:s15] =	ssyncadd.s32 $0xFFFFF000  }
0x12: {  	_ =	swait.ge [sflag:s16], $0x1000  }
0x13: {  	[sflag:s16] =	ssyncset.done $0x0  }
0x14: {  	[sflag:s16] =	ssyncadd.s32 $0xFFFFF000  }
.LBB2_1:
.Ltmp2:
0x15: {  	(pc) =	sbr.rel .LBB2_2-.Ltmp2, $3  }
0x16: {  	_ =	sdelay $0x1  }
0x17: {  	[tilespmem:s1], [sflag:$0x1] =	stream.strided.gather [hbm4b:s6+s9], $0x1000, s10, s9, $0x38;
	[tilespmem:$0x4800] =	vst v63  }
0x18: {  	s18 =	simm.s32 $0x0  }
.LBB2_26:
0x19: {  	s18 =	sadd.s32 $0x1, s18  }
0x1a: {  	p0 =	sne.s32 s18, $0x7B  }
.Ltmp3:
0x1b: {  	_ = 	snop;
	(pc) =	sbr.rel @!p0 .LBB2_27-.Ltmp3, $1  }
0x1c: {  	_ =	sdelay $0x3  }
.LBB2_2:
0x1d: {  	s19 =	sshll.u32 s18, $0x6  }
0x1e: {  	s20 =	sor.u32 s4, s19  }
0x1f: {  	p0 =	sgt.u32 s20, $0x1E84  }
.Ltmp4:
0x20: {  	_ = 	snop;
	(pc) =	sbr.rel @p0 .LBB2_14-.Ltmp4, $1  }
0x21: {  	_ =	sdelay $0x3  }
0x22: {  	p0 =	sgt.u32 s20, $0x1E64;
	_ =	swait.ge [sflag:s11], $0x1000  }
0x23: {  	s21 =	sshll.u32 @!p0 s20, $0x7;
	[sflag:s11] =	ssyncset.done $0x0  }
0x24: {  	s22 =	simm.s32 @!p0 $0x400;
	s23 =	simm.s32 @!p0 $0x7A1400;
	s21 =	sadd.s32 @!p0 s21, s3  }
0x25: {  	s24 =	simm.s32 @!p0 $0x1000;
	[sflag:s11] =	ssyncadd.s32 $0xFFFFF000;
	s21 =	sadd.s32 @!p0 $0x1000, s21  }
0x26: {  	[tilespmem:s24], [sflag:$0x2] =	stream.strided.gather @!p0 [hbm4b:s21+s22], $0x1000, s23, s22, $0x38;
	[tilespmem:$0x4800] =	vst v63  }
0x27: {  	s30 =	simm.s32 $0x1;
	p0 =	seq.s32 s18, $0x0  }
0x28: {  	s31 =	simm.s32 $0x0;
	v32 =	vmov s30;
	s22 =	simm.s32 @!p0 $0x3  }
0x29: {  	v33 =	vmov s31;
	v32 =	vand.u32 $0x7, v32;
	_ =	swait.ge @!p0 [sflag:s22], $0x1000  }
0x2a: {  	v34 =	vand.u32 $0x6, v33;
	v33 =	vbroadcast v32, $0x0;
	[sflag:s22] =	ssyncset.done @!p0 $0x0  }
0x2b: {  	v32 =	vbroadcast v34, $0x0;
	s24 =	simm.s32 $0x80;
	[sflag:s22] =	ssyncadd.s32 @!p0 $0xFFFFF000  }
0x2c: {  	v35 =	vor.u32 v0, v33;
	v59 =	vld [tilespmem:s24+$0x0]  }
0x2d: {  	v37 =	vor.u32 v0, v32;
	v36 =	vld [tilespmem:s24+$0xFFFFFF80];
	_ =	sdelay $0x3  }
0x2e: {  	[tilespmem:v35+s12+$0x0] =	vst.idx.msk $0xffff, v59  }
0x2f: {  	v60 =	vor.u32 v1, v33;
	[tilespmem:v37+s12+$0x0] =	vst.idx.msk $0xffff, v36;
	v34 =	vld [tilespmem:s24+$0x10]  }
0x30: {  	v61 =	vor.u32 v1, v32;
	v36 =	vld [tilespmem:s24+$0xFFFFFF90];
	_ =	sdelay $0x3  }
0x31: {  	[tilespmem:v60+s12+$0x0] =	vst.idx.msk $0xffff, v34  }
0x32: {  	v62 =	vor.u32 v2, v33;
	[tilespmem:v61+s12+$0x0] =	vst.idx.msk $0xffff, v36;
	v34 =	vld [tilespmem:s24+$0x20]  }
0x33: {  	v63 =	vor.u32 v2, v32;
	v36 =	vld [tilespmem:s24+$0xFFFFFFA0];
	_ =	sdelay $0x3  }
0x34: {  	[tilespmem:v62+s12+$0x0] =	vst.idx.msk $0xffff, v34  }
0x35: {  	v37 =	vor.u32 v3, v33;
	[tilespmem:v63+s12+$0x0] =	vst.idx.msk $0xffff, v36;
	v35 =	vld [tilespmem:s24+$0x30]  }
0x36: {  	v38 =	vor.u32 v3, v32;
	v36 =	vld [tilespmem:s24+$0xFFFFFFB0];
	_ =	sdelay $0x1  }
0x37: {  	s28 =	simm.s32 $0x3;
	s25 =	simm.s32 $0x4  }
0x38: {  	s26 =	simm.s32 $0x2;
	s21 =	simm.s32 $0x2;
	s22 =	simm.s32 $0x80;
	v34 =	vmov v32  }
.LBB2_4:
0x39: {  	p0 =	slt.u32 s25, $0x6;
	v39 =	vmov s28;
	[tilespmem:v37+s12+$0x0] =	vst.idx.msk $0xffff, v35  }
0x3a: {  	v35 =	vmov s26;
	s26 =	smov.u32 s25;
	v37 =	vand.u32 $0x7, v39;
	[tilespmem:v38+s12+$0x0] =	vst.idx.msk $0xffff, v36;
	v36 =	vld [tilespmem:s24+$0x40];
	v38 =	vor.u32 v4, v33  }
0x3b: {  	v40 =	vor.u32 v4, v34;
	v35 =	vand.u32 $0x6, v35;
	v37 =	vbroadcast v37, $0x0;
	v39 =	vld [tilespmem:s24+$0xFFFFFFC0]  }
0x3c: {  	v35 =	vbroadcast v35, $0x0;
	s24 =	sadd.s32 $0x100, s24  }
0x3d: {  	v41 =	vld [tilespmem:s24+$0x0];
	v42 =	vor.u32 v0, v37  }
0x3e: {  	v44 =	vor.u32 v0, v35;
	v43 =	vld [tilespmem:s24+$0xFFFFFF80]  }
0x3f: {  	[tilespmem:v38+s12+$0x0] =	vst.idx.msk $0xffff, v36  }
0x40: {  	v38 =	vor.u32 v5, v33;
	[tilespmem:v40+s12+$0x0] =	vst.idx.msk $0xffff, v39;
	v36 =	vld [tilespmem:s22+$0x50]  }
0x41: {  	v40 =	vor.u32 v5, v34;
	v39 =	vld [tilespmem:s22+$0xFFFFFFD0]  }
0x42: {  	[tilespmem:v42+s12+$0x0] =	vst.idx.msk $0xffff, v41  }
0x43: {  	v42 =	vor.u32 v1, v37;
	[tilespmem:v44+s12+$0x0] =	vst.idx.msk $0xffff, v43;
	v41 =	vld [tilespmem:s24+$0x10]  }
0x44: {  	v44 =	vor.u32 v1, v35;
	v43 =	vld [tilespmem:s24+$0xFFFFFF90]  }
0x45: {  	[tilespmem:v38+s12+$0x0] =	vst.idx.msk $0xffff, v36  }
0x46: {  	v38 =	vor.u32 v6, v33;
	[tilespmem:v40+s12+$0x0] =	vst.idx.msk $0xffff, v39;
	v36 =	vld [tilespmem:s22+$0x60]  }
0x47: {  	v40 =	vor.u32 v6, v34;
	v39 =	vld [tilespmem:s22+$0xFFFFFFE0]  }
0x48: {  	[tilespmem:v42+s12+$0x0] =	vst.idx.msk $0xffff, v41  }
0x49: {  	v42 =	vor.u32 v2, v37;
	[tilespmem:v44+s12+$0x0] =	vst.idx.msk $0xffff, v43;
	v41 =	vld [tilespmem:s24+$0x20]  }
0x4a: {  	v44 =	vor.u32 v2, v35;
	v43 =	vld [tilespmem:s24+$0xFFFFFFA0]  }
0x4b: {  	[tilespmem:v38+s12+$0x0] =	vst.idx.msk $0xffff, v36  }
0x4c: {  	[tilespmem:v40+s12+$0x0] =	vst.idx.msk $0xffff, v39;
	v39 =	vld [tilespmem:s22+$0x70];
	v40 =	vor.u32 v7, v33;
	v33 =	vmov v37  }
0x4d: {  	v46 =	vor.u32 v7, v34;
	v34 =	vmov v35;
	v45 =	vld [tilespmem:s22+$0xFFFFFFF0];
	s22 =	smov.u32 s24  }
0x4e: {  	[tilespmem:v42+s12+$0x0] =	vst.idx.msk $0xffff, v41  }
.Ltmp5:
0x4f: {  	v37 =	vor.u32 v3, v33;
	[tilespmem:v44+s12+$0x0] =	vst.idx.msk $0xffff, v43;
	v35 =	vld [tilespmem:s24+$0x30];
	(pc) =	sbr.rel @p0 .LBB2_4-.Ltmp5, $4  }
0x50: {  	v38 =	vor.u32 v3, v34;
	v36 =	vld [tilespmem:s24+$0xFFFFFFB0]  }
0x51: {  	s23 =	simm.s32 $0x4F0;
	[tilespmem:v40+s12+$0x0] =	vst.idx.msk $0xffff, v39  }
0x52: {  	[tilespmem:v46+s12+$0x0] =	vst.idx.msk $0xffff, v45  }
0x53: {  	s25 =	sadd.s32 $0x2, s25;
	s28 =	sadd.s32 $0x1, s26  }
0x54: {  	v39 =	vmov s28  }
0x55: {  	v40 =	vmov s26;
	v39 =	vand.u32 $0x7, v39  }
0x56: {  	v40 =	vand.u32 $0x6, v40;
	v39 =	vbroadcast v39, $0x0  }
0x57: {  	s25 =	sadd.s32 $0x100, s24;
	v40 =	vbroadcast v40, $0x0  }
0x58: {  	v41 =	vld [tilespmem:s25+$0x0];
	v42 =	vor.u32 v0, v39  }
0x59: {  	v43 =	vld [tilespmem:s25+$0xFFFFFF80];
	v44 =	vor.u32 v0, v40;
	_ =	sdelay $0x3  }
0x5a: {  	[tilespmem:v42+s12+$0x0] =	vst.idx.msk $0xffff, v41  }
0x5b: {  	v48 =	vor.u32 v1, v39;
	[tilespmem:v44+s12+$0x0] =	vst.idx.msk $0xffff, v43;
	v41 =	vld [tilespmem:s25+$0x10]  }
0x5c: {  	v49 =	vor.u32 v1, v40;
	v43 =	vld [tilespmem:s25+$0xFFFFFF90];
	_ =	sdelay $0x3  }
0x5d: {  	[tilespmem:v48+s12+$0x0] =	vst.idx.msk $0xffff, v41  }
0x5e: {  	v50 =	vor.u32 v2, v39;
	[tilespmem:v49+s12+$0x0] =	vst.idx.msk $0xffff, v43;
	v41 =	vld [tilespmem:s25+$0x20]  }
0x5f: {  	v51 =	vor.u32 v2, v40;
	v43 =	vld [tilespmem:s25+$0xFFFFFFA0];
	_ =	sdelay $0x3  }
0x60: {  	[tilespmem:v50+s12+$0x0] =	vst.idx.msk $0xffff, v41  }
0x61: {  	v52 =	vor.u32 v3, v39;
	[tilespmem:v51+s12+$0x0] =	vst.idx.msk $0xffff, v43;
	v41 =	vld [tilespmem:s25+$0x30]  }
0x62: {  	v53 =	vor.u32 v3, v40;
	v43 =	vld [tilespmem:s25+$0xFFFFFFB0];
	_ =	sdelay $0x1  }
0x63: {  	[tilespmem:v37+s12+$0x0] =	vst.idx.msk $0xffff, v35  }
0x64: {  	v54 =	vor.u32 v4, v33;
	[tilespmem:v38+s12+$0x0] =	vst.idx.msk $0xffff, v36;
	v35 =	vld [tilespmem:s24+$0x40]  }
0x65: {  	v56 =	vor.u32 v4, v34;
	v55 =	vld [tilespmem:s24+$0xFFFFFFC0];
	[tilespmem:v52+s12+$0x0] =	vst.idx.msk $0xffff, v41  }
0x66: {  	v57 =	vor.u32 v4, v39;
	[tilespmem:v53+s12+$0x0] =	vst.idx.msk $0xffff, v43;
	v41 =	vld [tilespmem:s25+$0x40]  }
0x67: {  	v58 =	vor.u32 v4, v40;
	v43 =	vld [tilespmem:s25+$0xFFFFFFC0];
	_ =	sdelay $0x1  }
0x68: {  	[tilespmem:v54+s12+$0x0] =	vst.idx.msk $0xffff, v35  }
0x69: {  	v59 =	vor.u32 v5, v33;
	[tilespmem:v56+s12+$0x0] =	vst.idx.msk $0xffff, v55;
	v35 =	vld [tilespmem:s22+$0x50]  }
0x6a: {  	v60 =	vor.u32 v5, v34;
	v37 =	vld [tilespmem:s22+$0xFFFFFFD0];
	[tilespmem:v57+s12+$0x0] =	vst.idx.msk $0xffff, v41  }
0x6b: {  	v61 =	vor.u32 v5, v39;
	[tilespmem:v58+s12+$0x0] =	vst.idx.msk $0xffff, v43;
	v41 =	vld [tilespmem:s25+$0x50]  }
0x6c: {  	v62 =	vor.u32 v5, v40;
	v43 =	vld [tilespmem:s25+$0xFFFFFFD0];
	_ =	sdelay $0x1  }
0x6d: {  	[tilespmem:v59+s12+$0x0] =	vst.idx.msk $0xffff, v35  }
0x6e: {  	v63 =	vor.u32 v6, v33;
	[tilespmem:v60+s12+$0x0] =	vst.idx.msk $0xffff, v37;
	v35 =	vld [tilespmem:s22+$0x60]  }
0x6f: {  	v37 =	vld [tilespmem:s22+$0xFFFFFFE0];
	v48 =	vor.u32 v6, v34;
	[tilespmem:v61+s12+$0x0] =	vst.idx.msk $0xffff, v41  }
0x70: {  	v49 =	vor.u32 v6, v39;
	[tilespmem:v62+s12+$0x0] =	vst.idx.msk $0xffff, v43;
	v41 =	vld [tilespmem:s25+$0x60]  }
0x71: {  	v50 =	vor.u32 v6, v40;
	v43 =	vld [tilespmem:s25+$0xFFFFFFE0];
	_ =	sdelay $0x1  }
0x72: {  	[tilespmem:v63+s12+$0x0] =	vst.idx.msk $0xffff, v35  }
0x73: {  	v35 =	vld [tilespmem:s22+$0x70];
	[tilespmem:v48+s12+$0x0] =	vst.idx.msk $0xffff, v37;
	v51 =	vor.u32 v7, v33  }
0x74: {  	v52 =	vld [tilespmem:s22+$0xFFFFFFF0];
	v53 =	vor.u32 v7, v34;
	[tilespmem:v49+s12+$0x0] =	vst.idx.msk $0xffff, v41  }
0x75: {  	v55 =	vor.u32 v7, v39;
	[tilespmem:v50+s12+$0x0] =	vst.idx.msk $0xffff, v43;
	v54 =	vld [tilespmem:s25+$0x70]  }
0x76: {  	v40 =	vor.u32 v7, v40;
	v56 =	vld [tilespmem:s25+$0xFFFFFFF0]  }
0x77: {  	s31 =	simm.s32 $0x9  }
0x78: {  	[tilespmem:v51+s12+$0x0] =	vst.idx.msk $0xffff, v35;
	v57 =	vmov s31  }
0x79: {  	[tilespmem:v53+s12+$0x0] =	vst.idx.msk $0xffff, v52;
	v33 =	vand.u32 $0x7, v57  }
0x7a: {  	v33 =	vbroadcast v33, $0x0;
	[tilespmem:v55+s12+$0x0] =	vst.idx.msk $0xffff, v54  }
0x7b: {  	[tilespmem:v40+s12+$0x0] =	vst.idx.msk $0xffff, v56  }
0x7c: {  	v58 =	vor.u32 v8, v33;
	v34 =	vld [tilespmem:s23+$0xFFFFFF90]  }
0x7d: {  	v59 =	vor.u32 v8, v32;
	v36 =	vld [tilespmem:s23+$0xFFFFFF10];
	_ =	sdelay $0x3  }
0x7e: {  	[tilespmem:v58+s12+$0x0] =	vst.idx.msk $0xffff, v34  }
0x7f: {  	v60 =	vor.u32 v9, v33;
	[tilespmem:v59+s12+$0x0] =	vst.idx.msk $0xffff, v36;
	v34 =	vld [tilespmem:s23+$0xFFFFFFA0]  }
0x80: {  	v61 =	vor.u32 v9, v32;
	v36 =	vld [tilespmem:s23+$0xFFFFFF20];
	_ =	sdelay $0x3  }
0x81: {  	[tilespmem:v60+s12+$0x0] =	vst.idx.msk $0xffff, v34  }
0x82: {  	v62 =	vor.u32 v10, v33;
	[tilespmem:v61+s12+$0x0] =	vst.idx.msk $0xffff, v36;
	v34 =	vld [tilespmem:s23+$0xFFFFFFB0]  }
0x83: {  	v63 =	vor.u32 v10, v32;
	v36 =	vld [tilespmem:s23+$0xFFFFFF30];
	_ =	sdelay $0x3  }
0x84: {  	[tilespmem:v62+s12+$0x0] =	vst.idx.msk $0xffff, v34  }
0x85: {  	[tilespmem:v63+s12+$0x0] =	vst.idx.msk $0xffff, v36;
	v36 =	vor.u32 v11, v33;
	v34 =	vld [tilespmem:s23+$0xFFFFFFC0]  }
0x86: {  	v37 =	vor.u32 v11, v32;
	v35 =	vld [tilespmem:s23+$0xFFFFFF40];
	_ =	sdelay $0x2  }
0x87: {  	s26 =	simm.s32 $0xB;
	s24 =	simm.s32 $0x4F0;
	s25 =	simm.s32 $0x4  }
.LBB2_6:
0x88: {  	p0 =	slt.u32 s25, $0x6;
	v38 =	vmov s26;
	[tilespmem:v36+s12+$0x0] =	vst.idx.msk $0xffff, v34  }
0x89: {  	v34 =	vmov s21;
	s21 =	smov.u32 s25;
	v36 =	vand.u32 $0x7, v38;
	[tilespmem:v37+s12+$0x0] =	vst.idx.msk $0xffff, v35;
	v35 =	vld [tilespmem:s23+$0xFFFFFFD0];
	v37 =	vor.u32 v12, v33  }
0x8a: {  	v39 =	vor.u32 v12, v32;
	v34 =	vand.u32 $0x6, v34;
	v36 =	vbroadcast v36, $0x0;
	v38 =	vld [tilespmem:s23+$0xFFFFFF50]  }
0x8b: {  	v34 =	vbroadcast v34, $0x0;
	s23 =	sadd.s32 $0x100, s23  }
0x8c: {  	v40 =	vld [tilespmem:s23+$0xFFFFFF90];
	v41 =	vor.u32 v8, v36  }
0x8d: {  	v43 =	vor.u32 v8, v34;
	v42 =	vld [tilespmem:s23+$0xFFFFFF10]  }
0x8e: {  	[tilespmem:v37+s12+$0x0] =	vst.idx.msk $0xffff, v35  }
0x8f: {  	v37 =	vor.u32 v13, v33;
	[tilespmem:v39+s12+$0x0] =	vst.idx.msk $0xffff, v38;
	v35 =	vld [tilespmem:s24+$0xFFFFFFE0]  }
0x90: {  	v39 =	vor.u32 v13, v32;
	v38 =	vld [tilespmem:s24+$0xFFFFFF60]  }
0x91: {  	[tilespmem:v41+s12+$0x0] =	vst.idx.msk $0xffff, v40  }
0x92: {  	v41 =	vor.u32 v9, v36;
	[tilespmem:v43+s12+$0x0] =	vst.idx.msk $0xffff, v42;
	v40 =	vld [tilespmem:s23+$0xFFFFFFA0]  }
0x93: {  	v43 =	vor.u32 v9, v34;
	v42 =	vld [tilespmem:s23+$0xFFFFFF20]  }
0x94: {  	[tilespmem:v37+s12+$0x0] =	vst.idx.msk $0xffff, v35  }
0x95: {  	v37 =	vor.u32 v14, v33;
	[tilespmem:v39+s12+$0x0] =	vst.idx.msk $0xffff, v38;
	v35 =	vld [tilespmem:s24+$0xFFFFFFF0]  }
0x96: {  	v39 =	vor.u32 v14, v32;
	v38 =	vld [tilespmem:s24+$0xFFFFFF70]  }
0x97: {  	[tilespmem:v41+s12+$0x0] =	vst.idx.msk $0xffff, v40  }
0x98: {  	v41 =	vor.u32 v10, v36;
	[tilespmem:v43+s12+$0x0] =	vst.idx.msk $0xffff, v42;
	v40 =	vld [tilespmem:s23+$0xFFFFFFB0]  }
0x99: {  	v43 =	vor.u32 v10, v34;
	v42 =	vld [tilespmem:s23+$0xFFFFFF30]  }
0x9a: {  	[tilespmem:v37+s12+$0x0] =	vst.idx.msk $0xffff, v35  }
0x9b: {  	[tilespmem:v39+s12+$0x0] =	vst.idx.msk $0xffff, v38;
	v38 =	vld [tilespmem:s24+$0x0];
	v39 =	vor.u32 v15, v33;
	v33 =	vmov v36  }
0x9c: {  	v45 =	vor.u32 v15, v32;
	v32 =	vmov v34;
	v44 =	vld [tilespmem:s24+$0xFFFFFF80];
	s24 =	smov.u32 s23  }
0x9d: {  	[tilespmem:v41+s12+$0x0] =	vst.idx.msk $0xffff, v40  }
.Ltmp6:
0x9e: {  	v36 =	vor.u32 v11, v33;
	[tilespmem:v43+s12+$0x0] =	vst.idx.msk $0xffff, v42;
	v34 =	vld [tilespmem:s23+$0xFFFFFFC0];
	(pc) =	sbr.rel @p0 .LBB2_6-.Ltmp6, $4  }
0x9f: {  	v37 =	vor.u32 v11, v32;
	v35 =	vld [tilespmem:s23+$0xFFFFFF40]  }
0xa0: {  	s22 =	simm.s32 $0x8F0;
	[tilespmem:v39+s12+$0x0] =	vst.idx.msk $0xffff, v38  }
0xa1: {  	[tilespmem:v45+s12+$0x0] =	vst.idx.msk $0xffff, v44  }
0xa2: {  	s25 =	sadd.s32 $0x2, s25;
	s26 =	sadd.s32 $0x9, s21  }
0xa3: {  	v38 =	vmov s26  }
0xa4: {  	v39 =	vmov s21;
	v38 =	vand.u32 $0x7, v38  }
0xa5: {  	v39 =	vand.u32 $0x6, v39;
	v38 =	vbroadcast v38, $0x0  }
0xa6: {  	s29 =	sadd.s32 $0x100, s23;
	v39 =	vbroadcast v39, $0x0  }
0xa7: {  	v40 =	vld [tilespmem:s29+$0xFFFFFF90];
	v41 =	vor.u32 v8, v38  }
0xa8: {  	v42 =	vld [tilespmem:s29+$0xFFFFFF10];
	v43 =	vor.u32 v8, v39;
	_ =	sdelay $0x3  }
0xa9: {  	[tilespmem:v41+s12+$0x0] =	vst.idx.msk $0xffff, v40  }
0xaa: {  	v50 =	vor.u32 v9, v38;
	[tilespmem:v43+s12+$0x0] =	vst.idx.msk $0xffff, v42;
	v40 =	vld [tilespmem:s29+$0xFFFFFFA0]  }
0xab: {  	v51 =	vor.u32 v9, v39;
	v42 =	vld [tilespmem:s29+$0xFFFFFF20];
	_ =	sdelay $0x3  }
0xac: {  	[tilespmem:v50+s12+$0x0] =	vst.idx.msk $0xffff, v40  }
0xad: {  	v52 =	vor.u32 v10, v38;
	[tilespmem:v51+s12+$0x0] =	vst.idx.msk $0xffff, v42;
	v40 =	vld [tilespmem:s29+$0xFFFFFFB0]  }
0xae: {  	v53 =	vor.u32 v10, v39;
	v42 =	vld [tilespmem:s29+$0xFFFFFF30];
	_ =	sdelay $0x3  }
0xaf: {  	[tilespmem:v52+s12+$0x0] =	vst.idx.msk $0xffff, v40  }
0xb0: {  	v54 =	vor.u32 v11, v38;
	[tilespmem:v53+s12+$0x0] =	vst.idx.msk $0xffff, v42;
	v40 =	vld [tilespmem:s29+$0xFFFFFFC0]  }
0xb1: {  	v55 =	vor.u32 v11, v39;
	v42 =	vld [tilespmem:s29+$0xFFFFFF40];
	_ =	sdelay $0x1  }
0xb2: {  	[tilespmem:v36+s12+$0x0] =	vst.idx.msk $0xffff, v34  }
0xb3: {  	v56 =	vor.u32 v12, v33;
	[tilespmem:v37+s12+$0x0] =	vst.idx.msk $0xffff, v35;
	v34 =	vld [tilespmem:s23+$0xFFFFFFD0]  }
0xb4: {  	v58 =	vor.u32 v12, v32;
	v57 =	vld [tilespmem:s23+$0xFFFFFF50];
	[tilespmem:v54+s12+$0x0] =	vst.idx.msk $0xffff, v40  }
0xb5: {  	v59 =	vor.u32 v12, v38;
	[tilespmem:v55+s12+$0x0] =	vst.idx.msk $0xffff, v42;
	v40 =	vld [tilespmem:s29+$0xFFFFFFD0]  }
0xb6: {  	v60 =	vor.u32 v12, v39;
	v42 =	vld [tilespmem:s29+$0xFFFFFF50];
	_ =	sdelay $0x1  }
0xb7: {  	[tilespmem:v56+s12+$0x0] =	vst.idx.msk $0xffff, v34  }
0xb8: {  	v61 =	vor.u32 v13, v33;
	[tilespmem:v58+s12+$0x0] =	vst.idx.msk $0xffff, v57;
	v34 =	vld [tilespmem:s24+$0xFFFFFFE0]  }
0xb9: {  	v62 =	vor.u32 v13, v32;
	v36 =	vld [tilespmem:s24+$0xFFFFFF60];
	[tilespmem:v59+s12+$0x0] =	vst.idx.msk $0xffff, v40  }
0xba: {  	v63 =	vor.u32 v13, v38;
	[tilespmem:v60+s12+$0x0] =	vst.idx.msk $0xffff, v42;
	v40 =	vld [tilespmem:s29+$0xFFFFFFE0]  }
0xbb: {  	v45 =	vor.u32 v13, v39;
	v42 =	vld [tilespmem:s29+$0xFFFFFF60];
	_ =	sdelay $0x1  }
0xbc: {  	[tilespmem:v61+s12+$0x0] =	vst.idx.msk $0xffff, v34  }
0xbd: {  	v46 =	vor.u32 v14, v33;
	[tilespmem:v62+s12+$0x0] =	vst.idx.msk $0xffff, v36;
	v34 =	vld [tilespmem:s24+$0xFFFFFFF0]  }
0xbe: {  	v47 =	vor.u32 v14, v32;
	v36 =	vld [tilespmem:s24+$0xFFFFFF70];
	[tilespmem:v63+s12+$0x0] =	vst.idx.msk $0xffff, v40  }
0xbf: {  	v48 =	vor.u32 v14, v38;
	[tilespmem:v45+s12+$0x0] =	vst.idx.msk $0xffff, v42;
	v40 =	vld [tilespmem:s29+$0xFFFFFFF0]  }
0xc0: {  	v49 =	vor.u32 v14, v39;
	v42 =	vld [tilespmem:s29+$0xFFFFFF70];
	_ =	sdelay $0x1  }
0xc1: {  	[tilespmem:v46+s12+$0x0] =	vst.idx.msk $0xffff, v34  }
0xc2: {  	v50 =	vor.u32 v15, v33;
	[tilespmem:v47+s12+$0x0] =	vst.idx.msk $0xffff, v36;
	v34 =	vld [tilespmem:s24+$0x0]  }
0xc3: {  	v51 =	vld [tilespmem:s24+$0xFFFFFF80];
	v52 =	vor.u32 v15, v32;
	[tilespmem:v48+s12+$0x0] =	vst.idx.msk $0xffff, v40  }
0xc4: {  	v54 =	vor.u32 v15, v38;
	[tilespmem:v49+s12+$0x0] =	vst.idx.msk $0xffff, v42;
	v53 =	vld [tilespmem:s29+$0x0]  }
0xc5: {  	v39 =	vor.u32 v15, v39;
	v55 =	vld [tilespmem:s29+$0xFFFFFF80]  }
0xc6: {  	s30 =	simm.s32 $0x11  }
0xc7: {  	s31 =	simm.s32 $0x0;
	v56 =	vmov s30;
	[tilespmem:v50+s12+$0x0] =	vst.idx.msk $0xffff, v34  }
0xc8: {  	v57 =	vmov s31;
	v33 =	vand.u32 $0x7, v56;
	[tilespmem:v52+s12+$0x0] =	vst.idx.msk $0xffff, v51  }
0xc9: {  	v33 =	vbroadcast v33, $0x0;
	v32 =	vand.u32 $0x6, v57;
	[tilespmem:v54+s12+$0x0] =	vst.idx.msk $0xffff, v53  }
0xca: {  	v32 =	vbroadcast v32, $0x0;
	[tilespmem:v39+s12+$0x0] =	vst.idx.msk $0xffff, v55  }
0xcb: {  	v58 =	vor.u32 v16, v33;
	v34 =	vld [tilespmem:s22+$0xFFFFFF90]  }
0xcc: {  	v59 =	vor.u32 v16, v32;
	v36 =	vld [tilespmem:s22+$0xFFFFFF10];
	_ =	sdelay $0x3  }
0xcd: {  	[tilespmem:v58+s12+$0x0] =	vst.idx.msk $0xffff, v34  }
0xce: {  	v60 =	vor.u32 v17, v33;
	[tilespmem:v59+s12+$0x0] =	vst.idx.msk $0xffff, v36;
	v34 =	vld [tilespmem:s22+$0xFFFFFFA0]  }
0xcf: {  	v61 =	vor.u32 v17, v32;
	v36 =	vld [tilespmem:s22+$0xFFFFFF20];
	_ =	sdelay $0x3  }
0xd0: {  	[tilespmem:v60+s12+$0x0] =	vst.idx.msk $0xffff, v34  }
0xd1: {  	v62 =	vor.u32 v18, v33;
	[tilespmem:v61+s12+$0x0] =	vst.idx.msk $0xffff, v36;
	v34 =	vld [tilespmem:s22+$0xFFFFFFB0]  }
0xd2: {  	v63 =	vor.u32 v18, v32;
	v36 =	vld [tilespmem:s22+$0xFFFFFF30];
	_ =	sdelay $0x3  }
0xd3: {  	[tilespmem:v62+s12+$0x0] =	vst.idx.msk $0xffff, v34  }
0xd4: {  	v37 =	vor.u32 v19, v33;
	[tilespmem:v63+s12+$0x0] =	vst.idx.msk $0xffff, v36;
	v35 =	vld [tilespmem:s22+$0xFFFFFFC0]  }
0xd5: {  	v38 =	vor.u32 v19, v32;
	v36 =	vld [tilespmem:s22+$0xFFFFFF40];
	_ =	sdelay $0x1  }
0xd6: {  	s21 =	simm.s32 $0x2;
	s28 =	simm.s32 $0x13  }
0xd7: {  	s25 =	simm.s32 $0x4;
	s26 =	simm.s32 $0x2;
	s24 =	simm.s32 $0x8F0;
	v34 =	vmov v32  }
.LBB2_8:
0xd8: {  	p0 =	slt.u32 s25, $0x6;
	v39 =	vmov s28;
	[tilespmem:v37+s12+$0x0] =	vst.idx.msk $0xffff, v35  }
0xd9: {  	v35 =	vmov s26;
	s26 =	smov.u32 s25;
	v37 =	vand.u32 $0x7, v39;
	[tilespmem:v38+s12+$0x0] =	vst.idx.msk $0xffff, v36;
	v36 =	vld [tilespmem:s22+$0xFFFFFFD0];
	v38 =	vor.u32 v20, v33  }
0xda: {  	v40 =	vor.u32 v20, v34;
	v35 =	vand.u32 $0x6, v35;
	v37 =	vbroadcast v37, $0x0;
	v39 =	vld [tilespmem:s22+$0xFFFFFF50]  }
0xdb: {  	v35 =	vbroadcast v35, $0x0;
	s22 =	sadd.s32 $0x100, s22  }
0xdc: {  	v41 =	vld [tilespmem:s22+$0xFFFFFF90];
	v42 =	vor.u32 v16, v37  }
0xdd: {  	v44 =	vor.u32 v16, v35;
	v43 =	vld [tilespmem:s22+$0xFFFFFF10]  }
0xde: {  	[tilespmem:v38+s12+$0x0] =	vst.idx.msk $0xffff, v36  }
0xdf: {  	v38 =	vor.u32 v21, v33;
	[tilespmem:v40+s12+$0x0] =	vst.idx.msk $0xffff, v39;
	v36 =	vld [tilespmem:s24+$0xFFFFFFE0]  }
0xe0: {  	v40 =	vor.u32 v21, v34;
	v39 =	vld [tilespmem:s24+$0xFFFFFF60]  }
0xe1: {  	[tilespmem:v42+s12+$0x0] =	vst.idx.msk $0xffff, v41  }
0xe2: {  	v42 =	vor.u32 v17, v37;
	[tilespmem:v44+s12+$0x0] =	vst.idx.msk $0xffff, v43;
	v41 =	vld [tilespmem:s22+$0xFFFFFFA0]  }
0xe3: {  	v44 =	vor.u32 v17, v35;
	v43 =	vld [tilespmem:s22+$0xFFFFFF20]  }
0xe4: {  	[tilespmem:v38+s12+$0x0] =	vst.idx.msk $0xffff, v36  }
0xe5: {  	v38 =	vor.u32 v22, v33;
	[tilespmem:v40+s12+$0x0] =	vst.idx.msk $0xffff, v39;
	v36 =	vld [tilespmem:s24+$0xFFFFFFF0]  }
0xe6: {  	v40 =	vor.u32 v22, v34;
	v39 =	vld [tilespmem:s24+$0xFFFFFF70]  }
0xe7: {  	[tilespmem:v42+s12+$0x0] =	vst.idx.msk $0xffff, v41  }
0xe8: {  	v42 =	vor.u32 v18, v37;
	[tilespmem:v44+s12+$0x0] =	vst.idx.msk $0xffff, v43;
	v41 =	vld [tilespmem:s22+$0xFFFFFFB0]  }
0xe9: {  	v44 =	vor.u32 v18, v35;
	v43 =	vld [tilespmem:s22+$0xFFFFFF30]  }
0xea: {  	[tilespmem:v38+s12+$0x0] =	vst.idx.msk $0xffff, v36  }
0xeb: {  	[tilespmem:v40+s12+$0x0] =	vst.idx.msk $0xffff, v39;
	v39 =	vld [tilespmem:s24+$0x0];
	v40 =	vor.u32 v23, v33;
	v33 =	vmov v37  }
0xec: {  	v46 =	vor.u32 v23, v34;
	v34 =	vmov v35;
	v45 =	vld [tilespmem:s24+$0xFFFFFF80];
	s24 =	smov.u32 s22  }
0xed: {  	[tilespmem:v42+s12+$0x0] =	vst.idx.msk $0xffff, v41  }
.Ltmp7:
0xee: {  	v37 =	vor.u32 v19, v33;
	[tilespmem:v44+s12+$0x0] =	vst.idx.msk $0xffff, v43;
	v35 =	vld [tilespmem:s22+$0xFFFFFFC0];
	(pc) =	sbr.rel @p0 .LBB2_8-.Ltmp7, $4  }
0xef: {  	v38 =	vor.u32 v19, v34;
	v36 =	vld [tilespmem:s22+$0xFFFFFF40]  }
0xf0: {  	s23 =	simm.s32 $0xCF0;
	[tilespmem:v40+s12+$0x0] =	vst.idx.msk $0xffff, v39  }
0xf1: {  	[tilespmem:v46+s12+$0x0] =	vst.idx.msk $0xffff, v45  }
0xf2: {  	s25 =	sadd.s32 $0x2, s25;
	s28 =	sadd.s32 $0x11, s26  }
0xf3: {  	v39 =	vmov s28  }
0xf4: {  	v40 =	vmov s26;
	v39 =	vand.u32 $0x7, v39  }
0xf5: {  	v40 =	vand.u32 $0x6, v40;
	v39 =	vbroadcast v39, $0x0  }
0xf6: {  	s25 =	sadd.s32 $0x100, s22;
	v40 =	vbroadcast v40, $0x0  }
0xf7: {  	v41 =	vld [tilespmem:s25+$0xFFFFFF90];
	v42 =	vor.u32 v16, v39  }
0xf8: {  	v43 =	vld [tilespmem:s25+$0xFFFFFF10];
	v44 =	vor.u32 v16, v40;
	_ =	sdelay $0x3  }
0xf9: {  	[tilespmem:v42+s12+$0x0] =	vst.idx.msk $0xffff, v41  }
0xfa: {  	v48 =	vor.u32 v17, v39;
	[tilespmem:v44+s12+$0x0] =	vst.idx.msk $0xffff, v43;
	v41 =	vld [tilespmem:s25+$0xFFFFFFA0]  }
0xfb: {  	v49 =	vor.u32 v17, v40;
	v43 =	vld [tilespmem:s25+$0xFFFFFF20];
	_ =	sdelay $0x3  }
0xfc: {  	[tilespmem:v48+s12+$0x0] =	vst.idx.msk $0xffff, v41  }
0xfd: {  	v50 =	vor.u32 v18, v39;
	[tilespmem:v49+s12+$0x0] =	vst.idx.msk $0xffff, v43;
	v41 =	vld [tilespmem:s25+$0xFFFFFFB0]  }
0xfe: {  	v51 =	vor.u32 v18, v40;
	v43 =	vld [tilespmem:s25+$0xFFFFFF30];
	_ =	sdelay $0x3  }
0xff: {  	[tilespmem:v50+s12+$0x0] =	vst.idx.msk $0xffff, v41  }
0x100: {  	v52 =	vor.u32 v19, v39;
	[tilespmem:v51+s12+$0x0] =	vst.idx.msk $0xffff, v43;
	v41 =	vld [tilespmem:s25+$0xFFFFFFC0]  }
0x101: {  	v53 =	vor.u32 v19, v40;
	v43 =	vld [tilespmem:s25+$0xFFFFFF40];
	_ =	sdelay $0x1  }
0x102: {  	[tilespmem:v37+s12+$0x0] =	vst.idx.msk $0xffff, v35  }
0x103: {  	v54 =	vor.u32 v20, v33;
	[tilespmem:v38+s12+$0x0] =	vst.idx.msk $0xffff, v36;
	v35 =	vld [tilespmem:s22+$0xFFFFFFD0]  }
0x104: {  	v56 =	vor.u32 v20, v34;
	v55 =	vld [tilespmem:s22+$0xFFFFFF50];
	[tilespmem:v52+s12+$0x0] =	vst.idx.msk $0xffff, v41  }
0x105: {  	v57 =	vor.u32 v20, v39;
	[tilespmem:v53+s12+$0x0] =	vst.idx.msk $0xffff, v43;
	v41 =	vld [tilespmem:s25+$0xFFFFFFD0]  }
0x106: {  	v58 =	vor.u32 v20, v40;
	v43 =	vld [tilespmem:s25+$0xFFFFFF50];
	_ =	sdelay $0x1  }
0x107: {  	[tilespmem:v54+s12+$0x0] =	vst.idx.msk $0xffff, v35  }
0x108: {  	v59 =	vor.u32 v21, v33;
	[tilespmem:v56+s12+$0x0] =	vst.idx.msk $0xffff, v55;
	v35 =	vld [tilespmem:s24+$0xFFFFFFE0]  }
0x109: {  	v60 =	vor.u32 v21, v34;
	v37 =	vld [tilespmem:s24+$0xFFFFFF60];
	[tilespmem:v57+s12+$0x0] =	vst.idx.msk $0xffff, v41  }
0x10a: {  	v61 =	vor.u32 v21, v39;
	[tilespmem:v58+s12+$0x0] =	vst.idx.msk $0xffff, v43;
	v41 =	vld [tilespmem:s25+$0xFFFFFFE0]  }
0x10b: {  	v62 =	vor.u32 v21, v40;
	v43 =	vld [tilespmem:s25+$0xFFFFFF60];
	_ =	sdelay $0x1  }
0x10c: {  	[tilespmem:v59+s12+$0x0] =	vst.idx.msk $0xffff, v35  }
0x10d: {  	v63 =	vor.u32 v22, v33;
	[tilespmem:v60+s12+$0x0] =	vst.idx.msk $0xffff, v37;
	v35 =	vld [tilespmem:s24+$0xFFFFFFF0]  }
0x10e: {  	v37 =	vld [tilespmem:s24+$0xFFFFFF70];
	v48 =	vor.u32 v22, v34;
	[tilespmem:v61+s12+$0x0] =	vst.idx.msk $0xffff, v41  }
0x10f: {  	v49 =	vor.u32 v22, v39;
	[tilespmem:v62+s12+$0x0] =	vst.idx.msk $0xffff, v43;
	v41 =	vld [tilespmem:s25+$0xFFFFFFF0]  }
0x110: {  	v50 =	vor.u32 v22, v40;
	v43 =	vld [tilespmem:s25+$0xFFFFFF70];
	_ =	sdelay $0x1  }
0x111: {  	[tilespmem:v63+s12+$0x0] =	vst.idx.msk $0xffff, v35  }
0x112: {  	v35 =	vld [tilespmem:s24+$0x0];
	[tilespmem:v48+s12+$0x0] =	vst.idx.msk $0xffff, v37;
	v51 =	vor.u32 v23, v33  }
0x113: {  	v52 =	vld [tilespmem:s24+$0xFFFFFF80];
	v53 =	vor.u32 v23, v34;
	[tilespmem:v49+s12+$0x0] =	vst.idx.msk $0xffff, v41  }
0x114: {  	v55 =	vor.u32 v23, v39;
	[tilespmem:v50+s12+$0x0] =	vst.idx.msk $0xffff, v43;
	v54 =	vld [tilespmem:s25+$0x0]  }
0x115: {  	v40 =	vor.u32 v23, v40;
	v56 =	vld [tilespmem:s25+$0xFFFFFF80]  }
0x116: {  	s31 =	simm.s32 $0x19  }
0x117: {  	[tilespmem:v51+s12+$0x0] =	vst.idx.msk $0xffff, v35;
	v57 =	vmov s31  }
0x118: {  	[tilespmem:v53+s12+$0x0] =	vst.idx.msk $0xffff, v52;
	v33 =	vand.u32 $0x7, v57  }
0x119: {  	v33 =	vbroadcast v33, $0x0;
	[tilespmem:v55+s12+$0x0] =	vst.idx.msk $0xffff, v54  }
0x11a: {  	[tilespmem:v40+s12+$0x0] =	vst.idx.msk $0xffff, v56  }
0x11b: {  	v58 =	vor.u32 v24, v33;
	v34 =	vld [tilespmem:s23+$0xFFFFFF90]  }
0x11c: {  	v59 =	vor.u32 v24, v32;
	v36 =	vld [tilespmem:s23+$0xFFFFFF10];
	_ =	sdelay $0x3  }
0x11d: {  	[tilespmem:v58+s12+$0x0] =	vst.idx.msk $0xffff, v34  }
0x11e: {  	v60 =	vor.u32 v25, v33;
	[tilespmem:v59+s12+$0x0] =	vst.idx.msk $0xffff, v36;
	v34 =	vld [tilespmem:s23+$0xFFFFFFA0]  }
0x11f: {  	v61 =	vor.u32 v25, v32;
	v36 =	vld [tilespmem:s23+$0xFFFFFF20];
	_ =	sdelay $0x3  }
0x120: {  	[tilespmem:v60+s12+$0x0] =	vst.idx.msk $0xffff, v34  }
0x121: {  	v62 =	vor.u32 v26, v33;
	[tilespmem:v61+s12+$0x0] =	vst.idx.msk $0xffff, v36;
	v34 =	vld [tilespmem:s23+$0xFFFFFFB0]  }
0x122: {  	v63 =	vor.u32 v26, v32;
	v36 =	vld [tilespmem:s23+$0xFFFFFF30];
	_ =	sdelay $0x3  }
0x123: {  	[tilespmem:v62+s12+$0x0] =	vst.idx.msk $0xffff, v34  }
0x124: {  	[tilespmem:v63+s12+$0x0] =	vst.idx.msk $0xffff, v36;
	v36 =	vor.u32 v27, v33;
	v34 =	vld [tilespmem:s23+$0xFFFFFFC0]  }
0x125: {  	v37 =	vor.u32 v27, v32;
	v35 =	vld [tilespmem:s23+$0xFFFFFF40];
	_ =	sdelay $0x2  }
0x126: {  	s22 =	simm.s32 $0xCF0;
	s24 =	simm.s32 $0x4;
	s25 =	simm.s32 $0x1B  }
.LBB2_10:
0x127: {  	p0 =	slt.u32 s24, $0x6;
	v38 =	vmov s25;
	[tilespmem:v36+s12+$0x0] =	vst.idx.msk $0xffff, v34  }
0x128: {  	v34 =	vmov s21;
	s21 =	smov.u32 s24;
	v36 =	vand.u32 $0x7, v38;
	[tilespmem:v37+s12+$0x0] =	vst.idx.msk $0xffff, v35;
	v35 =	vld [tilespmem:s23+$0xFFFFFFD0];
	v37 =	vor.u32 v28, v33  }
0x129: {  	v39 =	vor.u32 v28, v32;
	v34 =	vand.u32 $0x6, v34;
	v36 =	vbroadcast v36, $0x0;
	v38 =	vld [tilespmem:s23+$0xFFFFFF50]  }
0x12a: {  	v34 =	vbroadcast v34, $0x0;
	s23 =	sadd.s32 $0x100, s23  }
0x12b: {  	v40 =	vld [tilespmem:s23+$0xFFFFFF90];
	v41 =	vor.u32 v24, v36  }
0x12c: {  	v43 =	vor.u32 v24, v34;
	v42 =	vld [tilespmem:s23+$0xFFFFFF10]  }
0x12d: {  	[tilespmem:v37+s12+$0x0] =	vst.idx.msk $0xffff, v35  }
0x12e: {  	v37 =	vor.u32 v29, v33;
	[tilespmem:v39+s12+$0x0] =	vst.idx.msk $0xffff, v38;
	v35 =	vld [tilespmem:s22+$0xFFFFFFE0]  }
0x12f: {  	v39 =	vor.u32 v29, v32;
	v38 =	vld [tilespmem:s22+$0xFFFFFF60]  }
0x130: {  	[tilespmem:v41+s12+$0x0] =	vst.idx.msk $0xffff, v40  }
0x131: {  	v41 =	vor.u32 v25, v36;
	[tilespmem:v43+s12+$0x0] =	vst.idx.msk $0xffff, v42;
	v40 =	vld [tilespmem:s23+$0xFFFFFFA0]  }
0x132: {  	v43 =	vor.u32 v25, v34;
	v42 =	vld [tilespmem:s23+$0xFFFFFF20]  }
0x133: {  	[tilespmem:v37+s12+$0x0] =	vst.idx.msk $0xffff, v35  }
0x134: {  	v37 =	vor.u32 v30, v33;
	[tilespmem:v39+s12+$0x0] =	vst.idx.msk $0xffff, v38;
	v35 =	vld [tilespmem:s22+$0xFFFFFFF0]  }
0x135: {  	v39 =	vor.u32 v30, v32;
	v38 =	vld [tilespmem:s22+$0xFFFFFF70]  }
0x136: {  	[tilespmem:v41+s12+$0x0] =	vst.idx.msk $0xffff, v40  }
0x137: {  	v41 =	vor.u32 v26, v36;
	[tilespmem:v43+s12+$0x0] =	vst.idx.msk $0xffff, v42;
	v40 =	vld [tilespmem:s23+$0xFFFFFFB0]  }
0x138: {  	v43 =	vor.u32 v26, v34;
	v42 =	vld [tilespmem:s23+$0xFFFFFF30]  }
0x139: {  	[tilespmem:v37+s12+$0x0] =	vst.idx.msk $0xffff, v35  }
0x13a: {  	[tilespmem:v39+s12+$0x0] =	vst.idx.msk $0xffff, v38;
	v38 =	vld [tilespmem:s22+$0x0];
	v39 =	vor.u32 v31, v33;
	v33 =	vmov v36  }
0x13b: {  	v45 =	vor.u32 v31, v32;
	v32 =	vmov v34;
	v44 =	vld [tilespmem:s22+$0xFFFFFF80];
	s22 =	smov.u32 s23  }
0x13c: {  	[tilespmem:v41+s12+$0x0] =	vst.idx.msk $0xffff, v40  }
.Ltmp8:
0x13d: {  	v36 =	vor.u32 v27, v33;
	[tilespmem:v43+s12+$0x0] =	vst.idx.msk $0xffff, v42;
	v34 =	vld [tilespmem:s23+$0xFFFFFFC0];
	(pc) =	sbr.rel @p0 .LBB2_10-.Ltmp8, $4  }
0x13e: {  	v37 =	vor.u32 v27, v32;
	v35 =	vld [tilespmem:s23+$0xFFFFFF40]  }
0x13f: {  	[tilespmem:v39+s12+$0x0] =	vst.idx.msk $0xffff, v38  }
0x140: {  	[tilespmem:v45+s12+$0x0] =	vst.idx.msk $0xffff, v44  }
0x141: {  	s24 =	sadd.s32 $0x2, s24;
	s25 =	sadd.s32 $0x19, s21  }
0x142: {  	v38 =	vmov s25  }
0x143: {  	v39 =	vmov s21;
	v38 =	vand.u32 $0x7, v38  }
0x144: {  	v39 =	vand.u32 $0x6, v39;
	v38 =	vbroadcast v38, $0x0  }
0x145: {  	s30 =	sadd.s32 $0x100, s23;
	v39 =	vbroadcast v39, $0x0  }
0x146: {  	v40 =	vld [tilespmem:s30+$0xFFFFFF90];
	v41 =	vor.u32 v24, v38  }
0x147: {  	v42 =	vld [tilespmem:s30+$0xFFFFFF10];
	v43 =	vor.u32 v24, v39;
	_ =	sdelay $0x3  }
0x148: {  	[tilespmem:v41+s12+$0x0] =	vst.idx.msk $0xffff, v40  }
0x149: {  	v58 =	vor.u32 v25, v38;
	[tilespmem:v43+s12+$0x0] =	vst.idx.msk $0xffff, v42;
	v40 =	vld [tilespmem:s30+$0xFFFFFFA0]  }
0x14a: {  	v59 =	vor.u32 v25, v39;
	v42 =	vld [tilespmem:s30+$0xFFFFFF20];
	_ =	sdelay $0x3  }
0x14b: {  	[tilespmem:v58+s12+$0x0] =	vst.idx.msk $0xffff, v40  }
0x14c: {  	v60 =	vor.u32 v26, v38;
	[tilespmem:v59+s12+$0x0] =	vst.idx.msk $0xffff, v42;
	v40 =	vld [tilespmem:s30+$0xFFFFFFB0]  }
0x14d: {  	v61 =	vor.u32 v26, v39;
	v42 =	vld [tilespmem:s30+$0xFFFFFF30];
	_ =	sdelay $0x3  }
0x14e: {  	[tilespmem:v60+s12+$0x0] =	vst.idx.msk $0xffff, v40  }
0x14f: {  	v62 =	vor.u32 v27, v38;
	[tilespmem:v61+s12+$0x0] =	vst.idx.msk $0xffff, v42;
	v40 =	vld [tilespmem:s30+$0xFFFFFFC0]  }
0x150: {  	v63 =	vor.u32 v27, v39;
	v42 =	vld [tilespmem:s30+$0xFFFFFF40];
	_ =	sdelay $0x1  }
0x151: {  	[tilespmem:v36+s12+$0x0] =	vst.idx.msk $0xffff, v34  }
0x152: {  	v45 =	vor.u32 v28, v33;
	[tilespmem:v37+s12+$0x0] =	vst.idx.msk $0xffff, v35;
	v34 =	vld [tilespmem:s23+$0xFFFFFFD0]  }
0x153: {  	v47 =	vor.u32 v28, v32;
	v46 =	vld [tilespmem:s23+$0xFFFFFF50];
	[tilespmem:v62+s12+$0x0] =	vst.idx.msk $0xffff, v40  }
0x154: {  	v48 =	vor.u32 v28, v38;
	[tilespmem:v63+s12+$0x0] =	vst.idx.msk $0xffff, v42;
	v40 =	vld [tilespmem:s30+$0xFFFFFFD0]  }
0x155: {  	v49 =	vor.u32 v28, v39;
	v42 =	vld [tilespmem:s30+$0xFFFFFF50];
	_ =	sdelay $0x1  }
0x156: {  	[tilespmem:v45+s12+$0x0] =	vst.idx.msk $0xffff, v34  }
0x157: {  	v50 =	vor.u32 v29, v33;
	[tilespmem:v47+s12+$0x0] =	vst.idx.msk $0xffff, v46;
	v34 =	vld [tilespmem:s22+$0xFFFFFFE0]  }
0x158: {  	v51 =	vor.u32 v29, v32;
	v36 =	vld [tilespmem:s22+$0xFFFFFF60];
	[tilespmem:v48+s12+$0x0] =	vst.idx.msk $0xffff, v40  }
0x159: {  	v52 =	vor.u32 v29, v38;
	[tilespmem:v49+s12+$0x0] =	vst.idx.msk $0xffff, v42;
	v40 =	vld [tilespmem:s30+$0xFFFFFFE0]  }
0x15a: {  	v53 =	vor.u32 v29, v39;
	v42 =	vld [tilespmem:s30+$0xFFFFFF60];
	_ =	sdelay $0x1  }
0x15b: {  	[tilespmem:v50+s12+$0x0] =	vst.idx.msk $0xffff, v34  }
0x15c: {  	v54 =	vor.u32 v30, v33;
	[tilespmem:v51+s12+$0x0] =	vst.idx.msk $0xffff, v36;
	v34 =	vld [tilespmem:s22+$0xFFFFFFF0]  }
0x15d: {  	v55 =	vor.u32 v30, v32;
	v36 =	vld [tilespmem:s22+$0xFFFFFF70];
	[tilespmem:v52+s12+$0x0] =	vst.idx.msk $0xffff, v40  }
0x15e: {  	v56 =	vor.u32 v30, v38;
	[tilespmem:v53+s12+$0x0] =	vst.idx.msk $0xffff, v42;
	v40 =	vld [tilespmem:s30+$0xFFFFFFF0]  }
0x15f: {  	v57 =	vor.u32 v30, v39;
	v42 =	vld [tilespmem:s30+$0xFFFFFF70];
	_ =	sdelay $0x1  }
0x160: {  	[tilespmem:v54+s12+$0x0] =	vst.idx.msk $0xffff, v34  }
0x161: {  	v58 =	vor.u32 v31, v33;
	[tilespmem:v55+s12+$0x0] =	vst.idx.msk $0xffff, v36;
	v34 =	vld [tilespmem:s22+$0x0]  }
0x162: {  	v59 =	vld [tilespmem:s22+$0xFFFFFF80];
	v60 =	vor.u32 v31, v32;
	[tilespmem:v56+s12+$0x0] =	vst.idx.msk $0xffff, v40  }
0x163: {  	v62 =	vor.u32 v31, v38;
	[tilespmem:v57+s12+$0x0] =	vst.idx.msk $0xffff, v42;
	v61 =	vld [tilespmem:s30+$0x0]  }
0x164: {  	v39 =	vor.u32 v31, v39;
	v63 =	vld [tilespmem:s30+$0xFFFFFF80];
	_ =	sdelay $0x1  }
0x165: {  	[tilespmem:v58+s12+$0x0] =	vst.idx.msk $0xffff, v34  }
0x166: {  	s31 =	sshll.u32 s20, $0x9;
	[tilespmem:v60+s12+$0x0] =	vst.idx.msk $0xffff, v59  }
0x167: {  	s24 =	simm.s32 $0x2028;
	s21 =	sadd.s32 s5, s31;
	[tilespmem:v62+s12+$0x0] =	vst.idx.msk $0xffff, v61  }
0x168: {  	s23 =	simm.s32 $0x4;
	s25 =	sadd.s32 $0x0, s21;
	s22 =	simm.s32 $0x2000;
	[tilespmem:v39+s12+$0x0] =	vst.idx.msk $0xffff, v63  }
.LBB2_12:
0x169: {  	[hbm4b:s25+s1] =	stream.linear.scatter [tilespmem:s22], [sflag:$0x3], $0x20, $0x38;
	[tilespmem:$0x4800] =	vst v63  }
0x16a: {  	s25 =	smov.u32 s23;
	s22 =	smov.u32 s24;
	p0 =	sne.s32 s23, $0x1FC  }
.Ltmp9:
0x16b: {  	s23 =	sadd.s32 $0x4, s23;
	(pc) =	sbr.rel @p0 .LBB2_12-.Ltmp9, $2  }
0x16c: {  	_ =	sdelay $0x2  }
0x16d: {  	s24 =	sadd.s32 $0x28, s24;
	s25 =	sadd.s32 s25, s21  }
0x16e: {  	[hbm4b:s25+s1] =	stream.linear.scatter [tilespmem:s22], [sflag:$0x3], $0x20, $0x38;
	[tilespmem:$0x4800] =	vst v63  }
.LBB2_14:
0x16f: {  	s20 =	sor.u32 $0x20, s20  }
0x170: {  	p0 =	sgt.u32 s20, $0x1E84  }
.Ltmp10:
0x171: {  	_ = 	snop;
	(pc) =	sbr.rel @p0 .LBB2_26-.Ltmp10, $1  }
0x172: {  	_ =	sdelay $0x3  }
0x173: {  	p0 =	sgt.u32 s20, $0x1E64;
	_ =	swait.ge [sflag:s13], $0x1000  }
0x174: {  	s19 =	sadd.s32 @!p0 s7, s19;
	[sflag:s13] =	ssyncset.done $0x0  }
0x175: {  	s21 =	simm.s32 @!p0 $0x400;
	s22 =	simm.s32 @!p0 $0x7A1400;
	s19 =	sshll.u32 @!p0 s19, $0x7  }
0x176: {  	s23 =	simm.s32 @!p0 $0x0;
	[sflag:s13] =	ssyncadd.s32 $0xFFFFF000;
	s19 =	sadd.s32 @!p0 s3, s19  }
0x177: {  	[tilespmem:s23], [sflag:$0x1] =	stream.strided.gather @!p0 [hbm4b:s19+s21], $0x1000, s22, s21, $0x38;
	[tilespmem:$0x4800] =	vst v63  }
0x178: {  	s30 =	simm.s32 $0x1;
	p0 =	seq.s32 s18, $0x0  }
0x179: {  	s31 =	simm.s32 $0x0;
	v32 =	vmov s30;
	s21 =	simm.s32 @!p0 $0x4  }
0x17a: {  	v33 =	vmov s31;
	v32 =	vand.u32 $0x7, v32;
	_ =	swait.ge @!p0 [sflag:s21], $0x1000  }
0x17b: {  	v34 =	vand.u32 $0x6, v33;
	v33 =	vbroadcast v32, $0x0;
	[sflag:s21] =	ssyncset.done @!p0 $0x0  }
0x17c: {  	v32 =	vbroadcast v34, $0x0;
	s23 =	simm.s32 $0x10F0;
	[sflag:s21] =	ssyncadd.s32 @!p0 $0xFFFFF000  }
0x17d: {  	v35 =	vor.u32 v0, v33;
	v59 =	vld [tilespmem:s23+$0xFFFFFF90]  }
0x17e: {  	v37 =	vor.u32 v0, v32;
	v36 =	vld [tilespmem:s23+$0xFFFFFF10];
	_ =	sdelay $0x3  }
0x17f: {  	[tilespmem:v35+s14+$0x0] =	vst.idx.msk $0xffff, v59  }
0x180: {  	v60 =	vor.u32 v1, v33;
	[tilespmem:v37+s14+$0x0] =	vst.idx.msk $0xffff, v36;
	v34 =	vld [tilespmem:s23+$0xFFFFFFA0]  }
0x181: {  	v61 =	vor.u32 v1, v32;
	v36 =	vld [tilespmem:s23+$0xFFFFFF20];
	_ =	sdelay $0x3  }
0x182: {  	[tilespmem:v60+s14+$0x0] =	vst.idx.msk $0xffff, v34  }
0x183: {  	v62 =	vor.u32 v2, v33;
	[tilespmem:v61+s14+$0x0] =	vst.idx.msk $0xffff, v36;
	v34 =	vld [tilespmem:s23+$0xFFFFFFB0]  }
0x184: {  	v63 =	vor.u32 v2, v32;
	v36 =	vld [tilespmem:s23+$0xFFFFFF30];
	_ =	sdelay $0x3  }
0x185: {  	[tilespmem:v62+s14+$0x0] =	vst.idx.msk $0xffff, v34  }
0x186: {  	v37 =	vor.u32 v3, v33;
	[tilespmem:v63+s14+$0x0] =	vst.idx.msk $0xffff, v36;
	v35 =	vld [tilespmem:s23+$0xFFFFFFC0]  }
0x187: {  	v38 =	vor.u32 v3, v32;
	v36 =	vld [tilespmem:s23+$0xFFFFFF40];
	_ =	sdelay $0x1  }
0x188: {  	s26 =	simm.s32 $0x3;
	s24 =	simm.s32 $0x4  }
0x189: {  	s25 =	simm.s32 $0x2;
	s19 =	simm.s32 $0x2;
	s21 =	simm.s32 $0x10F0;
	v34 =	vmov v32  }
.LBB2_16:
0x18a: {  	p0 =	slt.u32 s24, $0x6;
	v39 =	vmov s26;
	[tilespmem:v37+s14+$0x0] =	vst.idx.msk $0xffff, v35  }
0x18b: {  	v35 =	vmov s25;
	s25 =	smov.u32 s24;
	v37 =	vand.u32 $0x7, v39;
	[tilespmem:v38+s14+$0x0] =	vst.idx.msk $0xffff, v36;
	v36 =	vld [tilespmem:s23+$0xFFFFFFD0];
	v38 =	vor.u32 v4, v33  }
0x18c: {  	v40 =	vor.u32 v4, v34;
	v35 =	vand.u32 $0x6, v35;
	v37 =	vbroadcast v37, $0x0;
	v39 =	vld [tilespmem:s23+$0xFFFFFF50]  }
0x18d: {  	v35 =	vbroadcast v35, $0x0;
	s23 =	sadd.s32 $0x100, s23  }
0x18e: {  	v41 =	vld [tilespmem:s23+$0xFFFFFF90];
	v42 =	vor.u32 v0, v37  }
0x18f: {  	v44 =	vor.u32 v0, v35;
	v43 =	vld [tilespmem:s23+$0xFFFFFF10]  }
0x190: {  	[tilespmem:v38+s14+$0x0] =	vst.idx.msk $0xffff, v36  }
0x191: {  	v38 =	vor.u32 v5, v33;
	[tilespmem:v40+s14+$0x0] =	vst.idx.msk $0xffff, v39;
	v36 =	vld [tilespmem:s21+$0xFFFFFFE0]  }
0x192: {  	v40 =	vor.u32 v5, v34;
	v39 =	vld [tilespmem:s21+$0xFFFFFF60]  }
0x193: {  	[tilespmem:v42+s14+$0x0] =	vst.idx.msk $0xffff, v41  }
0x194: {  	v42 =	vor.u32 v1, v37;
	[tilespmem:v44+s14+$0x0] =	vst.idx.msk $0xffff, v43;
	v41 =	vld [tilespmem:s23+$0xFFFFFFA0]  }
0x195: {  	v44 =	vor.u32 v1, v35;
	v43 =	vld [tilespmem:s23+$0xFFFFFF20]  }
0x196: {  	[tilespmem:v38+s14+$0x0] =	vst.idx.msk $0xffff, v36  }
0x197: {  	v38 =	vor.u32 v6, v33;
	[tilespmem:v40+s14+$0x0] =	vst.idx.msk $0xffff, v39;
	v36 =	vld [tilespmem:s21+$0xFFFFFFF0]  }
0x198: {  	v40 =	vor.u32 v6, v34;
	v39 =	vld [tilespmem:s21+$0xFFFFFF70]  }
0x199: {  	[tilespmem:v42+s14+$0x0] =	vst.idx.msk $0xffff, v41  }
0x19a: {  	v42 =	vor.u32 v2, v37;
	[tilespmem:v44+s14+$0x0] =	vst.idx.msk $0xffff, v43;
	v41 =	vld [tilespmem:s23+$0xFFFFFFB0]  }
0x19b: {  	v44 =	vor.u32 v2, v35;
	v43 =	vld [tilespmem:s23+$0xFFFFFF30]  }
0x19c: {  	[tilespmem:v38+s14+$0x0] =	vst.idx.msk $0xffff, v36  }
0x19d: {  	[tilespmem:v40+s14+$0x0] =	vst.idx.msk $0xffff, v39;
	v39 =	vld [tilespmem:s21+$0x0];
	v40 =	vor.u32 v7, v33;
	v33 =	vmov v37  }
0x19e: {  	v46 =	vor.u32 v7, v34;
	v34 =	vmov v35;
	v45 =	vld [tilespmem:s21+$0xFFFFFF80];
	s21 =	smov.u32 s23  }
0x19f: {  	[tilespmem:v42+s14+$0x0] =	vst.idx.msk $0xffff, v41  }
.Ltmp11:
0x1a0: {  	v37 =	vor.u32 v3, v33;
	[tilespmem:v44+s14+$0x0] =	vst.idx.msk $0xffff, v43;
	v35 =	vld [tilespmem:s23+$0xFFFFFFC0];
	(pc) =	sbr.rel @p0 .LBB2_16-.Ltmp11, $4  }
0x1a1: {  	v38 =	vor.u32 v3, v34;
	v36 =	vld [tilespmem:s23+$0xFFFFFF40]  }
0x1a2: {  	s22 =	simm.s32 $0x14F0;
	[tilespmem:v40+s14+$0x0] =	vst.idx.msk $0xffff, v39  }
0x1a3: {  	[tilespmem:v46+s14+$0x0] =	vst.idx.msk $0xffff, v45  }
0x1a4: {  	s24 =	sadd.s32 $0x2, s24;
	s26 =	sadd.s32 $0x1, s25  }
0x1a5: {  	v39 =	vmov s26  }
0x1a6: {  	v40 =	vmov s25;
	v39 =	vand.u32 $0x7, v39  }
0x1a7: {  	v40 =	vand.u32 $0x6, v40;
	v39 =	vbroadcast v39, $0x0  }
0x1a8: {  	s24 =	sadd.s32 $0x100, s23;
	v40 =	vbroadcast v40, $0x0  }
0x1a9: {  	v41 =	vld [tilespmem:s24+$0xFFFFFF90];
	v42 =	vor.u32 v0, v39  }
0x1aa: {  	v43 =	vld [tilespmem:s24+$0xFFFFFF10];
	v44 =	vor.u32 v0, v40;
	_ =	sdelay $0x3  }
0x1ab: {  	[tilespmem:v42+s14+$0x0] =	vst.idx.msk $0xffff, v41  }
0x1ac: {  	v48 =	vor.u32 v1, v39;
	[tilespmem:v44+s14+$0x0] =	vst.idx.msk $0xffff, v43;
	v41 =	vld [tilespmem:s24+$0xFFFFFFA0]  }
0x1ad: {  	v49 =	vor.u32 v1, v40;
	v43 =	vld [tilespmem:s24+$0xFFFFFF20];
	_ =	sdelay $0x3  }
0x1ae: {  	[tilespmem:v48+s14+$0x0] =	vst.idx.msk $0xffff, v41  }
0x1af: {  	v50 =	vor.u32 v2, v39;
	[tilespmem:v49+s14+$0x0] =	vst.idx.msk $0xffff, v43;
	v41 =	vld [tilespmem:s24+$0xFFFFFFB0]  }
0x1b0: {  	v51 =	vor.u32 v2, v40;
	v43 =	vld [tilespmem:s24+$0xFFFFFF30];
	_ =	sdelay $0x3  }
0x1b1: {  	[tilespmem:v50+s14+$0x0] =	vst.idx.msk $0xffff, v41  }
0x1b2: {  	v52 =	vor.u32 v3, v39;
	[tilespmem:v51+s14+$0x0] =	vst.idx.msk $0xffff, v43;
	v41 =	vld [tilespmem:s24+$0xFFFFFFC0]  }
0x1b3: {  	v53 =	vor.u32 v3, v40;
	v43 =	vld [tilespmem:s24+$0xFFFFFF40];
	_ =	sdelay $0x1  }
0x1b4: {  	[tilespmem:v37+s14+$0x0] =	vst.idx.msk $0xffff, v35  }
0x1b5: {  	v54 =	vor.u32 v4, v33;
	[tilespmem:v38+s14+$0x0] =	vst.idx.msk $0xffff, v36;
	v35 =	vld [tilespmem:s23+$0xFFFFFFD0]  }
0x1b6: {  	v56 =	vor.u32 v4, v34;
	v55 =	vld [tilespmem:s23+$0xFFFFFF50];
	[tilespmem:v52+s14+$0x0] =	vst.idx.msk $0xffff, v41  }
0x1b7: {  	v57 =	vor.u32 v4, v39;
	[tilespmem:v53+s14+$0x0] =	vst.idx.msk $0xffff, v43;
	v41 =	vld [tilespmem:s24+$0xFFFFFFD0]  }
0x1b8: {  	v58 =	vor.u32 v4, v40;
	v43 =	vld [tilespmem:s24+$0xFFFFFF50];
	_ =	sdelay $0x1  }
0x1b9: {  	[tilespmem:v54+s14+$0x0] =	vst.idx.msk $0xffff, v35  }
0x1ba: {  	v59 =	vor.u32 v5, v33;
	[tilespmem:v56+s14+$0x0] =	vst.idx.msk $0xffff, v55;
	v35 =	vld [tilespmem:s21+$0xFFFFFFE0]  }
0x1bb: {  	v60 =	vor.u32 v5, v34;
	v37 =	vld [tilespmem:s21+$0xFFFFFF60];
	[tilespmem:v57+s14+$0x0] =	vst.idx.msk $0xffff, v41  }
0x1bc: {  	v61 =	vor.u32 v5, v39;
	[tilespmem:v58+s14+$0x0] =	vst.idx.msk $0xffff, v43;
	v41 =	vld [tilespmem:s24+$0xFFFFFFE0]  }
0x1bd: {  	v62 =	vor.u32 v5, v40;
	v43 =	vld [tilespmem:s24+$0xFFFFFF60];
	_ =	sdelay $0x1  }
0x1be: {  	[tilespmem:v59+s14+$0x0] =	vst.idx.msk $0xffff, v35  }
0x1bf: {  	v63 =	vor.u32 v6, v33;
	[tilespmem:v60+s14+$0x0] =	vst.idx.msk $0xffff, v37;
	v35 =	vld [tilespmem:s21+$0xFFFFFFF0]  }
0x1c0: {  	v37 =	vld [tilespmem:s21+$0xFFFFFF70];
	v48 =	vor.u32 v6, v34;
	[tilespmem:v61+s14+$0x0] =	vst.idx.msk $0xffff, v41  }
0x1c1: {  	v49 =	vor.u32 v6, v39;
	[tilespmem:v62+s14+$0x0] =	vst.idx.msk $0xffff, v43;
	v41 =	vld [tilespmem:s24+$0xFFFFFFF0]  }
0x1c2: {  	v50 =	vor.u32 v6, v40;
	v43 =	vld [tilespmem:s24+$0xFFFFFF70];
	_ =	sdelay $0x1  }
0x1c3: {  	[tilespmem:v63+s14+$0x0] =	vst.idx.msk $0xffff, v35  }
0x1c4: {  	v35 =	vld [tilespmem:s21+$0x0];
	[tilespmem:v48+s14+$0x0] =	vst.idx.msk $0xffff, v37;
	v51 =	vor.u32 v7, v33  }
0x1c5: {  	v52 =	vld [tilespmem:s21+$0xFFFFFF80];
	v53 =	vor.u32 v7, v34;
	[tilespmem:v49+s14+$0x0] =	vst.idx.msk $0xffff, v41  }
0x1c6: {  	v55 =	vor.u32 v7, v39;
	[tilespmem:v50+s14+$0x0] =	vst.idx.msk $0xffff, v43;
	v54 =	vld [tilespmem:s24+$0x0]  }
0x1c7: {  	v40 =	vor.u32 v7, v40;
	v56 =	vld [tilespmem:s24+$0xFFFFFF80]  }
0x1c8: {  	s31 =	simm.s32 $0x9  }
0x1c9: {  	[tilespmem:v51+s14+$0x0] =	vst.idx.msk $0xffff, v35;
	v57 =	vmov s31  }
0x1ca: {  	[tilespmem:v53+s14+$0x0] =	vst.idx.msk $0xffff, v52;
	v33 =	vand.u32 $0x7, v57  }
0x1cb: {  	v33 =	vbroadcast v33, $0x0;
	[tilespmem:v55+s14+$0x0] =	vst.idx.msk $0xffff, v54  }
0x1cc: {  	[tilespmem:v40+s14+$0x0] =	vst.idx.msk $0xffff, v56  }
0x1cd: {  	v58 =	vor.u32 v8, v33;
	v34 =	vld [tilespmem:s22+$0xFFFFFF90]  }
0x1ce: {  	v59 =	vor.u32 v8, v32;
	v36 =	vld [tilespmem:s22+$0xFFFFFF10];
	_ =	sdelay $0x3  }
0x1cf: {  	[tilespmem:v58+s14+$0x0] =	vst.idx.msk $0xffff, v34  }
0x1d0: {  	v60 =	vor.u32 v9, v33;
	[tilespmem:v59+s14+$0x0] =	vst.idx.msk $0xffff, v36;
	v34 =	vld [tilespmem:s22+$0xFFFFFFA0]  }
0x1d1: {  	v61 =	vor.u32 v9, v32;
	v36 =	vld [tilespmem:s22+$0xFFFFFF20];
	_ =	sdelay $0x3  }
0x1d2: {  	[tilespmem:v60+s14+$0x0] =	vst.idx.msk $0xffff, v34  }
0x1d3: {  	v62 =	vor.u32 v10, v33;
	[tilespmem:v61+s14+$0x0] =	vst.idx.msk $0xffff, v36;
	v34 =	vld [tilespmem:s22+$0xFFFFFFB0]  }
0x1d4: {  	v63 =	vor.u32 v10, v32;
	v36 =	vld [tilespmem:s22+$0xFFFFFF30];
	_ =	sdelay $0x3  }
0x1d5: {  	[tilespmem:v62+s14+$0x0] =	vst.idx.msk $0xffff, v34  }
0x1d6: {  	[tilespmem:v63+s14+$0x0] =	vst.idx.msk $0xffff, v36;
	v36 =	vor.u32 v11, v33;
	v34 =	vld [tilespmem:s22+$0xFFFFFFC0]  }
0x1d7: {  	v37 =	vor.u32 v11, v32;
	v35 =	vld [tilespmem:s22+$0xFFFFFF40];
	_ =	sdelay $0x2  }
0x1d8: {  	s25 =	simm.s32 $0xB;
	s23 =	simm.s32 $0x14F0;
	s24 =	simm.s32 $0x4  }
.LBB2_18:
0x1d9: {  	p0 =	slt.u32 s24, $0x6;
	v38 =	vmov s25;
	[tilespmem:v36+s14+$0x0] =	vst.idx.msk $0xffff, v34  }
0x1da: {  	v34 =	vmov s19;
	s19 =	smov.u32 s24;
	v36 =	vand.u32 $0x7, v38;
	[tilespmem:v37+s14+$0x0] =	vst.idx.msk $0xffff, v35;
	v35 =	vld [tilespmem:s22+$0xFFFFFFD0];
	v37 =	vor.u32 v12, v33  }
0x1db: {  	v39 =	vor.u32 v12, v32;
	v34 =	vand.u32 $0x6, v34;
	v36 =	vbroadcast v36, $0x0;
	v38 =	vld [tilespmem:s22+$0xFFFFFF50]  }
0x1dc: {  	v34 =	vbroadcast v34, $0x0;
	s22 =	sadd.s32 $0x100, s22  }
0x1dd: {  	v40 =	vld [tilespmem:s22+$0xFFFFFF90];
	v41 =	vor.u32 v8, v36  }
0x1de: {  	v43 =	vor.u32 v8, v34;
	v42 =	vld [tilespmem:s22+$0xFFFFFF10]  }
0x1df: {  	[tilespmem:v37+s14+$0x0] =	vst.idx.msk $0xffff, v35  }
0x1e0: {  	v37 =	vor.u32 v13, v33;
	[tilespmem:v39+s14+$0x0] =	vst.idx.msk $0xffff, v38;
	v35 =	vld [tilespmem:s23+$0xFFFFFFE0]  }
0x1e1: {  	v39 =	vor.u32 v13, v32;
	v38 =	vld [tilespmem:s23+$0xFFFFFF60]  }
0x1e2: {  	[tilespmem:v41+s14+$0x0] =	vst.idx.msk $0xffff, v40  }
0x1e3: {  	v41 =	vor.u32 v9, v36;
	[tilespmem:v43+s14+$0x0] =	vst.idx.msk $0xffff, v42;
	v40 =	vld [tilespmem:s22+$0xFFFFFFA0]  }
0x1e4: {  	v43 =	vor.u32 v9, v34;
	v42 =	vld [tilespmem:s22+$0xFFFFFF20]  }
0x1e5: {  	[tilespmem:v37+s14+$0x0] =	vst.idx.msk $0xffff, v35  }
0x1e6: {  	v37 =	vor.u32 v14, v33;
	[tilespmem:v39+s14+$0x0] =	vst.idx.msk $0xffff, v38;
	v35 =	vld [tilespmem:s23+$0xFFFFFFF0]  }
0x1e7: {  	v39 =	vor.u32 v14, v32;
	v38 =	vld [tilespmem:s23+$0xFFFFFF70]  }
0x1e8: {  	[tilespmem:v41+s14+$0x0] =	vst.idx.msk $0xffff, v40  }
0x1e9: {  	v41 =	vor.u32 v10, v36;
	[tilespmem:v43+s14+$0x0] =	vst.idx.msk $0xffff, v42;
	v40 =	vld [tilespmem:s22+$0xFFFFFFB0]  }
0x1ea: {  	v43 =	vor.u32 v10, v34;
	v42 =	vld [tilespmem:s22+$0xFFFFFF30]  }
0x1eb: {  	[tilespmem:v37+s14+$0x0] =	vst.idx.msk $0xffff, v35  }
0x1ec: {  	[tilespmem:v39+s14+$0x0] =	vst.idx.msk $0xffff, v38;
	v38 =	vld [tilespmem:s23+$0x0];
	v39 =	vor.u32 v15, v33;
	v33 =	vmov v36  }
0x1ed: {  	v45 =	vor.u32 v15, v32;
	v32 =	vmov v34;
	v44 =	vld [tilespmem:s23+$0xFFFFFF80];
	s23 =	smov.u32 s22  }
0x1ee: {  	[tilespmem:v41+s14+$0x0] =	vst.idx.msk $0xffff, v40  }
.Ltmp12:
0x1ef: {  	v36 =	vor.u32 v11, v33;
	[tilespmem:v43+s14+$0x0] =	vst.idx.msk $0xffff, v42;
	v34 =	vld [tilespmem:s22+$0xFFFFFFC0];
	(pc) =	sbr.rel @p0 .LBB2_18-.Ltmp12, $4  }
0x1f0: {  	v37 =	vor.u32 v11, v32;
	v35 =	vld [tilespmem:s22+$0xFFFFFF40]  }
0x1f1: {  	s21 =	simm.s32 $0x18F0;
	[tilespmem:v39+s14+$0x0] =	vst.idx.msk $0xffff, v38  }
0x1f2: {  	[tilespmem:v45+s14+$0x0] =	vst.idx.msk $0xffff, v44  }
0x1f3: {  	s24 =	sadd.s32 $0x2, s24;
	s25 =	sadd.s32 $0x9, s19  }
0x1f4: {  	v38 =	vmov s25  }
0x1f5: {  	v39 =	vmov s19;
	v38 =	vand.u32 $0x7, v38  }
0x1f6: {  	v39 =	vand.u32 $0x6, v39;
	v38 =	vbroadcast v38, $0x0  }
0x1f7: {  	s29 =	sadd.s32 $0x100, s22;
	v39 =	vbroadcast v39, $0x0  }
0x1f8: {  	v40 =	vld [tilespmem:s29+$0xFFFFFF90];
	v41 =	vor.u32 v8, v38  }
0x1f9: {  	v42 =	vld [tilespmem:s29+$0xFFFFFF10];
	v43 =	vor.u32 v8, v39;
	_ =	sdelay $0x3  }
0x1fa: {  	[tilespmem:v41+s14+$0x0] =	vst.idx.msk $0xffff, v40  }
0x1fb: {  	v50 =	vor.u32 v9, v38;
	[tilespmem:v43+s14+$0x0] =	vst.idx.msk $0xffff, v42;
	v40 =	vld [tilespmem:s29+$0xFFFFFFA0]  }
0x1fc: {  	v51 =	vor.u32 v9, v39;
	v42 =	vld [tilespmem:s29+$0xFFFFFF20];
	_ =	sdelay $0x3  }
0x1fd: {  	[tilespmem:v50+s14+$0x0] =	vst.idx.msk $0xffff, v40  }
0x1fe: {  	v52 =	vor.u32 v10, v38;
	[tilespmem:v51+s14+$0x0] =	vst.idx.msk $0xffff, v42;
	v40 =	vld [tilespmem:s29+$0xFFFFFFB0]  }
0x1ff: {  	v53 =	vor.u32 v10, v39;
	v42 =	vld [tilespmem:s29+$0xFFFFFF30];
	_ =	sdelay $0x3  }
0x200: {  	[tilespmem:v52+s14+$0x0] =	vst.idx.msk $0xffff, v40  }
0x201: {  	v54 =	vor.u32 v11, v38;
	[tilespmem:v53+s14+$0x0] =	vst.idx.msk $0xffff, v42;
	v40 =	vld [tilespmem:s29+$0xFFFFFFC0]  }
0x202: {  	v55 =	vor.u32 v11, v39;
	v42 =	vld [tilespmem:s29+$0xFFFFFF40];
	_ =	sdelay $0x1  }
0x203: {  	[tilespmem:v36+s14+$0x0] =	vst.idx.msk $0xffff, v34  }
0x204: {  	v56 =	vor.u32 v12, v33;
	[tilespmem:v37+s14+$0x0] =	vst.idx.msk $0xffff, v35;
	v34 =	vld [tilespmem:s22+$0xFFFFFFD0]  }
0x205: {  	v58 =	vor.u32 v12, v32;
	v57 =	vld [tilespmem:s22+$0xFFFFFF50];
	[tilespmem:v54+s14+$0x0] =	vst.idx.msk $0xffff, v40  }
0x206: {  	v59 =	vor.u32 v12, v38;
	[tilespmem:v55+s14+$0x0] =	vst.idx.msk $0xffff, v42;
	v40 =	vld [tilespmem:s29+$0xFFFFFFD0]  }
0x207: {  	v60 =	vor.u32 v12, v39;
	v42 =	vld [tilespmem:s29+$0xFFFFFF50];
	_ =	sdelay $0x1  }
0x208: {  	[tilespmem:v56+s14+$0x0] =	vst.idx.msk $0xffff, v34  }
0x209: {  	v61 =	vor.u32 v13, v33;
	[tilespmem:v58+s14+$0x0] =	vst.idx.msk $0xffff, v57;
	v34 =	vld [tilespmem:s23+$0xFFFFFFE0]  }
0x20a: {  	v62 =	vor.u32 v13, v32;
	v36 =	vld [tilespmem:s23+$0xFFFFFF60];
	[tilespmem:v59+s14+$0x0] =	vst.idx.msk $0xffff, v40  }
0x20b: {  	v63 =	vor.u32 v13, v38;
	[tilespmem:v60+s14+$0x0] =	vst.idx.msk $0xffff, v42;
	v40 =	vld [tilespmem:s29+$0xFFFFFFE0]  }
0x20c: {  	v45 =	vor.u32 v13, v39;
	v42 =	vld [tilespmem:s29+$0xFFFFFF60];
	_ =	sdelay $0x1  }
0x20d: {  	[tilespmem:v61+s14+$0x0] =	vst.idx.msk $0xffff, v34  }
0x20e: {  	v46 =	vor.u32 v14, v33;
	[tilespmem:v62+s14+$0x0] =	vst.idx.msk $0xffff, v36;
	v34 =	vld [tilespmem:s23+$0xFFFFFFF0]  }
0x20f: {  	v47 =	vor.u32 v14, v32;
	v36 =	vld [tilespmem:s23+$0xFFFFFF70];
	[tilespmem:v63+s14+$0x0] =	vst.idx.msk $0xffff, v40  }
0x210: {  	v48 =	vor.u32 v14, v38;
	[tilespmem:v45+s14+$0x0] =	vst.idx.msk $0xffff, v42;
	v40 =	vld [tilespmem:s29+$0xFFFFFFF0]  }
0x211: {  	v49 =	vor.u32 v14, v39;
	v42 =	vld [tilespmem:s29+$0xFFFFFF70];
	_ =	sdelay $0x1  }
0x212: {  	[tilespmem:v46+s14+$0x0] =	vst.idx.msk $0xffff, v34  }
0x213: {  	v50 =	vor.u32 v15, v33;
	[tilespmem:v47+s14+$0x0] =	vst.idx.msk $0xffff, v36;
	v34 =	vld [tilespmem:s23+$0x0]  }
0x214: {  	v51 =	vld [tilespmem:s23+$0xFFFFFF80];
	v52 =	vor.u32 v15, v32;
	[tilespmem:v48+s14+$0x0] =	vst.idx.msk $0xffff, v40  }
0x215: {  	v54 =	vor.u32 v15, v38;
	[tilespmem:v49+s14+$0x0] =	vst.idx.msk $0xffff, v42;
	v53 =	vld [tilespmem:s29+$0x0]  }
0x216: {  	v39 =	vor.u32 v15, v39;
	v55 =	vld [tilespmem:s29+$0xFFFFFF80]  }
0x217: {  	s30 =	simm.s32 $0x11  }
0x218: {  	s31 =	simm.s32 $0x0;
	v56 =	vmov s30;
	[tilespmem:v50+s14+$0x0] =	vst.idx.msk $0xffff, v34  }
0x219: {  	v57 =	vmov s31;
	v33 =	vand.u32 $0x7, v56;
	[tilespmem:v52+s14+$0x0] =	vst.idx.msk $0xffff, v51  }
0x21a: {  	v33 =	vbroadcast v33, $0x0;
	v32 =	vand.u32 $0x6, v57;
	[tilespmem:v54+s14+$0x0] =	vst.idx.msk $0xffff, v53  }
0x21b: {  	v32 =	vbroadcast v32, $0x0;
	[tilespmem:v39+s14+$0x0] =	vst.idx.msk $0xffff, v55  }
0x21c: {  	v58 =	vor.u32 v16, v33;
	v34 =	vld [tilespmem:s21+$0xFFFFFF90]  }
0x21d: {  	v59 =	vor.u32 v16, v32;
	v36 =	vld [tilespmem:s21+$0xFFFFFF10];
	_ =	sdelay $0x3  }
0x21e: {  	[tilespmem:v58+s14+$0x0] =	vst.idx.msk $0xffff, v34  }
0x21f: {  	v60 =	vor.u32 v17, v33;
	[tilespmem:v59+s14+$0x0] =	vst.idx.msk $0xffff, v36;
	v34 =	vld [tilespmem:s21+$0xFFFFFFA0]  }
0x220: {  	v61 =	vor.u32 v17, v32;
	v36 =	vld [tilespmem:s21+$0xFFFFFF20];
	_ =	sdelay $0x3  }
0x221: {  	[tilespmem:v60+s14+$0x0] =	vst.idx.msk $0xffff, v34  }
0x222: {  	v62 =	vor.u32 v18, v33;
	[tilespmem:v61+s14+$0x0] =	vst.idx.msk $0xffff, v36;
	v34 =	vld [tilespmem:s21+$0xFFFFFFB0]  }
0x223: {  	v63 =	vor.u32 v18, v32;
	v36 =	vld [tilespmem:s21+$0xFFFFFF30];
	_ =	sdelay $0x3  }
0x224: {  	[tilespmem:v62+s14+$0x0] =	vst.idx.msk $0xffff, v34  }
0x225: {  	v37 =	vor.u32 v19, v33;
	[tilespmem:v63+s14+$0x0] =	vst.idx.msk $0xffff, v36;
	v35 =	vld [tilespmem:s21+$0xFFFFFFC0]  }
0x226: {  	v38 =	vor.u32 v19, v32;
	v36 =	vld [tilespmem:s21+$0xFFFFFF40];
	_ =	sdelay $0x1  }
0x227: {  	s19 =	simm.s32 $0x2;
	s26 =	simm.s32 $0x13  }
0x228: {  	s24 =	simm.s32 $0x4;
	s25 =	simm.s32 $0x2;
	s23 =	simm.s32 $0x18F0;
	v34 =	vmov v32  }
.LBB2_20:
0x229: {  	p0 =	slt.u32 s24, $0x6;
	v39 =	vmov s26;
	[tilespmem:v37+s14+$0x0] =	vst.idx.msk $0xffff, v35  }
0x22a: {  	v35 =	vmov s25;
	s25 =	smov.u32 s24;
	v37 =	vand.u32 $0x7, v39;
	[tilespmem:v38+s14+$0x0] =	vst.idx.msk $0xffff, v36;
	v36 =	vld [tilespmem:s21+$0xFFFFFFD0];
	v38 =	vor.u32 v20, v33  }
0x22b: {  	v40 =	vor.u32 v20, v34;
	v35 =	vand.u32 $0x6, v35;
	v37 =	vbroadcast v37, $0x0;
	v39 =	vld [tilespmem:s21+$0xFFFFFF50]  }
0x22c: {  	v35 =	vbroadcast v35, $0x0;
	s21 =	sadd.s32 $0x100, s21  }
0x22d: {  	v41 =	vld [tilespmem:s21+$0xFFFFFF90];
	v42 =	vor.u32 v16, v37  }
0x22e: {  	v44 =	vor.u32 v16, v35;
	v43 =	vld [tilespmem:s21+$0xFFFFFF10]  }
0x22f: {  	[tilespmem:v38+s14+$0x0] =	vst.idx.msk $0xffff, v36  }
0x230: {  	v38 =	vor.u32 v21, v33;
	[tilespmem:v40+s14+$0x0] =	vst.idx.msk $0xffff, v39;
	v36 =	vld [tilespmem:s23+$0xFFFFFFE0]  }
0x231: {  	v40 =	vor.u32 v21, v34;
	v39 =	vld [tilespmem:s23+$0xFFFFFF60]  }
0x232: {  	[tilespmem:v42+s14+$0x0] =	vst.idx.msk $0xffff, v41  }
0x233: {  	v42 =	vor.u32 v17, v37;
	[tilespmem:v44+s14+$0x0] =	vst.idx.msk $0xffff, v43;
	v41 =	vld [tilespmem:s21+$0xFFFFFFA0]  }
0x234: {  	v44 =	vor.u32 v17, v35;
	v43 =	vld [tilespmem:s21+$0xFFFFFF20]  }
0x235: {  	[tilespmem:v38+s14+$0x0] =	vst.idx.msk $0xffff, v36  }
0x236: {  	v38 =	vor.u32 v22, v33;
	[tilespmem:v40+s14+$0x0] =	vst.idx.msk $0xffff, v39;
	v36 =	vld [tilespmem:s23+$0xFFFFFFF0]  }
0x237: {  	v40 =	vor.u32 v22, v34;
	v39 =	vld [tilespmem:s23+$0xFFFFFF70]  }
0x238: {  	[tilespmem:v42+s14+$0x0] =	vst.idx.msk $0xffff, v41  }
0x239: {  	v42 =	vor.u32 v18, v37;
	[tilespmem:v44+s14+$0x0] =	vst.idx.msk $0xffff, v43;
	v41 =	vld [tilespmem:s21+$0xFFFFFFB0]  }
0x23a: {  	v44 =	vor.u32 v18, v35;
	v43 =	vld [tilespmem:s21+$0xFFFFFF30]  }
0x23b: {  	[tilespmem:v38+s14+$0x0] =	vst.idx.msk $0xffff, v36  }
0x23c: {  	[tilespmem:v40+s14+$0x0] =	vst.idx.msk $0xffff, v39;
	v39 =	vld [tilespmem:s23+$0x0];
	v40 =	vor.u32 v23, v33;
	v33 =	vmov v37  }
0x23d: {  	v46 =	vor.u32 v23, v34;
	v34 =	vmov v35;
	v45 =	vld [tilespmem:s23+$0xFFFFFF80];
	s23 =	smov.u32 s21  }
0x23e: {  	[tilespmem:v42+s14+$0x0] =	vst.idx.msk $0xffff, v41  }
.Ltmp13:
0x23f: {  	v37 =	vor.u32 v19, v33;
	[tilespmem:v44+s14+$0x0] =	vst.idx.msk $0xffff, v43;
	v35 =	vld [tilespmem:s21+$0xFFFFFFC0];
	(pc) =	sbr.rel @p0 .LBB2_20-.Ltmp13, $4  }
0x240: {  	v38 =	vor.u32 v19, v34;
	v36 =	vld [tilespmem:s21+$0xFFFFFF40]  }
0x241: {  	s22 =	simm.s32 $0x1CF0;
	[tilespmem:v40+s14+$0x0] =	vst.idx.msk $0xffff, v39  }
0x242: {  	[tilespmem:v46+s14+$0x0] =	vst.idx.msk $0xffff, v45  }
0x243: {  	s24 =	sadd.s32 $0x2, s24;
	s26 =	sadd.s32 $0x11, s25  }
0x244: {  	v39 =	vmov s26  }
0x245: {  	v40 =	vmov s25;
	v39 =	vand.u32 $0x7, v39  }
0x246: {  	v40 =	vand.u32 $0x6, v40;
	v39 =	vbroadcast v39, $0x0  }
0x247: {  	s24 =	sadd.s32 $0x100, s21;
	v40 =	vbroadcast v40, $0x0  }
0x248: {  	v41 =	vld [tilespmem:s24+$0xFFFFFF90];
	v42 =	vor.u32 v16, v39  }
0x249: {  	v43 =	vld [tilespmem:s24+$0xFFFFFF10];
	v44 =	vor.u32 v16, v40;
	_ =	sdelay $0x3  }
0x24a: {  	[tilespmem:v42+s14+$0x0] =	vst.idx.msk $0xffff, v41  }
0x24b: {  	v48 =	vor.u32 v17, v39;
	[tilespmem:v44+s14+$0x0] =	vst.idx.msk $0xffff, v43;
	v41 =	vld [tilespmem:s24+$0xFFFFFFA0]  }
0x24c: {  	v49 =	vor.u32 v17, v40;
	v43 =	vld [tilespmem:s24+$0xFFFFFF20];
	_ =	sdelay $0x3  }
0x24d: {  	[tilespmem:v48+s14+$0x0] =	vst.idx.msk $0xffff, v41  }
0x24e: {  	v50 =	vor.u32 v18, v39;
	[tilespmem:v49+s14+$0x0] =	vst.idx.msk $0xffff, v43;
	v41 =	vld [tilespmem:s24+$0xFFFFFFB0]  }
0x24f: {  	v51 =	vor.u32 v18, v40;
	v43 =	vld [tilespmem:s24+$0xFFFFFF30];
	_ =	sdelay $0x3  }
0x250: {  	[tilespmem:v50+s14+$0x0] =	vst.idx.msk $0xffff, v41  }
0x251: {  	v52 =	vor.u32 v19, v39;
	[tilespmem:v51+s14+$0x0] =	vst.idx.msk $0xffff, v43;
	v41 =	vld [tilespmem:s24+$0xFFFFFFC0]  }
0x252: {  	v53 =	vor.u32 v19, v40;
	v43 =	vld [tilespmem:s24+$0xFFFFFF40];
	_ =	sdelay $0x1  }
0x253: {  	[tilespmem:v37+s14+$0x0] =	vst.idx.msk $0xffff, v35  }
0x254: {  	v54 =	vor.u32 v20, v33;
	[tilespmem:v38+s14+$0x0] =	vst.idx.msk $0xffff, v36;
	v35 =	vld [tilespmem:s21+$0xFFFFFFD0]  }
0x255: {  	v56 =	vor.u32 v20, v34;
	v55 =	vld [tilespmem:s21+$0xFFFFFF50];
	[tilespmem:v52+s14+$0x0] =	vst.idx.msk $0xffff, v41  }
0x256: {  	v57 =	vor.u32 v20, v39;
	[tilespmem:v53+s14+$0x0] =	vst.idx.msk $0xffff, v43;
	v41 =	vld [tilespmem:s24+$0xFFFFFFD0]  }
0x257: {  	v58 =	vor.u32 v20, v40;
	v43 =	vld [tilespmem:s24+$0xFFFFFF50];
	_ =	sdelay $0x1  }
0x258: {  	[tilespmem:v54+s14+$0x0] =	vst.idx.msk $0xffff, v35  }
0x259: {  	v59 =	vor.u32 v21, v33;
	[tilespmem:v56+s14+$0x0] =	vst.idx.msk $0xffff, v55;
	v35 =	vld [tilespmem:s23+$0xFFFFFFE0]  }
0x25a: {  	v60 =	vor.u32 v21, v34;
	v37 =	vld [tilespmem:s23+$0xFFFFFF60];
	[tilespmem:v57+s14+$0x0] =	vst.idx.msk $0xffff, v41  }
0x25b: {  	v61 =	vor.u32 v21, v39;
	[tilespmem:v58+s14+$0x0] =	vst.idx.msk $0xffff, v43;
	v41 =	vld [tilespmem:s24+$0xFFFFFFE0]  }
0x25c: {  	v62 =	vor.u32 v21, v40;
	v43 =	vld [tilespmem:s24+$0xFFFFFF60];
	_ =	sdelay $0x1  }
0x25d: {  	[tilespmem:v59+s14+$0x0] =	vst.idx.msk $0xffff, v35  }
0x25e: {  	v63 =	vor.u32 v22, v33;
	[tilespmem:v60+s14+$0x0] =	vst.idx.msk $0xffff, v37;
	v35 =	vld [tilespmem:s23+$0xFFFFFFF0]  }
0x25f: {  	v37 =	vld [tilespmem:s23+$0xFFFFFF70];
	v48 =	vor.u32 v22, v34;
	[tilespmem:v61+s14+$0x0] =	vst.idx.msk $0xffff, v41  }
0x260: {  	v49 =	vor.u32 v22, v39;
	[tilespmem:v62+s14+$0x0] =	vst.idx.msk $0xffff, v43;
	v41 =	vld [tilespmem:s24+$0xFFFFFFF0]  }
0x261: {  	v50 =	vor.u32 v22, v40;
	v43 =	vld [tilespmem:s24+$0xFFFFFF70];
	_ =	sdelay $0x1  }
0x262: {  	[tilespmem:v63+s14+$0x0] =	vst.idx.msk $0xffff, v35  }
0x263: {  	v35 =	vld [tilespmem:s23+$0x0];
	[tilespmem:v48+s14+$0x0] =	vst.idx.msk $0xffff, v37;
	v51 =	vor.u32 v23, v33  }
0x264: {  	v52 =	vld [tilespmem:s23+$0xFFFFFF80];
	v53 =	vor.u32 v23, v34;
	[tilespmem:v49+s14+$0x0] =	vst.idx.msk $0xffff, v41  }
0x265: {  	v55 =	vor.u32 v23, v39;
	[tilespmem:v50+s14+$0x0] =	vst.idx.msk $0xffff, v43;
	v54 =	vld [tilespmem:s24+$0x0]  }
0x266: {  	v40 =	vor.u32 v23, v40;
	v56 =	vld [tilespmem:s24+$0xFFFFFF80]  }
0x267: {  	s31 =	simm.s32 $0x19  }
0x268: {  	[tilespmem:v51+s14+$0x0] =	vst.idx.msk $0xffff, v35;
	v57 =	vmov s31  }
0x269: {  	[tilespmem:v53+s14+$0x0] =	vst.idx.msk $0xffff, v52;
	v33 =	vand.u32 $0x7, v57  }
0x26a: {  	v33 =	vbroadcast v33, $0x0;
	[tilespmem:v55+s14+$0x0] =	vst.idx.msk $0xffff, v54  }
0x26b: {  	[tilespmem:v40+s14+$0x0] =	vst.idx.msk $0xffff, v56  }
0x26c: {  	v58 =	vor.u32 v24, v33;
	v34 =	vld [tilespmem:s22+$0xFFFFFF90]  }
0x26d: {  	v59 =	vor.u32 v24, v32;
	v36 =	vld [tilespmem:s22+$0xFFFFFF10];
	_ =	sdelay $0x3  }
0x26e: {  	[tilespmem:v58+s14+$0x0] =	vst.idx.msk $0xffff, v34  }
0x26f: {  	v60 =	vor.u32 v25, v33;
	[tilespmem:v59+s14+$0x0] =	vst.idx.msk $0xffff, v36;
	v34 =	vld [tilespmem:s22+$0xFFFFFFA0]  }
0x270: {  	v61 =	vor.u32 v25, v32;
	v36 =	vld [tilespmem:s22+$0xFFFFFF20];
	_ =	sdelay $0x3  }
0x271: {  	[tilespmem:v60+s14+$0x0] =	vst.idx.msk $0xffff, v34  }
0x272: {  	v62 =	vor.u32 v26, v33;
	[tilespmem:v61+s14+$0x0] =	vst.idx.msk $0xffff, v36;
	v34 =	vld [tilespmem:s22+$0xFFFFFFB0]  }
0x273: {  	v63 =	vor.u32 v26, v32;
	v36 =	vld [tilespmem:s22+$0xFFFFFF30];
	_ =	sdelay $0x3  }
0x274: {  	[tilespmem:v62+s14+$0x0] =	vst.idx.msk $0xffff, v34  }
0x275: {  	[tilespmem:v63+s14+$0x0] =	vst.idx.msk $0xffff, v36;
	v36 =	vor.u32 v27, v33;
	v34 =	vld [tilespmem:s22+$0xFFFFFFC0]  }
0x276: {  	v37 =	vor.u32 v27, v32;
	v35 =	vld [tilespmem:s22+$0xFFFFFF40];
	_ =	sdelay $0x2  }
0x277: {  	s21 =	simm.s32 $0x1CF0;
	s23 =	simm.s32 $0x4;
	s24 =	simm.s32 $0x1B  }
.LBB2_22:
0x278: {  	p0 =	slt.u32 s23, $0x6;
	v38 =	vmov s24;
	[tilespmem:v36+s14+$0x0] =	vst.idx.msk $0xffff, v34  }
0x279: {  	v34 =	vmov s19;
	s19 =	smov.u32 s23;
	v36 =	vand.u32 $0x7, v38;
	[tilespmem:v37+s14+$0x0] =	vst.idx.msk $0xffff, v35;
	v35 =	vld [tilespmem:s22+$0xFFFFFFD0];
	v37 =	vor.u32 v28, v33  }
0x27a: {  	v39 =	vor.u32 v28, v32;
	v34 =	vand.u32 $0x6, v34;
	v36 =	vbroadcast v36, $0x0;
	v38 =	vld [tilespmem:s22+$0xFFFFFF50]  }
0x27b: {  	v34 =	vbroadcast v34, $0x0;
	s22 =	sadd.s32 $0x100, s22  }
0x27c: {  	v40 =	vld [tilespmem:s22+$0xFFFFFF90];
	v41 =	vor.u32 v24, v36  }
0x27d: {  	v43 =	vor.u32 v24, v34;
	v42 =	vld [tilespmem:s22+$0xFFFFFF10]  }
0x27e: {  	[tilespmem:v37+s14+$0x0] =	vst.idx.msk $0xffff, v35  }
0x27f: {  	v37 =	vor.u32 v29, v33;
	[tilespmem:v39+s14+$0x0] =	vst.idx.msk $0xffff, v38;
	v35 =	vld [tilespmem:s21+$0xFFFFFFE0]  }
0x280: {  	v39 =	vor.u32 v29, v32;
	v38 =	vld [tilespmem:s21+$0xFFFFFF60]  }
0x281: {  	[tilespmem:v41+s14+$0x0] =	vst.idx.msk $0xffff, v40  }
0x282: {  	v41 =	vor.u32 v25, v36;
	[tilespmem:v43+s14+$0x0] =	vst.idx.msk $0xffff, v42;
	v40 =	vld [tilespmem:s22+$0xFFFFFFA0]  }
0x283: {  	v43 =	vor.u32 v25, v34;
	v42 =	vld [tilespmem:s22+$0xFFFFFF20]  }
0x284: {  	[tilespmem:v37+s14+$0x0] =	vst.idx.msk $0xffff, v35  }
0x285: {  	v37 =	vor.u32 v30, v33;
	[tilespmem:v39+s14+$0x0] =	vst.idx.msk $0xffff, v38;
	v35 =	vld [tilespmem:s21+$0xFFFFFFF0]  }
0x286: {  	v39 =	vor.u32 v30, v32;
	v38 =	vld [tilespmem:s21+$0xFFFFFF70]  }
0x287: {  	[tilespmem:v41+s14+$0x0] =	vst.idx.msk $0xffff, v40  }
0x288: {  	v41 =	vor.u32 v26, v36;
	[tilespmem:v43+s14+$0x0] =	vst.idx.msk $0xffff, v42;
	v40 =	vld [tilespmem:s22+$0xFFFFFFB0]  }
0x289: {  	v43 =	vor.u32 v26, v34;
	v42 =	vld [tilespmem:s22+$0xFFFFFF30]  }
0x28a: {  	[tilespmem:v37+s14+$0x0] =	vst.idx.msk $0xffff, v35  }
0x28b: {  	[tilespmem:v39+s14+$0x0] =	vst.idx.msk $0xffff, v38;
	v38 =	vld [tilespmem:s21+$0x0];
	v39 =	vor.u32 v31, v33;
	v33 =	vmov v36  }
0x28c: {  	v45 =	vor.u32 v31, v32;
	v32 =	vmov v34;
	v44 =	vld [tilespmem:s21+$0xFFFFFF80];
	s21 =	smov.u32 s22  }
0x28d: {  	[tilespmem:v41+s14+$0x0] =	vst.idx.msk $0xffff, v40  }
.Ltmp14:
0x28e: {  	v36 =	vor.u32 v27, v33;
	[tilespmem:v43+s14+$0x0] =	vst.idx.msk $0xffff, v42;
	v34 =	vld [tilespmem:s22+$0xFFFFFFC0];
	(pc) =	sbr.rel @p0 .LBB2_22-.Ltmp14, $4  }
0x28f: {  	v37 =	vor.u32 v27, v32;
	v35 =	vld [tilespmem:s22+$0xFFFFFF40]  }
0x290: {  	[tilespmem:v39+s14+$0x0] =	vst.idx.msk $0xffff, v38  }
0x291: {  	[tilespmem:v45+s14+$0x0] =	vst.idx.msk $0xffff, v44  }
0x292: {  	s23 =	sadd.s32 $0x2, s23;
	s24 =	sadd.s32 $0x19, s19  }
0x293: {  	v38 =	vmov s24  }
0x294: {  	v39 =	vmov s19;
	v38 =	vand.u32 $0x7, v38  }
0x295: {  	v39 =	vand.u32 $0x6, v39;
	v38 =	vbroadcast v38, $0x0  }
0x296: {  	s30 =	sadd.s32 $0x100, s22;
	v39 =	vbroadcast v39, $0x0  }
0x297: {  	v40 =	vld [tilespmem:s30+$0xFFFFFF90];
	v41 =	vor.u32 v24, v38  }
0x298: {  	v42 =	vld [tilespmem:s30+$0xFFFFFF10];
	v43 =	vor.u32 v24, v39;
	_ =	sdelay $0x3  }
0x299: {  	[tilespmem:v41+s14+$0x0] =	vst.idx.msk $0xffff, v40  }
0x29a: {  	v58 =	vor.u32 v25, v38;
	[tilespmem:v43+s14+$0x0] =	vst.idx.msk $0xffff, v42;
	v40 =	vld [tilespmem:s30+$0xFFFFFFA0]  }
0x29b: {  	v59 =	vor.u32 v25, v39;
	v42 =	vld [tilespmem:s30+$0xFFFFFF20];
	_ =	sdelay $0x3  }
0x29c: {  	[tilespmem:v58+s14+$0x0] =	vst.idx.msk $0xffff, v40  }
0x29d: {  	v60 =	vor.u32 v26, v38;
	[tilespmem:v59+s14+$0x0] =	vst.idx.msk $0xffff, v42;
	v40 =	vld [tilespmem:s30+$0xFFFFFFB0]  }
0x29e: {  	v61 =	vor.u32 v26, v39;
	v42 =	vld [tilespmem:s30+$0xFFFFFF30];
	_ =	sdelay $0x3  }
0x29f: {  	[tilespmem:v60+s14+$0x0] =	vst.idx.msk $0xffff, v40  }
0x2a0: {  	v62 =	vor.u32 v27, v38;
	[tilespmem:v61+s14+$0x0] =	vst.idx.msk $0xffff, v42;
	v40 =	vld [tilespmem:s30+$0xFFFFFFC0]  }
0x2a1: {  	v63 =	vor.u32 v27, v39;
	v42 =	vld [tilespmem:s30+$0xFFFFFF40];
	_ =	sdelay $0x1  }
0x2a2: {  	[tilespmem:v36+s14+$0x0] =	vst.idx.msk $0xffff, v34  }
0x2a3: {  	v45 =	vor.u32 v28, v33;
	[tilespmem:v37+s14+$0x0] =	vst.idx.msk $0xffff, v35;
	v34 =	vld [tilespmem:s22+$0xFFFFFFD0]  }
0x2a4: {  	v47 =	vor.u32 v28, v32;
	v46 =	vld [tilespmem:s22+$0xFFFFFF50];
	[tilespmem:v62+s14+$0x0] =	vst.idx.msk $0xffff, v40  }
0x2a5: {  	v48 =	vor.u32 v28, v38;
	[tilespmem:v63+s14+$0x0] =	vst.idx.msk $0xffff, v42;
	v40 =	vld [tilespmem:s30+$0xFFFFFFD0]  }
0x2a6: {  	v49 =	vor.u32 v28, v39;
	v42 =	vld [tilespmem:s30+$0xFFFFFF50];
	_ =	sdelay $0x1  }
0x2a7: {  	[tilespmem:v45+s14+$0x0] =	vst.idx.msk $0xffff, v34  }
0x2a8: {  	v50 =	vor.u32 v29, v33;
	[tilespmem:v47+s14+$0x0] =	vst.idx.msk $0xffff, v46;
	v34 =	vld [tilespmem:s21+$0xFFFFFFE0]  }
0x2a9: {  	v51 =	vor.u32 v29, v32;
	v36 =	vld [tilespmem:s21+$0xFFFFFF60];
	[tilespmem:v48+s14+$0x0] =	vst.idx.msk $0xffff, v40  }
0x2aa: {  	v52 =	vor.u32 v29, v38;
	[tilespmem:v49+s14+$0x0] =	vst.idx.msk $0xffff, v42;
	v40 =	vld [tilespmem:s30+$0xFFFFFFE0]  }
0x2ab: {  	v53 =	vor.u32 v29, v39;
	v42 =	vld [tilespmem:s30+$0xFFFFFF60];
	_ =	sdelay $0x1  }
0x2ac: {  	[tilespmem:v50+s14+$0x0] =	vst.idx.msk $0xffff, v34  }
0x2ad: {  	v54 =	vor.u32 v30, v33;
	[tilespmem:v51+s14+$0x0] =	vst.idx.msk $0xffff, v36;
	v34 =	vld [tilespmem:s21+$0xFFFFFFF0]  }
0x2ae: {  	v55 =	vor.u32 v30, v32;
	v36 =	vld [tilespmem:s21+$0xFFFFFF70];
	[tilespmem:v52+s14+$0x0] =	vst.idx.msk $0xffff, v40  }
0x2af: {  	v56 =	vor.u32 v30, v38;
	[tilespmem:v53+s14+$0x0] =	vst.idx.msk $0xffff, v42;
	v40 =	vld [tilespmem:s30+$0xFFFFFFF0]  }
0x2b0: {  	v57 =	vor.u32 v30, v39;
	v42 =	vld [tilespmem:s30+$0xFFFFFF70];
	_ =	sdelay $0x1  }
0x2b1: {  	[tilespmem:v54+s14+$0x0] =	vst.idx.msk $0xffff, v34  }
0x2b2: {  	v58 =	vor.u32 v31, v33;
	[tilespmem:v55+s14+$0x0] =	vst.idx.msk $0xffff, v36;
	v34 =	vld [tilespmem:s21+$0x0]  }
0x2b3: {  	v59 =	vld [tilespmem:s21+$0xFFFFFF80];
	v60 =	vor.u32 v31, v32;
	[tilespmem:v56+s14+$0x0] =	vst.idx.msk $0xffff, v40  }
0x2b4: {  	v62 =	vor.u32 v31, v38;
	[tilespmem:v57+s14+$0x0] =	vst.idx.msk $0xffff, v42;
	v61 =	vld [tilespmem:s30+$0x0]  }
0x2b5: {  	v39 =	vor.u32 v31, v39;
	v63 =	vld [tilespmem:s30+$0xFFFFFF80];
	_ =	sdelay $0x1  }
0x2b6: {  	[tilespmem:v58+s14+$0x0] =	vst.idx.msk $0xffff, v34  }
0x2b7: {  	s31 =	sshll.u32 s20, $0x9;
	[tilespmem:v60+s14+$0x0] =	vst.idx.msk $0xffff, v59  }
0x2b8: {  	s20 =	simm.s32 $0x3400;
	s19 =	sadd.s32 s5, s31;
	[tilespmem:v62+s14+$0x0] =	vst.idx.msk $0xffff, v61  }
0x2b9: {  	s23 =	sadd.s32 $0x0, s19;
	s22 =	simm.s32 $0x3428;
	s21 =	simm.s32 $0x4;
	[tilespmem:v39+s14+$0x0] =	vst.idx.msk $0xffff, v63  }
.LBB2_24:
0x2ba: {  	[hbm4b:s23+s1] =	stream.linear.scatter [tilespmem:s20], [sflag:$0x4], $0x20, $0x38;
	[tilespmem:$0x4800] =	vst v63  }
0x2bb: {  	s23 =	smov.u32 s21;
	s20 =	smov.u32 s22;
	p0 =	sne.s32 s21, $0x1FC  }
.Ltmp15:
0x2bc: {  	s21 =	sadd.s32 $0x4, s21;
	(pc) =	sbr.rel @p0 .LBB2_24-.Ltmp15, $2  }
0x2bd: {  	_ =	sdelay $0x2  }
0x2be: {  	s22 =	sadd.s32 $0x28, s22;
	s23 =	sadd.s32 s23, s19  }
.Ltmp16:
0x2bf: {  	(pc) =	sbr.rel .LBB2_26-.Ltmp16, $2  }
0x2c0: {  	_ =	sdelay $0x2  }
0x2c1: {  	[hbm4b:s23+s1] =	stream.linear.scatter [tilespmem:s20], [sflag:$0x4], $0x20, $0x38;
	[tilespmem:$0x4800] =	vst v63  }
.LBB2_28:
0x2c2: {  	_ =	sfence.sel $0x180000  }
0x2c3: {  	[bflag:$0x0] =	sbarrier.arrive $0xFFFF  }
0x2c4: {  	p0 =	sne.s32 s2, $0x0;
	_ =	strace $0x90000047  }
0x2c5: {  	s0 =	sadd.s32 @!p0 $0x100000, s0;
	[bflag:$0x2] =	sbarrier.arrive $0xFFFF  }
0x2c6: {  	[sflag:s0] =	ssyncadd.tile.s32 @!p0 $0x1;
	_ =	shalt  }
.Lfunc_end2:
_tile_overlayer_lowered:
.L_overlay_start_2:
0x2c7: {  	(tag) =	ssettag $0x2  }
0x2c8: {  	s0 =	rddreg [dreg:$0x0];
	s2 =	stileid.u32  }
0x2c9: {  	s1 =	rddreg [dreg:$0x1];
	p0 =	sne.s32 s2, $0x0  }
0x2ca: {  	s3 =	rddreg [dreg:$0x2];
	[bflag:$0x3] =	sbarrier.arrive $0xFFFF;
	s2 =	simm.s32 @!p0 $0x1C05  }
0x2cb: {  	[timem:s3], [sflag:s2] =	dma.local @!p0 [hbm:s0], s1  }
0x2cc: {  	s0 =	simm.s32 @!p0 $0x5  }
0x2cd: {  	_ =	swait.ge @!p0 [sflag:s0], s1  }
0x2ce: {  	s1 =	ssub.s32 @!p0 $0x0, s1;
	[sflag:s0] =	ssyncset.done @!p0 $0x0  }
0x2cf: {  	[sflag:s0] =	ssyncadd.s32 @!p0 s1  }
0x2d0: {  	[bflag:$0x3] =	sbarrier.arrive $0xFFFF  }
0x2d1: {  	_ =	shalt  }

// kernel: kernel.7.cloned.1.call-start
scs
__scs_entry_jumppad:
0x0: {  	(pc) =	sbr.rel $0x88, $3  }
0x1: {  	(tag) =	ssettag $0x0;
	lr =	simm.s32 $0x1  }
0x2: {  	[smem:$0x3F9F] =	sst lr;
	_ =	strace $0xD0000000  }
0x3: {  	_ = 	snop  }
0x4: {  	_ = 	snop  }
0x5: {  	_ = 	snop  }
0x6: {  	_ = 	snop  }
0x7: {  	_ = 	snop  }
__scs_overlays_trampoline_lowered:
0x8: {  	[smem:$0x3FAE] =	sst s0  }
0x9: {  	[smem:$0x3FAF] =	sst s1  }
0xa: {  	[smem:$0x3FB0] =	sst s2  }
0xb: {  	[smem:$0x3FB1] =	sst s3  }
0xc: {  	[smem:$0x3FB2] =	sst s4  }
0xd: {  	[smem:$0x3FB3] =	sst s5  }
0xe: {  	[smem:$0x3FB4] =	sst s6  }
0xf: {  	[smem:$0x3FB5] =	sst s7  }
0x10: {  	[smem:$0x3FB6] =	sst s8  }
0x11: {  	[smem:$0x3FB7] =	sst s9;
	s0 =	simm.s32 @!p0 $0x0  }
0x12: {  	s1 =	sld [smem:$0x3F9D];
	s0 =	simm.s32 @p0 $0x1  }
0x13: {  	[smem:$0x3FB8] =	sst s0;
	s0 =	simm.s32 @!p1 $0x0  }
0x14: {  	s2 =	sld [smem:$0x3F9C];
	s0 =	simm.s32 @p1 $0x1  }
0x15: {  	[smem:$0x3FB9] =	sst s0;
	s0 =	simm.s32 @!p2 $0x0  }
0x16: {  	s3 =	sld [smem:$0x3FDB];
	s0 =	simm.s32 @p2 $0x1  }
0x17: {  	s4 =	simm.s32 $0x1BF5;
	[smem:$0x3FBB] =	sst s0  }
0x18: {  	s0 =	sld [smem:$0x3F9E];
	_ =	swait.ge [sflag:s4], $0x0  }
0x19: {  	s7 =	sld [smem:$0x3F9F]  }
0x1a: {  	s8 =	sadd.s32 $0xFFFFE003, lr  }
0x1b: {  	s9 =	sadd.s32 $0xFFFFFEF7, lr;
	s5 =	simm.s32 $0xFFFFFFFF;
	p2 =	slt.u32 s8, $0xFFFFF086  }
0x1c: {  	p1 =	slt.u32 s9, $0xF7A;
	s5 =	simm.s32 @!p2 $0x0  }
0x1d: {  	s5 =	simm.s32 @p1 $0x1;
	p0 =	seq.s32 s7, s2  }
0x1e: {  	s7 =	smul.u32 @!p0 $0xF7A, s2;
	p2 =	seq.s32 @!p0 s5, $0x0  }
0x1f: {  	s9 =	smul.u32 $0xF7A, s1;
	s8 =	simm.s32 @!p0 $0x1BF5;
	p2 =	por !p2, p0  }
0x20: {  	[sflag:s8] =	ssyncset.s32 @!p0 $0xFFFFF086;
	s6 =	sadd.s32 @!p0 s3, s7;
	s7 =	simm.s32 @!p0 $0x108  }
0x21: {  	s3 =	sadd.s32 s3, s9;
	s6 =	sadd.s32 @!p0 $0x88, s6;
	s7 =	simm.s32 @p2 $0x1082  }
0x22: {  	[simem:s7], [sflag:s8] =	dma.local @!p0 [hbm:s6], $0xF7A  }
0x23: {  	s9 =	sor.u32 $0xD0000000, s2;
	s6 =	simm.s32 $0x108;
	_ =	swait.ge @!p0 [sflag:s8], $0x0  }
0x24: {  	s3 =	sadd.s32 $0x88, s3;
	s6 =	simm.s32 @!p1 $0x1082;
	[sflag:s4] =	ssyncset.s32 $0xFFFFF086  }
0x25: {  	[simem:s6], [sflag:s4] =	dma.local [hbm:s3], $0xF7A  }
0x26: {  	[smem:$0x3F9F] =	sst s1;
	(tag) =	ssettag s2;
	_ =	strace s9  }
0x27: {  	s1 =	sld [smem:$0x3FAF]  }
0x28: {  	s2 =	sld [smem:$0x3FB0]  }
0x29: {  	s4 =	sld [smem:$0x3FB2]  }
0x2a: {  	p0 =	seq.s32 s5, $0x0;
	s5 =	sld [smem:$0x3FB3]  }
0x2b: {  	s6 =	sld [smem:$0x3FB4]  }
0x2c: {  	s7 =	sld [smem:$0x3FB5]  }
0x2d: {  	s3 =	simm.s32 $0x108;
	s8 =	sld [smem:$0x3FB6]  }
0x2e: {  	s3 =	simm.s32 @!p0 $0x1082;
	s9 =	sld [smem:$0x3FB7]  }
0x2f: {  	lr =	sadd.s32 s0, s3;
	s0 =	sld [smem:$0x3FAE]  }
0x30: {  	s3 =	sld [smem:$0x3FB1]  }
0x31: {  	[smem:$0x3FBA] =	sst s10  }
0x32: {  	s10 =	sld [smem:$0x3FB8];
	_ =	sdelay $0x3  }
0x33: {  	p0 =	seq.s32 s10, $0x1;
	s10 =	sld [smem:$0x3FBA];
	_ =	sdelay $0x3  }
0x34: {  	[smem:$0x3FBA] =	sst s10  }
0x35: {  	s10 =	sld [smem:$0x3FB9];
	_ =	sdelay $0x3  }
0x36: {  	p1 =	seq.s32 s10, $0x1;
	s10 =	sld [smem:$0x3FBA];
	_ =	sdelay $0x3  }
0x37: {  	[smem:$0x3FBA] =	sst s10  }
0x38: {  	s10 =	sld [smem:$0x3FBB]  }
0x39: {  	_ = 	snop;
	(pc) =	sbr.ind lr, $3  }
0x3a: {  	_ = 	snop  }
0x3b: {  	_ = 	snop  }
0x3c: {  	p2 =	seq.s32 s10, $0x1;
	s10 =	sld [smem:$0x3FBA]  }
0x3d: {  	_ =	shalt  }
0x3e: {  	_ =	shalt  }
0x3f: {  	_ =	shalt  }
0x40: {  	_ =	shalt  }
0x41: {  	_ =	shalt  }
0x42: {  	_ =	shalt  }
0x43: {  	_ =	shalt  }
0x44: {  	_ =	shalt  }
0x45: {  	_ =	shalt  }
0x46: {  	_ =	shalt  }
0x47: {  	_ =	shalt  }
0x48: {  	_ =	shalt  }
0x49: {  	_ =	shalt  }
0x4a: {  	_ =	shalt  }
0x4b: {  	_ =	shalt  }
0x4c: {  	_ =	shalt  }
0x4d: {  	_ =	shalt  }
0x4e: {  	_ =	shalt  }
0x4f: {  	_ =	shalt  }
0x50: {  	_ =	shalt  }
0x51: {  	_ =	shalt  }
0x52: {  	_ =	shalt  }
0x53: {  	_ =	shalt  }
0x54: {  	_ =	shalt  }
0x55: {  	_ =	shalt  }
0x56: {  	_ =	shalt  }
0x57: {  	_ =	shalt  }
0x58: {  	_ =	shalt  }
0x59: {  	_ =	shalt  }
0x5a: {  	_ =	shalt  }
0x5b: {  	_ =	shalt  }
0x5c: {  	_ =	shalt  }
0x5d: {  	_ =	shalt  }
0x5e: {  	_ =	shalt  }
0x5f: {  	_ =	shalt  }
0x60: {  	_ =	shalt  }
0x61: {  	_ =	shalt  }
0x62: {  	_ =	shalt  }
0x63: {  	_ =	shalt  }
0x64: {  	_ =	shalt  }
0x65: {  	_ =	shalt  }
0x66: {  	_ =	shalt  }
0x67: {  	_ =	shalt  }
0x68: {  	_ =	shalt  }
0x69: {  	_ =	shalt  }
0x6a: {  	_ =	shalt  }
0x6b: {  	_ =	shalt  }
0x6c: {  	_ =	shalt  }
0x6d: {  	_ =	shalt  }
0x6e: {  	_ =	shalt  }
0x6f: {  	_ =	shalt  }
0x70: {  	_ =	shalt  }
0x71: {  	_ =	shalt  }
0x72: {  	_ =	shalt  }
0x73: {  	_ =	shalt  }
0x74: {  	_ =	shalt  }
0x75: {  	_ =	shalt  }
0x76: {  	_ =	shalt  }
0x77: {  	_ =	shalt  }
0x78: {  	_ =	shalt  }
0x79: {  	_ =	shalt  }
0x7a: {  	_ =	shalt  }
0x7b: {  	_ =	shalt  }
0x7c: {  	_ =	shalt  }
0x7d: {  	_ =	shalt  }
0x7e: {  	_ =	shalt  }
0x7f: {  	_ =	shalt  }
0x80: {  	_ =	shalt  }
0x81: {  	_ =	shalt  }
0x82: {  	_ =	shalt  }
0x83: {  	_ =	shalt  }
0x84: {  	_ =	shalt  }
0x85: {  	_ =	shalt  }
0x86: {  	_ =	shalt  }
0x87: {  	_ =	shalt  }
.Lfunc_end0:
.L_simem_size_0:
called_computation.1_lowered:
.L_overlay_start_0:
0x88: {  	s2 =	sld [smem:$0x3FD9]  }
0x89: {  	s3 =	sld [smem:$0x3FFE];
	_ =	sdelay $0x1  }
0x8a: {  	s1 =	srdreg.scid  }
0x8b: {  	s0 =	sand.u32 $0x1, s1  }
0x8c: {  	s17 =	sshll.u32 s0, $0xA;
	s2 =	sadd.s32 s3, s2  }
0x8d: {  	s2 =	sadd.s32 s2, s17  }
0x8e: {  	[smem:$0x3FC6] =	sst s2  }
0x8f: {  	_ = 	snop  }
0x90: {  	s2 =	sld [smem:$0x3FC9]  }
0x91: {  	s18 =	sld [smem:$0x3FD0];
	(tm) =	ssettm $0x1  }
0x92: {  	s4 =	sld [smem:$0x3FFB];
	_ =	sdelay $0x3  }
0x93: {  	_ =	strace s4  }
0x94: {  	s4 =	sld [smem:$0x3FFC];
	_ =	sdelay $0x3  }
0x95: {  	_ =	strace s4  }
0x96: {  	s4 =	sld [smem:$0x3FFD];
	_ =	sdelay $0x3  }
0x97: {  	_ =	strace s4  }
0x98: {  	_ =	strace $0x8FFFFFFF  }
0x99: {  	s19 =	sld [smem:$0x3FDB];
	_ =	sdelay $0x1  }
0x9a: {  	s5 =	simm.s32 $_scs_section_size  }
0x9b: {  	s6 =	simm.s32 $_size__tile_overlayer_lowered;
	s7 =	simm.s32 $_tile_overlayer_lowered  }
0x9c: {  	s22 =	simm.s32 $0x1BFF;
	s21 =	sshll.u32 s7, $0x1;
	s4 =	sadd.s32 s5, s19  }
0x9d: {  	s8 =	simm.s32 $0x0;
	s20 =	sshll.u32 s6, $0x1;
	s6 =	sadd.s32 s21, s4  }
0x9e: {  	[timem:s8], [sflag:s22] =	dma.local [hbm:s6], s20  }
0x9f: {  	_ =	swait.ge [sflag:s22], s20  }
0xa0: {  	s5 =	ssub.s32 $0x0, s20;
	[sflag:s22] =	ssyncset.done $0x0  }
0xa1: {  	[sflag:s22] =	ssyncadd.s32 s5;
	_ =	sdelay $0x1  }
0xa2: {  	s23 =	simm.s32 $0x1B8B  }
0xa3: {  	_ =	swait.ge [sflag:s23], $0x1  }
0xa4: {  	[sflag:s23] =	ssyncset.done $0x0  }
0xa5: {  	s25 =	simm.s32 $0x1B8E;
	s24 =	sld [smem:$0x3FFE];
	[sflag:s23] =	ssyncadd.s32 $0xFFFFFFFF  }
0xa6: {  	s26 =	simm.s32 $execute0_lowered;
	[smem:$0x3FD2] =	sst s25  }
0xa7: {  	s6 =	sshll.u32 s26, $0x1;
	_ =	strace $0x80000049;
	[dreg:$0x1] =	wrdreg $0xFFFFFFFF  }
0xa8: {  	s28 =	simm.s32 $_size_execute0_lowered;
	s4 =	sadd.s32 s4, s6;
	[dreg:$0x0] =	wrdreg $0x0  }
0xa9: {  	s6 =	sshll.u32 s28, $0x1;
	[dreg:$0x2] =	wrdreg s4  }
0xaa: {  	[dreg:$0x3] =	wrdreg s6  }
0xab: {  	[dreg:$0x4] =	wrdreg $0xC0  }
0xac: {  	_ =	task [dreg:s8], $0x5FFFF  }
0xad: {  	[dreg:$0x1] =	wrdreg $0xFFFFFFFF  }
0xae: {  	[dreg:$0x0] =	wrdreg $0x60  }
0xaf: {  	[dreg:$0x2] =	wrdreg s2  }
0xb0: {  	[dreg:$0x3] =	wrdreg s24  }
0xb1: {  	[dreg:$0x4] =	wrdreg s18  }
0xb2: {  	[dreg:$0x5] =	wrdreg $0x9  }
0xb3: {  	_ =	task.clear_ibuf [dreg:s8], $0x6FFFF;
	_ =	strace $0x90000049  }
0xb4: {  	s29 =	simm.s32 $0x9;
	_ =	strace $0x8000004B  }
0xb5: {  	_ =	swait.ge [sflag:s29], $0x1  }
0xb6: {  	[sflag:s29] =	ssyncadd.s32 $0xFFFFFFFF  }
0xb7: {  	_ =	strace $0x9000004B  }
0xb8: {  	_ =	sfence  }
0xb9: {  	s30 =	sld [smem:$0x0];
	_ =	sdelay $0x2  }
0xba: {  	s31 =	sshll.u32 s1, $0xD;
	s1 =	sshrl.u32 s1, $0x2  }
0xbb: {  	s3 =	sand.u32 $0x4000, s31;
	s1 =	sadd.s32 s1, s30  }
0xbc: {  	s0 =	sor.u32 s3, s0;
	s1 =	sshll.u32 s1, $0x11  }
0xbd: {  	s0 =	sor.u32 s1, s0  }
0xbe: {  	s0 =	sadd.s32 $0x8F2B, s0  }
0xbf: {  	[sflag:s0] =	ssyncadd.remote.s32 $0x1  }
0xc0: {  	_ =	sfence.sel $0xFFFF  }
0xc1: {  	[dreg:$0x0] =	wrdreg $0xFFFFFFFF;
	(pc) =	sbr.abs _section_cstart, $3  }
0xc2: {  	[dreg:$0x1] =	wrdreg $0xFFFFFFFF  }
0xc3: {  	_ =	task.clear_ibuf [dreg:s8], $0x2FFFF;
	_ =	strace $0x9FFFFFFF  }
0xc4: {  	(tm) =	ssettm $0x7FFFFFFF  }
0xc5: {  	_ =	shalt  }
tec
execute0_lowered:
.L_overlay_start_1:
0x0: {  	(tag) =	ssettag $0x1  }
0x1: {  	s0 =	rddreg [dreg:$0x0]  }
0x2: {  	s2 =	rddreg [dreg:$0x1]  }
0x3: {  	s1 =	rddreg [dreg:$0x2];
	s3 =	simm.s32 $0x0  }
0x4: {  	s4 =	srdreg.scid;
	s5 =	stileid.u32;
	s12 =	simm.s32 $0x80  }
0x5: {  	s19 =	simm.s32 $0x1;
	s20 =	simm.s32 $0xA400;
	s21 =	simm.s32 $0xB400  }
0x6: {  	s22 =	simm.s32 $0xC400;
	s23 =	simm.s32 $0xD400;
	s28 =	simm.s32 $0x11700  }
0x7: {  	s29 =	simm.s32 $0x2;
	s30 =	simm.s32 $0x12800;
	s31 =	simm.s32 $0x13900  }
0x8: {  	s10 =	simm.s32 $0x4;
	s8 =	simm.s32 $0x0;
	s4 =	sand.u32 $0x1, s4  }
0x9: {  	[smem:$0x7FF] =	sst s3;
	s5 =	sshll.u32 s5, $0xB;
	s6 =	ssub.s32 $0x2, s4  }
0xa: {  	s4 =	sshll.u32 s4, $0xA;
	_ =	strace $0x8000004A;
	s7 =	sshrl.u32 s6, $0x1  }
.Ltmp0:
0xb: {  	s4 =	sor.u32 s4, s5;
	s5 =	sadd.s32 $0x3D1200, s2;
	(pc) =	sbr.rel .LBB2_1-.Ltmp0, $4  }
0xc: {  	v0 =	vlaneseq.u32;
	s2 =	simm.s32 $0x15B00;
	s24 =	ssub.s32 s6, s7;
	s25 =	sshrl.u32 s4, $0x3  }
0xd: {  	v0 =	vmul.u32 $0x88, v0;
	s7 =	sadd.s32 $0x10000, s1;
	s0 =	sadd.s32 s0, s25;
	s26 =	smax.u32 s24, $0x1  }
0xe: {  	s24 =	simm.s32 $0xE400;
	s25 =	simm.s32 $0xF500;
	[dreg:$0x4] =	wrdreg s0  }
0xf: {  	v1 =	vadd.s32 $0x880, v0;
	[dreg:$0x5] =	wrdreg s26;
	s26 =	simm.s32 $0x10600;
	s0 =	simm.s32 $0x14A00  }
.LBB2_47:
0x10: {  	s6 =	simm.s32 $0x3  }
0x11: {  	_ =	swait.ge [sflag:s6], $0x4000  }
0x12: {  	[sflag:s6] =	ssyncset.done $0x0  }
0x13: {  	[sflag:s6] =	ssyncadd.s32 $0xFFFFC000  }
0x14: {  	_ =	swait.ge [sflag:s10], $0x4000  }
0x15: {  	s8 =	rddreg [dreg:$0x6]  }
0x16: {  	s18 =	rddreg [dreg:$0x5];
	s8 =	sadd.s32 $0x1, s8  }
0x17: {  	p0 =	sne.s32 s8, s18  }
.Ltmp1:
0x18: {  	_ = 	snop;
	(pc) =	sbr.rel @!p0 .LBB2_48-.Ltmp1, $3  }
0x19: {  	_ =	sdelay $0x1  }
0x1a: {  	[sflag:s10] =	ssyncset.done $0x0  }
0x1b: {  	[sflag:s10] =	ssyncadd.s32 $0xFFFFC000  }
.LBB2_1:
0x1c: {  	[dreg:$0x6] =	wrdreg s8  }
0x1d: {  	s6 =	rddreg [dreg:$0x4]  }
0x1e: {  	s18 =	simm.s32 $0x400;
	s9 =	simm.s32 $0x8000;
	s11 =	simm.s32 $0x5  }
0x1f: {  	[tilespmem:s3], [sflag:$0x5] =	stream.strided.gather [hbm4b:s6+s18], $0x6400, s9, s18, $0x38;
	[tilespmem:$0x16C00] =	vst v63  }
0x20: {  	_ =	swait.ge [sflag:s11], $0x6400  }
0x21: {  	[sflag:s11] =	ssyncset.done $0x0  }
0x22: {  	s13 =	simm.s32 $0x6400;
	[sflag:s11] =	ssyncadd.s32 $0xFFFF9C00  }
0x23: {  	[tilespmem:s13], [sflag:$0x1] =	stream.indirect.gather [hbm4b:s5+s12], $0x20, s3, s12, $0xb8;
	[tilespmem:$0x16C00] =	vst v63  }
0x24: {  	s14 =	simm.s32 $0x7400  }
0x25: {  	[tilespmem:s14], [sflag:$0x1] =	stream.indirect.gather [hbm4b:s5+s12], $0x20, s12, s12, $0xb8;
	[tilespmem:$0x16C00] =	vst v63  }
0x26: {  	s15 =	simm.s32 $0x100;
	s16 =	simm.s32 $0x8400  }
0x27: {  	[tilespmem:s16], [sflag:$0x1] =	stream.indirect.gather [hbm4b:s5+s12], $0x20, s15, s12, $0xb8;
	[tilespmem:$0x16C00] =	vst v63  }
0x28: {  	s17 =	simm.s32 $0x180;
	s18 =	simm.s32 $0x9400;
	s14 =	simm.s32 $0x0  }
0x29: {  	[tilespmem:s18], [sflag:$0x1] =	stream.indirect.gather [hbm4b:s5+s12], $0x20, s17, s12, $0xb8;
	[tilespmem:$0x16C00] =	vst v63  }
.LBB2_2:
0x2a: {  	_ =	swait.ge [sflag:s19], $0x4000;
	s6 =	sshll.u32 s14, $0xA  }
0x2b: {  	[sflag:s19] =	ssyncset.done $0x0;
	s15 =	sand.u32 $0x3FFFFC00, s6  }
0x2c: {  	[sflag:s19] =	ssyncadd.s32 $0xFFFFC000;
	s6 =	sor.u32 $0x200, s15  }
0x2d: {  	[tilespmem:s20], [sflag:$0x2] =	stream.indirect.gather [hbm4b:s5+s12], $0x20, s6, s12, $0xb8;
	[tilespmem:$0x16C00] =	vst v63  }
0x2e: {  	s11 =	sor.u32 $0x280, s15  }
0x2f: {  	[tilespmem:s21], [sflag:$0x2] =	stream.indirect.gather [hbm4b:s5+s12], $0x20, s11, s12, $0xb8;
	[tilespmem:$0x16C00] =	vst v63  }
0x30: {  	p0 =	seq.s32 s14, $0x0;
	s13 =	sor.u32 $0x300, s15  }
0x31: {  	[tilespmem:s22], [sflag:$0x2] =	stream.indirect.gather [hbm4b:s5+s12], $0x20, s13, s12, $0xb8;
	[tilespmem:$0x16C00] =	vst v63  }
0x32: {  	s16 =	sor.u32 $0x380, s15;
	s6 =	simm.s32 @!p0 $0x3  }
0x33: {  	[tilespmem:s23], [sflag:$0x2] =	stream.indirect.gather [hbm4b:s5+s12], $0x20, s16, s12, $0xb8;
	[tilespmem:$0x16C00] =	vst v63  }
0x34: {  	_ =	swait.ge @!p0 [sflag:s6], $0x4000  }
0x35: {  	[sflag:s6] =	ssyncset.done @!p0 $0x0  }
0x36: {  	s17 =	simm.s32 $0x3;
	s11 =	simm.s32 $0x6440;
	[sflag:s6] =	ssyncadd.s32 @!p0 $0xFFFFC000  }
0x37: {  	v2 =	vmov s17;
	v3 =	vld [tilespmem:s11+$0x20]  }
0x38: {  	v4 =	vand.u32 $0x7F, v2  }
0x39: {  	v9 =	vadd.s32 v0, v4;
	_ =	sdelay $0x1  }
0x3a: {  	v6 =	vld [tilespmem:s11+$0xFFFFFFC0]  }
0x3b: {  	s18 =	simm.s32 $0x0;
	s8 =	simm.s32 $0x1;
	s9 =	simm.s32 $0x2;
	v11 =	vld [tilespmem:s11+$0xFFFFFFE0];
	v3 =	vmul.f32 $5.656854150e+00, v3  }
0x3c: {  	v5 =	vmov s8;
	v8 =	vmov s9;
	s17 =	simm.s32 $0x5;
	v2 =	vmov s18;
	s6 =	simm.s32 $0x64C0;
	v15 =	vld [tilespmem:s11+$0x0]  }
0x3d: {  	v7 =	vand.u32 $0x7D, v5;
	v8 =	vand.u32 $0x7E, v8;
	v20 =	vmov s17;
	s13 =	simm.s32 $0x4;
	v16 =	vld [tilespmem:s6+$0x20];
	[tilespmem:v9+s24+$0x0] =	vst.idx.msk $0xffff, v3  }
0x3e: {  	v5 =	vand.u32 $0x7C, v2;
	v10 =	vadd.s32 v0, v7;
	v2 =	vmov s13;
	s16 =	simm.s32 $0x7;
	v17 =	vld [tilespmem:s11+$0x30]  }
0x3f: {  	v13 =	vadd.s32 v0, v8;
	v2 =	vand.u32 $0x7C, v2;
	v3 =	vmov s16  }
0x40: {  	v12 =	vadd.s32 v0, v5;
	v27 =	vadd.s32 v0, v2;
	v19 =	vld [tilespmem:s6+$0xFFFFFFC0];
	v3 =	vand.u32 $0x7F, v3  }
0x41: {  	v29 =	vld [tilespmem:s6+$0xFFFFFFE0];
	v18 =	vmul.f32 $5.656854150e+00, v6;
	v6 =	vmul.f32 $5.656854150e+00, v11;
	v14 =	vadd.s32 v0, v3  }
0x42: {  	s18 =	simm.s32 $0x6;
	v15 =	vmul.f32 $5.656854150e+00, v15;
	v11 =	vadd.s32 v1, v4;
	v4 =	vand.u32 $0x7D, v20  }
0x43: {  	v30 =	vld [tilespmem:s6+$0x0];
	v20 =	vmul.f32 $5.656854150e+00, v16;
	[tilespmem:v10+s24+$0x0] =	vst.idx.msk $0xffff, v6;
	v6 =	vmov s18;
	v17 =	vmul.f32 $5.656854150e+00, v17  }
0x44: {  	s17 =	simm.s32 $0xB;
	v26 =	vadd.s32 v1, v7;
	v22 =	vadd.s32 v0, v4;
	[tilespmem:v13+s24+$0x0] =	vst.idx.msk $0xffff, v15;
	v6 =	vand.u32 $0x7E, v6;
	v24 =	vld [tilespmem:s11+$0xFFFFFFF0]  }
0x45: {  	v34 =	vmov s17;
	v32 =	vmul.f32 $5.656854150e+00, v19;
	s16 =	simm.s32 $0x8;
	[tilespmem:v12+s24+$0x0] =	vst.idx.msk $0xffff, v18;
	v21 =	vld [tilespmem:s11+$0x10];
	v23 =	vadd.s32 v0, v6  }
0x46: {  	s8 =	simm.s32 $0x6540;
	v31 =	vmovc v5;
	v33 =	vmul.f32 $5.656854150e+00, v29;
	v29 =	vadd.s32 v1, v8;
	v15 =	vmov s16;
	v25 =	vld [tilespmem:s11+$0xFFFFFFD0];
	[tilespmem:v14+s24+$0x0] =	vst.idx.msk $0xffff, v20  }
0x47: {  	v28 =	vld [tilespmem:s8+$0x20];
	v19 =	vmovc v4;
	s18 =	simm.s32 $0x8;
	s11 =	simm.s32 $0xC;
	v16 =	vand.u32 $0x7C, v15;
	v18 =	vmovc v6;
	v20 =	vmov v3;
	[tilespmem:v11+s24+$0x0] =	vst.idx.msk $0xffff, v17;
	v17 =	vmov v2  }
.LBB2_3:
0x48: {  	p0 =	slt.u32 s11, $0x7C;
	s9 =	sadd.s32 $0x1, s18;
	v34 =	vand.u32 $0x7F, v34;
	[tilespmem:v27+s24+$0x0] =	vst.idx.msk $0xffff, v32;
	v27 =	vmul.f32 $5.656854150e+00, v30;
	v32 =	vld [tilespmem:s6+$0x30];
	v35 =	vadd.s32 v1, v31;
	v31 =	vmovc v17  }
0x49: {  	v17 =	vmovc v16;
	v36 =	vld [tilespmem:s8+$0xFFFFFFC0];
	v30 =	vmov s9;
	s9 =	sadd.s32 $0x2, s18;
	v37 =	vadd.s32 v0, v34;
	[tilespmem:v22+s24+$0x0] =	vst.idx.msk $0xffff, v33;
	v22 =	vmul.f32 $5.656854150e+00, v24;
	s18 =	smov.u32 s11  }
0x4a: {  	v38 =	vadd.s32 v1, v20;
	v20 =	vmovc v34;
	v33 =	vld [tilespmem:s8+$0xFFFFFFE0];
	v16 =	vmov s9;
	[tilespmem:v23+s24+$0x0] =	vst.idx.msk $0xffff, v27;
	v21 =	vmul.f32 $5.656854150e+00, v21  }
.Ltmp2:
0x4b: {  	v27 =	vadd.s32 v0, v17;
	v34 =	vand.u32 $0x7D, v30;
	v30 =	vld [tilespmem:s8+$0x0];
	v25 =	vmul.f32 $5.656854150e+00, v25;
	[tilespmem:v26+s24+$0x0] =	vst.idx.msk $0xffff, v22;
	(pc) =	sbr.rel @p0 .LBB2_3-.Ltmp2, $4  }
0x4c: {  	v22 =	vadd.s32 v0, v34;
	v39 =	vand.u32 $0x7E, v16;
	v26 =	vmul.f32 $5.656854150e+00, v28;
	v24 =	vld [tilespmem:s6+$0xFFFFFFF0];
	[tilespmem:v29+s24+$0x0] =	vst.idx.msk $0xffff, v21  }
0x4d: {  	v16 =	vmov s11;
	v23 =	vadd.s32 v0, v39;
	v21 =	vld [tilespmem:s6+$0x10];
	v40 =	vmul.f32 $5.656854150e+00, v32;
	[tilespmem:v35+s24+$0x0] =	vst.idx.msk $0xffff, v25  }
0x4e: {  	s9 =	sadd.s32 $0x3, s11;
	v16 =	vand.u32 $0x7C, v16;
	v32 =	vmul.f32 $5.656854150e+00, v36;
	[tilespmem:v37+s24+$0x0] =	vst.idx.msk $0xffff, v26;
	v25 =	vld [tilespmem:s6+$0xFFFFFFD0];
	v26 =	vadd.s32 v1, v19;
	v19 =	vmovc v34;
	s6 =	smov.u32 s8;
	s8 =	sadd.s32 $0x80, s8  }
0x4f: {  	s11 =	sadd.s32 $0x4, s11;
	v29 =	vadd.s32 v1, v18;
	v18 =	vmovc v39;
	v34 =	vmov s9;
	v28 =	vld [tilespmem:s8+$0x20];
	v33 =	vmul.f32 $5.656854150e+00, v33;
	[tilespmem:v38+s24+$0x0] =	vst.idx.msk $0xffff, v40  }
0x50: {  	_ =	sdelay $0x2  }
0x51: {  	s9 =	sadd.s32 $0x1, s18;
	v34 =	vand.u32 $0x7F, v34;
	v30 =	vmul.f32 $5.656854150e+00, v30  }
0x52: {  	[tilespmem:v27+s24+$0x0] =	vst.idx.msk $0xffff, v32;
	v48 =	vadd.s32 v1, v31;
	s13 =	sadd.s32 $0x2, s18;
	v35 =	vld [tilespmem:s8+$0xFFFFFFE0];
	v49 =	vmov s9;
	v50 =	vadd.s32 v0, v34  }
0x53: {  	v52 =	vld [tilespmem:s8+$0x0];
	[tilespmem:v22+s24+$0x0] =	vst.idx.msk $0xffff, v33;
	v22 =	vmul.f32 $5.656854150e+00, v24;
	v51 =	vmov s13;
	v31 =	vand.u32 $0x7D, v49  }
0x54: {  	v36 =	vld [tilespmem:s8+$0xFFFFFFC0];
	[tilespmem:v23+s24+$0x0] =	vst.idx.msk $0xffff, v30;
	v21 =	vmul.f32 $5.656854150e+00, v21;
	v24 =	vand.u32 $0x7E, v51;
	v23 =	vadd.s32 v0, v31  }
0x55: {  	v53 =	vld [tilespmem:s6+$0x30];
	v25 =	vmul.f32 $5.656854150e+00, v25;
	[tilespmem:v26+s24+$0x0] =	vst.idx.msk $0xffff, v22;
	v22 =	vadd.s32 v0, v24  }
0x56: {  	v54 =	vadd.s32 v0, v16;
	v28 =	vmul.f32 $5.656854150e+00, v28;
	[tilespmem:v29+s24+$0x0] =	vst.idx.msk $0xffff, v21;
	v21 =	vld [tilespmem:s6+$0xFFFFFFF0]  }
0x57: {  	v20 =	vadd.s32 v1, v20;
	v55 =	vld [tilespmem:s6+$0x10];
	[tilespmem:v48+s24+$0x0] =	vst.idx.msk $0xffff, v25;
	v56 =	vmul.f32 $5.656854150e+00, v35  }
0x58: {  	v19 =	vadd.s32 v1, v19;
	v57 =	vld [tilespmem:s6+$0xFFFFFFD0];
	v58 =	vmul.f32 $5.656854150e+00, v52;
	[tilespmem:v50+s24+$0x0] =	vst.idx.msk $0xffff, v28  }
0x59: {  	v18 =	vadd.s32 v1, v18;
	v59 =	vmul.f32 $5.656854150e+00, v36;
	v60 =	vld [tilespmem:s8+$0x30];
	[tilespmem:v23+s24+$0x0] =	vst.idx.msk $0xffff, v56  }
0x5a: {  	v17 =	vadd.s32 v1, v17;
	v23 =	vmul.f32 $5.656854150e+00, v53;
	[tilespmem:v22+s24+$0x0] =	vst.idx.msk $0xffff, v58;
	v22 =	vld [tilespmem:s8+$0xFFFFFFF0]  }
0x5b: {  	v61 =	vadd.s32 v1, v34;
	[tilespmem:v54+s24+$0x0] =	vst.idx.msk $0xffff, v59;
	v21 =	vmul.f32 $5.656854150e+00, v21;
	v62 =	vld [tilespmem:s8+$0x10]  }
0x5c: {  	v63 =	vadd.s32 v1, v31;
	[tilespmem:v20+s24+$0x0] =	vst.idx.msk $0xffff, v23;
	v20 =	vmul.f32 $5.656854150e+00, v55;
	v23 =	vld [tilespmem:s8+$0xFFFFFFD0]  }
0x5d: {  	v27 =	vmul.f32 $5.656854150e+00, v57;
	[tilespmem:v19+s24+$0x0] =	vst.idx.msk $0xffff, v21;
	v19 =	vadd.s32 v1, v24  }
0x5e: {  	v16 =	vadd.s32 v1, v16;
	[tilespmem:v18+s24+$0x0] =	vst.idx.msk $0xffff, v20;
	v18 =	vmul.f32 $5.656854150e+00, v60  }
0x5f: {  	[tilespmem:v17+s24+$0x0] =	vst.idx.msk $0xffff, v27;
	v17 =	vmul.f32 $5.656854150e+00, v22  }
0x60: {  	[tilespmem:v61+s24+$0x0] =	vst.idx.msk $0xffff, v18;
	v18 =	vmul.f32 $5.656854150e+00, v62  }
0x61: {  	v20 =	vmul.f32 $5.656854150e+00, v23;
	[tilespmem:v63+s24+$0x0] =	vst.idx.msk $0xffff, v17  }
0x62: {  	[tilespmem:v19+s24+$0x0] =	vst.idx.msk $0xffff, v18  }
0x63: {  	s18 =	simm.s32 $0x7470;
	[tilespmem:v16+s24+$0x0] =	vst.idx.msk $0xffff, v20  }
0x64: {  	v16 =	vld [tilespmem:s18+$0xFFFFFFF0];
	_ =	sdelay $0x3  }
0x65: {  	v17 =	vld [tilespmem:s18+$0xFFFFFFB0]  }
0x66: {  	v18 =	vld [tilespmem:s18+$0xFFFFFFD0];
	v16 =	vmul.f32 $5.656854150e+00, v16  }
0x67: {  	s6 =	simm.s32 $0x74F0;
	v19 =	vld [tilespmem:s18+$0xFFFFFF90]  }
0x68: {  	[tilespmem:v9+s25+$0x0] =	vst.idx.msk $0xffff, v16;
	v9 =	vld [tilespmem:s6+$0xFFFFFFF0]  }
0x69: {  	v20 =	vld [tilespmem:s18+$0x0]  }
0x6a: {  	v21 =	vld [tilespmem:s6+$0xFFFFFF90];
	v16 =	vmul.f32 $5.656854150e+00, v17  }
0x6b: {  	v22 =	vld [tilespmem:s6+$0xFFFFFFB0];
	v17 =	vmul.f32 $5.656854150e+00, v18  }
0x6c: {  	v23 =	vmul.f32 $5.656854150e+00, v19;
	v19 =	vld [tilespmem:s6+$0xFFFFFFD0];
	v18 =	vadd.s32 v0, v2;
	[tilespmem:v10+s25+$0x0] =	vst.idx.msk $0xffff, v16  }
0x6d: {  	[tilespmem:v13+s25+$0x0] =	vst.idx.msk $0xffff, v17;
	v17 =	vadd.s32 v0, v4;
	v16 =	vld [tilespmem:s18+$0xFFFFFFC0];
	v13 =	vmul.f32 $5.656854150e+00, v9  }
0x6e: {  	[tilespmem:v12+s25+$0x0] =	vst.idx.msk $0xffff, v23;
	v12 =	vadd.s32 v0, v6;
	v10 =	vld [tilespmem:s18+$0xFFFFFFE0];
	v23 =	vmul.f32 $5.656854150e+00, v20  }
0x6f: {  	v7 =	vadd.s32 v1, v7;
	s8 =	simm.s32 $0x7570;
	v9 =	vand.u32 $0x7C, v15;
	v15 =	vmul.f32 $5.656854150e+00, v21;
	[tilespmem:v14+s25+$0x0] =	vst.idx.msk $0xffff, v13;
	v13 =	vld [tilespmem:s18+$0xFFFFFFA0]  }
0x70: {  	s11 =	simm.s32 $0xC;
	v8 =	vadd.s32 v1, v8;
	v21 =	vmov s17;
	v20 =	vmul.f32 $5.656854150e+00, v22;
	v14 =	vld [tilespmem:s8+$0xFFFFFFF0];
	[tilespmem:v11+s25+$0x0] =	vst.idx.msk $0xffff, v23  }
.LBB2_5:
0x71: {  	p0 =	slt.u32 s11, $0x7C;
	s9 =	sadd.s32 $0x1, s16;
	v11 =	vand.u32 $0x7F, v21;
	[tilespmem:v18+s25+$0x0] =	vst.idx.msk $0xffff, v15;
	v15 =	vmul.f32 $5.656854150e+00, v19;
	v21 =	vld [tilespmem:s6+$0x0];
	v22 =	vadd.s32 v1, v5;
	v5 =	vmovc v2  }
0x72: {  	v2 =	vmovc v9;
	v23 =	vld [tilespmem:s8+$0xFFFFFF90];
	v19 =	vmov s9;
	s9 =	sadd.s32 $0x2, s16;
	v24 =	vadd.s32 v0, v11;
	[tilespmem:v17+s25+$0x0] =	vst.idx.msk $0xffff, v20;
	v16 =	vmul.f32 $5.656854150e+00, v16;
	s16 =	smov.u32 s11  }
0x73: {  	v25 =	vadd.s32 v1, v3;
	v3 =	vmovc v11;
	v20 =	vld [tilespmem:s8+$0xFFFFFFB0];
	v9 =	vmov s9;
	[tilespmem:v12+s25+$0x0] =	vst.idx.msk $0xffff, v15;
	v10 =	vmul.f32 $5.656854150e+00, v10  }
.Ltmp3:
0x74: {  	v18 =	vadd.s32 v0, v2;
	v11 =	vand.u32 $0x7D, v19;
	v19 =	vld [tilespmem:s8+$0xFFFFFFD0];
	v13 =	vmul.f32 $5.656854150e+00, v13;
	[tilespmem:v7+s25+$0x0] =	vst.idx.msk $0xffff, v16;
	(pc) =	sbr.rel @p0 .LBB2_5-.Ltmp3, $4  }
0x75: {  	v17 =	vadd.s32 v0, v11;
	v26 =	vand.u32 $0x7E, v9;
	v7 =	vmul.f32 $5.656854150e+00, v14;
	v16 =	vld [tilespmem:s6+$0xFFFFFFC0];
	[tilespmem:v8+s25+$0x0] =	vst.idx.msk $0xffff, v10  }
0x76: {  	v8 =	vmov s11;
	v12 =	vadd.s32 v0, v26;
	v10 =	vld [tilespmem:s6+$0xFFFFFFE0];
	v27 =	vmul.f32 $5.656854150e+00, v21;
	[tilespmem:v22+s25+$0x0] =	vst.idx.msk $0xffff, v13  }
0x77: {  	s9 =	sadd.s32 $0x3, s11;
	v9 =	vand.u32 $0x7C, v8;
	v15 =	vmul.f32 $5.656854150e+00, v23;
	[tilespmem:v24+s25+$0x0] =	vst.idx.msk $0xffff, v7;
	v13 =	vld [tilespmem:s6+$0xFFFFFFA0];
	v7 =	vadd.s32 v1, v4;
	v4 =	vmovc v11;
	s6 =	smov.u32 s8;
	s8 =	sadd.s32 $0x80, s8  }
0x78: {  	s11 =	sadd.s32 $0x4, s11;
	v21 =	vmov s9;
	v8 =	vadd.s32 v1, v6;
	v6 =	vmovc v26;
	v14 =	vld [tilespmem:s8+$0xFFFFFFF0];
	v20 =	vmul.f32 $5.656854150e+00, v20;
	[tilespmem:v25+s25+$0x0] =	vst.idx.msk $0xffff, v27  }
0x79: {  	_ =	sdelay $0x2  }
0x7a: {  	s9 =	sadd.s32 $0x1, s16;
	v11 =	vand.u32 $0x7F, v21;
	v19 =	vmul.f32 $5.656854150e+00, v19  }
0x7b: {  	[tilespmem:v18+s25+$0x0] =	vst.idx.msk $0xffff, v15;
	v5 =	vadd.s32 v1, v5;
	s17 =	sadd.s32 $0x2, s16;
	v50 =	vld [tilespmem:s8+$0xFFFFFFB0];
	v48 =	vmov s9;
	v49 =	vadd.s32 v0, v11  }
0x7c: {  	v52 =	vld [tilespmem:s8+$0xFFFFFFD0];
	[tilespmem:v17+s25+$0x0] =	vst.idx.msk $0xffff, v20;
	v16 =	vmul.f32 $5.656854150e+00, v16;
	v51 =	vmov s17;
	v15 =	vand.u32 $0x7D, v48  }
0x7d: {  	v22 =	vld [tilespmem:s8+$0xFFFFFF90];
	[tilespmem:v12+s25+$0x0] =	vst.idx.msk $0xffff, v19;
	v10 =	vmul.f32 $5.656854150e+00, v10;
	v17 =	vand.u32 $0x7E, v51;
	v53 =	vadd.s32 v0, v15  }
0x7e: {  	v54 =	vld [tilespmem:s6+$0x0];
	v13 =	vmul.f32 $5.656854150e+00, v13;
	[tilespmem:v7+s25+$0x0] =	vst.idx.msk $0xffff, v16;
	v7 =	vadd.s32 v0, v17  }
0x7f: {  	v55 =	vadd.s32 v0, v9;
	v56 =	vld [tilespmem:s6+$0xFFFFFFC0];
	v14 =	vmul.f32 $5.656854150e+00, v14;
	[tilespmem:v8+s25+$0x0] =	vst.idx.msk $0xffff, v10  }
0x80: {  	v3 =	vadd.s32 v1, v3;
	v57 =	vld [tilespmem:s6+$0xFFFFFFE0];
	[tilespmem:v5+s25+$0x0] =	vst.idx.msk $0xffff, v13;
	v5 =	vmul.f32 $5.656854150e+00, v50  }
0x81: {  	v4 =	vadd.s32 v1, v4;
	v58 =	vld [tilespmem:s6+$0xFFFFFFA0];
	v59 =	vmul.f32 $5.656854150e+00, v52;
	[tilespmem:v49+s25+$0x0] =	vst.idx.msk $0xffff, v14  }
0x82: {  	v6 =	vadd.s32 v1, v6;
	v60 =	vmul.f32 $5.656854150e+00, v22;
	v61 =	vld [tilespmem:s8+$0x0];
	[tilespmem:v53+s25+$0x0] =	vst.idx.msk $0xffff, v5  }
0x83: {  	v2 =	vadd.s32 v1, v2;
	v5 =	vmul.f32 $5.656854150e+00, v54;
	[tilespmem:v7+s25+$0x0] =	vst.idx.msk $0xffff, v59;
	v7 =	vld [tilespmem:s8+$0xFFFFFFC0]  }
0x84: {  	v11 =	vadd.s32 v1, v11;
	[tilespmem:v55+s25+$0x0] =	vst.idx.msk $0xffff, v60;
	v8 =	vmul.f32 $5.656854150e+00, v56;
	v62 =	vld [tilespmem:s8+$0xFFFFFFE0]  }
0x85: {  	v63 =	vadd.s32 v1, v15;
	[tilespmem:v3+s25+$0x0] =	vst.idx.msk $0xffff, v5;
	v3 =	vmul.f32 $5.656854150e+00, v57;
	v5 =	vld [tilespmem:s8+$0xFFFFFFA0]  }
0x86: {  	v13 =	vmul.f32 $5.656854150e+00, v58;
	[tilespmem:v4+s25+$0x0] =	vst.idx.msk $0xffff, v8;
	v4 =	vadd.s32 v1, v17  }
0x87: {  	[tilespmem:v6+s25+$0x0] =	vst.idx.msk $0xffff, v3;
	v3 =	vmul.f32 $5.656854150e+00, v61;
	v6 =	vadd.s32 v1, v9  }
0x88: {  	p1 =	por $0x1, $0x1;
	[tilespmem:v2+s25+$0x0] =	vst.idx.msk $0xffff, v13;
	v2 =	vmul.f32 $5.656854150e+00, v7  }
.Ltmp4:
0x89: {  	[tilespmem:v11+s25+$0x0] =	vst.idx.msk $0xffff, v3;
	v3 =	vmul.f32 $5.656854150e+00, v62;
	(pc) =	sbr.rel @!p1 .LBB2_7-.Ltmp4, $4  }
0x8a: {  	v5 =	vmul.f32 $5.656854150e+00, v5;
	[tilespmem:v63+s25+$0x0] =	vst.idx.msk $0xffff, v2  }
0x8b: {  	s16 =	simm.s32 $0x0;
	[tilespmem:v4+s25+$0x0] =	vst.idx.msk $0xffff, v3  }
0x8c: {  	s11 =	simm.s32 $0x8470;
	s18 =	simm.s32 $0x3;
	v2 =	vmov s16;
	[tilespmem:v6+s25+$0x0] =	vst.idx.msk $0xffff, v5  }
0x8d: {  	p2 =	por $0x0, $0x0;
	p0 =	por $0x0, $0x0;
	s17 =	simm.s32 $0x4;
	v3 =	vmov s18;
	v2 =	vand.u32 $0x7C, v2;
	v5 =	vld [tilespmem:s11+$0xFFFFFFF0]  }
0x8e: {  	v22 =	vand.u32 $0x7F, v3;
	v10 =	vld [tilespmem:s11+$0xFFFFFF90]  }
0x8f: {  	s6 =	simm.s32 $0x1;
	v12 =	vld [tilespmem:s11+$0xFFFFFFB0];
	p3 =	por $0x1, $0x1;
	v11 =	vadd.s32 v0, v22  }
.Ltmp5:
0x90: {  	s13 =	simm.s32 $0x2;
	v6 =	vadd.s32 v0, v2;
	s18 =	simm.s32 $0x7;
	(pc) =	sbr.rel @!p3 .LBB2_9-.Ltmp5, $4  }
0x91: {  	v4 =	vmov s6;
	v7 =	vmov s13;
	v24 =	vmov s18  }
0x92: {  	v16 =	vand.u32 $0x7D, v4;
	v14 =	vand.u32 $0x7E, v7;
	v5 =	vmul.f32 $5.656854150e+00, v5  }
0x93: {  	v9 =	vld [tilespmem:s11+$0xFFFFFFD0];
	s8 =	simm.s32 $0x84F0;
	v4 =	vmov s17;
	v8 =	vadd.s32 v0, v16;
	v7 =	vadd.s32 v0, v14  }
0x94: {  	p2 =	por $0x1, $0x1;
	s6 =	simm.s32 $0x8;
	v4 =	vand.u32 $0x7C, v4;
	v19 =	vmul.f32 $5.656854150e+00, v10;
	v23 =	vmul.f32 $5.656854150e+00, v12;
	[tilespmem:v11+s26+$0x0] =	vst.idx.msk $0xffff, v5;
	v5 =	vld [tilespmem:s8+$0xFFFFFFF0]  }
0x95: {  	v13 =	vld [tilespmem:s11+$0x0];
	_ =	sdelay $0x1  }
0x96: {  	v11 =	vand.u32 $0x7F, v24  }
0x97: {  	s9 =	simm.s32 $0x5;
	v15 =	vld [tilespmem:s8+$0xFFFFFF90];
	s18 =	simm.s32 $0x6;
	v25 =	vadd.s32 v1, v22;
	v17 =	vadd.s32 v0, v11  }
0x98: {  	v21 =	vld [tilespmem:s8+$0xFFFFFFB0];
	p4 =	por $0x1, $0x1;
	[tilespmem:v6+s26+$0x0] =	vst.idx.msk $0xffff, v19;
	v12 =	vmov s18;
	v10 =	vmul.f32 $5.656854150e+00, v9;
	v9 =	vmov s9  }
.Ltmp6:
0x99: {  	[tilespmem:v8+s26+$0x0] =	vst.idx.msk $0xffff, v23;
	v6 =	vadd.s32 v0, v4;
	v18 =	vand.u32 $0x7D, v9;
	v9 =	vld [tilespmem:s8+$0xFFFFFFD0];
	v13 =	vmul.f32 $5.656854150e+00, v13;
	(pc) =	sbr.rel @!p4 .LBB2_11-.Ltmp6, $4  }
0x9a: {  	v20 =	vand.u32 $0x7E, v12;
	v12 =	vld [tilespmem:s11+$0xFFFFFFC0];
	v5 =	vmul.f32 $5.656854150e+00, v5;
	[tilespmem:v7+s26+$0x0] =	vst.idx.msk $0xffff, v10;
	v8 =	vadd.s32 v0, v18  }
0x9b: {  	v19 =	vmov s6;
	v7 =	vadd.s32 v0, v20;
	v10 =	vld [tilespmem:s11+$0xFFFFFFE0]  }
0x9c: {  	s13 =	simm.s32 $0xB;
	s18 =	simm.s32 $0x8570;
	v22 =	vand.u32 $0x7C, v19;
	v19 =	vmul.f32 $5.656854150e+00, v15;
	v15 =	vld [tilespmem:s11+$0xFFFFFFA0];
	[tilespmem:v17+s26+$0x0] =	vst.idx.msk $0xffff, v5;
	v17 =	vadd.s32 v1, v16  }
0x9d: {  	p3 =	por $0x1, $0x1;
	v24 =	vmov s13;
	v23 =	vmul.f32 $5.656854150e+00, v21;
	v21 =	vadd.s32 v1, v14;
	v5 =	vld [tilespmem:s18+$0xFFFFFFF0];
	s11 =	simm.s32 $0xC;
	[tilespmem:v25+s26+$0x0] =	vst.idx.msk $0xffff, v13;
	v13 =	vmovc v2  }
.LBB2_12:
0x9e: {  	p4 =	slt.u32 s11, $0x7C;
	s9 =	sadd.s32 $0x1, s6;
	v14 =	vand.u32 $0x7F, v24;
	[tilespmem:v6+s26+$0x0] =	vst.idx.msk $0xffff, v19;
	v6 =	vmul.f32 $5.656854150e+00, v9;
	v16 =	vld [tilespmem:s8+$0x0];
	v19 =	vadd.s32 v1, v13;
	v13 =	vmovc v4  }
0x9f: {  	v4 =	vmovc v22;
	v24 =	vld [tilespmem:s18+$0xFFFFFF90];
	v9 =	vmov s9;
	s9 =	sadd.s32 $0x2, s6;
	v25 =	vadd.s32 v0, v14;
	[tilespmem:v8+s26+$0x0] =	vst.idx.msk $0xffff, v23;
	v8 =	vmul.f32 $5.656854150e+00, v12;
	s6 =	smov.u32 s11  }
0xa0: {  	v26 =	vadd.s32 v1, v11;
	v11 =	vmovc v14;
	v23 =	vld [tilespmem:s18+$0xFFFFFFB0];
	v12 =	vmov s9;
	[tilespmem:v7+s26+$0x0] =	vst.idx.msk $0xffff, v6;
	v7 =	vmul.f32 $5.656854150e+00, v10  }
.Ltmp7:
0xa1: {  	v6 =	vadd.s32 v0, v4;
	v14 =	vand.u32 $0x7D, v9;
	v9 =	vld [tilespmem:s18+$0xFFFFFFD0];
	v15 =	vmul.f32 $5.656854150e+00, v15;
	[tilespmem:v17+s26+$0x0] =	vst.idx.msk $0xffff, v8;
	(pc) =	sbr.rel @p4 .LBB2_12-.Ltmp7, $4  }
0xa2: {  	v8 =	vadd.s32 v0, v14;
	v27 =	vand.u32 $0x7E, v12;
	v5 =	vmul.f32 $5.656854150e+00, v5;
	v12 =	vld [tilespmem:s8+$0xFFFFFFC0];
	[tilespmem:v21+s26+$0x0] =	vst.idx.msk $0xffff, v7  }
0xa3: {  	v17 =	vmov s11;
	v7 =	vadd.s32 v0, v27;
	v10 =	vld [tilespmem:s8+$0xFFFFFFE0];
	v16 =	vmul.f32 $5.656854150e+00, v16;
	[tilespmem:v19+s26+$0x0] =	vst.idx.msk $0xffff, v15  }
0xa4: {  	s9 =	sadd.s32 $0x3, s11;
	v22 =	vand.u32 $0x7C, v17;
	v17 =	vadd.s32 v1, v18;
	v18 =	vmovc v14;
	v19 =	vmul.f32 $5.656854150e+00, v24;
	[tilespmem:v25+s26+$0x0] =	vst.idx.msk $0xffff, v5;
	v15 =	vld [tilespmem:s8+$0xFFFFFFA0];
	s8 =	smov.u32 s18;
	s18 =	sadd.s32 $0x80, s18  }
0xa5: {  	s11 =	sadd.s32 $0x4, s11;
	v21 =	vadd.s32 v1, v20;
	v20 =	vmovc v27;
	v24 =	vmov s9;
	v5 =	vld [tilespmem:s18+$0xFFFFFFF0];
	v23 =	vmul.f32 $5.656854150e+00, v23;
	[tilespmem:v26+s26+$0x0] =	vst.idx.msk $0xffff, v16  }
0xa6: {  	s11 =	smov.u32 s8;
	v25 =	vmovc v4;
	s8 =	smov.u32 s18;
	v4 =	vmovc v22;
	v22 =	vmov v11;
	v16 =	vmov v18;
	v14 =	vmov v20  }
.LBB2_14:
0xa7: {  	_ =	sdelay $0x3  }
0xa8: {  	s9 =	sadd.s32 $0x1, s6;
	v11 =	vand.u32 $0x7F, v24;
	v9 =	vmul.f32 @p2 $5.656854150e+00, v9;
	v18 =	vld @p2 [tilespmem:s11+$0x0];
	[tilespmem:v6+s26+$0x0] =	vst.idx.msk @p2 $0xffff, v19  }
0xa9: {  	v6 =	vadd.s32 @p3 v1, v13;
	s18 =	sadd.s32 $0x2, s6;
	v20 =	vld [tilespmem:s8+$0xFFFFFFB0];
	[tilespmem:v8+s26+$0x0] =	vst.idx.msk @p2 $0xffff, v23;
	v8 =	vmul.f32 @p3 $5.656854150e+00, v12;
	v49 =	vmov s9  }
0xaa: {  	v52 =	vld [tilespmem:s8+$0xFFFFFFD0];
	v50 =	vadd.s32 v0, v11;
	v51 =	vmov s18;
	v13 =	vand.u32 $0x7D, v49  }
0xab: {  	[tilespmem:v7+s26+$0x0] =	vst.idx.msk @p2 $0xffff, v9;
	v7 =	vld [tilespmem:s8+$0xFFFFFF90];
	v9 =	vmul.f32 @p3 $5.656854150e+00, v10;
	v12 =	vand.u32 $0x7E, v51;
	v53 =	vadd.s32 v0, v13  }
0xac: {  	v15 =	vmul.f32 @p3 $5.656854150e+00, v15;
	[tilespmem:v17+s26+$0x0] =	vst.idx.msk @p3 $0xffff, v8;
	v8 =	vld @p2 [tilespmem:s11+$0xFFFFFFC0];
	v54 =	vadd.s32 v0, v12  }
0xad: {  	v24 =	vmov @p2 v25;
	v55 =	vadd.s32 v0, v4;
	v5 =	vmul.f32 $5.656854150e+00, v5;
	[tilespmem:v21+s26+$0x0] =	vst.idx.msk @p3 $0xffff, v9;
	v21 =	vld @p2 [tilespmem:s11+$0xFFFFFFE0]  }
0xae: {  	v22 =	vadd.s32 @p2 v1, v22;
	[tilespmem:v6+s26+$0x0] =	vst.idx.msk @p3 $0xffff, v15;
	v6 =	vld @p2 [tilespmem:s11+$0xFFFFFFA0];
	v15 =	vadd.s32 @p2 v1, v16;
	v56 =	vmul.f32 $5.656854150e+00, v20  }
0xaf: {  	v57 =	vmul.f32 $5.656854150e+00, v52;
	[tilespmem:v50+s26+$0x0] =	vst.idx.msk $0xffff, v5;
	v5 =	vadd.s32 @p2 v1, v14;
	v14 =	vpsel p2, v15, v0  }
0xb0: {  	v19 =	vpsel p2, v24, v0;
	v7 =	vmul.f32 $5.656854150e+00, v7;
	v5 =	vpsel p2, v5, v0;
	v58 =	vld [tilespmem:s8+$0x0];
	[tilespmem:v53+s26+$0x0] =	vst.idx.msk $0xffff, v56  }
0xb1: {  	v10 =	vmul.f32 @p2 $5.656854150e+00, v18;
	v16 =	vadd.s32 @p2 v1, v19;
	v8 =	vpsel p2, v8, v0;
	[tilespmem:v54+s26+$0x0] =	vst.idx.msk $0xffff, v57;
	v59 =	vld [tilespmem:s8+$0xFFFFFFC0]  }
0xb2: {  	v60 =	vadd.s32 v1, v11;
	v17 =	vpsel p2, v21, v0;
	[tilespmem:v55+s26+$0x0] =	vst.idx.msk $0xffff, v7;
	v7 =	vmul.f32 @p2 $5.656854150e+00, v8;
	v61 =	vld [tilespmem:s8+$0xFFFFFFE0]  }
0xb3: {  	v13 =	vadd.s32 v1, v13;
	[tilespmem:v22+s26+$0x0] =	vst.idx.msk @p2 $0xffff, v10;
	v6 =	vpsel p2, v6, v0;
	v10 =	vmul.f32 @p2 $5.656854150e+00, v17;
	v62 =	vld [tilespmem:s8+$0xFFFFFFA0]  }
0xb4: {  	v6 =	vmul.f32 @p2 $5.656854150e+00, v6;
	[tilespmem:v14+s26+$0x0] =	vst.idx.msk @p2 $0xffff, v7;
	v7 =	vadd.s32 v1, v12  }
0xb5: {  	v4 =	vadd.s32 v1, v4;
	[tilespmem:v5+s26+$0x0] =	vst.idx.msk @p2 $0xffff, v10;
	v5 =	vmul.f32 $5.656854150e+00, v58  }
0xb6: {  	[tilespmem:v16+s26+$0x0] =	vst.idx.msk @p2 $0xffff, v6;
	v6 =	vmul.f32 $5.656854150e+00, v59  }
.Ltmp8:
0xb7: {  	[tilespmem:v60+s26+$0x0] =	vst.idx.msk $0xffff, v5;
	v5 =	vmul.f32 $5.656854150e+00, v61;
	(pc) =	sbr.rel @!p1 .LBB2_15-.Ltmp8, $4  }
0xb8: {  	v63 =	vmul.f32 $5.656854150e+00, v62;
	[tilespmem:v13+s26+$0x0] =	vst.idx.msk $0xffff, v6  }
0xb9: {  	[tilespmem:v7+s26+$0x0] =	vst.idx.msk $0xffff, v5  }
0xba: {  	s6 =	simm.s32 $0x9470;
	[tilespmem:v4+s26+$0x0] =	vst.idx.msk $0xffff, v63  }
0xbb: {  	v4 =	vld [tilespmem:s6+$0xFFFFFFF0]  }
0xbc: {  	v20 =	vand.u32 $0x7F, v3;
	v3 =	vld [tilespmem:s6+$0xFFFFFF90]  }
0xbd: {  	v11 =	vld [tilespmem:s6+$0xFFFFFFB0];
	p2 =	por $0x1, $0x1;
	v10 =	vadd.s32 v0, v20  }
.Ltmp9:
0xbe: {  	s8 =	simm.s32 $0x1;
	s16 =	simm.s32 $0x2;
	v6 =	vadd.s32 v0, v2;
	(pc) =	sbr.rel @!p2 .LBB2_17-.Ltmp9, $4  }
0xbf: {  	v9 =	vmov s17;
	v5 =	vmov s8;
	v7 =	vmov s16  }
0xc0: {  	v14 =	vand.u32 $0x7D, v5;
	v13 =	vand.u32 $0x7E, v7;
	v4 =	vmul.f32 $5.656854150e+00, v4  }
0xc1: {  	v8 =	vld [tilespmem:s6+$0xFFFFFFD0];
	s18 =	simm.s32 $0x7;
	s17 =	simm.s32 $0x94F0;
	v9 =	vand.u32 $0x7C, v9;
	v7 =	vadd.s32 v0, v14;
	v5 =	vadd.s32 v0, v13  }
0xc2: {  	p1 =	por $0x1, $0x1;
	s16 =	simm.s32 $0x8;
	v16 =	vmul.f32 $5.656854150e+00, v3;
	v3 =	vmov s18;
	v22 =	vmul.f32 $5.656854150e+00, v11;
	[tilespmem:v10+s28+$0x0] =	vst.idx.msk $0xffff, v4;
	v4 =	vld [tilespmem:s17+$0xFFFFFFF0]  }
0xc3: {  	_ =	sdelay $0x1  }
0xc4: {  	v10 =	vand.u32 $0x7F, v3;
	v3 =	vld [tilespmem:s6+$0x0]  }
0xc5: {  	s8 =	simm.s32 $0x5;
	v15 =	vld [tilespmem:s17+$0xFFFFFF90];
	v18 =	vadd.s32 v0, v10  }
0xc6: {  	s18 =	simm.s32 $0x6;
	v21 =	vld [tilespmem:s17+$0xFFFFFFB0];
	v23 =	vadd.s32 v1, v20;
	p2 =	por $0x1, $0x1;
	[tilespmem:v6+s28+$0x0] =	vst.idx.msk $0xffff, v16;
	v11 =	vmul.f32 $5.656854150e+00, v8;
	v8 =	vmov s8  }
.Ltmp10:
0xc7: {  	[tilespmem:v7+s28+$0x0] =	vst.idx.msk $0xffff, v22;
	v12 =	vmov s18;
	v6 =	vadd.s32 v0, v9;
	v17 =	vand.u32 $0x7D, v8;
	v8 =	vld [tilespmem:s17+$0xFFFFFFD0];
	(pc) =	sbr.rel @!p2 .LBB2_19-.Ltmp10, $4  }
0xc8: {  	v19 =	vand.u32 $0x7E, v12;
	v12 =	vld [tilespmem:s6+$0xFFFFFFC0];
	v4 =	vmul.f32 $5.656854150e+00, v4;
	[tilespmem:v5+s28+$0x0] =	vst.idx.msk $0xffff, v11;
	v7 =	vadd.s32 v0, v17  }
0xc9: {  	v16 =	vmov s16;
	v5 =	vadd.s32 v0, v19;
	v24 =	vmul.f32 $5.656854150e+00, v3;
	v11 =	vld [tilespmem:s6+$0xFFFFFFE0]  }
0xca: {  	s9 =	simm.s32 $0xB;
	v20 =	vand.u32 $0x7C, v16;
	s8 =	simm.s32 $0x9570;
	v16 =	vmul.f32 $5.656854150e+00, v15;
	v15 =	vld [tilespmem:s6+$0xFFFFFFA0];
	[tilespmem:v18+s28+$0x0] =	vst.idx.msk $0xffff, v4;
	v18 =	vadd.s32 v1, v14  }
0xcb: {  	p0 =	por $0x1, $0x1;
	v3 =	vmov s9;
	v22 =	vmul.f32 $5.656854150e+00, v21;
	v21 =	vadd.s32 v1, v13;
	v4 =	vld [tilespmem:s8+$0xFFFFFFF0];
	s6 =	simm.s32 $0xC;
	[tilespmem:v23+s28+$0x0] =	vst.idx.msk $0xffff, v24  }
.LBB2_20:
0xcc: {  	p2 =	slt.u32 s6, $0x7C;
	s9 =	sadd.s32 $0x1, s16;
	v3 =	vand.u32 $0x7F, v3;
	[tilespmem:v6+s28+$0x0] =	vst.idx.msk $0xffff, v16;
	v6 =	vmul.f32 $5.656854150e+00, v8;
	v13 =	vld [tilespmem:s17+$0x0];
	v14 =	vadd.s32 v1, v2;
	v2 =	vmovc v9  }
0xcd: {  	v9 =	vmovc v20;
	v16 =	vld [tilespmem:s8+$0xFFFFFF90];
	v8 =	vmov s9;
	s9 =	sadd.s32 $0x2, s16;
	v23 =	vadd.s32 v0, v3;
	[tilespmem:v7+s28+$0x0] =	vst.idx.msk $0xffff, v22;
	v7 =	vmul.f32 $5.656854150e+00, v12;
	s16 =	smov.u32 s6  }
0xce: {  	v24 =	vadd.s32 v1, v10;
	v10 =	vmovc v3;
	v22 =	vld [tilespmem:s8+$0xFFFFFFB0];
	v12 =	vmov s9;
	[tilespmem:v5+s28+$0x0] =	vst.idx.msk $0xffff, v6;
	v5 =	vmul.f32 $5.656854150e+00, v11  }
.Ltmp11:
0xcf: {  	v6 =	vadd.s32 v0, v9;
	v3 =	vand.u32 $0x7D, v8;
	v8 =	vld [tilespmem:s8+$0xFFFFFFD0];
	v15 =	vmul.f32 $5.656854150e+00, v15;
	[tilespmem:v18+s28+$0x0] =	vst.idx.msk $0xffff, v7;
	(pc) =	sbr.rel @p2 .LBB2_20-.Ltmp11, $4  }
0xd0: {  	v7 =	vadd.s32 v0, v3;
	v25 =	vand.u32 $0x7E, v12;
	v4 =	vmul.f32 $5.656854150e+00, v4;
	v12 =	vld [tilespmem:s17+$0xFFFFFFC0];
	[tilespmem:v21+s28+$0x0] =	vst.idx.msk $0xffff, v5  }
0xd1: {  	v18 =	vmov s6;
	v5 =	vadd.s32 v0, v25;
	v11 =	vld [tilespmem:s17+$0xFFFFFFE0];
	v13 =	vmul.f32 $5.656854150e+00, v13;
	[tilespmem:v14+s28+$0x0] =	vst.idx.msk $0xffff, v15  }
0xd2: {  	s9 =	sadd.s32 $0x3, s6;
	v20 =	vand.u32 $0x7C, v18;
	v18 =	vadd.s32 v1, v17;
	v17 =	vmovc v3;
	v16 =	vmul.f32 $5.656854150e+00, v16;
	[tilespmem:v23+s28+$0x0] =	vst.idx.msk $0xffff, v4;
	v15 =	vld [tilespmem:s17+$0xFFFFFFA0];
	s17 =	smov.u32 s8;
	s8 =	sadd.s32 $0x80, s8  }
0xd3: {  	s6 =	sadd.s32 $0x4, s6;
	v3 =	vmov s9;
	v21 =	vadd.s32 v1, v19;
	v19 =	vmovc v25;
	v4 =	vld [tilespmem:s8+$0xFFFFFFF0];
	v22 =	vmul.f32 $5.656854150e+00, v22;
	[tilespmem:v24+s28+$0x0] =	vst.idx.msk $0xffff, v13  }
0xd4: {  	v24 =	vmov v2  }
0xd5: {  	v23 =	vmovc v9;
	s6 =	smov.u32 s8;
	v2 =	vmovc v20;
	v20 =	vmov v10;
	v14 =	vmov v17;
	v13 =	vmov v19  }
.LBB2_22:
0xd6: {  	_ =	sdelay $0x3  }
0xd7: {  	v3 =	vand.u32 $0x7F, v3;
	v9 =	vld @p1 [tilespmem:s17+$0x0];
	[tilespmem:v6+s28+$0x0] =	vst.idx.msk @p1 $0xffff, v16  }
0xd8: {  	s8 =	sadd.s32 $0x1, s16;
	v8 =	vmul.f32 @p1 $5.656854150e+00, v8;
	v6 =	vadd.s32 @p0 v1, v24;
	[tilespmem:v7+s28+$0x0] =	vst.idx.msk @p1 $0xffff, v22;
	v7 =	vmul.f32 @p0 $5.656854150e+00, v12;
	v50 =	vld [tilespmem:s6+$0xFFFFFF90]  }
0xd9: {  	s18 =	sadd.s32 $0x2, s16;
	v17 =	vld [tilespmem:s6+$0xFFFFFFB0];
	v53 =	vadd.s32 v0, v2;
	v10 =	vmov s8;
	v48 =	vadd.s32 v0, v3  }
0xda: {  	v19 =	vld [tilespmem:s6+$0xFFFFFFD0];
	v49 =	vmov s18;
	v10 =	vand.u32 $0x7D, v10;
	[tilespmem:v5+s28+$0x0] =	vst.idx.msk @p1 $0xffff, v8;
	v8 =	vmul.f32 @p0 $5.656854150e+00, v11  }
0xdb: {  	v15 =	vmul.f32 @p0 $5.656854150e+00, v15;
	v12 =	vand.u32 $0x7E, v49;
	[tilespmem:v18+s28+$0x0] =	vst.idx.msk @p0 $0xffff, v7;
	v7 =	vld @p1 [tilespmem:s17+$0xFFFFFFC0];
	v51 =	vadd.s32 v0, v10  }
0xdc: {  	v22 =	vmov @p1 v23;
	v4 =	vmul.f32 $5.656854150e+00, v4;
	v52 =	vadd.s32 v0, v12;
	[tilespmem:v21+s28+$0x0] =	vst.idx.msk @p0 $0xffff, v8;
	v21 =	vld @p1 [tilespmem:s17+$0xFFFFFFE0]  }
0xdd: {  	v20 =	vadd.s32 @p1 v1, v20;
	v14 =	vadd.s32 @p1 v1, v14;
	[tilespmem:v6+s28+$0x0] =	vst.idx.msk @p0 $0xffff, v15;
	v6 =	vld @p1 [tilespmem:s17+$0xFFFFFFA0];
	v5 =	vmul.f32 $5.656854150e+00, v50  }
0xde: {  	v54 =	vmul.f32 $5.656854150e+00, v17;
	[tilespmem:v48+s28+$0x0] =	vst.idx.msk $0xffff, v4;
	v4 =	vadd.s32 @p1 v1, v13;
	v13 =	vpsel p1, v14, v0  }
0xdf: {  	v16 =	vpsel p1, v22, v0;
	v55 =	vmul.f32 $5.656854150e+00, v19;
	v4 =	vpsel p1, v4, v0;
	v56 =	vld [tilespmem:s6+$0x0];
	[tilespmem:v53+s28+$0x0] =	vst.idx.msk $0xffff, v5  }
0xe0: {  	v11 =	vadd.s32 @p1 v1, v16;
	v9 =	vmul.f32 @p1 $5.656854150e+00, v9;
	v7 =	vpsel p1, v7, v0;
	[tilespmem:v51+s28+$0x0] =	vst.idx.msk $0xffff, v54;
	v59 =	vld [tilespmem:s6+$0xFFFFFFA0]  }
0xe1: {  	v3 =	vadd.s32 v1, v3;
	[tilespmem:v52+s28+$0x0] =	vst.idx.msk $0xffff, v55;
	v5 =	vmul.f32 @p1 $5.656854150e+00, v7;
	v57 =	vld [tilespmem:s6+$0xFFFFFFC0];
	v15 =	vpsel p1, v21, v0  }
0xe2: {  	v2 =	vadd.s32 v1, v2;
	[tilespmem:v20+s28+$0x0] =	vst.idx.msk @p1 $0xffff, v9;
	v58 =	vld [tilespmem:s6+$0xFFFFFFE0];
	v6 =	vpsel p1, v6, v0;
	v8 =	vmul.f32 @p1 $5.656854150e+00, v15  }
0xe3: {  	v10 =	vadd.s32 v1, v10;
	v6 =	vmul.f32 @p1 $5.656854150e+00, v6;
	[tilespmem:v13+s28+$0x0] =	vst.idx.msk @p1 $0xffff, v5  }
0xe4: {  	v60 =	vadd.s32 v1, v12;
	[tilespmem:v4+s28+$0x0] =	vst.idx.msk @p1 $0xffff, v8;
	v61 =	vmul.f32 $5.656854150e+00, v56  }
0xe5: {  	[tilespmem:v11+s28+$0x0] =	vst.idx.msk @p1 $0xffff, v6;
	v63 =	vmul.f32 $5.656854150e+00, v59  }
0xe6: {  	s9 =	sshll.u32 s14, $0x14;
	v62 =	vmul.f32 $5.656854150e+00, v57;
	[tilespmem:v3+s28+$0x0] =	vst.idx.msk $0xffff, v61  }
0xe7: {  	s6 =	sor.u32 s4, s9;
	v3 =	vmul.f32 $5.656854150e+00, v58;
	[tilespmem:v2+s28+$0x0] =	vst.idx.msk $0xffff, v63  }
0xe8: {  	s16 =	sshrl.u32 s6, $0x3;
	[tilespmem:v10+s28+$0x0] =	vst.idx.msk $0xffff, v62  }
0xe9: {  	s11 =	simm.s32 $0xE400;
	s8 =	sadd.s32 s1, s16;
	[tilespmem:v60+s28+$0x0] =	vst.idx.msk $0xffff, v3  }
0xea: {  	[hbm4b:s8+s3] =	stream.linear.scatter [tilespmem:s11], [sflag:$0x3], $0x80, $0x38;
	[tilespmem:$0x16C00] =	vst v63  }
0xeb: {  	s13 =	simm.s32 $0xE488;
	s9 =	sadd.s32 $0x10, s8  }
0xec: {  	[hbm4b:s9+s3] =	stream.linear.scatter [tilespmem:s13], [sflag:$0x3], $0x80, $0x38;
	[tilespmem:$0x16C00] =	vst v63  }
0xed: {  	s17 =	simm.s32 $0xE510;
	s18 =	sadd.s32 $0x20, s8  }
0xee: {  	[hbm4b:s18+s3] =	stream.linear.scatter [tilespmem:s17], [sflag:$0x3], $0x80, $0x38;
	[tilespmem:$0x16C00] =	vst v63  }
0xef: {  	s11 =	simm.s32 $0xE598;
	s13 =	sadd.s32 $0x30, s8  }
0xf0: {  	[hbm4b:s13+s3] =	stream.linear.scatter [tilespmem:s11], [sflag:$0x3], $0x80, $0x38;
	[tilespmem:$0x16C00] =	vst v63  }
0xf1: {  	s17 =	simm.s32 $0xE620;
	s18 =	sadd.s32 $0x40, s8  }
0xf2: {  	[hbm4b:s18+s3] =	stream.linear.scatter [tilespmem:s17], [sflag:$0x3], $0x80, $0x38;
	[tilespmem:$0x16C00] =	vst v63  }
0xf3: {  	s6 =	simm.s32 $0x440;
	s11 =	simm.s32 $0xE6A8;
	s13 =	sadd.s32 $0x50, s8  }
0xf4: {  	[hbm4b:s13+s3] =	stream.linear.scatter [tilespmem:s11], [sflag:$0x3], $0x80, $0x38;
	[tilespmem:$0x16C00] =	vst v63  }
0xf5: {  	s17 =	simm.s32 $0xE730;
	s18 =	sadd.s32 $0x60, s8;
	s11 =	simm.s32 $0x2200  }
0xf6: {  	[hbm4b:s18+s3] =	stream.linear.scatter [tilespmem:s17], [sflag:$0x3], $0x80, $0x38;
	[tilespmem:$0x16C00] =	vst v63  }
0xf7: {  	s17 =	simm.s32 $0xE7B8;
	s18 =	sadd.s32 $0x70, s8;
	s8 =	sadd.s32 $0x1000, s8  }
.LBB2_23:
0xf8: {  	[hbm4b:s18+s3] =	stream.linear.scatter [tilespmem:s17], [sflag:$0x3], $0x80, $0x38;
	[tilespmem:$0x16C00] =	vst v63  }
0xf9: {  	s9 =	smov.u32 s6;
	s6 =	smov.u32 s11  }
0xfa: {  	s13 =	sadd.s32 $0x1100, s11;
	s6 =	sshra.s32 s6, $0x2;
	s17 =	sadd.s32 $0xE400, s9  }
0xfb: {  	[hbm4b:s8+s3] =	stream.linear.scatter [tilespmem:s17], [sflag:$0x3], $0x80, $0x38;
	[tilespmem:$0x16C00] =	vst v63  }
0xfc: {  	p0 =	sne.s32 s11, $0xFF00;
	s11 =	sadd.s32 $0xE488, s9;
	s17 =	sadd.s32 $0x10, s8  }
0xfd: {  	[hbm4b:s17+s3] =	stream.linear.scatter [tilespmem:s11], [sflag:$0x3], $0x80, $0x38;
	[tilespmem:$0x16C00] =	vst v63  }
0xfe: {  	s11 =	sadd.s32 $0xE510, s9;
	s17 =	sadd.s32 $0x20, s8  }
0xff: {  	[hbm4b:s17+s3] =	stream.linear.scatter [tilespmem:s11], [sflag:$0x3], $0x80, $0x38;
	[tilespmem:$0x16C00] =	vst v63  }
0x100: {  	s11 =	sadd.s32 $0xE598, s9;
	s17 =	sadd.s32 $0x30, s8  }
0x101: {  	[hbm4b:s17+s3] =	stream.linear.scatter [tilespmem:s11], [sflag:$0x3], $0x80, $0x38;
	[tilespmem:$0x16C00] =	vst v63  }
0x102: {  	s11 =	sadd.s32 $0xE620, s9;
	s17 =	sadd.s32 $0x40, s8  }
0x103: {  	[hbm4b:s17+s3] =	stream.linear.scatter [tilespmem:s11], [sflag:$0x3], $0x80, $0x38;
	[tilespmem:$0x16C00] =	vst v63  }
.Ltmp12:
0x104: {  	s11 =	sadd.s32 $0xE6A8, s9;
	s17 =	sadd.s32 $0x50, s8;
	(pc) =	sbr.rel @p0 .LBB2_23-.Ltmp12, $4  }
0x105: {  	[hbm4b:s17+s3] =	stream.linear.scatter [tilespmem:s11], [sflag:$0x3], $0x80, $0x38;
	[tilespmem:$0x16C00] =	vst v63  }
0x106: {  	s18 =	sadd.s32 $0x70, s8;
	s11 =	sadd.s32 $0xE730, s9;
	s17 =	sadd.s32 $0x60, s8  }
0x107: {  	[hbm4b:s17+s3] =	stream.linear.scatter [tilespmem:s11], [sflag:$0x3], $0x80, $0x38;
	[tilespmem:$0x16C00] =	vst v63  }
0x108: {  	s8 =	sadd.s32 $0x1000, s8;
	s17 =	sadd.s32 $0xE7B8, s9;
	s11 =	smov.u32 s13  }
0x109: {  	[hbm4b:s18+s3] =	stream.linear.scatter [tilespmem:s17], [sflag:$0x3], $0x80, $0x38;
	[tilespmem:$0x16C00] =	vst v63  }
0x10a: {  	s9 =	sadd.s32 $0xE400, s6  }
0x10b: {  	[hbm4b:s8+s3] =	stream.linear.scatter [tilespmem:s9], [sflag:$0x3], $0x80, $0x38;
	[tilespmem:$0x16C00] =	vst v63  }
0x10c: {  	s13 =	sadd.s32 $0xE488, s6;
	s11 =	sadd.s32 $0x10, s8  }
0x10d: {  	[hbm4b:s11+s3] =	stream.linear.scatter [tilespmem:s13], [sflag:$0x3], $0x80, $0x38;
	[tilespmem:$0x16C00] =	vst v63  }
0x10e: {  	s17 =	sadd.s32 $0xE510, s6;
	s18 =	sadd.s32 $0x20, s8  }
0x10f: {  	[hbm4b:s18+s3] =	stream.linear.scatter [tilespmem:s17], [sflag:$0x3], $0x80, $0x38;
	[tilespmem:$0x16C00] =	vst v63  }
0x110: {  	s11 =	sadd.s32 $0xE598, s6;
	s13 =	sadd.s32 $0x30, s8  }
0x111: {  	[hbm4b:s13+s3] =	stream.linear.scatter [tilespmem:s11], [sflag:$0x3], $0x80, $0x38;
	[tilespmem:$0x16C00] =	vst v63  }
0x112: {  	s17 =	sadd.s32 $0xE620, s6;
	s18 =	sadd.s32 $0x40, s8  }
0x113: {  	[hbm4b:s18+s3] =	stream.linear.scatter [tilespmem:s17], [sflag:$0x3], $0x80, $0x38;
	[tilespmem:$0x16C00] =	vst v63  }
0x114: {  	s11 =	sadd.s32 $0xE6A8, s6;
	s13 =	sadd.s32 $0x50, s8  }
0x115: {  	[hbm4b:s13+s3] =	stream.linear.scatter [tilespmem:s11], [sflag:$0x3], $0x80, $0x38;
	[tilespmem:$0x16C00] =	vst v63  }
0x116: {  	s17 =	sadd.s32 $0xE730, s6;
	s18 =	sadd.s32 $0x60, s8  }
0x117: {  	[hbm4b:s18+s3] =	stream.linear.scatter [tilespmem:s17], [sflag:$0x3], $0x80, $0x38;
	[tilespmem:$0x16C00] =	vst v63  }
0x118: {  	s11 =	sadd.s32 $0xE7B8, s6;
	s13 =	sadd.s32 $0x70, s8  }
0x119: {  	[hbm4b:s13+s3] =	stream.linear.scatter [tilespmem:s11], [sflag:$0x3], $0x80, $0x38;
	[tilespmem:$0x16C00] =	vst v63  }
0x11a: {  	p0 =	seq.s32 s14, $0x18;
	_ =	swait.ge [sflag:s29], $0x4000  }
0x11b: {  	s9 =	simm.s32 @!p0 $0x6400;
	[sflag:s29] =	ssyncset.done $0x0  }
0x11c: {  	s6 =	sadd.s32 @!p0 $0x400, s15;
	s8 =	simm.s32 @!p0 $0x80;
	[sflag:s29] =	ssyncadd.s32 $0xFFFFC000  }
0x11d: {  	[tilespmem:s9], [sflag:$0x1] =	stream.indirect.gather @!p0 [hbm4b:s5+s8], $0x20, s6, s8, $0xb8;
	[tilespmem:$0x16C00] =	vst v63  }
0x11e: {  	s6 =	sadd.s32 @!p0 $0x480, s15;
	s9 =	simm.s32 @!p0 $0x7400  }
0x11f: {  	[tilespmem:s9], [sflag:$0x1] =	stream.indirect.gather @!p0 [hbm4b:s5+s8], $0x20, s6, s8, $0xb8;
	[tilespmem:$0x16C00] =	vst v63  }
0x120: {  	s6 =	sadd.s32 @!p0 $0x500, s15;
	s9 =	simm.s32 @!p0 $0x8400  }
0x121: {  	[tilespmem:s9], [sflag:$0x1] =	stream.indirect.gather @!p0 [hbm4b:s5+s8], $0x20, s6, s8, $0xb8;
	[tilespmem:$0x16C00] =	vst v63  }
0x122: {  	p1 =	seq.s32 @!p0 s14, $0x0;
	s6 =	sadd.s32 @!p0 $0x580, s15;
	s9 =	simm.s32 @!p0 $0x9400  }
0x123: {  	[tilespmem:s9], [sflag:$0x1] =	stream.indirect.gather @!p0 [hbm4b:s5+s8], $0x20, s6, s8, $0xb8;
	[tilespmem:$0x16C00] =	vst v63  }
0x124: {  	p0 =	por p0, !p1  }
0x125: {  	_ =	swait.ge @p0 [sflag:s10], $0x4000  }
0x126: {  	[sflag:s10] =	ssyncset.done @p0 $0x0  }
0x127: {  	s11 =	simm.s32 $0xA470;
	s15 =	simm.s32 $0x3;
	[sflag:s10] =	ssyncadd.s32 @p0 $0xFFFFC000  }
0x128: {  	v2 =	vmov s15;
	v3 =	vld [tilespmem:s11+$0xFFFFFFF0]  }
0x129: {  	v4 =	vand.u32 $0x7F, v2  }
0x12a: {  	v9 =	vadd.s32 v0, v4;
	_ =	sdelay $0x1  }
0x12b: {  	s18 =	simm.s32 $0x1;
	v6 =	vld [tilespmem:s11+$0xFFFFFF90]  }
0x12c: {  	s17 =	simm.s32 $0x0;
	v5 =	vmov s18;
	v11 =	vld [tilespmem:s11+$0xFFFFFFB0];
	v3 =	vmul.f32 $5.656854150e+00, v3  }
0x12d: {  	v7 =	vand.u32 $0x7D, v5;
	v2 =	vmov s17;
	s9 =	simm.s32 $0x2;
	s6 =	simm.s32 $0xA4F0;
	v15 =	vld [tilespmem:s11+$0xFFFFFFD0]  }
0x12e: {  	s13 =	simm.s32 $0x4;
	v10 =	vadd.s32 v0, v7;
	s17 =	simm.s32 $0x5;
	v8 =	vmov s9;
	v5 =	vand.u32 $0x7C, v2;
	v16 =	vld [tilespmem:s6+$0xFFFFFFF0];
	[tilespmem:v9+s30+$0x0] =	vst.idx.msk $0xffff, v3  }
0x12f: {  	s15 =	simm.s32 $0x7;
	v2 =	vmov s13;
	v20 =	vmov s17;
	v8 =	vand.u32 $0x7E, v8;
	v17 =	vld [tilespmem:s11+$0x0]  }
0x130: {  	v2 =	vand.u32 $0x7C, v2;
	v13 =	vadd.s32 v0, v8;
	v3 =	vmov s15  }
0x131: {  	v12 =	vadd.s32 v0, v5;
	v27 =	vadd.s32 v0, v2;
	v19 =	vld [tilespmem:s6+$0xFFFFFF90];
	v3 =	vand.u32 $0x7F, v3  }
0x132: {  	v29 =	vld [tilespmem:s6+$0xFFFFFFB0];
	v18 =	vmul.f32 $5.656854150e+00, v6;
	v6 =	vmul.f32 $5.656854150e+00, v11;
	v14 =	vadd.s32 v0, v3  }
0x133: {  	s18 =	simm.s32 $0x6;
	v15 =	vmul.f32 $5.656854150e+00, v15;
	v11 =	vadd.s32 v1, v4;
	v4 =	vand.u32 $0x7D, v20  }
0x134: {  	v30 =	vld [tilespmem:s6+$0xFFFFFFD0];
	v20 =	vmul.f32 $5.656854150e+00, v16;
	[tilespmem:v10+s30+$0x0] =	vst.idx.msk $0xffff, v6;
	v6 =	vmov s18;
	v17 =	vmul.f32 $5.656854150e+00, v17  }
0x135: {  	v26 =	vadd.s32 v1, v7;
	s17 =	simm.s32 $0xB;
	v22 =	vadd.s32 v0, v4;
	[tilespmem:v13+s30+$0x0] =	vst.idx.msk $0xffff, v15;
	v6 =	vand.u32 $0x7E, v6;
	v24 =	vld [tilespmem:s11+$0xFFFFFFC0]  }
0x136: {  	v34 =	vmov s17;
	v32 =	vmul.f32 $5.656854150e+00, v19;
	s15 =	simm.s32 $0x8;
	[tilespmem:v12+s30+$0x0] =	vst.idx.msk $0xffff, v18;
	v21 =	vld [tilespmem:s11+$0xFFFFFFE0];
	v23 =	vadd.s32 v0, v6  }
0x137: {  	s8 =	simm.s32 $0xA570;
	v31 =	vmovc v5;
	v33 =	vmul.f32 $5.656854150e+00, v29;
	v29 =	vadd.s32 v1, v8;
	v15 =	vmov s15;
	v25 =	vld [tilespmem:s11+$0xFFFFFFA0];
	[tilespmem:v14+s30+$0x0] =	vst.idx.msk $0xffff, v20  }
0x138: {  	v28 =	vld [tilespmem:s8+$0xFFFFFFF0];
	v19 =	vmovc v4;
	s18 =	simm.s32 $0x8;
	s11 =	simm.s32 $0xC;
	v16 =	vand.u32 $0x7C, v15;
	v18 =	vmovc v6;
	v20 =	vmov v3;
	[tilespmem:v11+s30+$0x0] =	vst.idx.msk $0xffff, v17;
	v17 =	vmov v2  }
.LBB2_25:
0x139: {  	p0 =	slt.u32 s11, $0x7C;
	s9 =	sadd.s32 $0x1, s18;
	v34 =	vand.u32 $0x7F, v34;
	[tilespmem:v27+s30+$0x0] =	vst.idx.msk $0xffff, v32;
	v27 =	vmul.f32 $5.656854150e+00, v30;
	v32 =	vld [tilespmem:s6+$0x0];
	v35 =	vadd.s32 v1, v31;
	v31 =	vmovc v17  }
0x13a: {  	v17 =	vmovc v16;
	v36 =	vld [tilespmem:s8+$0xFFFFFF90];
	v30 =	vmov s9;
	s9 =	sadd.s32 $0x2, s18;
	v37 =	vadd.s32 v0, v34;
	[tilespmem:v22+s30+$0x0] =	vst.idx.msk $0xffff, v33;
	v22 =	vmul.f32 $5.656854150e+00, v24;
	s18 =	smov.u32 s11  }
0x13b: {  	v38 =	vadd.s32 v1, v20;
	v20 =	vmovc v34;
	v33 =	vld [tilespmem:s8+$0xFFFFFFB0];
	v16 =	vmov s9;
	[tilespmem:v23+s30+$0x0] =	vst.idx.msk $0xffff, v27;
	v21 =	vmul.f32 $5.656854150e+00, v21  }
.Ltmp13:
0x13c: {  	v27 =	vadd.s32 v0, v17;
	v34 =	vand.u32 $0x7D, v30;
	v30 =	vld [tilespmem:s8+$0xFFFFFFD0];
	v25 =	vmul.f32 $5.656854150e+00, v25;
	[tilespmem:v26+s30+$0x0] =	vst.idx.msk $0xffff, v22;
	(pc) =	sbr.rel @p0 .LBB2_25-.Ltmp13, $4  }
0x13d: {  	v22 =	vadd.s32 v0, v34;
	v39 =	vand.u32 $0x7E, v16;
	v26 =	vmul.f32 $5.656854150e+00, v28;
	v24 =	vld [tilespmem:s6+$0xFFFFFFC0];
	[tilespmem:v29+s30+$0x0] =	vst.idx.msk $0xffff, v21  }
0x13e: {  	v16 =	vmov s11;
	v23 =	vadd.s32 v0, v39;
	v21 =	vld [tilespmem:s6+$0xFFFFFFE0];
	v40 =	vmul.f32 $5.656854150e+00, v32;
	[tilespmem:v35+s30+$0x0] =	vst.idx.msk $0xffff, v25  }
0x13f: {  	s9 =	sadd.s32 $0x3, s11;
	v16 =	vand.u32 $0x7C, v16;
	v32 =	vmul.f32 $5.656854150e+00, v36;
	[tilespmem:v37+s30+$0x0] =	vst.idx.msk $0xffff, v26;
	v25 =	vld [tilespmem:s6+$0xFFFFFFA0];
	v26 =	vadd.s32 v1, v19;
	v19 =	vmovc v34;
	s6 =	smov.u32 s8;
	s8 =	sadd.s32 $0x80, s8  }
0x140: {  	s11 =	sadd.s32 $0x4, s11;
	v29 =	vadd.s32 v1, v18;
	v18 =	vmovc v39;
	v34 =	vmov s9;
	v28 =	vld [tilespmem:s8+$0xFFFFFFF0];
	v33 =	vmul.f32 $5.656854150e+00, v33;
	[tilespmem:v38+s30+$0x0] =	vst.idx.msk $0xffff, v40  }
0x141: {  	_ =	sdelay $0x2  }
0x142: {  	s9 =	sadd.s32 $0x1, s18;
	v34 =	vand.u32 $0x7F, v34;
	v30 =	vmul.f32 $5.656854150e+00, v30  }
0x143: {  	[tilespmem:v27+s30+$0x0] =	vst.idx.msk $0xffff, v32;
	v48 =	vadd.s32 v1, v31;
	s13 =	sadd.s32 $0x2, s18;
	v35 =	vld [tilespmem:s8+$0xFFFFFFB0];
	v49 =	vmov s9;
	v50 =	vadd.s32 v0, v34  }
0x144: {  	v52 =	vld [tilespmem:s8+$0xFFFFFFD0];
	[tilespmem:v22+s30+$0x0] =	vst.idx.msk $0xffff, v33;
	v22 =	vmul.f32 $5.656854150e+00, v24;
	v51 =	vmov s13;
	v31 =	vand.u32 $0x7D, v49  }
0x145: {  	v36 =	vld [tilespmem:s8+$0xFFFFFF90];
	[tilespmem:v23+s30+$0x0] =	vst.idx.msk $0xffff, v30;
	v21 =	vmul.f32 $5.656854150e+00, v21;
	v24 =	vand.u32 $0x7E, v51;
	v23 =	vadd.s32 v0, v31  }
0x146: {  	v53 =	vld [tilespmem:s6+$0x0];
	v25 =	vmul.f32 $5.656854150e+00, v25;
	[tilespmem:v26+s30+$0x0] =	vst.idx.msk $0xffff, v22;
	v22 =	vadd.s32 v0, v24  }
0x147: {  	v54 =	vadd.s32 v0, v16;
	v28 =	vmul.f32 $5.656854150e+00, v28;
	[tilespmem:v29+s30+$0x0] =	vst.idx.msk $0xffff, v21;
	v21 =	vld [tilespmem:s6+$0xFFFFFFC0]  }
0x148: {  	v20 =	vadd.s32 v1, v20;
	v55 =	vld [tilespmem:s6+$0xFFFFFFE0];
	[tilespmem:v48+s30+$0x0] =	vst.idx.msk $0xffff, v25;
	v56 =	vmul.f32 $5.656854150e+00, v35  }
0x149: {  	v19 =	vadd.s32 v1, v19;
	v57 =	vld [tilespmem:s6+$0xFFFFFFA0];
	v58 =	vmul.f32 $5.656854150e+00, v52;
	[tilespmem:v50+s30+$0x0] =	vst.idx.msk $0xffff, v28  }
0x14a: {  	v18 =	vadd.s32 v1, v18;
	v59 =	vmul.f32 $5.656854150e+00, v36;
	v60 =	vld [tilespmem:s8+$0x0];
	[tilespmem:v23+s30+$0x0] =	vst.idx.msk $0xffff, v56  }
0x14b: {  	v17 =	vadd.s32 v1, v17;
	v23 =	vmul.f32 $5.656854150e+00, v53;
	[tilespmem:v22+s30+$0x0] =	vst.idx.msk $0xffff, v58;
	v22 =	vld [tilespmem:s8+$0xFFFFFFC0]  }
0x14c: {  	v61 =	vadd.s32 v1, v34;
	[tilespmem:v54+s30+$0x0] =	vst.idx.msk $0xffff, v59;
	v21 =	vmul.f32 $5.656854150e+00, v21;
	v62 =	vld [tilespmem:s8+$0xFFFFFFE0]  }
0x14d: {  	v63 =	vadd.s32 v1, v31;
	[tilespmem:v20+s30+$0x0] =	vst.idx.msk $0xffff, v23;
	v20 =	vmul.f32 $5.656854150e+00, v55;
	v23 =	vld [tilespmem:s8+$0xFFFFFFA0]  }
0x14e: {  	v27 =	vmul.f32 $5.656854150e+00, v57;
	[tilespmem:v19+s30+$0x0] =	vst.idx.msk $0xffff, v21;
	v19 =	vadd.s32 v1, v24  }
0x14f: {  	v16 =	vadd.s32 v1, v16;
	[tilespmem:v18+s30+$0x0] =	vst.idx.msk $0xffff, v20;
	v18 =	vmul.f32 $5.656854150e+00, v60  }
0x150: {  	[tilespmem:v17+s30+$0x0] =	vst.idx.msk $0xffff, v27;
	v17 =	vmul.f32 $5.656854150e+00, v22  }
0x151: {  	[tilespmem:v61+s30+$0x0] =	vst.idx.msk $0xffff, v18;
	v18 =	vmul.f32 $5.656854150e+00, v62  }
0x152: {  	v20 =	vmul.f32 $5.656854150e+00, v23;
	[tilespmem:v63+s30+$0x0] =	vst.idx.msk $0xffff, v17  }
0x153: {  	[tilespmem:v19+s30+$0x0] =	vst.idx.msk $0xffff, v18  }
0x154: {  	s18 =	simm.s32 $0xB400;
	[tilespmem:v16+s30+$0x0] =	vst.idx.msk $0xffff, v20  }
0x155: {  	v16 =	vld [tilespmem:s18+$0x60];
	_ =	sdelay $0x3  }
0x156: {  	v17 =	vld [tilespmem:s18+$0x20]  }
0x157: {  	v18 =	vld [tilespmem:s18+$0x40];
	v16 =	vmul.f32 $5.656854150e+00, v16  }
0x158: {  	s6 =	simm.s32 $0xB480;
	v19 =	vld [tilespmem:s18+$0x0]  }
0x159: {  	[tilespmem:v9+s31+$0x0] =	vst.idx.msk $0xffff, v16;
	v9 =	vld [tilespmem:s6+$0x60]  }
0x15a: {  	v20 =	vld [tilespmem:s18+$0x70]  }
0x15b: {  	v21 =	vld [tilespmem:s6+$0x0];
	v16 =	vmul.f32 $5.656854150e+00, v17  }
0x15c: {  	v22 =	vld [tilespmem:s6+$0x20];
	v17 =	vmul.f32 $5.656854150e+00, v18  }
0x15d: {  	v23 =	vmul.f32 $5.656854150e+00, v19;
	v19 =	vld [tilespmem:s6+$0x40];
	v18 =	vadd.s32 v0, v2;
	[tilespmem:v10+s31+$0x0] =	vst.idx.msk $0xffff, v16  }
0x15e: {  	[tilespmem:v13+s31+$0x0] =	vst.idx.msk $0xffff, v17;
	v17 =	vadd.s32 v0, v4;
	v16 =	vld [tilespmem:s18+$0x30];
	v13 =	vmul.f32 $5.656854150e+00, v9  }
0x15f: {  	[tilespmem:v12+s31+$0x0] =	vst.idx.msk $0xffff, v23;
	v12 =	vadd.s32 v0, v6;
	v10 =	vld [tilespmem:s18+$0x50];
	v23 =	vmul.f32 $5.656854150e+00, v20  }
0x160: {  	v7 =	vadd.s32 v1, v7;
	s8 =	simm.s32 $0xB500;
	v9 =	vand.u32 $0x7C, v15;
	v15 =	vmul.f32 $5.656854150e+00, v21;
	[tilespmem:v14+s31+$0x0] =	vst.idx.msk $0xffff, v13;
	v13 =	vld [tilespmem:s18+$0x10]  }
0x161: {  	s11 =	simm.s32 $0xC;
	v8 =	vadd.s32 v1, v8;
	v21 =	vmov s17;
	v20 =	vmul.f32 $5.656854150e+00, v22;
	v14 =	vld [tilespmem:s8+$0x60];
	[tilespmem:v11+s31+$0x0] =	vst.idx.msk $0xffff, v23  }
.LBB2_27:
0x162: {  	p0 =	slt.u32 s11, $0x7C;
	s9 =	sadd.s32 $0x1, s15;
	v11 =	vand.u32 $0x7F, v21;
	[tilespmem:v18+s31+$0x0] =	vst.idx.msk $0xffff, v15;
	v15 =	vmul.f32 $5.656854150e+00, v19;
	v21 =	vld [tilespmem:s6+$0x70];
	v22 =	vadd.s32 v1, v5;
	v5 =	vmovc v2  }
0x163: {  	v2 =	vmovc v9;
	v23 =	vld [tilespmem:s8+$0x0];
	v19 =	vmov s9;
	s9 =	sadd.s32 $0x2, s15;
	v24 =	vadd.s32 v0, v11;
	[tilespmem:v17+s31+$0x0] =	vst.idx.msk $0xffff, v20;
	v16 =	vmul.f32 $5.656854150e+00, v16;
	s15 =	smov.u32 s11  }
0x164: {  	v25 =	vadd.s32 v1, v3;
	v3 =	vmovc v11;
	v20 =	vld [tilespmem:s8+$0x20];
	v9 =	vmov s9;
	[tilespmem:v12+s31+$0x0] =	vst.idx.msk $0xffff, v15;
	v10 =	vmul.f32 $5.656854150e+00, v10  }
.Ltmp14:
0x165: {  	v18 =	vadd.s32 v0, v2;
	v11 =	vand.u32 $0x7D, v19;
	v19 =	vld [tilespmem:s8+$0x40];
	v13 =	vmul.f32 $5.656854150e+00, v13;
	[tilespmem:v7+s31+$0x0] =	vst.idx.msk $0xffff, v16;
	(pc) =	sbr.rel @p0 .LBB2_27-.Ltmp14, $4  }
0x166: {  	v17 =	vadd.s32 v0, v11;
	v26 =	vand.u32 $0x7E, v9;
	v7 =	vmul.f32 $5.656854150e+00, v14;
	v16 =	vld [tilespmem:s6+$0x30];
	[tilespmem:v8+s31+$0x0] =	vst.idx.msk $0xffff, v10  }
0x167: {  	v8 =	vmov s11;
	v12 =	vadd.s32 v0, v26;
	v10 =	vld [tilespmem:s6+$0x50];
	v27 =	vmul.f32 $5.656854150e+00, v21;
	[tilespmem:v22+s31+$0x0] =	vst.idx.msk $0xffff, v13  }
0x168: {  	s9 =	sadd.s32 $0x3, s11;
	v9 =	vand.u32 $0x7C, v8;
	v15 =	vmul.f32 $5.656854150e+00, v23;
	[tilespmem:v24+s31+$0x0] =	vst.idx.msk $0xffff, v7;
	v13 =	vld [tilespmem:s6+$0x10];
	v7 =	vadd.s32 v1, v4;
	v4 =	vmovc v11;
	s6 =	smov.u32 s8;
	s8 =	sadd.s32 $0x80, s8  }
0x169: {  	s11 =	sadd.s32 $0x4, s11;
	v21 =	vmov s9;
	v8 =	vadd.s32 v1, v6;
	v6 =	vmovc v26;
	v14 =	vld [tilespmem:s8+$0x60];
	v20 =	vmul.f32 $5.656854150e+00, v20;
	[tilespmem:v25+s31+$0x0] =	vst.idx.msk $0xffff, v27  }
0x16a: {  	_ =	sdelay $0x2  }
0x16b: {  	s9 =	sadd.s32 $0x1, s15;
	v11 =	vand.u32 $0x7F, v21;
	v19 =	vmul.f32 $5.656854150e+00, v19  }
0x16c: {  	[tilespmem:v18+s31+$0x0] =	vst.idx.msk $0xffff, v15;
	v5 =	vadd.s32 v1, v5;
	s17 =	sadd.s32 $0x2, s15;
	v50 =	vld [tilespmem:s8+$0x20];
	v48 =	vmov s9;
	v49 =	vadd.s32 v0, v11  }
0x16d: {  	v52 =	vld [tilespmem:s8+$0x40];
	[tilespmem:v17+s31+$0x0] =	vst.idx.msk $0xffff, v20;
	v16 =	vmul.f32 $5.656854150e+00, v16;
	v51 =	vmov s17;
	v15 =	vand.u32 $0x7D, v48  }
0x16e: {  	v22 =	vld [tilespmem:s8+$0x0];
	[tilespmem:v12+s31+$0x0] =	vst.idx.msk $0xffff, v19;
	v10 =	vmul.f32 $5.656854150e+00, v10;
	v17 =	vand.u32 $0x7E, v51;
	v53 =	vadd.s32 v0, v15  }
0x16f: {  	v54 =	vld [tilespmem:s6+$0x70];
	v13 =	vmul.f32 $5.656854150e+00, v13;
	[tilespmem:v7+s31+$0x0] =	vst.idx.msk $0xffff, v16;
	v7 =	vadd.s32 v0, v17  }
0x170: {  	v55 =	vadd.s32 v0, v9;
	v56 =	vld [tilespmem:s6+$0x30];
	v14 =	vmul.f32 $5.656854150e+00, v14;
	[tilespmem:v8+s31+$0x0] =	vst.idx.msk $0xffff, v10  }
0x171: {  	v3 =	vadd.s32 v1, v3;
	v57 =	vld [tilespmem:s6+$0x50];
	[tilespmem:v5+s31+$0x0] =	vst.idx.msk $0xffff, v13;
	v5 =	vmul.f32 $5.656854150e+00, v50  }
0x172: {  	v4 =	vadd.s32 v1, v4;
	v58 =	vld [tilespmem:s6+$0x10];
	v59 =	vmul.f32 $5.656854150e+00, v52;
	[tilespmem:v49+s31+$0x0] =	vst.idx.msk $0xffff, v14  }
0x173: {  	v6 =	vadd.s32 v1, v6;
	v60 =	vmul.f32 $5.656854150e+00, v22;
	v61 =	vld [tilespmem:s8+$0x70];
	[tilespmem:v53+s31+$0x0] =	vst.idx.msk $0xffff, v5  }
0x174: {  	v2 =	vadd.s32 v1, v2;
	v5 =	vmul.f32 $5.656854150e+00, v54;
	[tilespmem:v7+s31+$0x0] =	vst.idx.msk $0xffff, v59;
	v7 =	vld [tilespmem:s8+$0x30]  }
0x175: {  	v11 =	vadd.s32 v1, v11;
	[tilespmem:v55+s31+$0x0] =	vst.idx.msk $0xffff, v60;
	v8 =	vmul.f32 $5.656854150e+00, v56;
	v62 =	vld [tilespmem:s8+$0x50]  }
0x176: {  	v63 =	vadd.s32 v1, v15;
	[tilespmem:v3+s31+$0x0] =	vst.idx.msk $0xffff, v5;
	v3 =	vmul.f32 $5.656854150e+00, v57;
	v5 =	vld [tilespmem:s8+$0x10]  }
0x177: {  	v13 =	vmul.f32 $5.656854150e+00, v58;
	[tilespmem:v4+s31+$0x0] =	vst.idx.msk $0xffff, v8;
	v4 =	vadd.s32 v1, v17  }
0x178: {  	[tilespmem:v6+s31+$0x0] =	vst.idx.msk $0xffff, v3;
	v3 =	vmul.f32 $5.656854150e+00, v61;
	v6 =	vadd.s32 v1, v9  }
0x179: {  	p1 =	por $0x1, $0x1;
	[tilespmem:v2+s31+$0x0] =	vst.idx.msk $0xffff, v13;
	v2 =	vmul.f32 $5.656854150e+00, v7  }
.Ltmp15:
0x17a: {  	[tilespmem:v11+s31+$0x0] =	vst.idx.msk $0xffff, v3;
	v3 =	vmul.f32 $5.656854150e+00, v62;
	(pc) =	sbr.rel @!p1 .LBB2_29-.Ltmp15, $4  }
0x17b: {  	v5 =	vmul.f32 $5.656854150e+00, v5;
	[tilespmem:v63+s31+$0x0] =	vst.idx.msk $0xffff, v2  }
0x17c: {  	s15 =	simm.s32 $0x0;
	[tilespmem:v4+s31+$0x0] =	vst.idx.msk $0xffff, v3  }
0x17d: {  	s18 =	simm.s32 $0x3;
	s8 =	simm.s32 $0xC400;
	v2 =	vmov s15;
	[tilespmem:v6+s31+$0x0] =	vst.idx.msk $0xffff, v5  }
0x17e: {  	p2 =	por $0x0, $0x0;
	p0 =	por $0x0, $0x0;
	s17 =	simm.s32 $0x4;
	v3 =	vmov s18;
	v2 =	vand.u32 $0x7C, v2;
	v5 =	vld [tilespmem:s8+$0x60]  }
0x17f: {  	v22 =	vand.u32 $0x7F, v3;
	v10 =	vld [tilespmem:s8+$0x0]  }
0x180: {  	s6 =	simm.s32 $0x1;
	v12 =	vld [tilespmem:s8+$0x20];
	p3 =	por $0x1, $0x1;
	v11 =	vadd.s32 v0, v22  }
.Ltmp16:
0x181: {  	s11 =	simm.s32 $0x2;
	v6 =	vadd.s32 v0, v2;
	s13 =	simm.s32 $0x7;
	(pc) =	sbr.rel @!p3 .LBB2_31-.Ltmp16, $4  }
0x182: {  	v4 =	vmov s6;
	v7 =	vmov s11;
	v24 =	vmov s13  }
0x183: {  	v16 =	vand.u32 $0x7D, v4;
	v14 =	vand.u32 $0x7E, v7;
	v5 =	vmul.f32 $5.656854150e+00, v5  }
0x184: {  	v9 =	vld [tilespmem:s8+$0x40];
	s18 =	simm.s32 $0xC480;
	v4 =	vmov s17;
	v8 =	vadd.s32 v0, v16;
	v7 =	vadd.s32 v0, v14  }
0x185: {  	p2 =	por $0x1, $0x1;
	s6 =	simm.s32 $0x8;
	v4 =	vand.u32 $0x7C, v4;
	v19 =	vmul.f32 $5.656854150e+00, v10;
	v23 =	vmul.f32 $5.656854150e+00, v12;
	[tilespmem:v11+s0+$0x0] =	vst.idx.msk $0xffff, v5;
	v5 =	vld [tilespmem:s18+$0x60]  }
0x186: {  	v13 =	vld [tilespmem:s8+$0x70];
	_ =	sdelay $0x1  }
0x187: {  	v11 =	vand.u32 $0x7F, v24  }
0x188: {  	s9 =	simm.s32 $0x5;
	v15 =	vld [tilespmem:s18+$0x0];
	s11 =	simm.s32 $0x6;
	v25 =	vadd.s32 v1, v22;
	v17 =	vadd.s32 v0, v11  }
0x189: {  	v21 =	vld [tilespmem:s18+$0x20];
	p4 =	por $0x1, $0x1;
	[tilespmem:v6+s0+$0x0] =	vst.idx.msk $0xffff, v19;
	v12 =	vmov s11;
	v10 =	vmul.f32 $5.656854150e+00, v9;
	v9 =	vmov s9  }
.Ltmp17:
0x18a: {  	[tilespmem:v8+s0+$0x0] =	vst.idx.msk $0xffff, v23;
	v6 =	vadd.s32 v0, v4;
	v18 =	vand.u32 $0x7D, v9;
	v9 =	vld [tilespmem:s18+$0x40];
	v13 =	vmul.f32 $5.656854150e+00, v13;
	(pc) =	sbr.rel @!p4 .LBB2_33-.Ltmp17, $4  }
0x18b: {  	v20 =	vand.u32 $0x7E, v12;
	v12 =	vld [tilespmem:s8+$0x30];
	v5 =	vmul.f32 $5.656854150e+00, v5;
	[tilespmem:v7+s0+$0x0] =	vst.idx.msk $0xffff, v10;
	v8 =	vadd.s32 v0, v18  }
0x18c: {  	v19 =	vmov s6;
	v7 =	vadd.s32 v0, v20;
	v10 =	vld [tilespmem:s8+$0x50]  }
0x18d: {  	s13 =	simm.s32 $0xB;
	s11 =	simm.s32 $0xC500;
	v22 =	vand.u32 $0x7C, v19;
	v19 =	vmul.f32 $5.656854150e+00, v15;
	v15 =	vld [tilespmem:s8+$0x10];
	[tilespmem:v17+s0+$0x0] =	vst.idx.msk $0xffff, v5;
	v17 =	vadd.s32 v1, v16  }
0x18e: {  	p3 =	por $0x1, $0x1;
	v24 =	vmov s13;
	v23 =	vmul.f32 $5.656854150e+00, v21;
	v21 =	vadd.s32 v1, v14;
	v5 =	vld [tilespmem:s11+$0x60];
	s8 =	simm.s32 $0xC;
	[tilespmem:v25+s0+$0x0] =	vst.idx.msk $0xffff, v13;
	v13 =	vmovc v2  }
.LBB2_34:
0x18f: {  	p4 =	slt.u32 s8, $0x7C;
	s9 =	sadd.s32 $0x1, s6;
	v14 =	vand.u32 $0x7F, v24;
	[tilespmem:v6+s0+$0x0] =	vst.idx.msk $0xffff, v19;
	v6 =	vmul.f32 $5.656854150e+00, v9;
	v16 =	vld [tilespmem:s18+$0x70];
	v19 =	vadd.s32 v1, v13;
	v13 =	vmovc v4  }
0x190: {  	v4 =	vmovc v22;
	v24 =	vld [tilespmem:s11+$0x0];
	v9 =	vmov s9;
	s9 =	sadd.s32 $0x2, s6;
	v25 =	vadd.s32 v0, v14;
	[tilespmem:v8+s0+$0x0] =	vst.idx.msk $0xffff, v23;
	v8 =	vmul.f32 $5.656854150e+00, v12;
	s6 =	smov.u32 s8  }
0x191: {  	v26 =	vadd.s32 v1, v11;
	v11 =	vmovc v14;
	v23 =	vld [tilespmem:s11+$0x20];
	v12 =	vmov s9;
	[tilespmem:v7+s0+$0x0] =	vst.idx.msk $0xffff, v6;
	v7 =	vmul.f32 $5.656854150e+00, v10  }
.Ltmp18:
0x192: {  	v6 =	vadd.s32 v0, v4;
	v14 =	vand.u32 $0x7D, v9;
	v9 =	vld [tilespmem:s11+$0x40];
	v15 =	vmul.f32 $5.656854150e+00, v15;
	[tilespmem:v17+s0+$0x0] =	vst.idx.msk $0xffff, v8;
	(pc) =	sbr.rel @p4 .LBB2_34-.Ltmp18, $4  }
0x193: {  	v8 =	vadd.s32 v0, v14;
	v27 =	vand.u32 $0x7E, v12;
	v5 =	vmul.f32 $5.656854150e+00, v5;
	v12 =	vld [tilespmem:s18+$0x30];
	[tilespmem:v21+s0+$0x0] =	vst.idx.msk $0xffff, v7  }
0x194: {  	v17 =	vmov s8;
	v7 =	vadd.s32 v0, v27;
	v10 =	vld [tilespmem:s18+$0x50];
	v16 =	vmul.f32 $5.656854150e+00, v16;
	[tilespmem:v19+s0+$0x0] =	vst.idx.msk $0xffff, v15  }
0x195: {  	s9 =	sadd.s32 $0x3, s8;
	v22 =	vand.u32 $0x7C, v17;
	v17 =	vadd.s32 v1, v18;
	v18 =	vmovc v14;
	v19 =	vmul.f32 $5.656854150e+00, v24;
	[tilespmem:v25+s0+$0x0] =	vst.idx.msk $0xffff, v5;
	v15 =	vld [tilespmem:s18+$0x10];
	s18 =	smov.u32 s11;
	s11 =	sadd.s32 $0x80, s11  }
0x196: {  	s8 =	sadd.s32 $0x4, s8;
	v21 =	vadd.s32 v1, v20;
	v20 =	vmovc v27;
	v24 =	vmov s9;
	v5 =	vld [tilespmem:s11+$0x60];
	v23 =	vmul.f32 $5.656854150e+00, v23;
	[tilespmem:v26+s0+$0x0] =	vst.idx.msk $0xffff, v16  }
0x197: {  	s8 =	smov.u32 s18;
	v25 =	vmovc v4;
	s18 =	smov.u32 s11;
	v4 =	vmovc v22;
	v22 =	vmov v11;
	v16 =	vmov v18;
	v14 =	vmov v20  }
.LBB2_36:
0x198: {  	_ =	sdelay $0x3  }
0x199: {  	s9 =	sadd.s32 $0x1, s6;
	v11 =	vand.u32 $0x7F, v24;
	v9 =	vmul.f32 @p2 $5.656854150e+00, v9;
	v18 =	vld @p2 [tilespmem:s8+$0x70];
	[tilespmem:v6+s0+$0x0] =	vst.idx.msk @p2 $0xffff, v19  }
0x19a: {  	v6 =	vadd.s32 @p3 v1, v13;
	s13 =	sadd.s32 $0x2, s6;
	v20 =	vld [tilespmem:s18+$0x20];
	[tilespmem:v8+s0+$0x0] =	vst.idx.msk @p2 $0xffff, v23;
	v8 =	vmul.f32 @p3 $5.656854150e+00, v12;
	v49 =	vmov s9  }
0x19b: {  	v52 =	vld [tilespmem:s18+$0x40];
	v50 =	vadd.s32 v0, v11;
	v51 =	vmov s13;
	v13 =	vand.u32 $0x7D, v49  }
0x19c: {  	[tilespmem:v7+s0+$0x0] =	vst.idx.msk @p2 $0xffff, v9;
	v7 =	vld [tilespmem:s18+$0x0];
	v9 =	vmul.f32 @p3 $5.656854150e+00, v10;
	v12 =	vand.u32 $0x7E, v51;
	v53 =	vadd.s32 v0, v13  }
0x19d: {  	v15 =	vmul.f32 @p3 $5.656854150e+00, v15;
	[tilespmem:v17+s0+$0x0] =	vst.idx.msk @p3 $0xffff, v8;
	v8 =	vld @p2 [tilespmem:s8+$0x30];
	v54 =	vadd.s32 v0, v12  }
0x19e: {  	v24 =	vmov @p2 v25;
	v55 =	vadd.s32 v0, v4;
	v5 =	vmul.f32 $5.656854150e+00, v5;
	[tilespmem:v21+s0+$0x0] =	vst.idx.msk @p3 $0xffff, v9;
	v21 =	vld @p2 [tilespmem:s8+$0x50]  }
0x19f: {  	v22 =	vadd.s32 @p2 v1, v22;
	[tilespmem:v6+s0+$0x0] =	vst.idx.msk @p3 $0xffff, v15;
	v6 =	vld @p2 [tilespmem:s8+$0x10];
	v15 =	vadd.s32 @p2 v1, v16;
	v56 =	vmul.f32 $5.656854150e+00, v20  }
0x1a0: {  	v57 =	vmul.f32 $5.656854150e+00, v52;
	[tilespmem:v50+s0+$0x0] =	vst.idx.msk $0xffff, v5;
	v5 =	vadd.s32 @p2 v1, v14;
	v14 =	vpsel p2, v15, v0  }
0x1a1: {  	v19 =	vpsel p2, v24, v0;
	v7 =	vmul.f32 $5.656854150e+00, v7;
	v5 =	vpsel p2, v5, v0;
	v58 =	vld [tilespmem:s18+$0x70];
	[tilespmem:v53+s0+$0x0] =	vst.idx.msk $0xffff, v56  }
0x1a2: {  	v10 =	vmul.f32 @p2 $5.656854150e+00, v18;
	v16 =	vadd.s32 @p2 v1, v19;
	v8 =	vpsel p2, v8, v0;
	[tilespmem:v54+s0+$0x0] =	vst.idx.msk $0xffff, v57;
	v59 =	vld [tilespmem:s18+$0x30]  }
0x1a3: {  	v60 =	vadd.s32 v1, v11;
	v17 =	vpsel p2, v21, v0;
	[tilespmem:v55+s0+$0x0] =	vst.idx.msk $0xffff, v7;
	v7 =	vmul.f32 @p2 $5.656854150e+00, v8;
	v61 =	vld [tilespmem:s18+$0x50]  }
0x1a4: {  	v13 =	vadd.s32 v1, v13;
	[tilespmem:v22+s0+$0x0] =	vst.idx.msk @p2 $0xffff, v10;
	v6 =	vpsel p2, v6, v0;
	v10 =	vmul.f32 @p2 $5.656854150e+00, v17;
	v62 =	vld [tilespmem:s18+$0x10]  }
0x1a5: {  	v6 =	vmul.f32 @p2 $5.656854150e+00, v6;
	[tilespmem:v14+s0+$0x0] =	vst.idx.msk @p2 $0xffff, v7;
	v7 =	vadd.s32 v1, v12  }
0x1a6: {  	v4 =	vadd.s32 v1, v4;
	[tilespmem:v5+s0+$0x0] =	vst.idx.msk @p2 $0xffff, v10;
	v5 =	vmul.f32 $5.656854150e+00, v58  }
0x1a7: {  	[tilespmem:v16+s0+$0x0] =	vst.idx.msk @p2 $0xffff, v6;
	v6 =	vmul.f32 $5.656854150e+00, v59  }
.Ltmp19:
0x1a8: {  	[tilespmem:v60+s0+$0x0] =	vst.idx.msk $0xffff, v5;
	v5 =	vmul.f32 $5.656854150e+00, v61;
	(pc) =	sbr.rel @!p1 .LBB2_37-.Ltmp19, $4  }
0x1a9: {  	v63 =	vmul.f32 $5.656854150e+00, v62;
	[tilespmem:v13+s0+$0x0] =	vst.idx.msk $0xffff, v6  }
0x1aa: {  	[tilespmem:v7+s0+$0x0] =	vst.idx.msk $0xffff, v5  }
0x1ab: {  	s6 =	simm.s32 $0xD400;
	[tilespmem:v4+s0+$0x0] =	vst.idx.msk $0xffff, v63  }
0x1ac: {  	v4 =	vld [tilespmem:s6+$0x60]  }
0x1ad: {  	v20 =	vand.u32 $0x7F, v3;
	v3 =	vld [tilespmem:s6+$0x0]  }
0x1ae: {  	v11 =	vld [tilespmem:s6+$0x20];
	p2 =	por $0x1, $0x1;
	v10 =	vadd.s32 v0, v20  }
.Ltmp20:
0x1af: {  	s8 =	simm.s32 $0x1;
	s15 =	simm.s32 $0x2;
	v6 =	vadd.s32 v0, v2;
	(pc) =	sbr.rel @!p2 .LBB2_39-.Ltmp20, $4  }
0x1b0: {  	v9 =	vmov s17;
	v5 =	vmov s8;
	v7 =	vmov s15  }
0x1b1: {  	v14 =	vand.u32 $0x7D, v5;
	v13 =	vand.u32 $0x7E, v7;
	v4 =	vmul.f32 $5.656854150e+00, v4  }
0x1b2: {  	v8 =	vld [tilespmem:s6+$0x40];
	s18 =	simm.s32 $0x7;
	s17 =	simm.s32 $0xD480;
	v9 =	vand.u32 $0x7C, v9;
	v7 =	vadd.s32 v0, v14;
	v5 =	vadd.s32 v0, v13  }
0x1b3: {  	p1 =	por $0x1, $0x1;
	s15 =	simm.s32 $0x8;
	v16 =	vmul.f32 $5.656854150e+00, v3;
	v3 =	vmov s18;
	v22 =	vmul.f32 $5.656854150e+00, v11;
	[tilespmem:v10+s2+$0x0] =	vst.idx.msk $0xffff, v4;
	v4 =	vld [tilespmem:s17+$0x60]  }
0x1b4: {  	_ =	sdelay $0x1  }
0x1b5: {  	v10 =	vand.u32 $0x7F, v3;
	v3 =	vld [tilespmem:s6+$0x70]  }
0x1b6: {  	s8 =	simm.s32 $0x5;
	v15 =	vld [tilespmem:s17+$0x0];
	v18 =	vadd.s32 v0, v10  }
0x1b7: {  	s18 =	simm.s32 $0x6;
	v21 =	vld [tilespmem:s17+$0x20];
	v23 =	vadd.s32 v1, v20;
	p2 =	por $0x1, $0x1;
	[tilespmem:v6+s2+$0x0] =	vst.idx.msk $0xffff, v16;
	v11 =	vmul.f32 $5.656854150e+00, v8;
	v8 =	vmov s8  }
.Ltmp21:
0x1b8: {  	[tilespmem:v7+s2+$0x0] =	vst.idx.msk $0xffff, v22;
	v12 =	vmov s18;
	v6 =	vadd.s32 v0, v9;
	v17 =	vand.u32 $0x7D, v8;
	v8 =	vld [tilespmem:s17+$0x40];
	(pc) =	sbr.rel @!p2 .LBB2_41-.Ltmp21, $4  }
0x1b9: {  	v19 =	vand.u32 $0x7E, v12;
	v12 =	vld [tilespmem:s6+$0x30];
	v4 =	vmul.f32 $5.656854150e+00, v4;
	[tilespmem:v5+s2+$0x0] =	vst.idx.msk $0xffff, v11;
	v7 =	vadd.s32 v0, v17  }
0x1ba: {  	v16 =	vmov s15;
	v5 =	vadd.s32 v0, v19;
	v24 =	vmul.f32 $5.656854150e+00, v3;
	v11 =	vld [tilespmem:s6+$0x50]  }
0x1bb: {  	s9 =	simm.s32 $0xB;
	v20 =	vand.u32 $0x7C, v16;
	s8 =	simm.s32 $0xD500;
	v16 =	vmul.f32 $5.656854150e+00, v15;
	v15 =	vld [tilespmem:s6+$0x10];
	[tilespmem:v18+s2+$0x0] =	vst.idx.msk $0xffff, v4;
	v18 =	vadd.s32 v1, v14  }
0x1bc: {  	p0 =	por $0x1, $0x1;
	v3 =	vmov s9;
	v22 =	vmul.f32 $5.656854150e+00, v21;
	v21 =	vadd.s32 v1, v13;
	v4 =	vld [tilespmem:s8+$0x60];
	s6 =	simm.s32 $0xC;
	[tilespmem:v23+s2+$0x0] =	vst.idx.msk $0xffff, v24  }
.LBB2_42:
0x1bd: {  	p2 =	slt.u32 s6, $0x7C;
	s9 =	sadd.s32 $0x1, s15;
	v3 =	vand.u32 $0x7F, v3;
	[tilespmem:v6+s2+$0x0] =	vst.idx.msk $0xffff, v16;
	v6 =	vmul.f32 $5.656854150e+00, v8;
	v13 =	vld [tilespmem:s17+$0x70];
	v14 =	vadd.s32 v1, v2;
	v2 =	vmovc v9  }
0x1be: {  	v9 =	vmovc v20;
	v16 =	vld [tilespmem:s8+$0x0];
	v8 =	vmov s9;
	s9 =	sadd.s32 $0x2, s15;
	v23 =	vadd.s32 v0, v3;
	[tilespmem:v7+s2+$0x0] =	vst.idx.msk $0xffff, v22;
	v7 =	vmul.f32 $5.656854150e+00, v12;
	s15 =	smov.u32 s6  }
0x1bf: {  	v24 =	vadd.s32 v1, v10;
	v10 =	vmovc v3;
	v22 =	vld [tilespmem:s8+$0x20];
	v12 =	vmov s9;
	[tilespmem:v5+s2+$0x0] =	vst.idx.msk $0xffff, v6;
	v5 =	vmul.f32 $5.656854150e+00, v11  }
.Ltmp22:
0x1c0: {  	v6 =	vadd.s32 v0, v9;
	v3 =	vand.u32 $0x7D, v8;
	v8 =	vld [tilespmem:s8+$0x40];
	v15 =	vmul.f32 $5.656854150e+00, v15;
	[tilespmem:v18+s2+$0x0] =	vst.idx.msk $0xffff, v7;
	(pc) =	sbr.rel @p2 .LBB2_42-.Ltmp22, $4  }
0x1c1: {  	v7 =	vadd.s32 v0, v3;
	v25 =	vand.u32 $0x7E, v12;
	v4 =	vmul.f32 $5.656854150e+00, v4;
	v12 =	vld [tilespmem:s17+$0x30];
	[tilespmem:v21+s2+$0x0] =	vst.idx.msk $0xffff, v5  }
0x1c2: {  	v18 =	vmov s6;
	v5 =	vadd.s32 v0, v25;
	v11 =	vld [tilespmem:s17+$0x50];
	v13 =	vmul.f32 $5.656854150e+00, v13;
	[tilespmem:v14+s2+$0x0] =	vst.idx.msk $0xffff, v15  }
0x1c3: {  	s9 =	sadd.s32 $0x3, s6;
	v20 =	vand.u32 $0x7C, v18;
	v18 =	vadd.s32 v1, v17;
	v17 =	vmovc v3;
	v16 =	vmul.f32 $5.656854150e+00, v16;
	[tilespmem:v23+s2+$0x0] =	vst.idx.msk $0xffff, v4;
	v15 =	vld [tilespmem:s17+$0x10];
	s17 =	smov.u32 s8;
	s8 =	sadd.s32 $0x80, s8  }
0x1c4: {  	s6 =	sadd.s32 $0x4, s6;
	v3 =	vmov s9;
	v21 =	vadd.s32 v1, v19;
	v19 =	vmovc v25;
	v4 =	vld [tilespmem:s8+$0x60];
	v22 =	vmul.f32 $5.656854150e+00, v22;
	[tilespmem:v24+s2+$0x0] =	vst.idx.msk $0xffff, v13  }
0x1c5: {  	v24 =	vmov v2  }
0x1c6: {  	v23 =	vmovc v9;
	s6 =	smov.u32 s8;
	v2 =	vmovc v20;
	v20 =	vmov v10;
	v14 =	vmov v17;
	v13 =	vmov v19  }
.LBB2_44:
0x1c7: {  	_ =	sdelay $0x3  }
0x1c8: {  	v3 =	vand.u32 $0x7F, v3;
	v9 =	vld @p1 [tilespmem:s17+$0x70];
	[tilespmem:v6+s2+$0x0] =	vst.idx.msk @p1 $0xffff, v16  }
0x1c9: {  	s8 =	sadd.s32 $0x1, s15;
	v8 =	vmul.f32 @p1 $5.656854150e+00, v8;
	v6 =	vadd.s32 @p0 v1, v24;
	[tilespmem:v7+s2+$0x0] =	vst.idx.msk @p1 $0xffff, v22;
	v7 =	vmul.f32 @p0 $5.656854150e+00, v12;
	v50 =	vld [tilespmem:s6+$0x0]  }
0x1ca: {  	s9 =	sadd.s32 $0x2, s15;
	v17 =	vld [tilespmem:s6+$0x20];
	v53 =	vadd.s32 v0, v2;
	v10 =	vmov s8;
	v48 =	vadd.s32 v0, v3  }
0x1cb: {  	v19 =	vld [tilespmem:s6+$0x40];
	v49 =	vmov s9;
	v10 =	vand.u32 $0x7D, v10;
	[tilespmem:v5+s2+$0x0] =	vst.idx.msk @p1 $0xffff, v8;
	v8 =	vmul.f32 @p0 $5.656854150e+00, v11  }
0x1cc: {  	v15 =	vmul.f32 @p0 $5.656854150e+00, v15;
	v12 =	vand.u32 $0x7E, v49;
	[tilespmem:v18+s2+$0x0] =	vst.idx.msk @p0 $0xffff, v7;
	v7 =	vld @p1 [tilespmem:s17+$0x30];
	v51 =	vadd.s32 v0, v10  }
0x1cd: {  	v22 =	vmov @p1 v23;
	v4 =	vmul.f32 $5.656854150e+00, v4;
	v52 =	vadd.s32 v0, v12;
	[tilespmem:v21+s2+$0x0] =	vst.idx.msk @p0 $0xffff, v8;
	v21 =	vld @p1 [tilespmem:s17+$0x50]  }
0x1ce: {  	v20 =	vadd.s32 @p1 v1, v20;
	v14 =	vadd.s32 @p1 v1, v14;
	[tilespmem:v6+s2+$0x0] =	vst.idx.msk @p0 $0xffff, v15;
	v6 =	vld @p1 [tilespmem:s17+$0x10];
	v5 =	vmul.f32 $5.656854150e+00, v50  }
0x1cf: {  	v54 =	vmul.f32 $5.656854150e+00, v17;
	[tilespmem:v48+s2+$0x0] =	vst.idx.msk $0xffff, v4;
	v4 =	vadd.s32 @p1 v1, v13;
	v13 =	vpsel p1, v14, v0  }
0x1d0: {  	v16 =	vpsel p1, v22, v0;
	v55 =	vmul.f32 $5.656854150e+00, v19;
	v4 =	vpsel p1, v4, v0;
	v56 =	vld [tilespmem:s6+$0x70];
	[tilespmem:v53+s2+$0x0] =	vst.idx.msk $0xffff, v5  }
0x1d1: {  	v11 =	vadd.s32 @p1 v1, v16;
	v9 =	vmul.f32 @p1 $5.656854150e+00, v9;
	v7 =	vpsel p1, v7, v0;
	[tilespmem:v51+s2+$0x0] =	vst.idx.msk $0xffff, v54;
	v59 =	vld [tilespmem:s6+$0x10]  }
0x1d2: {  	v3 =	vadd.s32 v1, v3;
	[tilespmem:v52+s2+$0x0] =	vst.idx.msk $0xffff, v55;
	v5 =	vmul.f32 @p1 $5.656854150e+00, v7;
	v57 =	vld [tilespmem:s6+$0x30];
	v15 =	vpsel p1, v21, v0  }
0x1d3: {  	v2 =	vadd.s32 v1, v2;
	[tilespmem:v20+s2+$0x0] =	vst.idx.msk @p1 $0xffff, v9;
	v58 =	vld [tilespmem:s6+$0x50];
	v6 =	vpsel p1, v6, v0;
	v8 =	vmul.f32 @p1 $5.656854150e+00, v15  }
0x1d4: {  	v10 =	vadd.s32 v1, v10;
	v6 =	vmul.f32 @p1 $5.656854150e+00, v6;
	[tilespmem:v13+s2+$0x0] =	vst.idx.msk @p1 $0xffff, v5  }
0x1d5: {  	v60 =	vadd.s32 v1, v12;
	[tilespmem:v4+s2+$0x0] =	vst.idx.msk @p1 $0xffff, v8;
	v61 =	vmul.f32 $5.656854150e+00, v56  }
0x1d6: {  	[tilespmem:v11+s2+$0x0] =	vst.idx.msk @p1 $0xffff, v6;
	v63 =	vmul.f32 $5.656854150e+00, v59  }
0x1d7: {  	v62 =	vmul.f32 $5.656854150e+00, v57;
	[tilespmem:v3+s2+$0x0] =	vst.idx.msk $0xffff, v61  }
0x1d8: {  	v3 =	vmul.f32 $5.656854150e+00, v58;
	[tilespmem:v2+s2+$0x0] =	vst.idx.msk $0xffff, v63  }
0x1d9: {  	[tilespmem:v10+s2+$0x0] =	vst.idx.msk $0xffff, v62  }
0x1da: {  	s11 =	simm.s32 $0x12800;
	s8 =	sadd.s32 s16, s7;
	[tilespmem:v60+s2+$0x0] =	vst.idx.msk $0xffff, v3  }
0x1db: {  	[hbm4b:s8+s3] =	stream.linear.scatter [tilespmem:s11], [sflag:$0x4], $0x80, $0x38;
	[tilespmem:$0x16C00] =	vst v63  }
0x1dc: {  	s13 =	simm.s32 $0x12888;
	s9 =	sadd.s32 $0x10, s8  }
0x1dd: {  	[hbm4b:s9+s3] =	stream.linear.scatter [tilespmem:s13], [sflag:$0x4], $0x80, $0x38;
	[tilespmem:$0x16C00] =	vst v63  }
0x1de: {  	s15 =	simm.s32 $0x12910;
	s16 =	sadd.s32 $0x20, s8;
	s18 =	sadd.s32 $0x30, s8  }
0x1df: {  	[hbm4b:s16+s3] =	stream.linear.scatter [tilespmem:s15], [sflag:$0x4], $0x80, $0x38;
	[tilespmem:$0x16C00] =	vst v63  }
0x1e0: {  	s17 =	simm.s32 $0x12998;
	s6 =	simm.s32 $0x440;
	s11 =	simm.s32 $0x12A20  }
0x1e1: {  	[hbm4b:s18+s3] =	stream.linear.scatter [tilespmem:s17], [sflag:$0x4], $0x80, $0x38;
	[tilespmem:$0x16C00] =	vst v63  }
0x1e2: {  	s13 =	sadd.s32 $0x40, s8;
	s15 =	simm.s32 $0x12AA8;
	s16 =	sadd.s32 $0x50, s8  }
0x1e3: {  	[hbm4b:s13+s3] =	stream.linear.scatter [tilespmem:s11], [sflag:$0x4], $0x80, $0x38;
	[tilespmem:$0x16C00] =	vst v63  }
0x1e4: {  	s17 =	simm.s32 $0x12B30;
	s18 =	sadd.s32 $0x60, s8;
	s11 =	simm.s32 $0x2200  }
0x1e5: {  	[hbm4b:s16+s3] =	stream.linear.scatter [tilespmem:s15], [sflag:$0x4], $0x80, $0x38;
	[tilespmem:$0x16C00] =	vst v63  }
0x1e6: {  	s15 =	simm.s32 $0x12BB8;
	s16 =	sadd.s32 $0x70, s8;
	s8 =	sadd.s32 $0x1000, s8  }
0x1e7: {  	[hbm4b:s18+s3] =	stream.linear.scatter [tilespmem:s17], [sflag:$0x4], $0x80, $0x38;
	[tilespmem:$0x16C00] =	vst v63  }
.LBB2_45:
0x1e8: {  	[hbm4b:s16+s3] =	stream.linear.scatter [tilespmem:s15], [sflag:$0x4], $0x80, $0x38;
	[tilespmem:$0x16C00] =	vst v63  }
0x1e9: {  	s9 =	smov.u32 s6;
	s6 =	smov.u32 s11  }
0x1ea: {  	s13 =	sadd.s32 $0x1100, s11;
	s6 =	sshra.s32 s6, $0x2;
	s15 =	sadd.s32 $0x12800, s9  }
0x1eb: {  	[hbm4b:s8+s3] =	stream.linear.scatter [tilespmem:s15], [sflag:$0x4], $0x80, $0x38;
	[tilespmem:$0x16C00] =	vst v63  }
0x1ec: {  	p0 =	sne.s32 s11, $0xFF00;
	s11 =	sadd.s32 $0x12888, s9;
	s15 =	sadd.s32 $0x10, s8  }
0x1ed: {  	[hbm4b:s15+s3] =	stream.linear.scatter [tilespmem:s11], [sflag:$0x4], $0x80, $0x38;
	[tilespmem:$0x16C00] =	vst v63  }
0x1ee: {  	s11 =	sadd.s32 $0x12910, s9;
	s15 =	sadd.s32 $0x20, s8  }
0x1ef: {  	[hbm4b:s15+s3] =	stream.linear.scatter [tilespmem:s11], [sflag:$0x4], $0x80, $0x38;
	[tilespmem:$0x16C00] =	vst v63  }
0x1f0: {  	s11 =	sadd.s32 $0x12998, s9;
	s15 =	sadd.s32 $0x30, s8  }
0x1f1: {  	[hbm4b:s15+s3] =	stream.linear.scatter [tilespmem:s11], [sflag:$0x4], $0x80, $0x38;
	[tilespmem:$0x16C00] =	vst v63  }
0x1f2: {  	s11 =	sadd.s32 $0x12A20, s9;
	s15 =	sadd.s32 $0x40, s8  }
0x1f3: {  	[hbm4b:s15+s3] =	stream.linear.scatter [tilespmem:s11], [sflag:$0x4], $0x80, $0x38;
	[tilespmem:$0x16C00] =	vst v63  }
.Ltmp23:
0x1f4: {  	s11 =	sadd.s32 $0x12AA8, s9;
	s15 =	sadd.s32 $0x50, s8;
	(pc) =	sbr.rel @p0 .LBB2_45-.Ltmp23, $4  }
0x1f5: {  	[hbm4b:s15+s3] =	stream.linear.scatter [tilespmem:s11], [sflag:$0x4], $0x80, $0x38;
	[tilespmem:$0x16C00] =	vst v63  }
0x1f6: {  	s16 =	sadd.s32 $0x70, s8;
	s11 =	sadd.s32 $0x12B30, s9;
	s15 =	sadd.s32 $0x60, s8  }
0x1f7: {  	[hbm4b:s15+s3] =	stream.linear.scatter [tilespmem:s11], [sflag:$0x4], $0x80, $0x38;
	[tilespmem:$0x16C00] =	vst v63  }
0x1f8: {  	s8 =	sadd.s32 $0x1000, s8;
	s15 =	sadd.s32 $0x12BB8, s9;
	s11 =	smov.u32 s13  }
0x1f9: {  	[hbm4b:s16+s3] =	stream.linear.scatter [tilespmem:s15], [sflag:$0x4], $0x80, $0x38;
	[tilespmem:$0x16C00] =	vst v63  }
0x1fa: {  	s9 =	sadd.s32 $0x12800, s6  }
0x1fb: {  	[hbm4b:s8+s3] =	stream.linear.scatter [tilespmem:s9], [sflag:$0x4], $0x80, $0x38;
	[tilespmem:$0x16C00] =	vst v63  }
0x1fc: {  	s18 =	sadd.s32 $0x12888, s6;
	s11 =	sadd.s32 $0x10, s8  }
0x1fd: {  	[hbm4b:s11+s3] =	stream.linear.scatter [tilespmem:s18], [sflag:$0x4], $0x80, $0x38;
	[tilespmem:$0x16C00] =	vst v63  }
0x1fe: {  	s13 =	sadd.s32 $0x20, s8;
	s11 =	sadd.s32 $0x12910, s6  }
0x1ff: {  	[hbm4b:s13+s3] =	stream.linear.scatter [tilespmem:s11], [sflag:$0x4], $0x80, $0x38;
	[tilespmem:$0x16C00] =	vst v63  }
0x200: {  	s15 =	sadd.s32 $0x12998, s6;
	s16 =	sadd.s32 $0x30, s8  }
0x201: {  	[hbm4b:s16+s3] =	stream.linear.scatter [tilespmem:s15], [sflag:$0x4], $0x80, $0x38;
	[tilespmem:$0x16C00] =	vst v63  }
0x202: {  	s17 =	sadd.s32 $0x12A20, s6;
	s14 =	sadd.s32 $0x1, s14;
	s18 =	sadd.s32 $0x40, s8  }
0x203: {  	[hbm4b:s18+s3] =	stream.linear.scatter [tilespmem:s17], [sflag:$0x4], $0x80, $0x38;
	[tilespmem:$0x16C00] =	vst v63  }
0x204: {  	p0 =	sne.s32 s14, $0x19;
	s11 =	sadd.s32 $0x12AA8, s6;
	s13 =	sadd.s32 $0x50, s8  }
0x205: {  	[hbm4b:s13+s3] =	stream.linear.scatter [tilespmem:s11], [sflag:$0x4], $0x80, $0x38;
	[tilespmem:$0x16C00] =	vst v63  }
.Ltmp24:
0x206: {  	_ = 	snop;
	(pc) =	sbr.rel @p0 .LBB2_2-.Ltmp24, $4  }
.Ltmp25:
0x207: {  	s15 =	sadd.s32 $0x12B30, s6;
	s16 =	sadd.s32 $0x60, s8;
	(pc) =	sbr.rel @!p0 .LBB2_47-.Ltmp25, $4  }
0x208: {  	[hbm4b:s16+s3] =	stream.linear.scatter [tilespmem:s15], [sflag:$0x4], $0x80, $0x38;
	[tilespmem:$0x16C00] =	vst v63  }
0x209: {  	s17 =	sadd.s32 $0x12BB8, s6;
	s18 =	sadd.s32 $0x70, s8  }
0x20a: {  	[hbm4b:s18+s3] =	stream.linear.scatter [tilespmem:s17], [sflag:$0x4], $0x80, $0x38;
	[tilespmem:$0x16C00] =	vst v63  }
0x20b: {  	_ = 	snop  }
.LBB2_7:
.Ltmp26:
0x20c: {  	(pc) =	sbr.rel .LBB2_14-.Ltmp26, $2  }
0x20d: {  	_ =	sdelay $0x2  }
0x20e: {  	s6 =	simm.s32 $0x0;
	v24 =	vmov v3;
	s8 =	simm.s32 $0x8470;
	v4 =	vmov v2;
	p3 =	por $0x0, $0x0  }
.LBB2_15:
.Ltmp27:
0x20f: {  	(pc) =	sbr.rel .LBB2_22-.Ltmp27, $2  }
0x210: {  	_ =	sdelay $0x2  }
0x211: {  	p1 =	por $0x0, $0x0  }
.LBB2_29:
.Ltmp28:
0x212: {  	(pc) =	sbr.rel .LBB2_36-.Ltmp28, $2  }
0x213: {  	_ =	sdelay $0x2  }
0x214: {  	s6 =	simm.s32 $0x0;
	v24 =	vmov v3;
	s18 =	simm.s32 $0xC400;
	v4 =	vmov v2;
	p3 =	por $0x0, $0x0  }
.LBB2_37:
.Ltmp29:
0x215: {  	(pc) =	sbr.rel .LBB2_44-.Ltmp29, $2  }
0x216: {  	_ =	sdelay $0x2  }
0x217: {  	p1 =	por $0x0, $0x0  }
.LBB2_9:
.Ltmp30:
0x218: {  	(pc) =	sbr.rel .LBB2_14-.Ltmp30, $2  }
0x219: {  	_ =	sdelay $0x2  }
0x21a: {  	s6 =	simm.s32 $0x4;
	v25 =	vmov v2;
	p3 =	por $0x0, $0x0  }
.LBB2_17:
.Ltmp31:
0x21b: {  	(pc) =	sbr.rel .LBB2_22-.Ltmp31, $2  }
0x21c: {  	_ =	sdelay $0x2  }
0x21d: {  	v23 =	vmov v2;
	s16 =	simm.s32 $0x4;
	s17 =	simm.s32 $0x9470;
	s6 =	simm.s32 $0x94F0;
	v2 =	vmov v9  }
.LBB2_31:
.Ltmp32:
0x21e: {  	(pc) =	sbr.rel .LBB2_36-.Ltmp32, $2  }
0x21f: {  	_ =	sdelay $0x2  }
0x220: {  	s6 =	simm.s32 $0x4;
	v25 =	vmov v2;
	p3 =	por $0x0, $0x0  }
.LBB2_39:
.Ltmp33:
0x221: {  	(pc) =	sbr.rel .LBB2_44-.Ltmp33, $2  }
0x222: {  	_ =	sdelay $0x2  }
0x223: {  	v23 =	vmov v2;
	s15 =	simm.s32 $0x4;
	s17 =	simm.s32 $0xD400;
	s6 =	simm.s32 $0xD480;
	v2 =	vmov v9  }
.LBB2_11:
.Ltmp34:
0x224: {  	(pc) =	sbr.rel .LBB2_14-.Ltmp34, $3  }
0x225: {  	_ =	sdelay $0x1  }
0x226: {  	v25 =	vmov v4  }
0x227: {  	s11 =	simm.s32 $0x84F0;
	v13 =	vmovc v2;
	s8 =	simm.s32 $0x8570;
	v4 =	vmovc v22;
	v22 =	vmov v11;
	v16 =	vmov v18;
	v14 =	vmov v20  }
.LBB2_19:
.Ltmp35:
0x228: {  	(pc) =	sbr.rel .LBB2_22-.Ltmp35, $3  }
0x229: {  	_ =	sdelay $0x1  }
0x22a: {  	v24 =	vmov v2  }
0x22b: {  	v23 =	vmovc v9;
	s6 =	simm.s32 $0x9570;
	v2 =	vmovc v20;
	v20 =	vmov v10;
	v14 =	vmov v17;
	v13 =	vmov v19  }
.LBB2_33:
.Ltmp36:
0x22c: {  	(pc) =	sbr.rel .LBB2_36-.Ltmp36, $3  }
0x22d: {  	_ =	sdelay $0x1  }
0x22e: {  	v25 =	vmov v4  }
0x22f: {  	s8 =	simm.s32 $0xC480;
	v13 =	vmovc v2;
	s18 =	simm.s32 $0xC500;
	v4 =	vmovc v22;
	v22 =	vmov v11;
	v16 =	vmov v18;
	v14 =	vmov v20  }
.LBB2_41:
.Ltmp37:
0x230: {  	(pc) =	sbr.rel .LBB2_44-.Ltmp37, $3  }
0x231: {  	_ =	sdelay $0x1  }
0x232: {  	v24 =	vmov v2  }
0x233: {  	v23 =	vmovc v9;
	s6 =	simm.s32 $0xD500;
	v2 =	vmovc v20;
	v20 =	vmov v10;
	v14 =	vmov v17;
	v13 =	vmov v19  }
.LBB2_48:
0x234: {  	_ =	sfence.sel $0x180000  }
0x235: {  	[bflag:$0x0] =	sbarrier.arrive $0xFFFF  }
0x236: {  	_ =	strace $0x9000004A  }
0x237: {  	s0 =	stileid.u32;
	[bflag:$0x2] =	sbarrier.arrive $0xFFFF  }
0x238: {  	p0 =	sne.s32 s0, $0x0;
	s0 =	rddreg [dreg:$0x3]  }
0x239: {  	s0 =	sadd.s32 @!p0 $0x100000, s0  }
0x23a: {  	[sflag:s0] =	ssyncadd.tile.s32 @!p0 $0x1;
	_ =	shalt  }
.Lfunc_end2:
_tile_overlayer_lowered:
.L_overlay_start_2:
0x23b: {  	(tag) =	ssettag $0x2  }
0x23c: {  	s0 =	rddreg [dreg:$0x0];
	s2 =	stileid.u32  }
0x23d: {  	s1 =	rddreg [dreg:$0x1];
	p0 =	sne.s32 s2, $0x0  }
0x23e: {  	s3 =	rddreg [dreg:$0x2];
	[bflag:$0x3] =	sbarrier.arrive $0xFFFF;
	s2 =	simm.s32 @!p0 $0x1C05  }
0x23f: {  	[timem:s3], [sflag:s2] =	dma.local @!p0 [hbm:s0], s1  }
0x240: {  	s0 =	simm.s32 @!p0 $0x5  }
0x241: {  	_ =	swait.ge @!p0 [sflag:s0], s1  }
0x242: {  	s1 =	ssub.s32 @!p0 $0x0, s1;
	[sflag:s0] =	ssyncset.done @!p0 $0x0  }
0x243: {  	[sflag:s0] =	ssyncadd.s32 @!p0 s1  }
0x244: {  	[bflag:$0x3] =	sbarrier.arrive $0xFFFF  }
0x245: {  	_ =	shalt  }

</sc_bundles>
